<compile_context>
chip_gen: v7x
topology: tpu7x:2x2x1
jax: 0.10.2.dev20260603
libtpu: 0.0.44.dev20260713+nightly
codegen_flags: <defaults>
</compile_context>

<pallas_src>
import functools

import jax
import jax.numpy as jnp
from jax import lax
from jax.experimental import pallas as pl
from jax.experimental.pallas import tpu as pltpu
from jax.experimental.pallas import tpu_sc as plsc

N = 10000
E = 320000
D = 128

NC = 2
NS = 16
NW = NC * NS
CHUNK = 128
EPW = E // NW
NF = EPW // CHUNK
TAIL = EPW - NF * CHUNK
NP = 10240
RPT = NP // NS
GBUF = 2
IBUF = 4

_mesh = plsc.VectorSubcoreMesh(
    core_axis_name="c", subcore_axis_name="s", num_cores=NC, num_subcores=NS
)


def _agg_body(with_cnt, *refs):
    if with_cnt:
        (x_hbm, src_hbm, dst_hbm, zacc_hbm,
         acc_out,
         acc_sh, cnt_sh, sib, dib, rows, sit, dit, rows_t, ones_v, cv, cvw,
         sem_si, sem_di, sem_g, sem_s, sem_c, sem_t) = refs
    else:
        (x_hbm, src_hbm, dst_hbm, zacc_hbm,
         acc_out,
         acc_sh, sib, dib, rows, sit, dit, rows_t,
         sem_si, sem_di, sem_g, sem_s, sem_t) = refs

    cid = lax.axis_index("c")
    sid = lax.axis_index("s")
    wid = cid * NS + sid

    r0 = pl.multiple_of(sid * RPT, 8)
    pltpu.sync_copy(zacc_hbm.at[pl.ds(r0, RPT)], acc_sh.at[pl.ds(r0, RPT)])
    if with_cnt:
        z16 = jnp.zeros((16,), jnp.float32)
        o16 = jnp.ones((16,), jnp.float32)

        def zrow(r, c):
            cv[pl.ds(r * 16, 16)] = z16
            return c

        lax.fori_loop(0, RPT // 16, zrow, 0)

        def orow(r, c):
            ones_v[pl.ds(r * 16, 16)] = o16
            return c

        lax.fori_loop(0, CHUNK // 16, orow, 0)
        pltpu.sync_copy(cv, cnt_sh.at[pl.ds(r0, RPT)])
    plsc.subcore_barrier()

    base0 = wid * EPW

    def i_descs(i, j):
        base = pl.multiple_of(base0 + i * CHUNK, 8)
        return (
            pltpu.make_async_copy(
                src_hbm.at[pl.ds(base, CHUNK)], sib.at[j], sem_si[j]),
            pltpu.make_async_copy(
                dst_hbm.at[pl.ds(base, CHUNK)], dib.at[j], sem_di[j]),
        )

    def i_start(i, j):
        s, d = i_descs(i, j)
        s.start()
        d.start()

    def i_wait(i, j):
        s, d = i_descs(i, j)
        s.wait()
        d.wait()

    def g_desc(j, b):
        return pltpu.make_async_copy(x_hbm.at[sib.at[j]], rows[b], sem_g[b])

    def s_desc(j, b):
        return pltpu.make_async_copy(
            rows[b], acc_sh.at[dib.at[j]], sem_s[b])

    def c_desc(j, b):
        return pltpu.make_async_copy(ones_v, cnt_sh.at[dib.at[j]], sem_c[b])

    def s_start(j, b):
        s_desc(j, b).start(add=True)
        if with_cnt:
            c_desc(j, b).start(add=True)

    def s_wait(j, b):
        s_desc(j, b).wait()
        if with_cnt:
            c_desc(j, b).wait()

    tbase = pl.multiple_of(base0 + NF * CHUNK, 8)
    t_si = pltpu.make_async_copy(
        src_hbm.at[pl.ds(tbase, TAIL)], sit, sem_t[0])
    t_di = pltpu.make_async_copy(
        dst_hbm.at[pl.ds(tbase, TAIL)], dit, sem_t[1])
    t_g = pltpu.make_async_copy(x_hbm.at[sit], rows_t, sem_t[2])
    t_s = pltpu.make_async_copy(rows_t, acc_sh.at[dit], sem_t[3])
    if with_cnt:
        t_c = pltpu.make_async_copy(
            ones_v.at[pl.ds(0, TAIL)], cnt_sh.at[dit], sem_t[4])

    t_si.start()
    t_di.start()
    for i in range(IBUF):
        i_start(i, i)
    t_si.wait()
    t_di.wait()
    t_g.start()
    i_wait(0, 0)
    g_desc(0, 0).start()
    i_wait(1, 1)
    g_desc(0, 0).wait()
    s_start(0, 0)
    g_desc(1, 1).start()
    for i in (1, 2):
        g_desc(i % IBUF, i % GBUF).wait()
        s_start(i % IBUF, i % GBUF)
        s_wait((i - 1) % IBUF, (i - 1) % GBUF)
        i_start(i + 3, (i + 3) % IBUF)
        i_wait(i + 1, (i + 1) % IBUF)
        g_desc((i + 1) % IBUF, (i + 1) % GBUF).start()

    @pl.loop(3, NF - IBUF + 1, step=IBUF)
    def ring(i0):
        for u in range(IBUF):
            i = i0 + u
            ji = (3 + u) % IBUF
            b = (3 + u) % GBUF
            jp = (2 + u) % IBUF
            bp = (2 + u) % GBUF
            jn = u % IBUF
            bn = u % GBUF
            g_desc(ji, b).wait()
            s_start(ji, b)
            s_wait(jp, bp)
            i_start(i + IBUF - 1, jp)
            i_wait(i + 1, jn)
            g_desc(jn, bn).start()

    for i in range(NF - IBUF + 1, NF):
        g_desc(i % IBUF, i % GBUF).wait()
        s_start(i % IBUF, i % GBUF)
        s_wait((i - 1) % IBUF, (i - 1) % GBUF)
        if i + 1 < NF:
            i_wait(i + 1, (i + 1) % IBUF)
            g_desc((i + 1) % IBUF, (i + 1) % GBUF).start()
    t_g.wait()
    t_s.start(add=True)
    if with_cnt:
        t_c.start(add=True)
    s_wait((NF - 1) % IBUF, (NF - 1) % GBUF)
    t_s.wait()
    if with_cnt:
        t_c.wait()
    plsc.subcore_barrier()

    pltpu.sync_copy(acc_sh.at[pl.ds(r0, RPT)], acc_out.at[cid, pl.ds(r0, RPT)])
    if with_cnt:
        plsc.subcore_barrier()
        pltpu.sync_copy(cnt_sh.at[pl.ds(r0, RPT)], cv)
        for r in range(5):
            for c in range(8):
                cvw[r, pl.ds(c * 16, 16)] = cv[pl.ds((r * 8 + c) * 16, 16)]
        pltpu.sync_copy(
            cvw, acc_out.at[cid, pl.ds(pl.multiple_of(N + sid * 8, 8), 8)])


_agg_with_cnt = pl.kernel(
    functools.partial(_agg_body, True),
    out_type=jax.ShapeDtypeStruct((NC, NP, D), jnp.float32),
    mesh=_mesh,
    scratch_types=[
        pltpu.VMEM_SHARED((NP, D), jnp.float32),
        pltpu.VMEM_SHARED((NP,), jnp.float32),
        pltpu.VMEM((IBUF, CHUNK), jnp.int32),
        pltpu.VMEM((IBUF, CHUNK), jnp.int32),
        [pltpu.VMEM((CHUNK, D), jnp.float32) for _ in range(GBUF)],
        pltpu.VMEM((TAIL,), jnp.int32),
        pltpu.VMEM((TAIL,), jnp.int32),
        pltpu.VMEM((TAIL, D), jnp.float32),
        pltpu.VMEM((CHUNK,), jnp.float32),
        pltpu.VMEM((RPT,), jnp.float32),
        pltpu.VMEM((8, D), jnp.float32),
        [pltpu.SemaphoreType.DMA for _ in range(IBUF)],
        [pltpu.SemaphoreType.DMA for _ in range(IBUF)],
        [pltpu.SemaphoreType.DMA for _ in range(GBUF)],
        [pltpu.SemaphoreType.DMA for _ in range(GBUF)],
        [pltpu.SemaphoreType.DMA for _ in range(GBUF)],
        [pltpu.SemaphoreType.DMA for _ in range(5)],
    ],
    name="sage_agg_cnt",
)

_agg_no_cnt = pl.kernel(
    functools.partial(_agg_body, False),
    out_type=jax.ShapeDtypeStruct((NC, NP, D), jnp.float32),
    mesh=_mesh,
    scratch_types=[
        pltpu.VMEM_SHARED((NP, D), jnp.float32),
        pltpu.VMEM((IBUF, CHUNK), jnp.int32),
        pltpu.VMEM((IBUF, CHUNK), jnp.int32),
        [pltpu.VMEM((CHUNK, D), jnp.float32) for _ in range(GBUF)],
        pltpu.VMEM((TAIL,), jnp.int32),
        pltpu.VMEM((TAIL,), jnp.int32),
        pltpu.VMEM((TAIL, D), jnp.float32),
        [pltpu.SemaphoreType.DMA for _ in range(IBUF)],
        [pltpu.SemaphoreType.DMA for _ in range(IBUF)],
        [pltpu.SemaphoreType.DMA for _ in range(GBUF)],
        [pltpu.SemaphoreType.DMA for _ in range(GBUF)],
        [pltpu.SemaphoreType.DMA for _ in range(4)],
    ],
    name="sage_agg",
)

BN = 400


def _combine_body(p_ref, c_ref, x_ref, wl_ref, wr_ref, b_ref, o_ref):
    cnt = jnp.maximum(c_ref[...], 1.0)
    agg = (p_ref[0] + p_ref[1]) / cnt
    acc = jax.lax.dot_general(
        agg, wl_ref[...], (((1,), (0,)), ((), ())),
        preferred_element_type=jnp.float32)
    acc = acc + jax.lax.dot_general(
        x_ref[...], wr_ref[...], (((1,), (0,)), ((), ())),
        preferred_element_type=jnp.float32)
    o_ref[...] = jnp.maximum(acc + b_ref[...], 0.0)


def _combine(p, c, x, W_l, W_r, b):
    return pl.pallas_call(
        _combine_body,
        grid=(N // BN,),
        in_specs=[
            pl.BlockSpec((NC, BN, D), lambda i: (0, i, 0)),
            pl.BlockSpec((BN, D), lambda i: (i, 0)),
            pl.BlockSpec((BN, D), lambda i: (i, 0)),
            pl.BlockSpec((D, D), lambda i: (0, 0)),
            pl.BlockSpec((D, D), lambda i: (0, 0)),
            pl.BlockSpec((1, D), lambda i: (0, 0)),
        ],
        out_specs=pl.BlockSpec((BN, D), lambda i: (i, 0)),
        out_shape=jax.ShapeDtypeStruct((N, D), jnp.float32),
    )(p, c, x, W_l, W_r, b)


@jax.jit
def kernel(x, edge_index, W1_l, W1_r, b1, W2_l, W2_r, b2):
    src = edge_index[0]
    dst = edge_index[1]
    zacc = jnp.zeros((NP, D), jnp.float32)
    b1r = b1.reshape(1, D)
    b2r = b2.reshape(1, D)

    p1 = _agg_with_cnt(x, src, dst, zacc)
    cnts = p1[:, N:N + NS * 8].reshape(NC, NS, 8, D)[:, :, :5].reshape(NC, NP)
    cnt = jnp.broadcast_to((cnts[0] + cnts[1])[:, None], (NP, D))
    h = _combine(p1, cnt, x, W1_l, W1_r, b1r)
    p2 = _agg_no_cnt(h, src, dst, zacc)
    return _combine(p2, cnt, h, W2_l, W2_r, b2r)

# --- scband reference (transcript-rebuilt; emitter-appended) ---
"""Pipeline reference for scband-graph-sagemodel-15676630631014 (READ-ONLY COPY).

The authoritative reference and input builder live on the scoring server;
editing this copy changes nothing except your own understanding.
"""

import jax, jax.numpy as jnp
import numpy as np

N = 10000
E = 320000
D_IN = 128
D_OUT = 128


def setup_inputs(seed: int = 0) -> dict:
    key = jax.random.key(seed)
    ks = jax.random.split(key, 9)
    x = jax.random.normal(ks[0], (N, D_IN), dtype=jnp.float32)
    edge_index = jax.random.randint(ks[1], (2, E), 0, N, dtype=jnp.int32)
    s1 = 1.0 / np.sqrt(D_IN)
    s2 = 1.0 / np.sqrt(D_OUT)
    W1_l = jax.random.uniform(ks[2], (D_IN, D_OUT), jnp.float32, -s1, s1)
    W1_r = jax.random.uniform(ks[3], (D_IN, D_OUT), jnp.float32, -s1, s1)
    b1 = jax.random.uniform(ks[4], (D_OUT,), jnp.float32, -s1, s1)
    W2_l = jax.random.uniform(ks[5], (D_OUT, D_OUT), jnp.float32, -s2, s2)
    W2_r = jax.random.uniform(ks[6], (D_OUT, D_OUT), jnp.float32, -s2, s2)
    b2 = jax.random.uniform(ks[7], (D_OUT,), jnp.float32, -s2, s2)
    return {"x": x, "edge_index": edge_index, "W1_l": W1_l, "W1_r": W1_r, "b1": b1,
            "W2_l": W2_l, "W2_r": W2_r, "b2": b2}


def _sage_conv(x, edge_index, W_l, W_r, b):
    # PyG SAGEConv (mean aggregation, root_weight=True):
    #   out = lin_l(mean_{j in N(i)} x_j) + lin_r(x_i) + bias
    src = edge_index[0]
    dst = edge_index[1]
    msg = jnp.take(x, src, axis=0)  # gather neighbor features [E, d]
    agg = jax.ops.segment_sum(msg, dst, num_segments=N)
    cnt = jax.ops.segment_sum(jnp.ones((edge_index.shape[1],), x.dtype), dst, num_segments=N)
    agg = agg / jnp.maximum(cnt, 1.0)[:, None]
    return agg @ W_l + x @ W_r + b


def reference(x, edge_index, W1_l, W1_r, b1, W2_l, W2_r, b2):
    h = jax.nn.relu(_sage_conv(x, edge_index, W1_l, W1_r, b1))
    h = jax.nn.relu(_sage_conv(h, edge_index, W2_l, W2_r, b2))
    return h

if __name__ == "__main__":
    import jax
    _d = setup_inputs()
    print(jax.jit(kernel)(*tuple(_d.values())))

</pallas_src>

<mosaic_0001>
#map = affine_map<(d0, d1) -> (0, 0)>
#map1 = affine_map<(d0, d1) -> (0)>
#map2 = affine_map<(d0, d1) -> (0, 0, 0)>
module attributes {stable_mosaic.version = 14 : i64} {
  func.func @sage_agg_cnt(%arg0: i32, %arg1: i32, %arg2: memref<10000x128xf32, #tpu.memory_space<hbm>>, %arg3: memref<320000xi32, #tpu.memory_space<hbm>>, %arg4: memref<320000xi32, #tpu.memory_space<hbm>>, %arg5: memref<10240x128xf32, #tpu.memory_space<hbm>>, %arg6: memref<2x10240x128xf32, #tpu.memory_space<hbm>>, %arg7: memref<10240x128xf32, #tpu.memory_space<vmem_shared>>, %arg8: memref<10240xf32, #tpu.memory_space<vmem_shared>>, %arg9: memref<4x128xi32, #tpu.memory_space<vmem>>, %arg10: memref<4x128xi32, #tpu.memory_space<vmem>>, %arg11: memref<128x128xf32, #tpu.memory_space<vmem>>, %arg12: memref<128x128xf32, #tpu.memory_space<vmem>>, %arg13: memref<16xi32, #tpu.memory_space<vmem>>, %arg14: memref<16xi32, #tpu.memory_space<vmem>>, %arg15: memref<16x128xf32, #tpu.memory_space<vmem>>, %arg16: memref<128xf32, #tpu.memory_space<vmem>>, %arg17: memref<640xf32, #tpu.memory_space<vmem>>, %arg18: memref<8x128xf32, #tpu.memory_space<vmem>>, %arg19: memref<!tpu.dma_semaphore, #tpu.memory_space<semaphore_mem>>, %arg20: memref<!tpu.dma_semaphore, #tpu.memory_space<semaphore_mem>>, %arg21: memref<!tpu.dma_semaphore, #tpu.memory_space<semaphore_mem>>, %arg22: memref<!tpu.dma_semaphore, #tpu.memory_space<semaphore_mem>>, %arg23: memref<!tpu.dma_semaphore, #tpu.memory_space<semaphore_mem>>, %arg24: memref<!tpu.dma_semaphore, #tpu.memory_space<semaphore_mem>>, %arg25: memref<!tpu.dma_semaphore, #tpu.memory_space<semaphore_mem>>, %arg26: memref<!tpu.dma_semaphore, #tpu.memory_space<semaphore_mem>>, %arg27: memref<!tpu.dma_semaphore, #tpu.memory_space<semaphore_mem>>, %arg28: memref<!tpu.dma_semaphore, #tpu.memory_space<semaphore_mem>>, %arg29: memref<!tpu.dma_semaphore, #tpu.memory_space<semaphore_mem>>, %arg30: memref<!tpu.dma_semaphore, #tpu.memory_space<semaphore_mem>>, %arg31: memref<!tpu.dma_semaphore, #tpu.memory_space<semaphore_mem>>, %arg32: memref<!tpu.dma_semaphore, #tpu.memory_space<semaphore_mem>>, %arg33: memref<!tpu.dma_semaphore, #tpu.memory_space<semaphore_mem>>, %arg34: memref<!tpu.dma_semaphore, #tpu.memory_space<semaphore_mem>>, %arg35: memref<!tpu.dma_semaphore, #tpu.memory_space<semaphore_mem>>, %arg36: memref<!tpu.dma_semaphore, #tpu.memory_space<semaphore_mem>>, %arg37: memref<!tpu.dma_semaphore, #tpu.memory_space<semaphore_mem>>) attributes {dimension_semantics = [#tpu.dimension_semantics<core_parallel>, #tpu.dimension_semantics<subcore_parallel>], iteration_bounds = array<i64: 2, 16>, scalar_prefetch = 0 : i64, scratch_operands = 31 : i64, tpu.core_type = #tpu.core_type<sc_vector_subcore>, window_params = [{transform_indices = #map}, {transform_indices = #map1}, {transform_indices = #map1}, {transform_indices = #map}, {transform_indices = #map2}]} {
    %mul3A = arith.constant 16 : i32
    %mul3A_0 = arith.muli %arg0, %mul3A : i32
    %add3A = arith.addi %mul3A_0, %arg1 : i32
    %mul3A_1 = arith.constant 640 : i32
    %mul3A_2 = arith.muli %arg1, %mul3A_1 : i32
    %multiple_of3A = tpu.assume_multiple %mul3A_2, 8 : i32
    "tpu.region"() ({
      %run_scoped3A = tpu.sem_alloc : memref<!tpu.dma_semaphore, #tpu.memory_space<semaphore_mem>>
      %dma_start3A_910 = arith.constant 0 : i32
      %dma_start3A_911 = tpu.memref_slice %arg7[%multiple_of3A, %dma_start3A_910] : memref<10240x128xf32, #tpu.memory_space<vmem_shared>> -> memref<640x128xf32, #tpu.memory_space<vmem_shared>>
      %dma_start3A_912 = arith.constant 0 : i32
      %dma_start3A_913 = tpu.memref_slice %arg5[%multiple_of3A, %dma_start3A_912] : memref<10240x128xf32, #tpu.memory_space<hbm>> -> memref<640x128xf32, #tpu.memory_space<hbm>>
      tpu.enqueue_dma source(%dma_start3A_913 : memref<640x128xf32, #tpu.memory_space<hbm>>) target(%dma_start3A_911 : memref<640x128xf32, #tpu.memory_space<vmem_shared>>) target_semaphore(%run_scoped3A : memref<!tpu.dma_semaphore, #tpu.memory_space<semaphore_mem>>)
      %dma_wait3A_914 = arith.constant 0 : i32
      %dma_wait3A_915 = tpu.memref_slice %arg7[%multiple_of3A, %dma_wait3A_914] : memref<10240x128xf32, #tpu.memory_space<vmem_shared>> -> memref<640x128xf32, #tpu.memory_space<vmem_shared>>
      %dma_wait3A_916 = arith.constant 0 : i32
      %dma_wait3A_917 = tpu.memref_slice %arg5[%multiple_of3A, %dma_wait3A_916] : memref<10240x128xf32, #tpu.memory_space<hbm>> -> memref<640x128xf32, #tpu.memory_space<hbm>>
      tpu.wait_dma2 semaphore(%run_scoped3A : memref<!tpu.dma_semaphore, #tpu.memory_space<semaphore_mem>>) src(%dma_wait3A_917 : memref<640x128xf32, #tpu.memory_space<hbm>>) dst(%dma_wait3A_915 : memref<640x128xf32, #tpu.memory_space<vmem_shared>>)
      tpu.yield
    }) : () -> ()
    %broadcast_in_dim3A = arith.constant 0.000000e+00 : f32
    %broadcast_in_dim3A_3 = vector.broadcast %broadcast_in_dim3A : f32 to vector<16xf32>
    %broadcast_in_dim3A_4 = arith.constant 1.000000e+00 : f32
    %broadcast_in_dim3A_5 = vector.broadcast %broadcast_in_dim3A_4 : f32 to vector<16xf32>
    %scan3A = arith.constant 0 : i32
    %scan3A_6 = arith.constant 0 : i32
    %scan3A_7 = arith.constant 40 : i32
    %scan3A_8 = arith.addi %scan3A_6, %scan3A_7 : i32
    %scan3A_9 = arith.constant 1 : i32
    scf.for %scan3A_910 = %scan3A_6 to %scan3A_8 step %scan3A_9  : i32 {
      %mul3A_911 = arith.constant 16 : i32
      %mul3A_912 = arith.muli %scan3A_910, %mul3A_911 : i32
      %swap3A_913 = arith.index_cast %mul3A_912 : i32 to index
      %swap3A_914 = tpu.vector_load %arg17[%swap3A_913] {strides = array<i32>} : memref<640xf32, #tpu.memory_space<vmem>>, vector<16xf32>,
      %swap3A_915 = vector.shape_cast %swap3A_914 : vector<16xf32> to vector<16xf32>
      %swap3A_916 = vector.shape_cast %broadcast_in_dim3A_3 : vector<16xf32> to vector<16xf32>
      tpu.vector_store %arg17[%swap3A_913], %swap3A_916 {strides = array<i32>} : memref<640xf32, #tpu.memory_space<vmem>>, vector<16xf32>,
    }
    %scan3A_10 = arith.constant 40 : i32
    %scan3A_11 = arith.constant 0 : i32
    %scan3A_12 = arith.constant 0 : i32
    %scan3A_13 = arith.constant 8 : i32
    %scan3A_14 = arith.addi %scan3A_12, %scan3A_13 : i32
    %scan3A_15 = arith.constant 1 : i32
    scf.for %scan3A_910 = %scan3A_12 to %scan3A_14 step %scan3A_15  : i32 {
      %mul3A_911 = arith.constant 16 : i32
      %mul3A_912 = arith.muli %scan3A_910, %mul3A_911 : i32
      %swap3A_913 = arith.index_cast %mul3A_912 : i32 to index
      %swap3A_914 = tpu.vector_load %arg16[%swap3A_913] {strides = array<i32>} : memref<128xf32, #tpu.memory_space<vmem>>, vector<16xf32>,
      %swap3A_915 = vector.shape_cast %swap3A_914 : vector<16xf32> to vector<16xf32>
      %swap3A_916 = vector.shape_cast %broadcast_in_dim3A_5 : vector<16xf32> to vector<16xf32>
      tpu.vector_store %arg16[%swap3A_913], %swap3A_916 {strides = array<i32>} : memref<128xf32, #tpu.memory_space<vmem>>, vector<16xf32>,
    }
    %scan3A_16 = arith.constant 8 : i32
    "tpu.region"() ({
      %run_scoped3A = tpu.sem_alloc : memref<!tpu.dma_semaphore, #tpu.memory_space<semaphore_mem>>
      %dma_start3A_910 = tpu.memref_slice %arg8[%multiple_of3A] : memref<10240xf32, #tpu.memory_space<vmem_shared>> -> memref<640xf32, #tpu.memory_space<vmem_shared>>
      %dma_start3A_911 = tpu.memref_slice %arg8[%multiple_of3A] : memref<10240xf32, #tpu.memory_space<vmem_shared>> -> memref<640xf32, #tpu.memory_space<vmem_shared>>
      tpu.enqueue_dma source(%arg17 : memref<640xf32, #tpu.memory_space<vmem>>) target(%dma_start3A_911 : memref<640xf32, #tpu.memory_space<vmem_shared>>) target_semaphore(%run_scoped3A : memref<!tpu.dma_semaphore, #tpu.memory_space<semaphore_mem>>)
      %dma_wait3A_912 = tpu.memref_slice %arg8[%multiple_of3A] : memref<10240xf32, #tpu.memory_space<vmem_shared>> -> memref<640xf32, #tpu.memory_space<vmem_shared>>
      %dma_wait3A_913 = tpu.memref_slice %arg8[%multiple_of3A] : memref<10240xf32, #tpu.memory_space<vmem_shared>> -> memref<640xf32, #tpu.memory_space<vmem_shared>>
      tpu.wait_dma2 semaphore(%run_scoped3A : memref<!tpu.dma_semaphore, #tpu.memory_space<semaphore_mem>>) src(%arg17 : memref<640xf32, #tpu.memory_space<vmem>>) dst(%dma_wait3A_913 : memref<640xf32, #tpu.memory_space<vmem_shared>>)
      tpu.yield
    }) : () -> ()
    %barrier3A = arith.constant 0 : index
    tpu.barrier barrier_id(%barrier3A)
    %mul3A_17 = arith.constant 10000 : i32
    %mul3A_18 = arith.muli %add3A, %mul3A_17 : i32
    %add3A_19 = arith.constant 9984 : i32
    %add3A_20 = arith.addi %mul3A_18, %add3A_19 : i32
    %multiple_of3A_21 = tpu.assume_multiple %add3A_20, 8 : i32
    %dma_start3A = tpu.memref_slice %arg3[%multiple_of3A_21] : memref<320000xi32, #tpu.memory_space<hbm>> -> memref<16xi32, #tpu.memory_space<hbm>>
    %dma_start3A_22 = tpu.memref_slice %arg3[%multiple_of3A_21] : memref<320000xi32, #tpu.memory_space<hbm>> -> memref<16xi32, #tpu.memory_space<hbm>>
    tpu.enqueue_dma source(%dma_start3A_22 : memref<16xi32, #tpu.memory_space<hbm>>) target(%arg13 : memref<16xi32, #tpu.memory_space<vmem>>) target_semaphore(%arg33 : memref<!tpu.dma_semaphore, #tpu.memory_space<semaphore_mem>>)
    %dma_start3A_23 = tpu.memref_slice %arg4[%multiple_of3A_21] : memref<320000xi32, #tpu.memory_space<hbm>> -> memref<16xi32, #tpu.memory_space<hbm>>
    %dma_start3A_24 = tpu.memref_slice %arg4[%multiple_of3A_21] : memref<320000xi32, #tpu.memory_space<hbm>> -> memref<16xi32, #tpu.memory_space<hbm>>
    tpu.enqueue_dma source(%dma_start3A_24 : memref<16xi32, #tpu.memory_space<hbm>>) target(%arg14 : memref<16xi32, #tpu.memory_space<vmem>>) target_semaphore(%arg34 : memref<!tpu.dma_semaphore, #tpu.memory_space<semaphore_mem>>)
    %add3A_25 = arith.constant 0 : i32
    %add3A_26 = arith.addi %mul3A_18, %add3A_25 : i32
    %multiple_of3A_27 = tpu.assume_multiple %add3A_26, 8 : i32
    %dma_start3A_28 = arith.constant 0 : i32
    %dma_start3A_29 = arith.constant 0 : i32
    %dma_start3A_30 = tpu.memref_slice %arg9[%dma_start3A_28, %dma_start3A_29] : memref<4x128xi32, #tpu.memory_space<vmem>> -> memref<1x128xi32, #tpu.memory_space<vmem>>
    %dma_start3A_31 = tpu.memref_squeeze %dma_start3A_30 : memref<1x128xi32, #tpu.memory_space<vmem>> -> memref<128xi32, #tpu.memory_space<vmem>>
    %dma_start3A_32 = tpu.memref_slice %arg3[%multiple_of3A_27] : memref<320000xi32, #tpu.memory_space<hbm>> -> memref<128xi32, #tpu.memory_space<hbm>>
    %dma_start3A_33 = arith.constant 0 : i32
    %dma_start3A_34 = tpu.memref_slice %arg9[%dma_start3A_28, %dma_start3A_33] : memref<4x128xi32, #tpu.memory_space<vmem>> -> memref<1x128xi32, #tpu.memory_space<vmem>>
    %dma_start3A_35 = tpu.memref_squeeze %dma_start3A_34 : memref<1x128xi32, #tpu.memory_space<vmem>> -> memref<128xi32, #tpu.memory_space<vmem>>
    %dma_start3A_36 = tpu.memref_slice %arg3[%multiple_of3A_27] : memref<320000xi32, #tpu.memory_space<hbm>> -> memref<128xi32, #tpu.memory_space<hbm>>
    tpu.enqueue_dma source(%dma_start3A_36 : memref<128xi32, #tpu.memory_space<hbm>>) target(%dma_start3A_35 : memref<128xi32, #tpu.memory_space<vmem>>) target_semaphore(%arg19 : memref<!tpu.dma_semaphore, #tpu.memory_space<semaphore_mem>>)
    %dma_start3A_37 = arith.constant 0 : i32
    %dma_start3A_38 = arith.constant 0 : i32
    %dma_start3A_39 = tpu.memref_slice %arg10[%dma_start3A_37, %dma_start3A_38] : memref<4x128xi32, #tpu.memory_space<vmem>> -> memref<1x128xi32, #tpu.memory_space<vmem>>
    %dma_start3A_40 = tpu.memref_squeeze %dma_start3A_39 : memref<1x128xi32, #tpu.memory_space<vmem>> -> memref<128xi32, #tpu.memory_space<vmem>>
    %dma_start3A_41 = tpu.memref_slice %arg4[%multiple_of3A_27] : memref<320000xi32, #tpu.memory_space<hbm>> -> memref<128xi32, #tpu.memory_space<hbm>>
    %dma_start3A_42 = arith.constant 0 : i32
    %dma_start3A_43 = tpu.memref_slice %arg10[%dma_start3A_37, %dma_start3A_42] : memref<4x128xi32, #tpu.memory_space<vmem>> -> memref<1x128xi32, #tpu.memory_space<vmem>>
    %dma_start3A_44 = tpu.memref_squeeze %dma_start3A_43 : memref<1x128xi32, #tpu.memory_space<vmem>> -> memref<128xi32, #tpu.memory_space<vmem>>
    %dma_start3A_45 = tpu.memref_slice %arg4[%multiple_of3A_27] : memref<320000xi32, #tpu.memory_space<hbm>> -> memref<128xi32, #tpu.memory_space<hbm>>
    tpu.enqueue_dma source(%dma_start3A_45 : memref<128xi32, #tpu.memory_space<hbm>>) target(%dma_start3A_44 : memref<128xi32, #tpu.memory_space<vmem>>) target_semaphore(%arg23 : memref<!tpu.dma_semaphore, #tpu.memory_space<semaphore_mem>>)
    %add3A_46 = arith.constant 128 : i32
    %add3A_47 = arith.addi %mul3A_18, %add3A_46 : i32
    %multiple_of3A_48 = tpu.assume_multiple %add3A_47, 8 : i32
    %dma_start3A_49 = arith.constant 1 : i32
    %dma_start3A_50 = arith.constant 0 : i32
    %dma_start3A_51 = tpu.memref_slice %arg9[%dma_start3A_49, %dma_start3A_50] : memref<4x128xi32, #tpu.memory_space<vmem>> -> memref<1x128xi32, #tpu.memory_space<vmem>>
    %dma_start3A_52 = tpu.memref_squeeze %dma_start3A_51 : memref<1x128xi32, #tpu.memory_space<vmem>> -> memref<128xi32, #tpu.memory_space<vmem>>
    %dma_start3A_53 = tpu.memref_slice %arg3[%multiple_of3A_48] : memref<320000xi32, #tpu.memory_space<hbm>> -> memref<128xi32, #tpu.memory_space<hbm>>
    %dma_start3A_54 = arith.constant 0 : i32
    %dma_start3A_55 = tpu.memref_slice %arg9[%dma_start3A_49, %dma_start3A_54] : memref<4x128xi32, #tpu.memory_space<vmem>> -> memref<1x128xi32, #tpu.memory_space<vmem>>
    %dma_start3A_56 = tpu.memref_squeeze %dma_start3A_55 : memref<1x128xi32, #tpu.memory_space<vmem>> -> memref<128xi32, #tpu.memory_space<vmem>>
    %dma_start3A_57 = tpu.memref_slice %arg3[%multiple_of3A_48] : memref<320000xi32, #tpu.memory_space<hbm>> -> memref<128xi32, #tpu.memory_space<hbm>>
    tpu.enqueue_dma source(%dma_start3A_57 : memref<128xi32, #tpu.memory_space<hbm>>) target(%dma_start3A_56 : memref<128xi32, #tpu.memory_space<vmem>>) target_semaphore(%arg20 : memref<!tpu.dma_semaphore, #tpu.memory_space<semaphore_mem>>)
    %dma_start3A_58 = arith.constant 1 : i32
    %dma_start3A_59 = arith.constant 0 : i32
    %dma_start3A_60 = tpu.memref_slice %arg10[%dma_start3A_58, %dma_start3A_59] : memref<4x128xi32, #tpu.memory_space<vmem>> -> memref<1x128xi32, #tpu.memory_space<vmem>>
    %dma_start3A_61 = tpu.memref_squeeze %dma_start3A_60 : memref<1x128xi32, #tpu.memory_space<vmem>> -> memref<128xi32, #tpu.memory_space<vmem>>
    %dma_start3A_62 = tpu.memref_slice %arg4[%multiple_of3A_48] : memref<320000xi32, #tpu.memory_space<hbm>> -> memref<128xi32, #tpu.memory_space<hbm>>
    %dma_start3A_63 = arith.constant 0 : i32
    %dma_start3A_64 = tpu.memref_slice %arg10[%dma_start3A_58, %dma_start3A_63] : memref<4x128xi32, #tpu.memory_space<vmem>> -> memref<1x128xi32, #tpu.memory_space<vmem>>
    %dma_start3A_65 = tpu.memref_squeeze %dma_start3A_64 : memref<1x128xi32, #tpu.memory_space<vmem>> -> memref<128xi32, #tpu.memory_space<vmem>>
    %dma_start3A_66 = tpu.memref_slice %arg4[%multiple_of3A_48] : memref<320000xi32, #tpu.memory_space<hbm>> -> memref<128xi32, #tpu.memory_space<hbm>>
    tpu.enqueue_dma source(%dma_start3A_66 : memref<128xi32, #tpu.memory_space<hbm>>) target(%dma_start3A_65 : memref<128xi32, #tpu.memory_space<vmem>>) target_semaphore(%arg24 : memref<!tpu.dma_semaphore, #tpu.memory_space<semaphore_mem>>)
    %add3A_67 = arith.constant 256 : i32
    %add3A_68 = arith.addi %mul3A_18, %add3A_67 : i32
    %multiple_of3A_69 = tpu.assume_multiple %add3A_68, 8 : i32
    %dma_start3A_70 = arith.constant 2 : i32
    %dma_start3A_71 = arith.constant 0 : i32
    %dma_start3A_72 = tpu.memref_slice %arg9[%dma_start3A_70, %dma_start3A_71] : memref<4x128xi32, #tpu.memory_space<vmem>> -> memref<1x128xi32, #tpu.memory_space<vmem>>
    %dma_start3A_73 = tpu.memref_squeeze %dma_start3A_72 : memref<1x128xi32, #tpu.memory_space<vmem>> -> memref<128xi32, #tpu.memory_space<vmem>>
    %dma_start3A_74 = tpu.memref_slice %arg3[%multiple_of3A_69] : memref<320000xi32, #tpu.memory_space<hbm>> -> memref<128xi32, #tpu.memory_space<hbm>>
    %dma_start3A_75 = arith.constant 0 : i32
    %dma_start3A_76 = tpu.memref_slice %arg9[%dma_start3A_70, %dma_start3A_75] : memref<4x128xi32, #tpu.memory_space<vmem>> -> memref<1x128xi32, #tpu.memory_space<vmem>>
    %dma_start3A_77 = tpu.memref_squeeze %dma_start3A_76 : memref<1x128xi32, #tpu.memory_space<vmem>> -> memref<128xi32, #tpu.memory_space<vmem>>
    %dma_start3A_78 = tpu.memref_slice %arg3[%multiple_of3A_69] : memref<320000xi32, #tpu.memory_space<hbm>> -> memref<128xi32, #tpu.memory_space<hbm>>
    tpu.enqueue_dma source(%dma_start3A_78 : memref<128xi32, #tpu.memory_space<hbm>>) target(%dma_start3A_77 : memref<128xi32, #tpu.memory_space<vmem>>) target_semaphore(%arg21 : memref<!tpu.dma_semaphore, #tpu.memory_space<semaphore_mem>>)
    %dma_start3A_79 = arith.constant 2 : i32
    %dma_start3A_80 = arith.constant 0 : i32
    %dma_start3A_81 = tpu.memref_slice %arg10[%dma_start3A_79, %dma_start3A_80] : memref<4x128xi32, #tpu.memory_space<vmem>> -> memref<1x128xi32, #tpu.memory_space<vmem>>
    %dma_start3A_82 = tpu.memref_squeeze %dma_start3A_81 : memref<1x128xi32, #tpu.memory_space<vmem>> -> memref<128xi32, #tpu.memory_space<vmem>>
    %dma_start3A_83 = tpu.memref_slice %arg4[%multiple_of3A_69] : memref<320000xi32, #tpu.memory_space<hbm>> -> memref<128xi32, #tpu.memory_space<hbm>>
    %dma_start3A_84 = arith.constant 0 : i32
    %dma_start3A_85 = tpu.memref_slice %arg10[%dma_start3A_79, %dma_start3A_84] : memref<4x128xi32, #tpu.memory_space<vmem>> -> memref<1x128xi32, #tpu.memory_space<vmem>>
    %dma_start3A_86 = tpu.memref_squeeze %dma_start3A_85 : memref<1x128xi32, #tpu.memory_space<vmem>> -> memref<128xi32, #tpu.memory_space<vmem>>
    %dma_start3A_87 = tpu.memref_slice %arg4[%multiple_of3A_69] : memref<320000xi32, #tpu.memory_space<hbm>> -> memref<128xi32, #tpu.memory_space<hbm>>
    tpu.enqueue_dma source(%dma_start3A_87 : memref<128xi32, #tpu.memory_space<hbm>>) target(%dma_start3A_86 : memref<128xi32, #tpu.memory_space<vmem>>) target_semaphore(%arg25 : memref<!tpu.dma_semaphore, #tpu.memory_space<semaphore_mem>>)
    %add3A_88 = arith.constant 384 : i32
    %add3A_89 = arith.addi %mul3A_18, %add3A_88 : i32
    %multiple_of3A_90 = tpu.assume_multiple %add3A_89, 8 : i32
    %dma_start3A_91 = arith.constant 3 : i32
    %dma_start3A_92 = arith.constant 0 : i32
    %dma_start3A_93 = tpu.memref_slice %arg9[%dma_start3A_91, %dma_start3A_92] : memref<4x128xi32, #tpu.memory_space<vmem>> -> memref<1x128xi32, #tpu.memory_space<vmem>>
    %dma_start3A_94 = tpu.memref_squeeze %dma_start3A_93 : memref<1x128xi32, #tpu.memory_space<vmem>> -> memref<128xi32, #tpu.memory_space<vmem>>
    %dma_start3A_95 = tpu.memref_slice %arg3[%multiple_of3A_90] : memref<320000xi32, #tpu.memory_space<hbm>> -> memref<128xi32, #tpu.memory_space<hbm>>
    %dma_start3A_96 = arith.constant 0 : i32
    %dma_start3A_97 = tpu.memref_slice %arg9[%dma_start3A_91, %dma_start3A_96] : memref<4x128xi32, #tpu.memory_space<vmem>> -> memref<1x128xi32, #tpu.memory_space<vmem>>
    %dma_start3A_98 = tpu.memref_squeeze %dma_start3A_97 : memref<1x128xi32, #tpu.memory_space<vmem>> -> memref<128xi32, #tpu.memory_space<vmem>>
    %dma_start3A_99 = tpu.memref_slice %arg3[%multiple_of3A_90] : memref<320000xi32, #tpu.memory_space<hbm>> -> memref<128xi32, #tpu.memory_space<hbm>>
    tpu.enqueue_dma source(%dma_start3A_99 : memref<128xi32, #tpu.memory_space<hbm>>) target(%dma_start3A_98 : memref<128xi32, #tpu.memory_space<vmem>>) target_semaphore(%arg22 : memref<!tpu.dma_semaphore, #tpu.memory_space<semaphore_mem>>)
    %dma_start3A_100 = arith.constant 3 : i32
    %dma_start3A_101 = arith.constant 0 : i32
    %dma_start3A_102 = tpu.memref_slice %arg10[%dma_start3A_100, %dma_start3A_101] : memref<4x128xi32, #tpu.memory_space<vmem>> -> memref<1x128xi32, #tpu.memory_space<vmem>>
    %dma_start3A_103 = tpu.memref_squeeze %dma_start3A_102 : memref<1x128xi32, #tpu.memory_space<vmem>> -> memref<128xi32, #tpu.memory_space<vmem>>
    %dma_start3A_104 = tpu.memref_slice %arg4[%multiple_of3A_90] : memref<320000xi32, #tpu.memory_space<hbm>> -> memref<128xi32, #tpu.memory_space<hbm>>
    %dma_start3A_105 = arith.constant 0 : i32
    %dma_start3A_106 = tpu.memref_slice %arg10[%dma_start3A_100, %dma_start3A_105] : memref<4x128xi32, #tpu.memory_space<vmem>> -> memref<1x128xi32, #tpu.memory_space<vmem>>
    %dma_start3A_107 = tpu.memref_squeeze %dma_start3A_106 : memref<1x128xi32, #tpu.memory_space<vmem>> -> memref<128xi32, #tpu.memory_space<vmem>>
    %dma_start3A_108 = tpu.memref_slice %arg4[%multiple_of3A_90] : memref<320000xi32, #tpu.memory_space<hbm>> -> memref<128xi32, #tpu.memory_space<hbm>>
    tpu.enqueue_dma source(%dma_start3A_108 : memref<128xi32, #tpu.memory_space<hbm>>) target(%dma_start3A_107 : memref<128xi32, #tpu.memory_space<vmem>>) target_semaphore(%arg26 : memref<!tpu.dma_semaphore, #tpu.memory_space<semaphore_mem>>)
    %dma_wait3A = tpu.memref_slice %arg3[%multiple_of3A_21] : memref<320000xi32, #tpu.memory_space<hbm>> -> memref<16xi32, #tpu.memory_space<hbm>>
    %dma_wait3A_109 = tpu.memref_slice %arg3[%multiple_of3A_21] : memref<320000xi32, #tpu.memory_space<hbm>> -> memref<16xi32, #tpu.memory_space<hbm>>
    tpu.wait_dma2 semaphore(%arg33 : memref<!tpu.dma_semaphore, #tpu.memory_space<semaphore_mem>>) src(%dma_wait3A_109 : memref<16xi32, #tpu.memory_space<hbm>>) dst(%arg13 : memref<16xi32, #tpu.memory_space<vmem>>)
    %dma_wait3A_110 = tpu.memref_slice %arg4[%multiple_of3A_21] : memref<320000xi32, #tpu.memory_space<hbm>> -> memref<16xi32, #tpu.memory_space<hbm>>
    %dma_wait3A_111 = tpu.memref_slice %arg4[%multiple_of3A_21] : memref<320000xi32, #tpu.memory_space<hbm>> -> memref<16xi32, #tpu.memory_space<hbm>>
    tpu.wait_dma2 semaphore(%arg34 : memref<!tpu.dma_semaphore, #tpu.memory_space<semaphore_mem>>) src(%dma_wait3A_111 : memref<16xi32, #tpu.memory_space<hbm>>) dst(%arg14 : memref<16xi32, #tpu.memory_space<vmem>>)
    %dma_start3A_112 = arith.constant 0 : i32
    %dma_start3A_113 = arith.constant 0 : i32
    %dma_start3A_114 = tpu.memref_slice %arg2[%dma_start3A_112, %dma_start3A_113] : memref<10000x128xf32, #tpu.memory_space<hbm>> -> memref<10000x128xf32, #tpu.memory_space<hbm>>
    tpu.enqueue_indirect_dma source(%dma_start3A_114 : memref<10000x128xf32, #tpu.memory_space<hbm>>) target(%arg15 : memref<16x128xf32, #tpu.memory_space<vmem>>) offsets(%arg13 : memref<16xi32, #tpu.memory_space<vmem>>) semaphore(%arg35 : memref<!tpu.dma_semaphore, #tpu.memory_space<semaphore_mem>>)
    %add3A_115 = arith.constant 0 : i32
    %add3A_116 = arith.addi %mul3A_18, %add3A_115 : i32
    %multiple_of3A_117 = tpu.assume_multiple %add3A_116, 8 : i32
    %dma_wait3A_118 = arith.constant 0 : i32
    %dma_wait3A_119 = arith.constant 0 : i32
    %dma_wait3A_120 = tpu.memref_slice %arg9[%dma_wait3A_118, %dma_wait3A_119] : memref<4x128xi32, #tpu.memory_space<vmem>> -> memref<1x128xi32, #tpu.memory_space<vmem>>
    %dma_wait3A_121 = tpu.memref_squeeze %dma_wait3A_120 : memref<1x128xi32, #tpu.memory_space<vmem>> -> memref<128xi32, #tpu.memory_space<vmem>>
    %dma_wait3A_122 = tpu.memref_slice %arg3[%multiple_of3A_117] : memref<320000xi32, #tpu.memory_space<hbm>> -> memref<128xi32, #tpu.memory_space<hbm>>
    %dma_wait3A_123 = arith.constant 0 : i32
    %dma_wait3A_124 = tpu.memref_slice %arg9[%dma_wait3A_118, %dma_wait3A_123] : memref<4x128xi32, #tpu.memory_space<vmem>> -> memref<1x128xi32, #tpu.memory_space<vmem>>
    %dma_wait3A_125 = tpu.memref_squeeze %dma_wait3A_124 : memref<1x128xi32, #tpu.memory_space<vmem>> -> memref<128xi32, #tpu.memory_space<vmem>>
    %dma_wait3A_126 = tpu.memref_slice %arg3[%multiple_of3A_117] : memref<320000xi32, #tpu.memory_space<hbm>> -> memref<128xi32, #tpu.memory_space<hbm>>
    tpu.wait_dma2 semaphore(%arg19 : memref<!tpu.dma_semaphore, #tpu.memory_space<semaphore_mem>>) src(%dma_wait3A_126 : memref<128xi32, #tpu.memory_space<hbm>>) dst(%dma_wait3A_125 : memref<128xi32, #tpu.memory_space<vmem>>)
    %dma_wait3A_127 = arith.constant 0 : i32
    %dma_wait3A_128 = arith.constant 0 : i32
    %dma_wait3A_129 = tpu.memref_slice %arg10[%dma_wait3A_127, %dma_wait3A_128] : memref<4x128xi32, #tpu.memory_space<vmem>> -> memref<1x128xi32, #tpu.memory_space<vmem>>
    %dma_wait3A_130 = tpu.memref_squeeze %dma_wait3A_129 : memref<1x128xi32, #tpu.memory_space<vmem>> -> memref<128xi32, #tpu.memory_space<vmem>>
    %dma_wait3A_131 = tpu.memref_slice %arg4[%multiple_of3A_117] : memref<320000xi32, #tpu.memory_space<hbm>> -> memref<128xi32, #tpu.memory_space<hbm>>
    %dma_wait3A_132 = arith.constant 0 : i32
    %dma_wait3A_133 = tpu.memref_slice %arg10[%dma_wait3A_127, %dma_wait3A_132] : memref<4x128xi32, #tpu.memory_space<vmem>> -> memref<1x128xi32, #tpu.memory_space<vmem>>
    %dma_wait3A_134 = tpu.memref_squeeze %dma_wait3A_133 : memref<1x128xi32, #tpu.memory_space<vmem>> -> memref<128xi32, #tpu.memory_space<vmem>>
    %dma_wait3A_135 = tpu.memref_slice %arg4[%multiple_of3A_117] : memref<320000xi32, #tpu.memory_space<hbm>> -> memref<128xi32, #tpu.memory_space<hbm>>
    tpu.wait_dma2 semaphore(%arg23 : memref<!tpu.dma_semaphore, #tpu.memory_space<semaphore_mem>>) src(%dma_wait3A_135 : memref<128xi32, #tpu.memory_space<hbm>>) dst(%dma_wait3A_134 : memref<128xi32, #tpu.memory_space<vmem>>)
    %dma_start3A_136 = arith.constant 0 : i32
    %dma_start3A_137 = arith.constant 0 : i32
    %dma_start3A_138 = tpu.memref_slice %arg9[%dma_start3A_136, %dma_start3A_137] : memref<4x128xi32, #tpu.memory_space<vmem>> -> memref<1x128xi32, #tpu.memory_space<vmem>>
    %dma_start3A_139 = tpu.memref_squeeze %dma_start3A_138 : memref<1x128xi32, #tpu.memory_space<vmem>> -> memref<128xi32, #tpu.memory_space<vmem>>
    %dma_start3A_140 = arith.constant 0 : i32
    %dma_start3A_141 = arith.constant 0 : i32
    %dma_start3A_142 = tpu.memref_slice %arg2[%dma_start3A_140, %dma_start3A_141] : memref<10000x128xf32, #tpu.memory_space<hbm>> -> memref<10000x128xf32, #tpu.memory_space<hbm>>
    tpu.enqueue_indirect_dma source(%dma_start3A_142 : memref<10000x128xf32, #tpu.memory_space<hbm>>) target(%arg11 : memref<128x128xf32, #tpu.memory_space<vmem>>) offsets(%dma_start3A_139 : memref<128xi32, #tpu.memory_space<vmem>>) semaphore(%arg27 : memref<!tpu.dma_semaphore, #tpu.memory_space<semaphore_mem>>)
    %add3A_143 = arith.constant 128 : i32
    %add3A_144 = arith.addi %mul3A_18, %add3A_143 : i32
    %multiple_of3A_145 = tpu.assume_multiple %add3A_144, 8 : i32
    %dma_wait3A_146 = arith.constant 1 : i32
    %dma_wait3A_147 = arith.constant 0 : i32
    %dma_wait3A_148 = tpu.memref_slice %arg9[%dma_wait3A_146, %dma_wait3A_147] : memref<4x128xi32, #tpu.memory_space<vmem>> -> memref<1x128xi32, #tpu.memory_space<vmem>>
    %dma_wait3A_149 = tpu.memref_squeeze %dma_wait3A_148 : memref<1x128xi32, #tpu.memory_space<vmem>> -> memref<128xi32, #tpu.memory_space<vmem>>
    %dma_wait3A_150 = tpu.memref_slice %arg3[%multiple_of3A_145] : memref<320000xi32, #tpu.memory_space<hbm>> -> memref<128xi32, #tpu.memory_space<hbm>>
    %dma_wait3A_151 = arith.constant 0 : i32
    %dma_wait3A_152 = tpu.memref_slice %arg9[%dma_wait3A_146, %dma_wait3A_151] : memref<4x128xi32, #tpu.memory_space<vmem>> -> memref<1x128xi32, #tpu.memory_space<vmem>>
    %dma_wait3A_153 = tpu.memref_squeeze %dma_wait3A_152 : memref<1x128xi32, #tpu.memory_space<vmem>> -> memref<128xi32, #tpu.memory_space<vmem>>
    %dma_wait3A_154 = tpu.memref_slice %arg3[%multiple_of3A_145] : memref<320000xi32, #tpu.memory_space<hbm>> -> memref<128xi32, #tpu.memory_space<hbm>>
    tpu.wait_dma2 semaphore(%arg20 : memref<!tpu.dma_semaphore, #tpu.memory_space<semaphore_mem>>) src(%dma_wait3A_154 : memref<128xi32, #tpu.memory_space<hbm>>) dst(%dma_wait3A_153 : memref<128xi32, #tpu.memory_space<vmem>>)
    %dma_wait3A_155 = arith.constant 1 : i32
    %dma_wait3A_156 = arith.constant 0 : i32
    %dma_wait3A_157 = tpu.memref_slice %arg10[%dma_wait3A_155, %dma_wait3A_156] : memref<4x128xi32, #tpu.memory_space<vmem>> -> memref<1x128xi32, #tpu.memory_space<vmem>>
    %dma_wait3A_158 = tpu.memref_squeeze %dma_wait3A_157 : memref<1x128xi32, #tpu.memory_space<vmem>> -> memref<128xi32, #tpu.memory_space<vmem>>
    %dma_wait3A_159 = tpu.memref_slice %arg4[%multiple_of3A_145] : memref<320000xi32, #tpu.memory_space<hbm>> -> memref<128xi32, #tpu.memory_space<hbm>>
    %dma_wait3A_160 = arith.constant 0 : i32
    %dma_wait3A_161 = tpu.memref_slice %arg10[%dma_wait3A_155, %dma_wait3A_160] : memref<4x128xi32, #tpu.memory_space<vmem>> -> memref<1x128xi32, #tpu.memory_space<vmem>>
    %dma_wait3A_162 = tpu.memref_squeeze %dma_wait3A_161 : memref<1x128xi32, #tpu.memory_space<vmem>> -> memref<128xi32, #tpu.memory_space<vmem>>
    %dma_wait3A_163 = tpu.memref_slice %arg4[%multiple_of3A_145] : memref<320000xi32, #tpu.memory_space<hbm>> -> memref<128xi32, #tpu.memory_space<hbm>>
    tpu.wait_dma2 semaphore(%arg24 : memref<!tpu.dma_semaphore, #tpu.memory_space<semaphore_mem>>) src(%dma_wait3A_163 : memref<128xi32, #tpu.memory_space<hbm>>) dst(%dma_wait3A_162 : memref<128xi32, #tpu.memory_space<vmem>>)
    %dma_wait3A_164 = arith.constant 0 : i32
    %dma_wait3A_165 = arith.constant 0 : i32
    %dma_wait3A_166 = tpu.memref_slice %arg9[%dma_wait3A_164, %dma_wait3A_165] : memref<4x128xi32, #tpu.memory_space<vmem>> -> memref<1x128xi32, #tpu.memory_space<vmem>>
    %dma_wait3A_167 = tpu.memref_squeeze %dma_wait3A_166 : memref<1x128xi32, #tpu.memory_space<vmem>> -> memref<128xi32, #tpu.memory_space<vmem>>
    %dma_wait3A_168 = arith.constant 0 : i32
    %dma_wait3A_169 = arith.constant 0 : i32
    %dma_wait3A_170 = tpu.memref_slice %arg2[%dma_wait3A_168, %dma_wait3A_169] : memref<10000x128xf32, #tpu.memory_space<hbm>> -> memref<10000x128xf32, #tpu.memory_space<hbm>>
    tpu.wait_indirect_dma semaphore(%arg27 : memref<!tpu.dma_semaphore, #tpu.memory_space<semaphore_mem>>) src(%dma_wait3A_170 : memref<10000x128xf32, #tpu.memory_space<hbm>>) dst(%arg11 : memref<128x128xf32, #tpu.memory_space<vmem>>)
    %dma_start3A_171 = arith.constant 0 : i32
    %dma_start3A_172 = arith.constant 0 : i32
    %dma_start3A_173 = tpu.memref_slice %arg10[%dma_start3A_171, %dma_start3A_172] : memref<4x128xi32, #tpu.memory_space<vmem>> -> memref<1x128xi32, #tpu.memory_space<vmem>>
    %dma_start3A_174 = tpu.memref_squeeze %dma_start3A_173 : memref<1x128xi32, #tpu.memory_space<vmem>> -> memref<128xi32, #tpu.memory_space<vmem>>
    %dma_start3A_175 = arith.constant 0 : i32
    %dma_start3A_176 = arith.constant 0 : i32
    %dma_start3A_177 = tpu.memref_slice %arg7[%dma_start3A_175, %dma_start3A_176] : memref<10240x128xf32, #tpu.memory_space<vmem_shared>> -> memref<10240x128xf32, #tpu.memory_space<vmem_shared>>
    tpu.enqueue_indirect_dma source(%arg11 : memref<128x128xf32, #tpu.memory_space<vmem>>) target(%dma_start3A_177 : memref<10240x128xf32, #tpu.memory_space<vmem_shared>>) offsets(%dma_start3A_174 : memref<128xi32, #tpu.memory_space<vmem>>) semaphore(%arg29 : memref<!tpu.dma_semaphore, #tpu.memory_space<semaphore_mem>>) {add = true}
    %dma_start3A_178 = arith.constant 0 : i32
    %dma_start3A_179 = arith.constant 0 : i32
    %dma_start3A_180 = tpu.memref_slice %arg10[%dma_start3A_178, %dma_start3A_179] : memref<4x128xi32, #tpu.memory_space<vmem>> -> memref<1x128xi32, #tpu.memory_space<vmem>>
    %dma_start3A_181 = tpu.memref_squeeze %dma_start3A_180 : memref<1x128xi32, #tpu.memory_space<vmem>> -> memref<128xi32, #tpu.memory_space<vmem>>
    %dma_start3A_182 = arith.constant 0 : i32
    %dma_start3A_183 = tpu.memref_slice %arg8[%dma_start3A_182] : memref<10240xf32, #tpu.memory_space<vmem_shared>> -> memref<10240xf32, #tpu.memory_space<vmem_shared>>
    tpu.enqueue_indirect_dma source(%arg16 : memref<128xf32, #tpu.memory_space<vmem>>) target(%dma_start3A_183 : memref<10240xf32, #tpu.memory_space<vmem_shared>>) offsets(%dma_start3A_181 : memref<128xi32, #tpu.memory_space<vmem>>) semaphore(%arg31 : memref<!tpu.dma_semaphore, #tpu.memory_space<semaphore_mem>>) {add = true}
    %dma_start3A_184 = arith.constant 1 : i32
    %dma_start3A_185 = arith.constant 0 : i32
    %dma_start3A_186 = tpu.memref_slice %arg9[%dma_start3A_184, %dma_start3A_185] : memref<4x128xi32, #tpu.memory_space<vmem>> -> memref<1x128xi32, #tpu.memory_space<vmem>>
    %dma_start3A_187 = tpu.memref_squeeze %dma_start3A_186 : memref<1x128xi32, #tpu.memory_space<vmem>> -> memref<128xi32, #tpu.memory_space<vmem>>
    %dma_start3A_188 = arith.constant 0 : i32
    %dma_start3A_189 = arith.constant 0 : i32
    %dma_start3A_190 = tpu.memref_slice %arg2[%dma_start3A_188, %dma_start3A_189] : memref<10000x128xf32, #tpu.memory_space<hbm>> -> memref<10000x128xf32, #tpu.memory_space<hbm>>
    tpu.enqueue_indirect_dma source(%dma_start3A_190 : memref<10000x128xf32, #tpu.memory_space<hbm>>) target(%arg12 : memref<128x128xf32, #tpu.memory_space<vmem>>) offsets(%dma_start3A_187 : memref<128xi32, #tpu.memory_space<vmem>>) semaphore(%arg28 : memref<!tpu.dma_semaphore, #tpu.memory_space<semaphore_mem>>)
    %dma_wait3A_191 = arith.constant 1 : i32
    %dma_wait3A_192 = arith.constant 0 : i32
    %dma_wait3A_193 = tpu.memref_slice %arg9[%dma_wait3A_191, %dma_wait3A_192] : memref<4x128xi32, #tpu.memory_space<vmem>> -> memref<1x128xi32, #tpu.memory_space<vmem>>
    %dma_wait3A_194 = tpu.memref_squeeze %dma_wait3A_193 : memref<1x128xi32, #tpu.memory_space<vmem>> -> memref<128xi32, #tpu.memory_space<vmem>>
    %dma_wait3A_195 = arith.constant 0 : i32
    %dma_wait3A_196 = arith.constant 0 : i32
    %dma_wait3A_197 = tpu.memref_slice %arg2[%dma_wait3A_195, %dma_wait3A_196] : memref<10000x128xf32, #tpu.memory_space<hbm>> -> memref<10000x128xf32, #tpu.memory_space<hbm>>
    tpu.wait_indirect_dma semaphore(%arg28 : memref<!tpu.dma_semaphore, #tpu.memory_space<semaphore_mem>>) src(%dma_wait3A_197 : memref<10000x128xf32, #tpu.memory_space<hbm>>) dst(%arg12 : memref<128x128xf32, #tpu.memory_space<vmem>>)
    %dma_start3A_198 = arith.constant 1 : i32
    %dma_start3A_199 = arith.constant 0 : i32
    %dma_start3A_200 = tpu.memref_slice %arg10[%dma_start3A_198, %dma_start3A_199] : memref<4x128xi32, #tpu.memory_space<vmem>> -> memref<1x128xi32, #tpu.memory_space<vmem>>
    %dma_start3A_201 = tpu.memref_squeeze %dma_start3A_200 : memref<1x128xi32, #tpu.memory_space<vmem>> -> memref<128xi32, #tpu.memory_space<vmem>>
    %dma_start3A_202 = arith.constant 0 : i32
    %dma_start3A_203 = arith.constant 0 : i32
    %dma_start3A_204 = tpu.memref_slice %arg7[%dma_start3A_202, %dma_start3A_203] : memref<10240x128xf32, #tpu.memory_space<vmem_shared>> -> memref<10240x128xf32, #tpu.memory_space<vmem_shared>>
    tpu.enqueue_indirect_dma source(%arg12 : memref<128x128xf32, #tpu.memory_space<vmem>>) target(%dma_start3A_204 : memref<10240x128xf32, #tpu.memory_space<vmem_shared>>) offsets(%dma_start3A_201 : memref<128xi32, #tpu.memory_space<vmem>>) semaphore(%arg30 : memref<!tpu.dma_semaphore, #tpu.memory_space<semaphore_mem>>) {add = true}
    %dma_start3A_205 = arith.constant 1 : i32
    %dma_start3A_206 = arith.constant 0 : i32
    %dma_start3A_207 = tpu.memref_slice %arg10[%dma_start3A_205, %dma_start3A_206] : memref<4x128xi32, #tpu.memory_space<vmem>> -> memref<1x128xi32, #tpu.memory_space<vmem>>
    %dma_start3A_208 = tpu.memref_squeeze %dma_start3A_207 : memref<1x128xi32, #tpu.memory_space<vmem>> -> memref<128xi32, #tpu.memory_space<vmem>>
    %dma_start3A_209 = arith.constant 0 : i32
    %dma_start3A_210 = tpu.memref_slice %arg8[%dma_start3A_209] : memref<10240xf32, #tpu.memory_space<vmem_shared>> -> memref<10240xf32, #tpu.memory_space<vmem_shared>>
    tpu.enqueue_indirect_dma source(%arg16 : memref<128xf32, #tpu.memory_space<vmem>>) target(%dma_start3A_210 : memref<10240xf32, #tpu.memory_space<vmem_shared>>) offsets(%dma_start3A_208 : memref<128xi32, #tpu.memory_space<vmem>>) semaphore(%arg32 : memref<!tpu.dma_semaphore, #tpu.memory_space<semaphore_mem>>) {add = true}
    %dma_wait3A_211 = arith.constant 0 : i32
    %dma_wait3A_212 = arith.constant 0 : i32
    %dma_wait3A_213 = tpu.memref_slice %arg10[%dma_wait3A_211, %dma_wait3A_212] : memref<4x128xi32, #tpu.memory_space<vmem>> -> memref<1x128xi32, #tpu.memory_space<vmem>>
    %dma_wait3A_214 = tpu.memref_squeeze %dma_wait3A_213 : memref<1x128xi32, #tpu.memory_space<vmem>> -> memref<128xi32, #tpu.memory_space<vmem>>
    %dma_wait3A_215 = arith.constant 0 : i32
    %dma_wait3A_216 = arith.constant 0 : i32
    %dma_wait3A_217 = tpu.memref_slice %arg7[%dma_wait3A_215, %dma_wait3A_216] : memref<10240x128xf32, #tpu.memory_space<vmem_shared>> -> memref<10240x128xf32, #tpu.memory_space<vmem_shared>>
    tpu.wait_indirect_dma semaphore(%arg29 : memref<!tpu.dma_semaphore, #tpu.memory_space<semaphore_mem>>) src(%arg11 : memref<128x128xf32, #tpu.memory_space<vmem>>) dst(%dma_wait3A_217 : memref<10240x128xf32, #tpu.memory_space<vmem_shared>>)
    %dma_wait3A_218 = arith.constant 0 : i32
    %dma_wait3A_219 = arith.constant 0 : i32
    %dma_wait3A_220 = tpu.memref_slice %arg10[%dma_wait3A_218, %dma_wait3A_219] : memref<4x128xi32, #tpu.memory_space<vmem>> -> memref<1x128xi32, #tpu.memory_space<vmem>>
    %dma_wait3A_221 = tpu.memref_squeeze %dma_wait3A_220 : memref<1x128xi32, #tpu.memory_space<vmem>> -> memref<128xi32, #tpu.memory_space<vmem>>
    %dma_wait3A_222 = arith.constant 0 : i32
    %dma_wait3A_223 = tpu.memref_slice %arg8[%dma_wait3A_222] : memref<10240xf32, #tpu.memory_space<vmem_shared>> -> memref<10240xf32, #tpu.memory_space<vmem_shared>>
    tpu.wait_indirect_dma semaphore(%arg31 : memref<!tpu.dma_semaphore, #tpu.memory_space<semaphore_mem>>) src(%arg16 : memref<128xf32, #tpu.memory_space<vmem>>) dst(%dma_wait3A_223 : memref<10240xf32, #tpu.memory_space<vmem_shared>>)
    %add3A_224 = arith.constant 512 : i32
    %add3A_225 = arith.addi %mul3A_18, %add3A_224 : i32
    %multiple_of3A_226 = tpu.assume_multiple %add3A_225, 8 : i32
    %dma_start3A_227 = arith.constant 0 : i32
    %dma_start3A_228 = arith.constant 0 : i32
    %dma_start3A_229 = tpu.memref_slice %arg9[%dma_start3A_227, %dma_start3A_228] : memref<4x128xi32, #tpu.memory_space<vmem>> -> memref<1x128xi32, #tpu.memory_space<vmem>>
    %dma_start3A_230 = tpu.memref_squeeze %dma_start3A_229 : memref<1x128xi32, #tpu.memory_space<vmem>> -> memref<128xi32, #tpu.memory_space<vmem>>
    %dma_start3A_231 = tpu.memref_slice %arg3[%multiple_of3A_226] : memref<320000xi32, #tpu.memory_space<hbm>> -> memref<128xi32, #tpu.memory_space<hbm>>
    %dma_start3A_232 = arith.constant 0 : i32
    %dma_start3A_233 = tpu.memref_slice %arg9[%dma_start3A_227, %dma_start3A_232] : memref<4x128xi32, #tpu.memory_space<vmem>> -> memref<1x128xi32, #tpu.memory_space<vmem>>
    %dma_start3A_234 = tpu.memref_squeeze %dma_start3A_233 : memref<1x128xi32, #tpu.memory_space<vmem>> -> memref<128xi32, #tpu.memory_space<vmem>>
    %dma_start3A_235 = tpu.memref_slice %arg3[%multiple_of3A_226] : memref<320000xi32, #tpu.memory_space<hbm>> -> memref<128xi32, #tpu.memory_space<hbm>>
    tpu.enqueue_dma source(%dma_start3A_235 : memref<128xi32, #tpu.memory_space<hbm>>) target(%dma_start3A_234 : memref<128xi32, #tpu.memory_space<vmem>>) target_semaphore(%arg19 : memref<!tpu.dma_semaphore, #tpu.memory_space<semaphore_mem>>)
    %dma_start3A_236 = arith.constant 0 : i32
    %dma_start3A_237 = arith.constant 0 : i32
    %dma_start3A_238 = tpu.memref_slice %arg10[%dma_start3A_236, %dma_start3A_237] : memref<4x128xi32, #tpu.memory_space<vmem>> -> memref<1x128xi32, #tpu.memory_space<vmem>>
    %dma_start3A_239 = tpu.memref_squeeze %dma_start3A_238 : memref<1x128xi32, #tpu.memory_space<vmem>> -> memref<128xi32, #tpu.memory_space<vmem>>
    %dma_start3A_240 = tpu.memref_slice %arg4[%multiple_of3A_226] : memref<320000xi32, #tpu.memory_space<hbm>> -> memref<128xi32, #tpu.memory_space<hbm>>
    %dma_start3A_241 = arith.constant 0 : i32
    %dma_start3A_242 = tpu.memref_slice %arg10[%dma_start3A_236, %dma_start3A_241] : memref<4x128xi32, #tpu.memory_space<vmem>> -> memref<1x128xi32, #tpu.memory_space<vmem>>
    %dma_start3A_243 = tpu.memref_squeeze %dma_start3A_242 : memref<1x128xi32, #tpu.memory_space<vmem>> -> memref<128xi32, #tpu.memory_space<vmem>>
    %dma_start3A_244 = tpu.memref_slice %arg4[%multiple_of3A_226] : memref<320000xi32, #tpu.memory_space<hbm>> -> memref<128xi32, #tpu.memory_space<hbm>>
    tpu.enqueue_dma source(%dma_start3A_244 : memref<128xi32, #tpu.memory_space<hbm>>) target(%dma_start3A_243 : memref<128xi32, #tpu.memory_space<vmem>>) target_semaphore(%arg23 : memref<!tpu.dma_semaphore, #tpu.memory_space<semaphore_mem>>)
    %add3A_245 = arith.constant 256 : i32
    %add3A_246 = arith.addi %mul3A_18, %add3A_245 : i32
    %multiple_of3A_247 = tpu.assume_multiple %add3A_246, 8 : i32
    %dma_wait3A_248 = arith.constant 2 : i32
    %dma_wait3A_249 = arith.constant 0 : i32
    %dma_wait3A_250 = tpu.memref_slice %arg9[%dma_wait3A_248, %dma_wait3A_249] : memref<4x128xi32, #tpu.memory_space<vmem>> -> memref<1x128xi32, #tpu.memory_space<vmem>>
    %dma_wait3A_251 = tpu.memref_squeeze %dma_wait3A_250 : memref<1x128xi32, #tpu.memory_space<vmem>> -> memref<128xi32, #tpu.memory_space<vmem>>
    %dma_wait3A_252 = tpu.memref_slice %arg3[%multiple_of3A_247] : memref<320000xi32, #tpu.memory_space<hbm>> -> memref<128xi32, #tpu.memory_space<hbm>>
    %dma_wait3A_253 = arith.constant 0 : i32
    %dma_wait3A_254 = tpu.memref_slice %arg9[%dma_wait3A_248, %dma_wait3A_253] : memref<4x128xi32, #tpu.memory_space<vmem>> -> memref<1x128xi32, #tpu.memory_space<vmem>>
    %dma_wait3A_255 = tpu.memref_squeeze %dma_wait3A_254 : memref<1x128xi32, #tpu.memory_space<vmem>> -> memref<128xi32, #tpu.memory_space<vmem>>
    %dma_wait3A_256 = tpu.memref_slice %arg3[%multiple_of3A_247] : memref<320000xi32, #tpu.memory_space<hbm>> -> memref<128xi32, #tpu.memory_space<hbm>>
    tpu.wait_dma2 semaphore(%arg21 : memref<!tpu.dma_semaphore, #tpu.memory_space<semaphore_mem>>) src(%dma_wait3A_256 : memref<128xi32, #tpu.memory_space<hbm>>) dst(%dma_wait3A_255 : memref<128xi32, #tpu.memory_space<vmem>>)
    %dma_wait3A_257 = arith.constant 2 : i32
    %dma_wait3A_258 = arith.constant 0 : i32
    %dma_wait3A_259 = tpu.memref_slice %arg10[%dma_wait3A_257, %dma_wait3A_258] : memref<4x128xi32, #tpu.memory_space<vmem>> -> memref<1x128xi32, #tpu.memory_space<vmem>>
    %dma_wait3A_260 = tpu.memref_squeeze %dma_wait3A_259 : memref<1x128xi32, #tpu.memory_space<vmem>> -> memref<128xi32, #tpu.memory_space<vmem>>
    %dma_wait3A_261 = tpu.memref_slice %arg4[%multiple_of3A_247] : memref<320000xi32, #tpu.memory_space<hbm>> -> memref<128xi32, #tpu.memory_space<hbm>>
    %dma_wait3A_262 = arith.constant 0 : i32
    %dma_wait3A_263 = tpu.memref_slice %arg10[%dma_wait3A_257, %dma_wait3A_262] : memref<4x128xi32, #tpu.memory_space<vmem>> -> memref<1x128xi32, #tpu.memory_space<vmem>>
    %dma_wait3A_264 = tpu.memref_squeeze %dma_wait3A_263 : memref<1x128xi32, #tpu.memory_space<vmem>> -> memref<128xi32, #tpu.memory_space<vmem>>
    %dma_wait3A_265 = tpu.memref_slice %arg4[%multiple_of3A_247] : memref<320000xi32, #tpu.memory_space<hbm>> -> memref<128xi32, #tpu.memory_space<hbm>>
    tpu.wait_dma2 semaphore(%arg25 : memref<!tpu.dma_semaphore, #tpu.memory_space<semaphore_mem>>) src(%dma_wait3A_265 : memref<128xi32, #tpu.memory_space<hbm>>) dst(%dma_wait3A_264 : memref<128xi32, #tpu.memory_space<vmem>>)
    %dma_start3A_266 = arith.constant 2 : i32
    %dma_start3A_267 = arith.constant 0 : i32
    %dma_start3A_268 = tpu.memref_slice %arg9[%dma_start3A_266, %dma_start3A_267] : memref<4x128xi32, #tpu.memory_space<vmem>> -> memref<1x128xi32, #tpu.memory_space<vmem>>
    %dma_start3A_269 = tpu.memref_squeeze %dma_start3A_268 : memref<1x128xi32, #tpu.memory_space<vmem>> -> memref<128xi32, #tpu.memory_space<vmem>>
    %dma_start3A_270 = arith.constant 0 : i32
    %dma_start3A_271 = arith.constant 0 : i32
    %dma_start3A_272 = tpu.memref_slice %arg2[%dma_start3A_270, %dma_start3A_271] : memref<10000x128xf32, #tpu.memory_space<hbm>> -> memref<10000x128xf32, #tpu.memory_space<hbm>>
    tpu.enqueue_indirect_dma source(%dma_start3A_272 : memref<10000x128xf32, #tpu.memory_space<hbm>>) target(%arg11 : memref<128x128xf32, #tpu.memory_space<vmem>>) offsets(%dma_start3A_269 : memref<128xi32, #tpu.memory_space<vmem>>) semaphore(%arg27 : memref<!tpu.dma_semaphore, #tpu.memory_space<semaphore_mem>>)
    %dma_wait3A_273 = arith.constant 2 : i32
    %dma_wait3A_274 = arith.constant 0 : i32
    %dma_wait3A_275 = tpu.memref_slice %arg9[%dma_wait3A_273, %dma_wait3A_274] : memref<4x128xi32, #tpu.memory_space<vmem>> -> memref<1x128xi32, #tpu.memory_space<vmem>>
    %dma_wait3A_276 = tpu.memref_squeeze %dma_wait3A_275 : memref<1x128xi32, #tpu.memory_space<vmem>> -> memref<128xi32, #tpu.memory_space<vmem>>
    %dma_wait3A_277 = arith.constant 0 : i32
    %dma_wait3A_278 = arith.constant 0 : i32
    %dma_wait3A_279 = tpu.memref_slice %arg2[%dma_wait3A_277, %dma_wait3A_278] : memref<10000x128xf32, #tpu.memory_space<hbm>> -> memref<10000x128xf32, #tpu.memory_space<hbm>>
    tpu.wait_indirect_dma semaphore(%arg27 : memref<!tpu.dma_semaphore, #tpu.memory_space<semaphore_mem>>) src(%dma_wait3A_279 : memref<10000x128xf32, #tpu.memory_space<hbm>>) dst(%arg11 : memref<128x128xf32, #tpu.memory_space<vmem>>)
    %dma_start3A_280 = arith.constant 2 : i32
    %dma_start3A_281 = arith.constant 0 : i32
    %dma_start3A_282 = tpu.memref_slice %arg10[%dma_start3A_280, %dma_start3A_281] : memref<4x128xi32, #tpu.memory_space<vmem>> -> memref<1x128xi32, #tpu.memory_space<vmem>>
    %dma_start3A_283 = tpu.memref_squeeze %dma_start3A_282 : memref<1x128xi32, #tpu.memory_space<vmem>> -> memref<128xi32, #tpu.memory_space<vmem>>
    %dma_start3A_284 = arith.constant 0 : i32
    %dma_start3A_285 = arith.constant 0 : i32
    %dma_start3A_286 = tpu.memref_slice %arg7[%dma_start3A_284, %dma_start3A_285] : memref<10240x128xf32, #tpu.memory_space<vmem_shared>> -> memref<10240x128xf32, #tpu.memory_space<vmem_shared>>
    tpu.enqueue_indirect_dma source(%arg11 : memref<128x128xf32, #tpu.memory_space<vmem>>) target(%dma_start3A_286 : memref<10240x128xf32, #tpu.memory_space<vmem_shared>>) offsets(%dma_start3A_283 : memref<128xi32, #tpu.memory_space<vmem>>) semaphore(%arg29 : memref<!tpu.dma_semaphore, #tpu.memory_space<semaphore_mem>>) {add = true}
    %dma_start3A_287 = arith.constant 2 : i32
    %dma_start3A_288 = arith.constant 0 : i32
    %dma_start3A_289 = tpu.memref_slice %arg10[%dma_start3A_287, %dma_start3A_288] : memref<4x128xi32, #tpu.memory_space<vmem>> -> memref<1x128xi32, #tpu.memory_space<vmem>>
    %dma_start3A_290 = tpu.memref_squeeze %dma_start3A_289 : memref<1x128xi32, #tpu.memory_space<vmem>> -> memref<128xi32, #tpu.memory_space<vmem>>
    %dma_start3A_291 = arith.constant 0 : i32
    %dma_start3A_292 = tpu.memref_slice %arg8[%dma_start3A_291] : memref<10240xf32, #tpu.memory_space<vmem_shared>> -> memref<10240xf32, #tpu.memory_space<vmem_shared>>
    tpu.enqueue_indirect_dma source(%arg16 : memref<128xf32, #tpu.memory_space<vmem>>) target(%dma_start3A_292 : memref<10240xf32, #tpu.memory_space<vmem_shared>>) offsets(%dma_start3A_290 : memref<128xi32, #tpu.memory_space<vmem>>) semaphore(%arg31 : memref<!tpu.dma_semaphore, #tpu.memory_space<semaphore_mem>>) {add = true}
    %dma_wait3A_293 = arith.constant 1 : i32
    %dma_wait3A_294 = arith.constant 0 : i32
    %dma_wait3A_295 = tpu.memref_slice %arg10[%dma_wait3A_293, %dma_wait3A_294] : memref<4x128xi32, #tpu.memory_space<vmem>> -> memref<1x128xi32, #tpu.memory_space<vmem>>
    %dma_wait3A_296 = tpu.memref_squeeze %dma_wait3A_295 : memref<1x128xi32, #tpu.memory_space<vmem>> -> memref<128xi32, #tpu.memory_space<vmem>>
    %dma_wait3A_297 = arith.constant 0 : i32
    %dma_wait3A_298 = arith.constant 0 : i32
    %dma_wait3A_299 = tpu.memref_slice %arg7[%dma_wait3A_297, %dma_wait3A_298] : memref<10240x128xf32, #tpu.memory_space<vmem_shared>> -> memref<10240x128xf32, #tpu.memory_space<vmem_shared>>
    tpu.wait_indirect_dma semaphore(%arg30 : memref<!tpu.dma_semaphore, #tpu.memory_space<semaphore_mem>>) src(%arg12 : memref<128x128xf32, #tpu.memory_space<vmem>>) dst(%dma_wait3A_299 : memref<10240x128xf32, #tpu.memory_space<vmem_shared>>)
    %dma_wait3A_300 = arith.constant 1 : i32
    %dma_wait3A_301 = arith.constant 0 : i32
    %dma_wait3A_302 = tpu.memref_slice %arg10[%dma_wait3A_300, %dma_wait3A_301] : memref<4x128xi32, #tpu.memory_space<vmem>> -> memref<1x128xi32, #tpu.memory_space<vmem>>
    %dma_wait3A_303 = tpu.memref_squeeze %dma_wait3A_302 : memref<1x128xi32, #tpu.memory_space<vmem>> -> memref<128xi32, #tpu.memory_space<vmem>>
    %dma_wait3A_304 = arith.constant 0 : i32
    %dma_wait3A_305 = tpu.memref_slice %arg8[%dma_wait3A_304] : memref<10240xf32, #tpu.memory_space<vmem_shared>> -> memref<10240xf32, #tpu.memory_space<vmem_shared>>
    tpu.wait_indirect_dma semaphore(%arg32 : memref<!tpu.dma_semaphore, #tpu.memory_space<semaphore_mem>>) src(%arg16 : memref<128xf32, #tpu.memory_space<vmem>>) dst(%dma_wait3A_305 : memref<10240xf32, #tpu.memory_space<vmem_shared>>)
    %add3A_306 = arith.constant 640 : i32
    %add3A_307 = arith.addi %mul3A_18, %add3A_306 : i32
    %multiple_of3A_308 = tpu.assume_multiple %add3A_307, 8 : i32
    %dma_start3A_309 = arith.constant 1 : i32
    %dma_start3A_310 = arith.constant 0 : i32
    %dma_start3A_311 = tpu.memref_slice %arg9[%dma_start3A_309, %dma_start3A_310] : memref<4x128xi32, #tpu.memory_space<vmem>> -> memref<1x128xi32, #tpu.memory_space<vmem>>
    %dma_start3A_312 = tpu.memref_squeeze %dma_start3A_311 : memref<1x128xi32, #tpu.memory_space<vmem>> -> memref<128xi32, #tpu.memory_space<vmem>>
    %dma_start3A_313 = tpu.memref_slice %arg3[%multiple_of3A_308] : memref<320000xi32, #tpu.memory_space<hbm>> -> memref<128xi32, #tpu.memory_space<hbm>>
    %dma_start3A_314 = arith.constant 0 : i32
    %dma_start3A_315 = tpu.memref_slice %arg9[%dma_start3A_309, %dma_start3A_314] : memref<4x128xi32, #tpu.memory_space<vmem>> -> memref<1x128xi32, #tpu.memory_space<vmem>>
    %dma_start3A_316 = tpu.memref_squeeze %dma_start3A_315 : memref<1x128xi32, #tpu.memory_space<vmem>> -> memref<128xi32, #tpu.memory_space<vmem>>
    %dma_start3A_317 = tpu.memref_slice %arg3[%multiple_of3A_308] : memref<320000xi32, #tpu.memory_space<hbm>> -> memref<128xi32, #tpu.memory_space<hbm>>
    tpu.enqueue_dma source(%dma_start3A_317 : memref<128xi32, #tpu.memory_space<hbm>>) target(%dma_start3A_316 : memref<128xi32, #tpu.memory_space<vmem>>) target_semaphore(%arg20 : memref<!tpu.dma_semaphore, #tpu.memory_space<semaphore_mem>>)
    %dma_start3A_318 = arith.constant 1 : i32
    %dma_start3A_319 = arith.constant 0 : i32
    %dma_start3A_320 = tpu.memref_slice %arg10[%dma_start3A_318, %dma_start3A_319] : memref<4x128xi32, #tpu.memory_space<vmem>> -> memref<1x128xi32, #tpu.memory_space<vmem>>
    %dma_start3A_321 = tpu.memref_squeeze %dma_start3A_320 : memref<1x128xi32, #tpu.memory_space<vmem>> -> memref<128xi32, #tpu.memory_space<vmem>>
    %dma_start3A_322 = tpu.memref_slice %arg4[%multiple_of3A_308] : memref<320000xi32, #tpu.memory_space<hbm>> -> memref<128xi32, #tpu.memory_space<hbm>>
    %dma_start3A_323 = arith.constant 0 : i32
    %dma_start3A_324 = tpu.memref_slice %arg10[%dma_start3A_318, %dma_start3A_323] : memref<4x128xi32, #tpu.memory_space<vmem>> -> memref<1x128xi32, #tpu.memory_space<vmem>>
    %dma_start3A_325 = tpu.memref_squeeze %dma_start3A_324 : memref<1x128xi32, #tpu.memory_space<vmem>> -> memref<128xi32, #tpu.memory_space<vmem>>
    %dma_start3A_326 = tpu.memref_slice %arg4[%multiple_of3A_308] : memref<320000xi32, #tpu.memory_space<hbm>> -> memref<128xi32, #tpu.memory_space<hbm>>
    tpu.enqueue_dma source(%dma_start3A_326 : memref<128xi32, #tpu.memory_space<hbm>>) target(%dma_start3A_325 : memref<128xi32, #tpu.memory_space<vmem>>) target_semaphore(%arg24 : memref<!tpu.dma_semaphore, #tpu.memory_space<semaphore_mem>>)
    %add3A_327 = arith.constant 384 : i32
    %add3A_328 = arith.addi %mul3A_18, %add3A_327 : i32
    %multiple_of3A_329 = tpu.assume_multiple %add3A_328, 8 : i32
    %dma_wait3A_330 = arith.constant 3 : i32
    %dma_wait3A_331 = arith.constant 0 : i32
    %dma_wait3A_332 = tpu.memref_slice %arg9[%dma_wait3A_330, %dma_wait3A_331] : memref<4x128xi32, #tpu.memory_space<vmem>> -> memref<1x128xi32, #tpu.memory_space<vmem>>
    %dma_wait3A_333 = tpu.memref_squeeze %dma_wait3A_332 : memref<1x128xi32, #tpu.memory_space<vmem>> -> memref<128xi32, #tpu.memory_space<vmem>>
    %dma_wait3A_334 = tpu.memref_slice %arg3[%multiple_of3A_329] : memref<320000xi32, #tpu.memory_space<hbm>> -> memref<128xi32, #tpu.memory_space<hbm>>
    %dma_wait3A_335 = arith.constant 0 : i32
    %dma_wait3A_336 = tpu.memref_slice %arg9[%dma_wait3A_330, %dma_wait3A_335] : memref<4x128xi32, #tpu.memory_space<vmem>> -> memref<1x128xi32, #tpu.memory_space<vmem>>
    %dma_wait3A_337 = tpu.memref_squeeze %dma_wait3A_336 : memref<1x128xi32, #tpu.memory_space<vmem>> -> memref<128xi32, #tpu.memory_space<vmem>>
    %dma_wait3A_338 = tpu.memref_slice %arg3[%multiple_of3A_329] : memref<320000xi32, #tpu.memory_space<hbm>> -> memref<128xi32, #tpu.memory_space<hbm>>
    tpu.wait_dma2 semaphore(%arg22 : memref<!tpu.dma_semaphore, #tpu.memory_space<semaphore_mem>>) src(%dma_wait3A_338 : memref<128xi32, #tpu.memory_space<hbm>>) dst(%dma_wait3A_337 : memref<128xi32, #tpu.memory_space<vmem>>)
    %dma_wait3A_339 = arith.constant 3 : i32
    %dma_wait3A_340 = arith.constant 0 : i32
    %dma_wait3A_341 = tpu.memref_slice %arg10[%dma_wait3A_339, %dma_wait3A_340] : memref<4x128xi32, #tpu.memory_space<vmem>> -> memref<1x128xi32, #tpu.memory_space<vmem>>
    %dma_wait3A_342 = tpu.memref_squeeze %dma_wait3A_341 : memref<1x128xi32, #tpu.memory_space<vmem>> -> memref<128xi32, #tpu.memory_space<vmem>>
    %dma_wait3A_343 = tpu.memref_slice %arg4[%multiple_of3A_329] : memref<320000xi32, #tpu.memory_space<hbm>> -> memref<128xi32, #tpu.memory_space<hbm>>
    %dma_wait3A_344 = arith.constant 0 : i32
    %dma_wait3A_345 = tpu.memref_slice %arg10[%dma_wait3A_339, %dma_wait3A_344] : memref<4x128xi32, #tpu.memory_space<vmem>> -> memref<1x128xi32, #tpu.memory_space<vmem>>
    %dma_wait3A_346 = tpu.memref_squeeze %dma_wait3A_345 : memref<1x128xi32, #tpu.memory_space<vmem>> -> memref<128xi32, #tpu.memory_space<vmem>>
    %dma_wait3A_347 = tpu.memref_slice %arg4[%multiple_of3A_329] : memref<320000xi32, #tpu.memory_space<hbm>> -> memref<128xi32, #tpu.memory_space<hbm>>
    tpu.wait_dma2 semaphore(%arg26 : memref<!tpu.dma_semaphore, #tpu.memory_space<semaphore_mem>>) src(%dma_wait3A_347 : memref<128xi32, #tpu.memory_space<hbm>>) dst(%dma_wait3A_346 : memref<128xi32, #tpu.memory_space<vmem>>)
    %dma_start3A_348 = arith.constant 3 : i32
    %dma_start3A_349 = arith.constant 0 : i32
    %dma_start3A_350 = tpu.memref_slice %arg9[%dma_start3A_348, %dma_start3A_349] : memref<4x128xi32, #tpu.memory_space<vmem>> -> memref<1x128xi32, #tpu.memory_space<vmem>>
    %dma_start3A_351 = tpu.memref_squeeze %dma_start3A_350 : memref<1x128xi32, #tpu.memory_space<vmem>> -> memref<128xi32, #tpu.memory_space<vmem>>
    %dma_start3A_352 = arith.constant 0 : i32
    %dma_start3A_353 = arith.constant 0 : i32
    %dma_start3A_354 = tpu.memref_slice %arg2[%dma_start3A_352, %dma_start3A_353] : memref<10000x128xf32, #tpu.memory_space<hbm>> -> memref<10000x128xf32, #tpu.memory_space<hbm>>
    tpu.enqueue_indirect_dma source(%dma_start3A_354 : memref<10000x128xf32, #tpu.memory_space<hbm>>) target(%arg12 : memref<128x128xf32, #tpu.memory_space<vmem>>) offsets(%dma_start3A_351 : memref<128xi32, #tpu.memory_space<vmem>>) semaphore(%arg28 : memref<!tpu.dma_semaphore, #tpu.memory_space<semaphore_mem>>)
    %scan3A_355 = arith.constant 0 : i32
    %scan3A_356 = arith.constant 18 : i32
    %scan3A_357 = arith.addi %scan3A_355, %scan3A_356 : i32
    %scan3A_358 = arith.constant 1 : i32
    scf.for %scan3A_910 = %scan3A_355 to %scan3A_357 step %scan3A_358  : i32 {
      %mul3A_911 = arith.constant 4 : i32
      %mul3A_912 = arith.muli %scan3A_910, %mul3A_911 : i32
      %add3A_913 = arith.constant 3 : i32
      %add3A_914 = arith.addi %add3A_913, %mul3A_912 : i32
      %add3A_915 = arith.constant 0 : i32
      %add3A_916 = arith.addi %add3A_914, %add3A_915 : i32
      %dma_wait3A_917 = arith.constant 3 : i32
      %dma_wait3A_918 = arith.constant 0 : i32
      %dma_wait3A_919 = tpu.memref_slice %arg9[%dma_wait3A_917, %dma_wait3A_918] : memref<4x128xi32, #tpu.memory_space<vmem>> -> memref<1x128xi32, #tpu.memory_space<vmem>>
      %dma_wait3A_920 = tpu.memref_squeeze %dma_wait3A_919 : memref<1x128xi32, #tpu.memory_space<vmem>> -> memref<128xi32, #tpu.memory_space<vmem>>
      %dma_wait3A_921 = arith.constant 0 : i32
      %dma_wait3A_922 = arith.constant 0 : i32
      %dma_wait3A_923 = tpu.memref_slice %arg2[%dma_wait3A_921, %dma_wait3A_922] : memref<10000x128xf32, #tpu.memory_space<hbm>> -> memref<10000x128xf32, #tpu.memory_space<hbm>>
      tpu.wait_indirect_dma semaphore(%arg28 : memref<!tpu.dma_semaphore, #tpu.memory_space<semaphore_mem>>) src(%dma_wait3A_923 : memref<10000x128xf32, #tpu.memory_space<hbm>>) dst(%arg12 : memref<128x128xf32, #tpu.memory_space<vmem>>)
      %dma_start3A_924 = arith.constant 3 : i32
      %dma_start3A_925 = arith.constant 0 : i32
      %dma_start3A_926 = tpu.memref_slice %arg10[%dma_start3A_924, %dma_start3A_925] : memref<4x128xi32, #tpu.memory_space<vmem>> -> memref<1x128xi32, #tpu.memory_space<vmem>>
      %dma_start3A_927 = tpu.memref_squeeze %dma_start3A_926 : memref<1x128xi32, #tpu.memory_space<vmem>> -> memref<128xi32, #tpu.memory_space<vmem>>
      %dma_start3A_928 = arith.constant 0 : i32
      %dma_start3A_929 = arith.constant 0 : i32
      %dma_start3A_930 = tpu.memref_slice %arg7[%dma_start3A_928, %dma_start3A_929] : memref<10240x128xf32, #tpu.memory_space<vmem_shared>> -> memref<10240x128xf32, #tpu.memory_space<vmem_shared>>
      tpu.enqueue_indirect_dma source(%arg12 : memref<128x128xf32, #tpu.memory_space<vmem>>) target(%dma_start3A_930 : memref<10240x128xf32, #tpu.memory_space<vmem_shared>>) offsets(%dma_start3A_927 : memref<128xi32, #tpu.memory_space<vmem>>) semaphore(%arg30 : memref<!tpu.dma_semaphore, #tpu.memory_space<semaphore_mem>>) {add = true}
      %dma_start3A_931 = arith.constant 3 : i32
      %dma_start3A_932 = arith.constant 0 : i32
      %dma_start3A_933 = tpu.memref_slice %arg10[%dma_start3A_931, %dma_start3A_932] : memref<4x128xi32, #tpu.memory_space<vmem>> -> memref<1x128xi32, #tpu.memory_space<vmem>>
      %dma_start3A_934 = tpu.memref_squeeze %dma_start3A_933 : memref<1x128xi32, #tpu.memory_space<vmem>> -> memref<128xi32, #tpu.memory_space<vmem>>
      %dma_start3A_935 = arith.constant 0 : i32
      %dma_start3A_936 = tpu.memref_slice %arg8[%dma_start3A_935] : memref<10240xf32, #tpu.memory_space<vmem_shared>> -> memref<10240xf32, #tpu.memory_space<vmem_shared>>
      tpu.enqueue_indirect_dma source(%arg16 : memref<128xf32, #tpu.memory_space<vmem>>) target(%dma_start3A_936 : memref<10240xf32, #tpu.memory_space<vmem_shared>>) offsets(%dma_start3A_934 : memref<128xi32, #tpu.memory_space<vmem>>) semaphore(%arg32 : memref<!tpu.dma_semaphore, #tpu.memory_space<semaphore_mem>>) {add = true}
      %dma_wait3A_937 = arith.constant 2 : i32
      %dma_wait3A_938 = arith.constant 0 : i32
      %dma_wait3A_939 = tpu.memref_slice %arg10[%dma_wait3A_937, %dma_wait3A_938] : memref<4x128xi32, #tpu.memory_space<vmem>> -> memref<1x128xi32, #tpu.memory_space<vmem>>
      %dma_wait3A_940 = tpu.memref_squeeze %dma_wait3A_939 : memref<1x128xi32, #tpu.memory_space<vmem>> -> memref<128xi32, #tpu.memory_space<vmem>>
      %dma_wait3A_941 = arith.constant 0 : i32
      %dma_wait3A_942 = arith.constant 0 : i32
      %dma_wait3A_943 = tpu.memref_slice %arg7[%dma_wait3A_941, %dma_wait3A_942] : memref<10240x128xf32, #tpu.memory_space<vmem_shared>> -> memref<10240x128xf32, #tpu.memory_space<vmem_shared>>
      tpu.wait_indirect_dma semaphore(%arg29 : memref<!tpu.dma_semaphore, #tpu.memory_space<semaphore_mem>>) src(%arg11 : memref<128x128xf32, #tpu.memory_space<vmem>>) dst(%dma_wait3A_943 : memref<10240x128xf32, #tpu.memory_space<vmem_shared>>)
      %dma_wait3A_944 = arith.constant 2 : i32
      %dma_wait3A_945 = arith.constant 0 : i32
      %dma_wait3A_946 = tpu.memref_slice %arg10[%dma_wait3A_944, %dma_wait3A_945] : memref<4x128xi32, #tpu.memory_space<vmem>> -> memref<1x128xi32, #tpu.memory_space<vmem>>
      %dma_wait3A_947 = tpu.memref_squeeze %dma_wait3A_946 : memref<1x128xi32, #tpu.memory_space<vmem>> -> memref<128xi32, #tpu.memory_space<vmem>>
      %dma_wait3A_948 = arith.constant 0 : i32
      %dma_wait3A_949 = tpu.memref_slice %arg8[%dma_wait3A_948] : memref<10240xf32, #tpu.memory_space<vmem_shared>> -> memref<10240xf32, #tpu.memory_space<vmem_shared>>
      tpu.wait_indirect_dma semaphore(%arg31 : memref<!tpu.dma_semaphore, #tpu.memory_space<semaphore_mem>>) src(%arg16 : memref<128xf32, #tpu.memory_space<vmem>>) dst(%dma_wait3A_949 : memref<10240xf32, #tpu.memory_space<vmem_shared>>)
      %add3A_950 = arith.constant 4 : i32
      %add3A_951 = arith.addi %add3A_916, %add3A_950 : i32
      %sub3A = arith.constant 1 : i32
      %sub3A_952 = arith.subi %add3A_951, %sub3A : i32
      %mul3A_953 = arith.constant 128 : i32
      %mul3A_954 = arith.muli %sub3A_952, %mul3A_953 : i32
      %add3A_955 = arith.addi %mul3A_18, %mul3A_954 : i32
      %multiple_of3A_956 = tpu.assume_multiple %add3A_955, 8 : i32
      %dma_start3A_957 = arith.constant 2 : i32
      %dma_start3A_958 = arith.constant 0 : i32
      %dma_start3A_959 = tpu.memref_slice %arg9[%dma_start3A_957, %dma_start3A_958] : memref<4x128xi32, #tpu.memory_space<vmem>> -> memref<1x128xi32, #tpu.memory_space<vmem>>
      %dma_start3A_960 = tpu.memref_squeeze %dma_start3A_959 : memref<1x128xi32, #tpu.memory_space<vmem>> -> memref<128xi32, #tpu.memory_space<vmem>>
      %dma_start3A_961 = tpu.memref_slice %arg3[%multiple_of3A_956] : memref<320000xi32, #tpu.memory_space<hbm>> -> memref<128xi32, #tpu.memory_space<hbm>>
      %dma_start3A_962 = arith.constant 0 : i32
      %dma_start3A_963 = tpu.memref_slice %arg9[%dma_start3A_957, %dma_start3A_962] : memref<4x128xi32, #tpu.memory_space<vmem>> -> memref<1x128xi32, #tpu.memory_space<vmem>>
      %dma_start3A_964 = tpu.memref_squeeze %dma_start3A_963 : memref<1x128xi32, #tpu.memory_space<vmem>> -> memref<128xi32, #tpu.memory_space<vmem>>
      %dma_start3A_965 = tpu.memref_slice %arg3[%multiple_of3A_956] : memref<320000xi32, #tpu.memory_space<hbm>> -> memref<128xi32, #tpu.memory_space<hbm>>
      tpu.enqueue_dma source(%dma_start3A_965 : memref<128xi32, #tpu.memory_space<hbm>>) target(%dma_start3A_964 : memref<128xi32, #tpu.memory_space<vmem>>) target_semaphore(%arg21 : memref<!tpu.dma_semaphore, #tpu.memory_space<semaphore_mem>>)
      %dma_start3A_966 = arith.constant 2 : i32
      %dma_start3A_967 = arith.constant 0 : i32
      %dma_start3A_968 = tpu.memref_slice %arg10[%dma_start3A_966, %dma_start3A_967] : memref<4x128xi32, #tpu.memory_space<vmem>> -> memref<1x128xi32, #tpu.memory_space<vmem>>
      %dma_start3A_969 = tpu.memref_squeeze %dma_start3A_968 : memref<1x128xi32, #tpu.memory_space<vmem>> -> memref<128xi32, #tpu.memory_space<vmem>>
      %dma_start3A_970 = tpu.memref_slice %arg4[%multiple_of3A_956] : memref<320000xi32, #tpu.memory_space<hbm>> -> memref<128xi32, #tpu.memory_space<hbm>>
      %dma_start3A_971 = arith.constant 0 : i32
      %dma_start3A_972 = tpu.memref_slice %arg10[%dma_start3A_966, %dma_start3A_971] : memref<4x128xi32, #tpu.memory_space<vmem>> -> memref<1x128xi32, #tpu.memory_space<vmem>>
      %dma_start3A_973 = tpu.memref_squeeze %dma_start3A_972 : memref<1x128xi32, #tpu.memory_space<vmem>> -> memref<128xi32, #tpu.memory_space<vmem>>
      %dma_start3A_974 = tpu.memref_slice %arg4[%multiple_of3A_956] : memref<320000xi32, #tpu.memory_space<hbm>> -> memref<128xi32, #tpu.memory_space<hbm>>
      tpu.enqueue_dma source(%dma_start3A_974 : memref<128xi32, #tpu.memory_space<hbm>>) target(%dma_start3A_973 : memref<128xi32, #tpu.memory_space<vmem>>) target_semaphore(%arg25 : memref<!tpu.dma_semaphore, #tpu.memory_space<semaphore_mem>>)
      %add3A_975 = arith.constant 1 : i32
      %add3A_976 = arith.addi %add3A_916, %add3A_975 : i32
      %mul3A_977 = arith.constant 128 : i32
      %mul3A_978 = arith.muli %add3A_976, %mul3A_977 : i32
      %add3A_979 = arith.addi %mul3A_18, %mul3A_978 : i32
      %multiple_of3A_980 = tpu.assume_multiple %add3A_979, 8 : i32
      %dma_wait3A_981 = arith.constant 0 : i32
      %dma_wait3A_982 = arith.constant 0 : i32
      %dma_wait3A_983 = tpu.memref_slice %arg9[%dma_wait3A_981, %dma_wait3A_982] : memref<4x128xi32, #tpu.memory_space<vmem>> -> memref<1x128xi32, #tpu.memory_space<vmem>>
      %dma_wait3A_984 = tpu.memref_squeeze %dma_wait3A_983 : memref<1x128xi32, #tpu.memory_space<vmem>> -> memref<128xi32, #tpu.memory_space<vmem>>
      %dma_wait3A_985 = tpu.memref_slice %arg3[%multiple_of3A_980] : memref<320000xi32, #tpu.memory_space<hbm>> -> memref<128xi32, #tpu.memory_space<hbm>>
      %dma_wait3A_986 = arith.constant 0 : i32
      %dma_wait3A_987 = tpu.memref_slice %arg9[%dma_wait3A_981, %dma_wait3A_986] : memref<4x128xi32, #tpu.memory_space<vmem>> -> memref<1x128xi32, #tpu.memory_space<vmem>>
      %dma_wait3A_988 = tpu.memref_squeeze %dma_wait3A_987 : memref<1x128xi32, #tpu.memory_space<vmem>> -> memref<128xi32, #tpu.memory_space<vmem>>
      %dma_wait3A_989 = tpu.memref_slice %arg3[%multiple_of3A_980] : memref<320000xi32, #tpu.memory_space<hbm>> -> memref<128xi32, #tpu.memory_space<hbm>>
      tpu.wait_dma2 semaphore(%arg19 : memref<!tpu.dma_semaphore, #tpu.memory_space<semaphore_mem>>) src(%dma_wait3A_989 : memref<128xi32, #tpu.memory_space<hbm>>) dst(%dma_wait3A_988 : memref<128xi32, #tpu.memory_space<vmem>>)
      %dma_wait3A_990 = arith.constant 0 : i32
      %dma_wait3A_991 = arith.constant 0 : i32
      %dma_wait3A_992 = tpu.memref_slice %arg10[%dma_wait3A_990, %dma_wait3A_991] : memref<4x128xi32, #tpu.memory_space<vmem>> -> memref<1x128xi32, #tpu.memory_space<vmem>>
      %dma_wait3A_993 = tpu.memref_squeeze %dma_wait3A_992 : memref<1x128xi32, #tpu.memory_space<vmem>> -> memref<128xi32, #tpu.memory_space<vmem>>
      %dma_wait3A_994 = tpu.memref_slice %arg4[%multiple_of3A_980] : memref<320000xi32, #tpu.memory_space<hbm>> -> memref<128xi32, #tpu.memory_space<hbm>>
      %dma_wait3A_995 = arith.constant 0 : i32
      %dma_wait3A_996 = tpu.memref_slice %arg10[%dma_wait3A_990, %dma_wait3A_995] : memref<4x128xi32, #tpu.memory_space<vmem>> -> memref<1x128xi32, #tpu.memory_space<vmem>>
      %dma_wait3A_997 = tpu.memref_squeeze %dma_wait3A_996 : memref<1x128xi32, #tpu.memory_space<vmem>> -> memref<128xi32, #tpu.memory_space<vmem>>
      %dma_wait3A_998 = tpu.memref_slice %arg4[%multiple_of3A_980] : memref<320000xi32, #tpu.memory_space<hbm>> -> memref<128xi32, #tpu.memory_space<hbm>>
      tpu.wait_dma2 semaphore(%arg23 : memref<!tpu.dma_semaphore, #tpu.memory_space<semaphore_mem>>) src(%dma_wait3A_998 : memref<128xi32, #tpu.memory_space<hbm>>) dst(%dma_wait3A_997 : memref<128xi32, #tpu.memory_space<vmem>>)
      %dma_start3A_999 = arith.constant 0 : i32
      %dma_start3A_1000 = arith.constant 0 : i32
      %dma_start3A_1001 = tpu.memref_slice %arg9[%dma_start3A_999, %dma_start3A_1000] : memref<4x128xi32, #tpu.memory_space<vmem>> -> memref<1x128xi32, #tpu.memory_space<vmem>>
      %dma_start3A_1002 = tpu.memref_squeeze %dma_start3A_1001 : memref<1x128xi32, #tpu.memory_space<vmem>> -> memref<128xi32, #tpu.memory_space<vmem>>
      %dma_start3A_1003 = arith.constant 0 : i32
      %dma_start3A_1004 = arith.constant 0 : i32
      %dma_start3A_1005 = tpu.memref_slice %arg2[%dma_start3A_1003, %dma_start3A_1004] : memref<10000x128xf32, #tpu.memory_space<hbm>> -> memref<10000x128xf32, #tpu.memory_space<hbm>>
      tpu.enqueue_indirect_dma source(%dma_start3A_1005 : memref<10000x128xf32, #tpu.memory_space<hbm>>) target(%arg11 : memref<128x128xf32, #tpu.memory_space<vmem>>) offsets(%dma_start3A_1002 : memref<128xi32, #tpu.memory_space<vmem>>) semaphore(%arg27 : memref<!tpu.dma_semaphore, #tpu.memory_space<semaphore_mem>>)
      %add3A_1006 = arith.constant 1 : i32
      %add3A_1007 = arith.addi %add3A_914, %add3A_1006 : i32
      %dma_wait3A_1008 = arith.constant 0 : i32
      %dma_wait3A_1009 = arith.constant 0 : i32
      %dma_wait3A_1010 = tpu.memref_slice %arg9[%dma_wait3A_1008, %dma_wait3A_1009] : memref<4x128xi32, #tpu.memory_space<vmem>> -> memref<1x128xi32, #tpu.memory_space<vmem>>
      %dma_wait3A_1011 = tpu.memref_squeeze %dma_wait3A_1010 : memref<1x128xi32, #tpu.memory_space<vmem>> -> memref<128xi32, #tpu.memory_space<vmem>>
      %dma_wait3A_1012 = arith.constant 0 : i32
      %dma_wait3A_1013 = arith.constant 0 : i32
      %dma_wait3A_1014 = tpu.memref_slice %arg2[%dma_wait3A_1012, %dma_wait3A_1013] : memref<10000x128xf32, #tpu.memory_space<hbm>> -> memref<10000x128xf32, #tpu.memory_space<hbm>>
      tpu.wait_indirect_dma semaphore(%arg27 : memref<!tpu.dma_semaphore, #tpu.memory_space<semaphore_mem>>) src(%dma_wait3A_1014 : memref<10000x128xf32, #tpu.memory_space<hbm>>) dst(%arg11 : memref<128x128xf32, #tpu.memory_space<vmem>>)
      %dma_start3A_1015 = arith.constant 0 : i32
      %dma_start3A_1016 = arith.constant 0 : i32
      %dma_start3A_1017 = tpu.memref_slice %arg10[%dma_start3A_1015, %dma_start3A_1016] : memref<4x128xi32, #tpu.memory_space<vmem>> -> memref<1x128xi32, #tpu.memory_space<vmem>>
      %dma_start3A_1018 = tpu.memref_squeeze %dma_start3A_1017 : memref<1x128xi32, #tpu.memory_space<vmem>> -> memref<128xi32, #tpu.memory_space<vmem>>
      %dma_start3A_1019 = arith.constant 0 : i32
      %dma_start3A_1020 = arith.constant 0 : i32
      %dma_start3A_1021 = tpu.memref_slice %arg7[%dma_start3A_1019, %dma_start3A_1020] : memref<10240x128xf32, #tpu.memory_space<vmem_shared>> -> memref<10240x128xf32, #tpu.memory_space<vmem_shared>>
      tpu.enqueue_indirect_dma source(%arg11 : memref<128x128xf32, #tpu.memory_space<vmem>>) target(%dma_start3A_1021 : memref<10240x128xf32, #tpu.memory_space<vmem_shared>>) offsets(%dma_start3A_1018 : memref<128xi32, #tpu.memory_space<vmem>>) semaphore(%arg29 : memref<!tpu.dma_semaphore, #tpu.memory_space<semaphore_mem>>) {add = true}
      %dma_start3A_1022 = arith.constant 0 : i32
      %dma_start3A_1023 = arith.constant 0 : i32
      %dma_start3A_1024 = tpu.memref_slice %arg10[%dma_start3A_1022, %dma_start3A_1023] : memref<4x128xi32, #tpu.memory_space<vmem>> -> memref<1x128xi32, #tpu.memory_space<vmem>>
      %dma_start3A_1025 = tpu.memref_squeeze %dma_start3A_1024 : memref<1x128xi32, #tpu.memory_space<vmem>> -> memref<128xi32, #tpu.memory_space<vmem>>
      %dma_start3A_1026 = arith.constant 0 : i32
      %dma_start3A_1027 = tpu.memref_slice %arg8[%dma_start3A_1026] : memref<10240xf32, #tpu.memory_space<vmem_shared>> -> memref<10240xf32, #tpu.memory_space<vmem_shared>>
      tpu.enqueue_indirect_dma source(%arg16 : memref<128xf32, #tpu.memory_space<vmem>>) target(%dma_start3A_1027 : memref<10240xf32, #tpu.memory_space<vmem_shared>>) offsets(%dma_start3A_1025 : memref<128xi32, #tpu.memory_space<vmem>>) semaphore(%arg31 : memref<!tpu.dma_semaphore, #tpu.memory_space<semaphore_mem>>) {add = true}
      %dma_wait3A_1028 = arith.constant 3 : i32
      %dma_wait3A_1029 = arith.constant 0 : i32
      %dma_wait3A_1030 = tpu.memref_slice %arg10[%dma_wait3A_1028, %dma_wait3A_1029] : memref<4x128xi32, #tpu.memory_space<vmem>> -> memref<1x128xi32, #tpu.memory_space<vmem>>
      %dma_wait3A_1031 = tpu.memref_squeeze %dma_wait3A_1030 : memref<1x128xi32, #tpu.memory_space<vmem>> -> memref<128xi32, #tpu.memory_space<vmem>>
      %dma_wait3A_1032 = arith.constant 0 : i32
      %dma_wait3A_1033 = arith.constant 0 : i32
      %dma_wait3A_1034 = tpu.memref_slice %arg7[%dma_wait3A_1032, %dma_wait3A_1033] : memref<10240x128xf32, #tpu.memory_space<vmem_shared>> -> memref<10240x128xf32, #tpu.memory_space<vmem_shared>>
      tpu.wait_indirect_dma semaphore(%arg30 : memref<!tpu.dma_semaphore, #tpu.memory_space<semaphore_mem>>) src(%arg12 : memref<128x128xf32, #tpu.memory_space<vmem>>) dst(%dma_wait3A_1034 : memref<10240x128xf32, #tpu.memory_space<vmem_shared>>)
      %dma_wait3A_1035 = arith.constant 3 : i32
      %dma_wait3A_1036 = arith.constant 0 : i32
      %dma_wait3A_1037 = tpu.memref_slice %arg10[%dma_wait3A_1035, %dma_wait3A_1036] : memref<4x128xi32, #tpu.memory_space<vmem>> -> memref<1x128xi32, #tpu.memory_space<vmem>>
      %dma_wait3A_1038 = tpu.memref_squeeze %dma_wait3A_1037 : memref<1x128xi32, #tpu.memory_space<vmem>> -> memref<128xi32, #tpu.memory_space<vmem>>
      %dma_wait3A_1039 = arith.constant 0 : i32
      %dma_wait3A_1040 = tpu.memref_slice %arg8[%dma_wait3A_1039] : memref<10240xf32, #tpu.memory_space<vmem_shared>> -> memref<10240xf32, #tpu.memory_space<vmem_shared>>
      tpu.wait_indirect_dma semaphore(%arg32 : memref<!tpu.dma_semaphore, #tpu.memory_space<semaphore_mem>>) src(%arg16 : memref<128xf32, #tpu.memory_space<vmem>>) dst(%dma_wait3A_1040 : memref<10240xf32, #tpu.memory_space<vmem_shared>>)
      %add3A_1041 = arith.constant 4 : i32
      %add3A_1042 = arith.addi %add3A_1007, %add3A_1041 : i32
      %sub3A_1043 = arith.constant 1 : i32
      %sub3A_1044 = arith.subi %add3A_1042, %sub3A_1043 : i32
      %mul3A_1045 = arith.constant 128 : i32
      %mul3A_1046 = arith.muli %sub3A_1044, %mul3A_1045 : i32
      %add3A_1047 = arith.addi %mul3A_18, %mul3A_1046 : i32
      %multiple_of3A_1048 = tpu.assume_multiple %add3A_1047, 8 : i32
      %dma_start3A_1049 = arith.constant 3 : i32
      %dma_start3A_1050 = arith.constant 0 : i32
      %dma_start3A_1051 = tpu.memref_slice %arg9[%dma_start3A_1049, %dma_start3A_1050] : memref<4x128xi32, #tpu.memory_space<vmem>> -> memref<1x128xi32, #tpu.memory_space<vmem>>
      %dma_start3A_1052 = tpu.memref_squeeze %dma_start3A_1051 : memref<1x128xi32, #tpu.memory_space<vmem>> -> memref<128xi32, #tpu.memory_space<vmem>>
      %dma_start3A_1053 = tpu.memref_slice %arg3[%multiple_of3A_1048] : memref<320000xi32, #tpu.memory_space<hbm>> -> memref<128xi32, #tpu.memory_space<hbm>>
      %dma_start3A_1054 = arith.constant 0 : i32
      %dma_start3A_1055 = tpu.memref_slice %arg9[%dma_start3A_1049, %dma_start3A_1054] : memref<4x128xi32, #tpu.memory_space<vmem>> -> memref<1x128xi32, #tpu.memory_space<vmem>>
      %dma_start3A_1056 = tpu.memref_squeeze %dma_start3A_1055 : memref<1x128xi32, #tpu.memory_space<vmem>> -> memref<128xi32, #tpu.memory_space<vmem>>
      %dma_start3A_1057 = tpu.memref_slice %arg3[%multiple_of3A_1048] : memref<320000xi32, #tpu.memory_space<hbm>> -> memref<128xi32, #tpu.memory_space<hbm>>
      tpu.enqueue_dma source(%dma_start3A_1057 : memref<128xi32, #tpu.memory_space<hbm>>) target(%dma_start3A_1056 : memref<128xi32, #tpu.memory_space<vmem>>) target_semaphore(%arg22 : memref<!tpu.dma_semaphore, #tpu.memory_space<semaphore_mem>>)
      %dma_start3A_1058 = arith.constant 3 : i32
      %dma_start3A_1059 = arith.constant 0 : i32
      %dma_start3A_1060 = tpu.memref_slice %arg10[%dma_start3A_1058, %dma_start3A_1059] : memref<4x128xi32, #tpu.memory_space<vmem>> -> memref<1x128xi32, #tpu.memory_space<vmem>>
      %dma_start3A_1061 = tpu.memref_squeeze %dma_start3A_1060 : memref<1x128xi32, #tpu.memory_space<vmem>> -> memref<128xi32, #tpu.memory_space<vmem>>
      %dma_start3A_1062 = tpu.memref_slice %arg4[%multiple_of3A_1048] : memref<320000xi32, #tpu.memory_space<hbm>> -> memref<128xi32, #tpu.memory_space<hbm>>
      %dma_start3A_1063 = arith.constant 0 : i32
      %dma_start3A_1064 = tpu.memref_slice %arg10[%dma_start3A_1058, %dma_start3A_1063] : memref<4x128xi32, #tpu.memory_space<vmem>> -> memref<1x128xi32, #tpu.memory_space<vmem>>
      %dma_start3A_1065 = tpu.memref_squeeze %dma_start3A_1064 : memref<1x128xi32, #tpu.memory_space<vmem>> -> memref<128xi32, #tpu.memory_space<vmem>>
      %dma_start3A_1066 = tpu.memref_slice %arg4[%multiple_of3A_1048] : memref<320000xi32, #tpu.memory_space<hbm>> -> memref<128xi32, #tpu.memory_space<hbm>>
      tpu.enqueue_dma source(%dma_start3A_1066 : memref<128xi32, #tpu.memory_space<hbm>>) target(%dma_start3A_1065 : memref<128xi32, #tpu.memory_space<vmem>>) target_semaphore(%arg26 : memref<!tpu.dma_semaphore, #tpu.memory_space<semaphore_mem>>)
      %add3A_1067 = arith.constant 1 : i32
      %add3A_1068 = arith.addi %add3A_1007, %add3A_1067 : i32
      %mul3A_1069 = arith.constant 128 : i32
      %mul3A_1070 = arith.muli %add3A_1068, %mul3A_1069 : i32
      %add3A_1071 = arith.addi %mul3A_18, %mul3A_1070 : i32
      %multiple_of3A_1072 = tpu.assume_multiple %add3A_1071, 8 : i32
      %dma_wait3A_1073 = arith.constant 1 : i32
      %dma_wait3A_1074 = arith.constant 0 : i32
      %dma_wait3A_1075 = tpu.memref_slice %arg9[%dma_wait3A_1073, %dma_wait3A_1074] : memref<4x128xi32, #tpu.memory_space<vmem>> -> memref<1x128xi32, #tpu.memory_space<vmem>>
      %dma_wait3A_1076 = tpu.memref_squeeze %dma_wait3A_1075 : memref<1x128xi32, #tpu.memory_space<vmem>> -> memref<128xi32, #tpu.memory_space<vmem>>
      %dma_wait3A_1077 = tpu.memref_slice %arg3[%multiple_of3A_1072] : memref<320000xi32, #tpu.memory_space<hbm>> -> memref<128xi32, #tpu.memory_space<hbm>>
      %dma_wait3A_1078 = arith.constant 0 : i32
      %dma_wait3A_1079 = tpu.memref_slice %arg9[%dma_wait3A_1073, %dma_wait3A_1078] : memref<4x128xi32, #tpu.memory_space<vmem>> -> memref<1x128xi32, #tpu.memory_space<vmem>>
      %dma_wait3A_1080 = tpu.memref_squeeze %dma_wait3A_1079 : memref<1x128xi32, #tpu.memory_space<vmem>> -> memref<128xi32, #tpu.memory_space<vmem>>
      %dma_wait3A_1081 = tpu.memref_slice %arg3[%multiple_of3A_1072] : memref<320000xi32, #tpu.memory_space<hbm>> -> memref<128xi32, #tpu.memory_space<hbm>>
      tpu.wait_dma2 semaphore(%arg20 : memref<!tpu.dma_semaphore, #tpu.memory_space<semaphore_mem>>) src(%dma_wait3A_1081 : memref<128xi32, #tpu.memory_space<hbm>>) dst(%dma_wait3A_1080 : memref<128xi32, #tpu.memory_space<vmem>>)
      %dma_wait3A_1082 = arith.constant 1 : i32
      %dma_wait3A_1083 = arith.constant 0 : i32
      %dma_wait3A_1084 = tpu.memref_slice %arg10[%dma_wait3A_1082, %dma_wait3A_1083] : memref<4x128xi32, #tpu.memory_space<vmem>> -> memref<1x128xi32, #tpu.memory_space<vmem>>
      %dma_wait3A_1085 = tpu.memref_squeeze %dma_wait3A_1084 : memref<1x128xi32, #tpu.memory_space<vmem>> -> memref<128xi32, #tpu.memory_space<vmem>>
      %dma_wait3A_1086 = tpu.memref_slice %arg4[%multiple_of3A_1072] : memref<320000xi32, #tpu.memory_space<hbm>> -> memref<128xi32, #tpu.memory_space<hbm>>
      %dma_wait3A_1087 = arith.constant 0 : i32
      %dma_wait3A_1088 = tpu.memref_slice %arg10[%dma_wait3A_1082, %dma_wait3A_1087] : memref<4x128xi32, #tpu.memory_space<vmem>> -> memref<1x128xi32, #tpu.memory_space<vmem>>
      %dma_wait3A_1089 = tpu.memref_squeeze %dma_wait3A_1088 : memref<1x128xi32, #tpu.memory_space<vmem>> -> memref<128xi32, #tpu.memory_space<vmem>>
      %dma_wait3A_1090 = tpu.memref_slice %arg4[%multiple_of3A_1072] : memref<320000xi32, #tpu.memory_space<hbm>> -> memref<128xi32, #tpu.memory_space<hbm>>
      tpu.wait_dma2 semaphore(%arg24 : memref<!tpu.dma_semaphore, #tpu.memory_space<semaphore_mem>>) src(%dma_wait3A_1090 : memref<128xi32, #tpu.memory_space<hbm>>) dst(%dma_wait3A_1089 : memref<128xi32, #tpu.memory_space<vmem>>)
      %dma_start3A_1091 = arith.constant 1 : i32
      %dma_start3A_1092 = arith.constant 0 : i32
      %dma_start3A_1093 = tpu.memref_slice %arg9[%dma_start3A_1091, %dma_start3A_1092] : memref<4x128xi32, #tpu.memory_space<vmem>> -> memref<1x128xi32, #tpu.memory_space<vmem>>
      %dma_start3A_1094 = tpu.memref_squeeze %dma_start3A_1093 : memref<1x128xi32, #tpu.memory_space<vmem>> -> memref<128xi32, #tpu.memory_space<vmem>>
      %dma_start3A_1095 = arith.constant 0 : i32
      %dma_start3A_1096 = arith.constant 0 : i32
      %dma_start3A_1097 = tpu.memref_slice %arg2[%dma_start3A_1095, %dma_start3A_1096] : memref<10000x128xf32, #tpu.memory_space<hbm>> -> memref<10000x128xf32, #tpu.memory_space<hbm>>
      tpu.enqueue_indirect_dma source(%dma_start3A_1097 : memref<10000x128xf32, #tpu.memory_space<hbm>>) target(%arg12 : memref<128x128xf32, #tpu.memory_space<vmem>>) offsets(%dma_start3A_1094 : memref<128xi32, #tpu.memory_space<vmem>>) semaphore(%arg28 : memref<!tpu.dma_semaphore, #tpu.memory_space<semaphore_mem>>)
      %add3A_1098 = arith.constant 2 : i32
      %add3A_1099 = arith.addi %add3A_914, %add3A_1098 : i32
      %dma_wait3A_1100 = arith.constant 1 : i32
      %dma_wait3A_1101 = arith.constant 0 : i32
      %dma_wait3A_1102 = tpu.memref_slice %arg9[%dma_wait3A_1100, %dma_wait3A_1101] : memref<4x128xi32, #tpu.memory_space<vmem>> -> memref<1x128xi32, #tpu.memory_space<vmem>>
      %dma_wait3A_1103 = tpu.memref_squeeze %dma_wait3A_1102 : memref<1x128xi32, #tpu.memory_space<vmem>> -> memref<128xi32, #tpu.memory_space<vmem>>
      %dma_wait3A_1104 = arith.constant 0 : i32
      %dma_wait3A_1105 = arith.constant 0 : i32
      %dma_wait3A_1106 = tpu.memref_slice %arg2[%dma_wait3A_1104, %dma_wait3A_1105] : memref<10000x128xf32, #tpu.memory_space<hbm>> -> memref<10000x128xf32, #tpu.memory_space<hbm>>
      tpu.wait_indirect_dma semaphore(%arg28 : memref<!tpu.dma_semaphore, #tpu.memory_space<semaphore_mem>>) src(%dma_wait3A_1106 : memref<10000x128xf32, #tpu.memory_space<hbm>>) dst(%arg12 : memref<128x128xf32, #tpu.memory_space<vmem>>)
      %dma_start3A_1107 = arith.constant 1 : i32
      %dma_start3A_1108 = arith.constant 0 : i32
      %dma_start3A_1109 = tpu.memref_slice %arg10[%dma_start3A_1107, %dma_start3A_1108] : memref<4x128xi32, #tpu.memory_space<vmem>> -> memref<1x128xi32, #tpu.memory_space<vmem>>
      %dma_start3A_1110 = tpu.memref_squeeze %dma_start3A_1109 : memref<1x128xi32, #tpu.memory_space<vmem>> -> memref<128xi32, #tpu.memory_space<vmem>>
      %dma_start3A_1111 = arith.constant 0 : i32
      %dma_start3A_1112 = arith.constant 0 : i32
      %dma_start3A_1113 = tpu.memref_slice %arg7[%dma_start3A_1111, %dma_start3A_1112] : memref<10240x128xf32, #tpu.memory_space<vmem_shared>> -> memref<10240x128xf32, #tpu.memory_space<vmem_shared>>
      tpu.enqueue_indirect_dma source(%arg12 : memref<128x128xf32, #tpu.memory_space<vmem>>) target(%dma_start3A_1113 : memref<10240x128xf32, #tpu.memory_space<vmem_shared>>) offsets(%dma_start3A_1110 : memref<128xi32, #tpu.memory_space<vmem>>) semaphore(%arg30 : memref<!tpu.dma_semaphore, #tpu.memory_space<semaphore_mem>>) {add = true}
      %dma_start3A_1114 = arith.constant 1 : i32
      %dma_start3A_1115 = arith.constant 0 : i32
      %dma_start3A_1116 = tpu.memref_slice %arg10[%dma_start3A_1114, %dma_start3A_1115] : memref<4x128xi32, #tpu.memory_space<vmem>> -> memref<1x128xi32, #tpu.memory_space<vmem>>
      %dma_start3A_1117 = tpu.memref_squeeze %dma_start3A_1116 : memref<1x128xi32, #tpu.memory_space<vmem>> -> memref<128xi32, #tpu.memory_space<vmem>>
      %dma_start3A_1118 = arith.constant 0 : i32
      %dma_start3A_1119 = tpu.memref_slice %arg8[%dma_start3A_1118] : memref<10240xf32, #tpu.memory_space<vmem_shared>> -> memref<10240xf32, #tpu.memory_space<vmem_shared>>
      tpu.enqueue_indirect_dma source(%arg16 : memref<128xf32, #tpu.memory_space<vmem>>) target(%dma_start3A_1119 : memref<10240xf32, #tpu.memory_space<vmem_shared>>) offsets(%dma_start3A_1117 : memref<128xi32, #tpu.memory_space<vmem>>) semaphore(%arg32 : memref<!tpu.dma_semaphore, #tpu.memory_space<semaphore_mem>>) {add = true}
      %dma_wait3A_1120 = arith.constant 0 : i32
      %dma_wait3A_1121 = arith.constant 0 : i32
      %dma_wait3A_1122 = tpu.memref_slice %arg10[%dma_wait3A_1120, %dma_wait3A_1121] : memref<4x128xi32, #tpu.memory_space<vmem>> -> memref<1x128xi32, #tpu.memory_space<vmem>>
      %dma_wait3A_1123 = tpu.memref_squeeze %dma_wait3A_1122 : memref<1x128xi32, #tpu.memory_space<vmem>> -> memref<128xi32, #tpu.memory_space<vmem>>
      %dma_wait3A_1124 = arith.constant 0 : i32
      %dma_wait3A_1125 = arith.constant 0 : i32
      %dma_wait3A_1126 = tpu.memref_slice %arg7[%dma_wait3A_1124, %dma_wait3A_1125] : memref<10240x128xf32, #tpu.memory_space<vmem_shared>> -> memref<10240x128xf32, #tpu.memory_space<vmem_shared>>
      tpu.wait_indirect_dma semaphore(%arg29 : memref<!tpu.dma_semaphore, #tpu.memory_space<semaphore_mem>>) src(%arg11 : memref<128x128xf32, #tpu.memory_space<vmem>>) dst(%dma_wait3A_1126 : memref<10240x128xf32, #tpu.memory_space<vmem_shared>>)
      %dma_wait3A_1127 = arith.constant 0 : i32
      %dma_wait3A_1128 = arith.constant 0 : i32
      %dma_wait3A_1129 = tpu.memref_slice %arg10[%dma_wait3A_1127, %dma_wait3A_1128] : memref<4x128xi32, #tpu.memory_space<vmem>> -> memref<1x128xi32, #tpu.memory_space<vmem>>
      %dma_wait3A_1130 = tpu.memref_squeeze %dma_wait3A_1129 : memref<1x128xi32, #tpu.memory_space<vmem>> -> memref<128xi32, #tpu.memory_space<vmem>>
      %dma_wait3A_1131 = arith.constant 0 : i32
      %dma_wait3A_1132 = tpu.memref_slice %arg8[%dma_wait3A_1131] : memref<10240xf32, #tpu.memory_space<vmem_shared>> -> memref<10240xf32, #tpu.memory_space<vmem_shared>>
      tpu.wait_indirect_dma semaphore(%arg31 : memref<!tpu.dma_semaphore, #tpu.memory_space<semaphore_mem>>) src(%arg16 : memref<128xf32, #tpu.memory_space<vmem>>) dst(%dma_wait3A_1132 : memref<10240xf32, #tpu.memory_space<vmem_shared>>)
      %add3A_1133 = arith.constant 4 : i32
      %add3A_1134 = arith.addi %add3A_1099, %add3A_1133 : i32
      %sub3A_1135 = arith.constant 1 : i32
      %sub3A_1136 = arith.subi %add3A_1134, %sub3A_1135 : i32
      %mul3A_1137 = arith.constant 128 : i32
      %mul3A_1138 = arith.muli %sub3A_1136, %mul3A_1137 : i32
      %add3A_1139 = arith.addi %mul3A_18, %mul3A_1138 : i32
      %multiple_of3A_1140 = tpu.assume_multiple %add3A_1139, 8 : i32
      %dma_start3A_1141 = arith.constant 0 : i32
      %dma_start3A_1142 = arith.constant 0 : i32
      %dma_start3A_1143 = tpu.memref_slice %arg9[%dma_start3A_1141, %dma_start3A_1142] : memref<4x128xi32, #tpu.memory_space<vmem>> -> memref<1x128xi32, #tpu.memory_space<vmem>>
      %dma_start3A_1144 = tpu.memref_squeeze %dma_start3A_1143 : memref<1x128xi32, #tpu.memory_space<vmem>> -> memref<128xi32, #tpu.memory_space<vmem>>
      %dma_start3A_1145 = tpu.memref_slice %arg3[%multiple_of3A_1140] : memref<320000xi32, #tpu.memory_space<hbm>> -> memref<128xi32, #tpu.memory_space<hbm>>
      %dma_start3A_1146 = arith.constant 0 : i32
      %dma_start3A_1147 = tpu.memref_slice %arg9[%dma_start3A_1141, %dma_start3A_1146] : memref<4x128xi32, #tpu.memory_space<vmem>> -> memref<1x128xi32, #tpu.memory_space<vmem>>
      %dma_start3A_1148 = tpu.memref_squeeze %dma_start3A_1147 : memref<1x128xi32, #tpu.memory_space<vmem>> -> memref<128xi32, #tpu.memory_space<vmem>>
      %dma_start3A_1149 = tpu.memref_slice %arg3[%multiple_of3A_1140] : memref<320000xi32, #tpu.memory_space<hbm>> -> memref<128xi32, #tpu.memory_space<hbm>>
      tpu.enqueue_dma source(%dma_start3A_1149 : memref<128xi32, #tpu.memory_space<hbm>>) target(%dma_start3A_1148 : memref<128xi32, #tpu.memory_space<vmem>>) target_semaphore(%arg19 : memref<!tpu.dma_semaphore, #tpu.memory_space<semaphore_mem>>)
      %dma_start3A_1150 = arith.constant 0 : i32
      %dma_start3A_1151 = arith.constant 0 : i32
      %dma_start3A_1152 = tpu.memref_slice %arg10[%dma_start3A_1150, %dma_start3A_1151] : memref<4x128xi32, #tpu.memory_space<vmem>> -> memref<1x128xi32, #tpu.memory_space<vmem>>
      %dma_start3A_1153 = tpu.memref_squeeze %dma_start3A_1152 : memref<1x128xi32, #tpu.memory_space<vmem>> -> memref<128xi32, #tpu.memory_space<vmem>>
      %dma_start3A_1154 = tpu.memref_slice %arg4[%multiple_of3A_1140] : memref<320000xi32, #tpu.memory_space<hbm>> -> memref<128xi32, #tpu.memory_space<hbm>>
      %dma_start3A_1155 = arith.constant 0 : i32
      %dma_start3A_1156 = tpu.memref_slice %arg10[%dma_start3A_1150, %dma_start3A_1155] : memref<4x128xi32, #tpu.memory_space<vmem>> -> memref<1x128xi32, #tpu.memory_space<vmem>>
      %dma_start3A_1157 = tpu.memref_squeeze %dma_start3A_1156 : memref<1x128xi32, #tpu.memory_space<vmem>> -> memref<128xi32, #tpu.memory_space<vmem>>
      %dma_start3A_1158 = tpu.memref_slice %arg4[%multiple_of3A_1140] : memref<320000xi32, #tpu.memory_space<hbm>> -> memref<128xi32, #tpu.memory_space<hbm>>
      tpu.enqueue_dma source(%dma_start3A_1158 : memref<128xi32, #tpu.memory_space<hbm>>) target(%dma_start3A_1157 : memref<128xi32, #tpu.memory_space<vmem>>) target_semaphore(%arg23 : memref<!tpu.dma_semaphore, #tpu.memory_space<semaphore_mem>>)
      %add3A_1159 = arith.constant 1 : i32
      %add3A_1160 = arith.addi %add3A_1099, %add3A_1159 : i32
      %mul3A_1161 = arith.constant 128 : i32
      %mul3A_1162 = arith.muli %add3A_1160, %mul3A_1161 : i32
      %add3A_1163 = arith.addi %mul3A_18, %mul3A_1162 : i32
      %multiple_of3A_1164 = tpu.assume_multiple %add3A_1163, 8 : i32
      %dma_wait3A_1165 = arith.constant 2 : i32
      %dma_wait3A_1166 = arith.constant 0 : i32
      %dma_wait3A_1167 = tpu.memref_slice %arg9[%dma_wait3A_1165, %dma_wait3A_1166] : memref<4x128xi32, #tpu.memory_space<vmem>> -> memref<1x128xi32, #tpu.memory_space<vmem>>
      %dma_wait3A_1168 = tpu.memref_squeeze %dma_wait3A_1167 : memref<1x128xi32, #tpu.memory_space<vmem>> -> memref<128xi32, #tpu.memory_space<vmem>>
      %dma_wait3A_1169 = tpu.memref_slice %arg3[%multiple_of3A_1164] : memref<320000xi32, #tpu.memory_space<hbm>> -> memref<128xi32, #tpu.memory_space<hbm>>
      %dma_wait3A_1170 = arith.constant 0 : i32
      %dma_wait3A_1171 = tpu.memref_slice %arg9[%dma_wait3A_1165, %dma_wait3A_1170] : memref<4x128xi32, #tpu.memory_space<vmem>> -> memref<1x128xi32, #tpu.memory_space<vmem>>
      %dma_wait3A_1172 = tpu.memref_squeeze %dma_wait3A_1171 : memref<1x128xi32, #tpu.memory_space<vmem>> -> memref<128xi32, #tpu.memory_space<vmem>>
      %dma_wait3A_1173 = tpu.memref_slice %arg3[%multiple_of3A_1164] : memref<320000xi32, #tpu.memory_space<hbm>> -> memref<128xi32, #tpu.memory_space<hbm>>
      tpu.wait_dma2 semaphore(%arg21 : memref<!tpu.dma_semaphore, #tpu.memory_space<semaphore_mem>>) src(%dma_wait3A_1173 : memref<128xi32, #tpu.memory_space<hbm>>) dst(%dma_wait3A_1172 : memref<128xi32, #tpu.memory_space<vmem>>)
      %dma_wait3A_1174 = arith.constant 2 : i32
      %dma_wait3A_1175 = arith.constant 0 : i32
      %dma_wait3A_1176 = tpu.memref_slice %arg10[%dma_wait3A_1174, %dma_wait3A_1175] : memref<4x128xi32, #tpu.memory_space<vmem>> -> memref<1x128xi32, #tpu.memory_space<vmem>>
      %dma_wait3A_1177 = tpu.memref_squeeze %dma_wait3A_1176 : memref<1x128xi32, #tpu.memory_space<vmem>> -> memref<128xi32, #tpu.memory_space<vmem>>
      %dma_wait3A_1178 = tpu.memref_slice %arg4[%multiple_of3A_1164] : memref<320000xi32, #tpu.memory_space<hbm>> -> memref<128xi32, #tpu.memory_space<hbm>>
      %dma_wait3A_1179 = arith.constant 0 : i32
      %dma_wait3A_1180 = tpu.memref_slice %arg10[%dma_wait3A_1174, %dma_wait3A_1179] : memref<4x128xi32, #tpu.memory_space<vmem>> -> memref<1x128xi32, #tpu.memory_space<vmem>>
      %dma_wait3A_1181 = tpu.memref_squeeze %dma_wait3A_1180 : memref<1x128xi32, #tpu.memory_space<vmem>> -> memref<128xi32, #tpu.memory_space<vmem>>
      %dma_wait3A_1182 = tpu.memref_slice %arg4[%multiple_of3A_1164] : memref<320000xi32, #tpu.memory_space<hbm>> -> memref<128xi32, #tpu.memory_space<hbm>>
      tpu.wait_dma2 semaphore(%arg25 : memref<!tpu.dma_semaphore, #tpu.memory_space<semaphore_mem>>) src(%dma_wait3A_1182 : memref<128xi32, #tpu.memory_space<hbm>>) dst(%dma_wait3A_1181 : memref<128xi32, #tpu.memory_space<vmem>>)
      %dma_start3A_1183 = arith.constant 2 : i32
      %dma_start3A_1184 = arith.constant 0 : i32
      %dma_start3A_1185 = tpu.memref_slice %arg9[%dma_start3A_1183, %dma_start3A_1184] : memref<4x128xi32, #tpu.memory_space<vmem>> -> memref<1x128xi32, #tpu.memory_space<vmem>>
      %dma_start3A_1186 = tpu.memref_squeeze %dma_start3A_1185 : memref<1x128xi32, #tpu.memory_space<vmem>> -> memref<128xi32, #tpu.memory_space<vmem>>
      %dma_start3A_1187 = arith.constant 0 : i32
      %dma_start3A_1188 = arith.constant 0 : i32
      %dma_start3A_1189 = tpu.memref_slice %arg2[%dma_start3A_1187, %dma_start3A_1188] : memref<10000x128xf32, #tpu.memory_space<hbm>> -> memref<10000x128xf32, #tpu.memory_space<hbm>>
      tpu.enqueue_indirect_dma source(%dma_start3A_1189 : memref<10000x128xf32, #tpu.memory_space<hbm>>) target(%arg11 : memref<128x128xf32, #tpu.memory_space<vmem>>) offsets(%dma_start3A_1186 : memref<128xi32, #tpu.memory_space<vmem>>) semaphore(%arg27 : memref<!tpu.dma_semaphore, #tpu.memory_space<semaphore_mem>>)
      %add3A_1190 = arith.constant 3 : i32
      %add3A_1191 = arith.addi %add3A_914, %add3A_1190 : i32
      %dma_wait3A_1192 = arith.constant 2 : i32
      %dma_wait3A_1193 = arith.constant 0 : i32
      %dma_wait3A_1194 = tpu.memref_slice %arg9[%dma_wait3A_1192, %dma_wait3A_1193] : memref<4x128xi32, #tpu.memory_space<vmem>> -> memref<1x128xi32, #tpu.memory_space<vmem>>
      %dma_wait3A_1195 = tpu.memref_squeeze %dma_wait3A_1194 : memref<1x128xi32, #tpu.memory_space<vmem>> -> memref<128xi32, #tpu.memory_space<vmem>>
      %dma_wait3A_1196 = arith.constant 0 : i32
      %dma_wait3A_1197 = arith.constant 0 : i32
      %dma_wait3A_1198 = tpu.memref_slice %arg2[%dma_wait3A_1196, %dma_wait3A_1197] : memref<10000x128xf32, #tpu.memory_space<hbm>> -> memref<10000x128xf32, #tpu.memory_space<hbm>>
      tpu.wait_indirect_dma semaphore(%arg27 : memref<!tpu.dma_semaphore, #tpu.memory_space<semaphore_mem>>) src(%dma_wait3A_1198 : memref<10000x128xf32, #tpu.memory_space<hbm>>) dst(%arg11 : memref<128x128xf32, #tpu.memory_space<vmem>>)
      %dma_start3A_1199 = arith.constant 2 : i32
      %dma_start3A_1200 = arith.constant 0 : i32
      %dma_start3A_1201 = tpu.memref_slice %arg10[%dma_start3A_1199, %dma_start3A_1200] : memref<4x128xi32, #tpu.memory_space<vmem>> -> memref<1x128xi32, #tpu.memory_space<vmem>>
      %dma_start3A_1202 = tpu.memref_squeeze %dma_start3A_1201 : memref<1x128xi32, #tpu.memory_space<vmem>> -> memref<128xi32, #tpu.memory_space<vmem>>
      %dma_start3A_1203 = arith.constant 0 : i32
      %dma_start3A_1204 = arith.constant 0 : i32
      %dma_start3A_1205 = tpu.memref_slice %arg7[%dma_start3A_1203, %dma_start3A_1204] : memref<10240x128xf32, #tpu.memory_space<vmem_shared>> -> memref<10240x128xf32, #tpu.memory_space<vmem_shared>>
      tpu.enqueue_indirect_dma source(%arg11 : memref<128x128xf32, #tpu.memory_space<vmem>>) target(%dma_start3A_1205 : memref<10240x128xf32, #tpu.memory_space<vmem_shared>>) offsets(%dma_start3A_1202 : memref<128xi32, #tpu.memory_space<vmem>>) semaphore(%arg29 : memref<!tpu.dma_semaphore, #tpu.memory_space<semaphore_mem>>) {add = true}
      %dma_start3A_1206 = arith.constant 2 : i32
      %dma_start3A_1207 = arith.constant 0 : i32
      %dma_start3A_1208 = tpu.memref_slice %arg10[%dma_start3A_1206, %dma_start3A_1207] : memref<4x128xi32, #tpu.memory_space<vmem>> -> memref<1x128xi32, #tpu.memory_space<vmem>>
      %dma_start3A_1209 = tpu.memref_squeeze %dma_start3A_1208 : memref<1x128xi32, #tpu.memory_space<vmem>> -> memref<128xi32, #tpu.memory_space<vmem>>
      %dma_start3A_1210 = arith.constant 0 : i32
      %dma_start3A_1211 = tpu.memref_slice %arg8[%dma_start3A_1210] : memref<10240xf32, #tpu.memory_space<vmem_shared>> -> memref<10240xf32, #tpu.memory_space<vmem_shared>>
      tpu.enqueue_indirect_dma source(%arg16 : memref<128xf32, #tpu.memory_space<vmem>>) target(%dma_start3A_1211 : memref<10240xf32, #tpu.memory_space<vmem_shared>>) offsets(%dma_start3A_1209 : memref<128xi32, #tpu.memory_space<vmem>>) semaphore(%arg31 : memref<!tpu.dma_semaphore, #tpu.memory_space<semaphore_mem>>) {add = true}
      %dma_wait3A_1212 = arith.constant 1 : i32
      %dma_wait3A_1213 = arith.constant 0 : i32
      %dma_wait3A_1214 = tpu.memref_slice %arg10[%dma_wait3A_1212, %dma_wait3A_1213] : memref<4x128xi32, #tpu.memory_space<vmem>> -> memref<1x128xi32, #tpu.memory_space<vmem>>
      %dma_wait3A_1215 = tpu.memref_squeeze %dma_wait3A_1214 : memref<1x128xi32, #tpu.memory_space<vmem>> -> memref<128xi32, #tpu.memory_space<vmem>>
      %dma_wait3A_1216 = arith.constant 0 : i32
      %dma_wait3A_1217 = arith.constant 0 : i32
      %dma_wait3A_1218 = tpu.memref_slice %arg7[%dma_wait3A_1216, %dma_wait3A_1217] : memref<10240x128xf32, #tpu.memory_space<vmem_shared>> -> memref<10240x128xf32, #tpu.memory_space<vmem_shared>>
      tpu.wait_indirect_dma semaphore(%arg30 : memref<!tpu.dma_semaphore, #tpu.memory_space<semaphore_mem>>) src(%arg12 : memref<128x128xf32, #tpu.memory_space<vmem>>) dst(%dma_wait3A_1218 : memref<10240x128xf32, #tpu.memory_space<vmem_shared>>)
      %dma_wait3A_1219 = arith.constant 1 : i32
      %dma_wait3A_1220 = arith.constant 0 : i32
      %dma_wait3A_1221 = tpu.memref_slice %arg10[%dma_wait3A_1219, %dma_wait3A_1220] : memref<4x128xi32, #tpu.memory_space<vmem>> -> memref<1x128xi32, #tpu.memory_space<vmem>>
      %dma_wait3A_1222 = tpu.memref_squeeze %dma_wait3A_1221 : memref<1x128xi32, #tpu.memory_space<vmem>> -> memref<128xi32, #tpu.memory_space<vmem>>
      %dma_wait3A_1223 = arith.constant 0 : i32
      %dma_wait3A_1224 = tpu.memref_slice %arg8[%dma_wait3A_1223] : memref<10240xf32, #tpu.memory_space<vmem_shared>> -> memref<10240xf32, #tpu.memory_space<vmem_shared>>
      tpu.wait_indirect_dma semaphore(%arg32 : memref<!tpu.dma_semaphore, #tpu.memory_space<semaphore_mem>>) src(%arg16 : memref<128xf32, #tpu.memory_space<vmem>>) dst(%dma_wait3A_1224 : memref<10240xf32, #tpu.memory_space<vmem_shared>>)
      %add3A_1225 = arith.constant 4 : i32
      %add3A_1226 = arith.addi %add3A_1191, %add3A_1225 : i32
      %sub3A_1227 = arith.constant 1 : i32
      %sub3A_1228 = arith.subi %add3A_1226, %sub3A_1227 : i32
      %mul3A_1229 = arith.constant 128 : i32
      %mul3A_1230 = arith.muli %sub3A_1228, %mul3A_1229 : i32
      %add3A_1231 = arith.addi %mul3A_18, %mul3A_1230 : i32
      %multiple_of3A_1232 = tpu.assume_multiple %add3A_1231, 8 : i32
      %dma_start3A_1233 = arith.constant 1 : i32
      %dma_start3A_1234 = arith.constant 0 : i32
      %dma_start3A_1235 = tpu.memref_slice %arg9[%dma_start3A_1233, %dma_start3A_1234] : memref<4x128xi32, #tpu.memory_space<vmem>> -> memref<1x128xi32, #tpu.memory_space<vmem>>
      %dma_start3A_1236 = tpu.memref_squeeze %dma_start3A_1235 : memref<1x128xi32, #tpu.memory_space<vmem>> -> memref<128xi32, #tpu.memory_space<vmem>>
      %dma_start3A_1237 = tpu.memref_slice %arg3[%multiple_of3A_1232] : memref<320000xi32, #tpu.memory_space<hbm>> -> memref<128xi32, #tpu.memory_space<hbm>>
      %dma_start3A_1238 = arith.constant 0 : i32
      %dma_start3A_1239 = tpu.memref_slice %arg9[%dma_start3A_1233, %dma_start3A_1238] : memref<4x128xi32, #tpu.memory_space<vmem>> -> memref<1x128xi32, #tpu.memory_space<vmem>>
      %dma_start3A_1240 = tpu.memref_squeeze %dma_start3A_1239 : memref<1x128xi32, #tpu.memory_space<vmem>> -> memref<128xi32, #tpu.memory_space<vmem>>
      %dma_start3A_1241 = tpu.memref_slice %arg3[%multiple_of3A_1232] : memref<320000xi32, #tpu.memory_space<hbm>> -> memref<128xi32, #tpu.memory_space<hbm>>
      tpu.enqueue_dma source(%dma_start3A_1241 : memref<128xi32, #tpu.memory_space<hbm>>) target(%dma_start3A_1240 : memref<128xi32, #tpu.memory_space<vmem>>) target_semaphore(%arg20 : memref<!tpu.dma_semaphore, #tpu.memory_space<semaphore_mem>>)
      %dma_start3A_1242 = arith.constant 1 : i32
      %dma_start3A_1243 = arith.constant 0 : i32
      %dma_start3A_1244 = tpu.memref_slice %arg10[%dma_start3A_1242, %dma_start3A_1243] : memref<4x128xi32, #tpu.memory_space<vmem>> -> memref<1x128xi32, #tpu.memory_space<vmem>>
      %dma_start3A_1245 = tpu.memref_squeeze %dma_start3A_1244 : memref<1x128xi32, #tpu.memory_space<vmem>> -> memref<128xi32, #tpu.memory_space<vmem>>
      %dma_start3A_1246 = tpu.memref_slice %arg4[%multiple_of3A_1232] : memref<320000xi32, #tpu.memory_space<hbm>> -> memref<128xi32, #tpu.memory_space<hbm>>
      %dma_start3A_1247 = arith.constant 0 : i32
      %dma_start3A_1248 = tpu.memref_slice %arg10[%dma_start3A_1242, %dma_start3A_1247] : memref<4x128xi32, #tpu.memory_space<vmem>> -> memref<1x128xi32, #tpu.memory_space<vmem>>
      %dma_start3A_1249 = tpu.memref_squeeze %dma_start3A_1248 : memref<1x128xi32, #tpu.memory_space<vmem>> -> memref<128xi32, #tpu.memory_space<vmem>>
      %dma_start3A_1250 = tpu.memref_slice %arg4[%multiple_of3A_1232] : memref<320000xi32, #tpu.memory_space<hbm>> -> memref<128xi32, #tpu.memory_space<hbm>>
      tpu.enqueue_dma source(%dma_start3A_1250 : memref<128xi32, #tpu.memory_space<hbm>>) target(%dma_start3A_1249 : memref<128xi32, #tpu.memory_space<vmem>>) target_semaphore(%arg24 : memref<!tpu.dma_semaphore, #tpu.memory_space<semaphore_mem>>)
      %add3A_1251 = arith.constant 1 : i32
      %add3A_1252 = arith.addi %add3A_1191, %add3A_1251 : i32
      %mul3A_1253 = arith.constant 128 : i32
      %mul3A_1254 = arith.muli %add3A_1252, %mul3A_1253 : i32
      %add3A_1255 = arith.addi %mul3A_18, %mul3A_1254 : i32
      %multiple_of3A_1256 = tpu.assume_multiple %add3A_1255, 8 : i32
      %dma_wait3A_1257 = arith.constant 3 : i32
      %dma_wait3A_1258 = arith.constant 0 : i32
      %dma_wait3A_1259 = tpu.memref_slice %arg9[%dma_wait3A_1257, %dma_wait3A_1258] : memref<4x128xi32, #tpu.memory_space<vmem>> -> memref<1x128xi32, #tpu.memory_space<vmem>>
      %dma_wait3A_1260 = tpu.memref_squeeze %dma_wait3A_1259 : memref<1x128xi32, #tpu.memory_space<vmem>> -> memref<128xi32, #tpu.memory_space<vmem>>
      %dma_wait3A_1261 = tpu.memref_slice %arg3[%multiple_of3A_1256] : memref<320000xi32, #tpu.memory_space<hbm>> -> memref<128xi32, #tpu.memory_space<hbm>>
      %dma_wait3A_1262 = arith.constant 0 : i32
      %dma_wait3A_1263 = tpu.memref_slice %arg9[%dma_wait3A_1257, %dma_wait3A_1262] : memref<4x128xi32, #tpu.memory_space<vmem>> -> memref<1x128xi32, #tpu.memory_space<vmem>>
      %dma_wait3A_1264 = tpu.memref_squeeze %dma_wait3A_1263 : memref<1x128xi32, #tpu.memory_space<vmem>> -> memref<128xi32, #tpu.memory_space<vmem>>
      %dma_wait3A_1265 = tpu.memref_slice %arg3[%multiple_of3A_1256] : memref<320000xi32, #tpu.memory_space<hbm>> -> memref<128xi32, #tpu.memory_space<hbm>>
      tpu.wait_dma2 semaphore(%arg22 : memref<!tpu.dma_semaphore, #tpu.memory_space<semaphore_mem>>) src(%dma_wait3A_1265 : memref<128xi32, #tpu.memory_space<hbm>>) dst(%dma_wait3A_1264 : memref<128xi32, #tpu.memory_space<vmem>>)
      %dma_wait3A_1266 = arith.constant 3 : i32
      %dma_wait3A_1267 = arith.constant 0 : i32
      %dma_wait3A_1268 = tpu.memref_slice %arg10[%dma_wait3A_1266, %dma_wait3A_1267] : memref<4x128xi32, #tpu.memory_space<vmem>> -> memref<1x128xi32, #tpu.memory_space<vmem>>
      %dma_wait3A_1269 = tpu.memref_squeeze %dma_wait3A_1268 : memref<1x128xi32, #tpu.memory_space<vmem>> -> memref<128xi32, #tpu.memory_space<vmem>>
      %dma_wait3A_1270 = tpu.memref_slice %arg4[%multiple_of3A_1256] : memref<320000xi32, #tpu.memory_space<hbm>> -> memref<128xi32, #tpu.memory_space<hbm>>
      %dma_wait3A_1271 = arith.constant 0 : i32
      %dma_wait3A_1272 = tpu.memref_slice %arg10[%dma_wait3A_1266, %dma_wait3A_1271] : memref<4x128xi32, #tpu.memory_space<vmem>> -> memref<1x128xi32, #tpu.memory_space<vmem>>
      %dma_wait3A_1273 = tpu.memref_squeeze %dma_wait3A_1272 : memref<1x128xi32, #tpu.memory_space<vmem>> -> memref<128xi32, #tpu.memory_space<vmem>>
      %dma_wait3A_1274 = tpu.memref_slice %arg4[%multiple_of3A_1256] : memref<320000xi32, #tpu.memory_space<hbm>> -> memref<128xi32, #tpu.memory_space<hbm>>
      tpu.wait_dma2 semaphore(%arg26 : memref<!tpu.dma_semaphore, #tpu.memory_space<semaphore_mem>>) src(%dma_wait3A_1274 : memref<128xi32, #tpu.memory_space<hbm>>) dst(%dma_wait3A_1273 : memref<128xi32, #tpu.memory_space<vmem>>)
      %dma_start3A_1275 = arith.constant 3 : i32
      %dma_start3A_1276 = arith.constant 0 : i32
      %dma_start3A_1277 = tpu.memref_slice %arg9[%dma_start3A_1275, %dma_start3A_1276] : memref<4x128xi32, #tpu.memory_space<vmem>> -> memref<1x128xi32, #tpu.memory_space<vmem>>
      %dma_start3A_1278 = tpu.memref_squeeze %dma_start3A_1277 : memref<1x128xi32, #tpu.memory_space<vmem>> -> memref<128xi32, #tpu.memory_space<vmem>>
      %dma_start3A_1279 = arith.constant 0 : i32
      %dma_start3A_1280 = arith.constant 0 : i32
      %dma_start3A_1281 = tpu.memref_slice %arg2[%dma_start3A_1279, %dma_start3A_1280] : memref<10000x128xf32, #tpu.memory_space<hbm>> -> memref<10000x128xf32, #tpu.memory_space<hbm>>
      tpu.enqueue_indirect_dma source(%dma_start3A_1281 : memref<10000x128xf32, #tpu.memory_space<hbm>>) target(%arg12 : memref<128x128xf32, #tpu.memory_space<vmem>>) offsets(%dma_start3A_1278 : memref<128xi32, #tpu.memory_space<vmem>>) semaphore(%arg28 : memref<!tpu.dma_semaphore, #tpu.memory_space<semaphore_mem>>)
    }
    %scan3A_359 = arith.constant 18 : i32
    %dma_wait3A_360 = arith.constant 3 : i32
    %dma_wait3A_361 = arith.constant 0 : i32
    %dma_wait3A_362 = tpu.memref_slice %arg9[%dma_wait3A_360, %dma_wait3A_361] : memref<4x128xi32, #tpu.memory_space<vmem>> -> memref<1x128xi32, #tpu.memory_space<vmem>>
    %dma_wait3A_363 = tpu.memref_squeeze %dma_wait3A_362 : memref<1x128xi32, #tpu.memory_space<vmem>> -> memref<128xi32, #tpu.memory_space<vmem>>
    %dma_wait3A_364 = arith.constant 0 : i32
    %dma_wait3A_365 = arith.constant 0 : i32
    %dma_wait3A_366 = tpu.memref_slice %arg2[%dma_wait3A_364, %dma_wait3A_365] : memref<10000x128xf32, #tpu.memory_space<hbm>> -> memref<10000x128xf32, #tpu.memory_space<hbm>>
    tpu.wait_indirect_dma semaphore(%arg28 : memref<!tpu.dma_semaphore, #tpu.memory_space<semaphore_mem>>) src(%dma_wait3A_366 : memref<10000x128xf32, #tpu.memory_space<hbm>>) dst(%arg12 : memref<128x128xf32, #tpu.memory_space<vmem>>)
    %dma_start3A_367 = arith.constant 3 : i32
    %dma_start3A_368 = arith.constant 0 : i32
    %dma_start3A_369 = tpu.memref_slice %arg10[%dma_start3A_367, %dma_start3A_368] : memref<4x128xi32, #tpu.memory_space<vmem>> -> memref<1x128xi32, #tpu.memory_space<vmem>>
    %dma_start3A_370 = tpu.memref_squeeze %dma_start3A_369 : memref<1x128xi32, #tpu.memory_space<vmem>> -> memref<128xi32, #tpu.memory_space<vmem>>
    %dma_start3A_371 = arith.constant 0 : i32
    %dma_start3A_372 = arith.constant 0 : i32
    %dma_start3A_373 = tpu.memref_slice %arg7[%dma_start3A_371, %dma_start3A_372] : memref<10240x128xf32, #tpu.memory_space<vmem_shared>> -> memref<10240x128xf32, #tpu.memory_space<vmem_shared>>
    tpu.enqueue_indirect_dma source(%arg12 : memref<128x128xf32, #tpu.memory_space<vmem>>) target(%dma_start3A_373 : memref<10240x128xf32, #tpu.memory_space<vmem_shared>>) offsets(%dma_start3A_370 : memref<128xi32, #tpu.memory_space<vmem>>) semaphore(%arg30 : memref<!tpu.dma_semaphore, #tpu.memory_space<semaphore_mem>>) {add = true}
    %dma_start3A_374 = arith.constant 3 : i32
    %dma_start3A_375 = arith.constant 0 : i32
    %dma_start3A_376 = tpu.memref_slice %arg10[%dma_start3A_374, %dma_start3A_375] : memref<4x128xi32, #tpu.memory_space<vmem>> -> memref<1x128xi32, #tpu.memory_space<vmem>>
    %dma_start3A_377 = tpu.memref_squeeze %dma_start3A_376 : memref<1x128xi32, #tpu.memory_space<vmem>> -> memref<128xi32, #tpu.memory_space<vmem>>
    %dma_start3A_378 = arith.constant 0 : i32
    %dma_start3A_379 = tpu.memref_slice %arg8[%dma_start3A_378] : memref<10240xf32, #tpu.memory_space<vmem_shared>> -> memref<10240xf32, #tpu.memory_space<vmem_shared>>
    tpu.enqueue_indirect_dma source(%arg16 : memref<128xf32, #tpu.memory_space<vmem>>) target(%dma_start3A_379 : memref<10240xf32, #tpu.memory_space<vmem_shared>>) offsets(%dma_start3A_377 : memref<128xi32, #tpu.memory_space<vmem>>) semaphore(%arg32 : memref<!tpu.dma_semaphore, #tpu.memory_space<semaphore_mem>>) {add = true}
    %dma_wait3A_380 = arith.constant 2 : i32
    %dma_wait3A_381 = arith.constant 0 : i32
    %dma_wait3A_382 = tpu.memref_slice %arg10[%dma_wait3A_380, %dma_wait3A_381] : memref<4x128xi32, #tpu.memory_space<vmem>> -> memref<1x128xi32, #tpu.memory_space<vmem>>
    %dma_wait3A_383 = tpu.memref_squeeze %dma_wait3A_382 : memref<1x128xi32, #tpu.memory_space<vmem>> -> memref<128xi32, #tpu.memory_space<vmem>>
    %dma_wait3A_384 = arith.constant 0 : i32
    %dma_wait3A_385 = arith.constant 0 : i32
    %dma_wait3A_386 = tpu.memref_slice %arg7[%dma_wait3A_384, %dma_wait3A_385] : memref<10240x128xf32, #tpu.memory_space<vmem_shared>> -> memref<10240x128xf32, #tpu.memory_space<vmem_shared>>
    tpu.wait_indirect_dma semaphore(%arg29 : memref<!tpu.dma_semaphore, #tpu.memory_space<semaphore_mem>>) src(%arg11 : memref<128x128xf32, #tpu.memory_space<vmem>>) dst(%dma_wait3A_386 : memref<10240x128xf32, #tpu.memory_space<vmem_shared>>)
    %dma_wait3A_387 = arith.constant 2 : i32
    %dma_wait3A_388 = arith.constant 0 : i32
    %dma_wait3A_389 = tpu.memref_slice %arg10[%dma_wait3A_387, %dma_wait3A_388] : memref<4x128xi32, #tpu.memory_space<vmem>> -> memref<1x128xi32, #tpu.memory_space<vmem>>
    %dma_wait3A_390 = tpu.memref_squeeze %dma_wait3A_389 : memref<1x128xi32, #tpu.memory_space<vmem>> -> memref<128xi32, #tpu.memory_space<vmem>>
    %dma_wait3A_391 = arith.constant 0 : i32
    %dma_wait3A_392 = tpu.memref_slice %arg8[%dma_wait3A_391] : memref<10240xf32, #tpu.memory_space<vmem_shared>> -> memref<10240xf32, #tpu.memory_space<vmem_shared>>
    tpu.wait_indirect_dma semaphore(%arg31 : memref<!tpu.dma_semaphore, #tpu.memory_space<semaphore_mem>>) src(%arg16 : memref<128xf32, #tpu.memory_space<vmem>>) dst(%dma_wait3A_392 : memref<10240xf32, #tpu.memory_space<vmem_shared>>)
    %add3A_393 = arith.constant 9728 : i32
    %add3A_394 = arith.addi %mul3A_18, %add3A_393 : i32
    %multiple_of3A_395 = tpu.assume_multiple %add3A_394, 8 : i32
    %dma_wait3A_396 = arith.constant 0 : i32
    %dma_wait3A_397 = arith.constant 0 : i32
    %dma_wait3A_398 = tpu.memref_slice %arg9[%dma_wait3A_396, %dma_wait3A_397] : memref<4x128xi32, #tpu.memory_space<vmem>> -> memref<1x128xi32, #tpu.memory_space<vmem>>
    %dma_wait3A_399 = tpu.memref_squeeze %dma_wait3A_398 : memref<1x128xi32, #tpu.memory_space<vmem>> -> memref<128xi32, #tpu.memory_space<vmem>>
    %dma_wait3A_400 = tpu.memref_slice %arg3[%multiple_of3A_395] : memref<320000xi32, #tpu.memory_space<hbm>> -> memref<128xi32, #tpu.memory_space<hbm>>
    %dma_wait3A_401 = arith.constant 0 : i32
    %dma_wait3A_402 = tpu.memref_slice %arg9[%dma_wait3A_396, %dma_wait3A_401] : memref<4x128xi32, #tpu.memory_space<vmem>> -> memref<1x128xi32, #tpu.memory_space<vmem>>
    %dma_wait3A_403 = tpu.memref_squeeze %dma_wait3A_402 : memref<1x128xi32, #tpu.memory_space<vmem>> -> memref<128xi32, #tpu.memory_space<vmem>>
    %dma_wait3A_404 = tpu.memref_slice %arg3[%multiple_of3A_395] : memref<320000xi32, #tpu.memory_space<hbm>> -> memref<128xi32, #tpu.memory_space<hbm>>
    tpu.wait_dma2 semaphore(%arg19 : memref<!tpu.dma_semaphore, #tpu.memory_space<semaphore_mem>>) src(%dma_wait3A_404 : memref<128xi32, #tpu.memory_space<hbm>>) dst(%dma_wait3A_403 : memref<128xi32, #tpu.memory_space<vmem>>)
    %dma_wait3A_405 = arith.constant 0 : i32
    %dma_wait3A_406 = arith.constant 0 : i32
    %dma_wait3A_407 = tpu.memref_slice %arg10[%dma_wait3A_405, %dma_wait3A_406] : memref<4x128xi32, #tpu.memory_space<vmem>> -> memref<1x128xi32, #tpu.memory_space<vmem>>
    %dma_wait3A_408 = tpu.memref_squeeze %dma_wait3A_407 : memref<1x128xi32, #tpu.memory_space<vmem>> -> memref<128xi32, #tpu.memory_space<vmem>>
    %dma_wait3A_409 = tpu.memref_slice %arg4[%multiple_of3A_395] : memref<320000xi32, #tpu.memory_space<hbm>> -> memref<128xi32, #tpu.memory_space<hbm>>
    %dma_wait3A_410 = arith.constant 0 : i32
    %dma_wait3A_411 = tpu.memref_slice %arg10[%dma_wait3A_405, %dma_wait3A_410] : memref<4x128xi32, #tpu.memory_space<vmem>> -> memref<1x128xi32, #tpu.memory_space<vmem>>
    %dma_wait3A_412 = tpu.memref_squeeze %dma_wait3A_411 : memref<1x128xi32, #tpu.memory_space<vmem>> -> memref<128xi32, #tpu.memory_space<vmem>>
    %dma_wait3A_413 = tpu.memref_slice %arg4[%multiple_of3A_395] : memref<320000xi32, #tpu.memory_space<hbm>> -> memref<128xi32, #tpu.memory_space<hbm>>
    tpu.wait_dma2 semaphore(%arg23 : memref<!tpu.dma_semaphore, #tpu.memory_space<semaphore_mem>>) src(%dma_wait3A_413 : memref<128xi32, #tpu.memory_space<hbm>>) dst(%dma_wait3A_412 : memref<128xi32, #tpu.memory_space<vmem>>)
    %dma_start3A_414 = arith.constant 0 : i32
    %dma_start3A_415 = arith.constant 0 : i32
    %dma_start3A_416 = tpu.memref_slice %arg9[%dma_start3A_414, %dma_start3A_415] : memref<4x128xi32, #tpu.memory_space<vmem>> -> memref<1x128xi32, #tpu.memory_space<vmem>>
    %dma_start3A_417 = tpu.memref_squeeze %dma_start3A_416 : memref<1x128xi32, #tpu.memory_space<vmem>> -> memref<128xi32, #tpu.memory_space<vmem>>
    %dma_start3A_418 = arith.constant 0 : i32
    %dma_start3A_419 = arith.constant 0 : i32
    %dma_start3A_420 = tpu.memref_slice %arg2[%dma_start3A_418, %dma_start3A_419] : memref<10000x128xf32, #tpu.memory_space<hbm>> -> memref<10000x128xf32, #tpu.memory_space<hbm>>
    tpu.enqueue_indirect_dma source(%dma_start3A_420 : memref<10000x128xf32, #tpu.memory_space<hbm>>) target(%arg11 : memref<128x128xf32, #tpu.memory_space<vmem>>) offsets(%dma_start3A_417 : memref<128xi32, #tpu.memory_space<vmem>>) semaphore(%arg27 : memref<!tpu.dma_semaphore, #tpu.memory_space<semaphore_mem>>)
    %dma_wait3A_421 = arith.constant 0 : i32
    %dma_wait3A_422 = arith.constant 0 : i32
    %dma_wait3A_423 = tpu.memref_slice %arg9[%dma_wait3A_421, %dma_wait3A_422] : memref<4x128xi32, #tpu.memory_space<vmem>> -> memref<1x128xi32, #tpu.memory_space<vmem>>
    %dma_wait3A_424 = tpu.memref_squeeze %dma_wait3A_423 : memref<1x128xi32, #tpu.memory_space<vmem>> -> memref<128xi32, #tpu.memory_space<vmem>>
    %dma_wait3A_425 = arith.constant 0 : i32
    %dma_wait3A_426 = arith.constant 0 : i32
    %dma_wait3A_427 = tpu.memref_slice %arg2[%dma_wait3A_425, %dma_wait3A_426] : memref<10000x128xf32, #tpu.memory_space<hbm>> -> memref<10000x128xf32, #tpu.memory_space<hbm>>
    tpu.wait_indirect_dma semaphore(%arg27 : memref<!tpu.dma_semaphore, #tpu.memory_space<semaphore_mem>>) src(%dma_wait3A_427 : memref<10000x128xf32, #tpu.memory_space<hbm>>) dst(%arg11 : memref<128x128xf32, #tpu.memory_space<vmem>>)
    %dma_start3A_428 = arith.constant 0 : i32
    %dma_start3A_429 = arith.constant 0 : i32
    %dma_start3A_430 = tpu.memref_slice %arg10[%dma_start3A_428, %dma_start3A_429] : memref<4x128xi32, #tpu.memory_space<vmem>> -> memref<1x128xi32, #tpu.memory_space<vmem>>
    %dma_start3A_431 = tpu.memref_squeeze %dma_start3A_430 : memref<1x128xi32, #tpu.memory_space<vmem>> -> memref<128xi32, #tpu.memory_space<vmem>>
    %dma_start3A_432 = arith.constant 0 : i32
    %dma_start3A_433 = arith.constant 0 : i32
    %dma_start3A_434 = tpu.memref_slice %arg7[%dma_start3A_432, %dma_start3A_433] : memref<10240x128xf32, #tpu.memory_space<vmem_shared>> -> memref<10240x128xf32, #tpu.memory_space<vmem_shared>>
    tpu.enqueue_indirect_dma source(%arg11 : memref<128x128xf32, #tpu.memory_space<vmem>>) target(%dma_start3A_434 : memref<10240x128xf32, #tpu.memory_space<vmem_shared>>) offsets(%dma_start3A_431 : memref<128xi32, #tpu.memory_space<vmem>>) semaphore(%arg29 : memref<!tpu.dma_semaphore, #tpu.memory_space<semaphore_mem>>) {add = true}
    %dma_start3A_435 = arith.constant 0 : i32
    %dma_start3A_436 = arith.constant 0 : i32
    %dma_start3A_437 = tpu.memref_slice %arg10[%dma_start3A_435, %dma_start3A_436] : memref<4x128xi32, #tpu.memory_space<vmem>> -> memref<1x128xi32, #tpu.memory_space<vmem>>
    %dma_start3A_438 = tpu.memref_squeeze %dma_start3A_437 : memref<1x128xi32, #tpu.memory_space<vmem>> -> memref<128xi32, #tpu.memory_space<vmem>>
    %dma_start3A_439 = arith.constant 0 : i32
    %dma_start3A_440 = tpu.memref_slice %arg8[%dma_start3A_439] : memref<10240xf32, #tpu.memory_space<vmem_shared>> -> memref<10240xf32, #tpu.memory_space<vmem_shared>>
    tpu.enqueue_indirect_dma source(%arg16 : memref<128xf32, #tpu.memory_space<vmem>>) target(%dma_start3A_440 : memref<10240xf32, #tpu.memory_space<vmem_shared>>) offsets(%dma_start3A_438 : memref<128xi32, #tpu.memory_space<vmem>>) semaphore(%arg31 : memref<!tpu.dma_semaphore, #tpu.memory_space<semaphore_mem>>) {add = true}
    %dma_wait3A_441 = arith.constant 3 : i32
    %dma_wait3A_442 = arith.constant 0 : i32
    %dma_wait3A_443 = tpu.memref_slice %arg10[%dma_wait3A_441, %dma_wait3A_442] : memref<4x128xi32, #tpu.memory_space<vmem>> -> memref<1x128xi32, #tpu.memory_space<vmem>>
    %dma_wait3A_444 = tpu.memref_squeeze %dma_wait3A_443 : memref<1x128xi32, #tpu.memory_space<vmem>> -> memref<128xi32, #tpu.memory_space<vmem>>
    %dma_wait3A_445 = arith.constant 0 : i32
    %dma_wait3A_446 = arith.constant 0 : i32
    %dma_wait3A_447 = tpu.memref_slice %arg7[%dma_wait3A_445, %dma_wait3A_446] : memref<10240x128xf32, #tpu.memory_space<vmem_shared>> -> memref<10240x128xf32, #tpu.memory_space<vmem_shared>>
    tpu.wait_indirect_dma semaphore(%arg30 : memref<!tpu.dma_semaphore, #tpu.memory_space<semaphore_mem>>) src(%arg12 : memref<128x128xf32, #tpu.memory_space<vmem>>) dst(%dma_wait3A_447 : memref<10240x128xf32, #tpu.memory_space<vmem_shared>>)
    %dma_wait3A_448 = arith.constant 3 : i32
    %dma_wait3A_449 = arith.constant 0 : i32
    %dma_wait3A_450 = tpu.memref_slice %arg10[%dma_wait3A_448, %dma_wait3A_449] : memref<4x128xi32, #tpu.memory_space<vmem>> -> memref<1x128xi32, #tpu.memory_space<vmem>>
    %dma_wait3A_451 = tpu.memref_squeeze %dma_wait3A_450 : memref<1x128xi32, #tpu.memory_space<vmem>> -> memref<128xi32, #tpu.memory_space<vmem>>
    %dma_wait3A_452 = arith.constant 0 : i32
    %dma_wait3A_453 = tpu.memref_slice %arg8[%dma_wait3A_452] : memref<10240xf32, #tpu.memory_space<vmem_shared>> -> memref<10240xf32, #tpu.memory_space<vmem_shared>>
    tpu.wait_indirect_dma semaphore(%arg32 : memref<!tpu.dma_semaphore, #tpu.memory_space<semaphore_mem>>) src(%arg16 : memref<128xf32, #tpu.memory_space<vmem>>) dst(%dma_wait3A_453 : memref<10240xf32, #tpu.memory_space<vmem_shared>>)
    %add3A_454 = arith.constant 9856 : i32
    %add3A_455 = arith.addi %mul3A_18, %add3A_454 : i32
    %multiple_of3A_456 = tpu.assume_multiple %add3A_455, 8 : i32
    %dma_wait3A_457 = arith.constant 1 : i32
    %dma_wait3A_458 = arith.constant 0 : i32
    %dma_wait3A_459 = tpu.memref_slice %arg9[%dma_wait3A_457, %dma_wait3A_458] : memref<4x128xi32, #tpu.memory_space<vmem>> -> memref<1x128xi32, #tpu.memory_space<vmem>>
    %dma_wait3A_460 = tpu.memref_squeeze %dma_wait3A_459 : memref<1x128xi32, #tpu.memory_space<vmem>> -> memref<128xi32, #tpu.memory_space<vmem>>
    %dma_wait3A_461 = tpu.memref_slice %arg3[%multiple_of3A_456] : memref<320000xi32, #tpu.memory_space<hbm>> -> memref<128xi32, #tpu.memory_space<hbm>>
    %dma_wait3A_462 = arith.constant 0 : i32
    %dma_wait3A_463 = tpu.memref_slice %arg9[%dma_wait3A_457, %dma_wait3A_462] : memref<4x128xi32, #tpu.memory_space<vmem>> -> memref<1x128xi32, #tpu.memory_space<vmem>>
    %dma_wait3A_464 = tpu.memref_squeeze %dma_wait3A_463 : memref<1x128xi32, #tpu.memory_space<vmem>> -> memref<128xi32, #tpu.memory_space<vmem>>
    %dma_wait3A_465 = tpu.memref_slice %arg3[%multiple_of3A_456] : memref<320000xi32, #tpu.memory_space<hbm>> -> memref<128xi32, #tpu.memory_space<hbm>>
    tpu.wait_dma2 semaphore(%arg20 : memref<!tpu.dma_semaphore, #tpu.memory_space<semaphore_mem>>) src(%dma_wait3A_465 : memref<128xi32, #tpu.memory_space<hbm>>) dst(%dma_wait3A_464 : memref<128xi32, #tpu.memory_space<vmem>>)
    %dma_wait3A_466 = arith.constant 1 : i32
    %dma_wait3A_467 = arith.constant 0 : i32
    %dma_wait3A_468 = tpu.memref_slice %arg10[%dma_wait3A_466, %dma_wait3A_467] : memref<4x128xi32, #tpu.memory_space<vmem>> -> memref<1x128xi32, #tpu.memory_space<vmem>>
    %dma_wait3A_469 = tpu.memref_squeeze %dma_wait3A_468 : memref<1x128xi32, #tpu.memory_space<vmem>> -> memref<128xi32, #tpu.memory_space<vmem>>
    %dma_wait3A_470 = tpu.memref_slice %arg4[%multiple_of3A_456] : memref<320000xi32, #tpu.memory_space<hbm>> -> memref<128xi32, #tpu.memory_space<hbm>>
    %dma_wait3A_471 = arith.constant 0 : i32
    %dma_wait3A_472 = tpu.memref_slice %arg10[%dma_wait3A_466, %dma_wait3A_471] : memref<4x128xi32, #tpu.memory_space<vmem>> -> memref<1x128xi32, #tpu.memory_space<vmem>>
    %dma_wait3A_473 = tpu.memref_squeeze %dma_wait3A_472 : memref<1x128xi32, #tpu.memory_space<vmem>> -> memref<128xi32, #tpu.memory_space<vmem>>
    %dma_wait3A_474 = tpu.memref_slice %arg4[%multiple_of3A_456] : memref<320000xi32, #tpu.memory_space<hbm>> -> memref<128xi32, #tpu.memory_space<hbm>>
    tpu.wait_dma2 semaphore(%arg24 : memref<!tpu.dma_semaphore, #tpu.memory_space<semaphore_mem>>) src(%dma_wait3A_474 : memref<128xi32, #tpu.memory_space<hbm>>) dst(%dma_wait3A_473 : memref<128xi32, #tpu.memory_space<vmem>>)
    %dma_start3A_475 = arith.constant 1 : i32
    %dma_start3A_476 = arith.constant 0 : i32
    %dma_start3A_477 = tpu.memref_slice %arg9[%dma_start3A_475, %dma_start3A_476] : memref<4x128xi32, #tpu.memory_space<vmem>> -> memref<1x128xi32, #tpu.memory_space<vmem>>
    %dma_start3A_478 = tpu.memref_squeeze %dma_start3A_477 : memref<1x128xi32, #tpu.memory_space<vmem>> -> memref<128xi32, #tpu.memory_space<vmem>>
    %dma_start3A_479 = arith.constant 0 : i32
    %dma_start3A_480 = arith.constant 0 : i32
    %dma_start3A_481 = tpu.memref_slice %arg2[%dma_start3A_479, %dma_start3A_480] : memref<10000x128xf32, #tpu.memory_space<hbm>> -> memref<10000x128xf32, #tpu.memory_space<hbm>>
    tpu.enqueue_indirect_dma source(%dma_start3A_481 : memref<10000x128xf32, #tpu.memory_space<hbm>>) target(%arg12 : memref<128x128xf32, #tpu.memory_space<vmem>>) offsets(%dma_start3A_478 : memref<128xi32, #tpu.memory_space<vmem>>) semaphore(%arg28 : memref<!tpu.dma_semaphore, #tpu.memory_space<semaphore_mem>>)
    %dma_wait3A_482 = arith.constant 1 : i32
    %dma_wait3A_483 = arith.constant 0 : i32
    %dma_wait3A_484 = tpu.memref_slice %arg9[%dma_wait3A_482, %dma_wait3A_483] : memref<4x128xi32, #tpu.memory_space<vmem>> -> memref<1x128xi32, #tpu.memory_space<vmem>>
    %dma_wait3A_485 = tpu.memref_squeeze %dma_wait3A_484 : memref<1x128xi32, #tpu.memory_space<vmem>> -> memref<128xi32, #tpu.memory_space<vmem>>
    %dma_wait3A_486 = arith.constant 0 : i32
    %dma_wait3A_487 = arith.constant 0 : i32
    %dma_wait3A_488 = tpu.memref_slice %arg2[%dma_wait3A_486, %dma_wait3A_487] : memref<10000x128xf32, #tpu.memory_space<hbm>> -> memref<10000x128xf32, #tpu.memory_space<hbm>>
    tpu.wait_indirect_dma semaphore(%arg28 : memref<!tpu.dma_semaphore, #tpu.memory_space<semaphore_mem>>) src(%dma_wait3A_488 : memref<10000x128xf32, #tpu.memory_space<hbm>>) dst(%arg12 : memref<128x128xf32, #tpu.memory_space<vmem>>)
    %dma_start3A_489 = arith.constant 1 : i32
    %dma_start3A_490 = arith.constant 0 : i32
    %dma_start3A_491 = tpu.memref_slice %arg10[%dma_start3A_489, %dma_start3A_490] : memref<4x128xi32, #tpu.memory_space<vmem>> -> memref<1x128xi32, #tpu.memory_space<vmem>>
    %dma_start3A_492 = tpu.memref_squeeze %dma_start3A_491 : memref<1x128xi32, #tpu.memory_space<vmem>> -> memref<128xi32, #tpu.memory_space<vmem>>
    %dma_start3A_493 = arith.constant 0 : i32
    %dma_start3A_494 = arith.constant 0 : i32
    %dma_start3A_495 = tpu.memref_slice %arg7[%dma_start3A_493, %dma_start3A_494] : memref<10240x128xf32, #tpu.memory_space<vmem_shared>> -> memref<10240x128xf32, #tpu.memory_space<vmem_shared>>
    tpu.enqueue_indirect_dma source(%arg12 : memref<128x128xf32, #tpu.memory_space<vmem>>) target(%dma_start3A_495 : memref<10240x128xf32, #tpu.memory_space<vmem_shared>>) offsets(%dma_start3A_492 : memref<128xi32, #tpu.memory_space<vmem>>) semaphore(%arg30 : memref<!tpu.dma_semaphore, #tpu.memory_space<semaphore_mem>>) {add = true}
    %dma_start3A_496 = arith.constant 1 : i32
    %dma_start3A_497 = arith.constant 0 : i32
    %dma_start3A_498 = tpu.memref_slice %arg10[%dma_start3A_496, %dma_start3A_497] : memref<4x128xi32, #tpu.memory_space<vmem>> -> memref<1x128xi32, #tpu.memory_space<vmem>>
    %dma_start3A_499 = tpu.memref_squeeze %dma_start3A_498 : memref<1x128xi32, #tpu.memory_space<vmem>> -> memref<128xi32, #tpu.memory_space<vmem>>
    %dma_start3A_500 = arith.constant 0 : i32
    %dma_start3A_501 = tpu.memref_slice %arg8[%dma_start3A_500] : memref<10240xf32, #tpu.memory_space<vmem_shared>> -> memref<10240xf32, #tpu.memory_space<vmem_shared>>
    tpu.enqueue_indirect_dma source(%arg16 : memref<128xf32, #tpu.memory_space<vmem>>) target(%dma_start3A_501 : memref<10240xf32, #tpu.memory_space<vmem_shared>>) offsets(%dma_start3A_499 : memref<128xi32, #tpu.memory_space<vmem>>) semaphore(%arg32 : memref<!tpu.dma_semaphore, #tpu.memory_space<semaphore_mem>>) {add = true}
    %dma_wait3A_502 = arith.constant 0 : i32
    %dma_wait3A_503 = arith.constant 0 : i32
    %dma_wait3A_504 = tpu.memref_slice %arg10[%dma_wait3A_502, %dma_wait3A_503] : memref<4x128xi32, #tpu.memory_space<vmem>> -> memref<1x128xi32, #tpu.memory_space<vmem>>
    %dma_wait3A_505 = tpu.memref_squeeze %dma_wait3A_504 : memref<1x128xi32, #tpu.memory_space<vmem>> -> memref<128xi32, #tpu.memory_space<vmem>>
    %dma_wait3A_506 = arith.constant 0 : i32
    %dma_wait3A_507 = arith.constant 0 : i32
    %dma_wait3A_508 = tpu.memref_slice %arg7[%dma_wait3A_506, %dma_wait3A_507] : memref<10240x128xf32, #tpu.memory_space<vmem_shared>> -> memref<10240x128xf32, #tpu.memory_space<vmem_shared>>
    tpu.wait_indirect_dma semaphore(%arg29 : memref<!tpu.dma_semaphore, #tpu.memory_space<semaphore_mem>>) src(%arg11 : memref<128x128xf32, #tpu.memory_space<vmem>>) dst(%dma_wait3A_508 : memref<10240x128xf32, #tpu.memory_space<vmem_shared>>)
    %dma_wait3A_509 = arith.constant 0 : i32
    %dma_wait3A_510 = arith.constant 0 : i32
    %dma_wait3A_511 = tpu.memref_slice %arg10[%dma_wait3A_509, %dma_wait3A_510] : memref<4x128xi32, #tpu.memory_space<vmem>> -> memref<1x128xi32, #tpu.memory_space<vmem>>
    %dma_wait3A_512 = tpu.memref_squeeze %dma_wait3A_511 : memref<1x128xi32, #tpu.memory_space<vmem>> -> memref<128xi32, #tpu.memory_space<vmem>>
    %dma_wait3A_513 = arith.constant 0 : i32
    %dma_wait3A_514 = tpu.memref_slice %arg8[%dma_wait3A_513] : memref<10240xf32, #tpu.memory_space<vmem_shared>> -> memref<10240xf32, #tpu.memory_space<vmem_shared>>
    tpu.wait_indirect_dma semaphore(%arg31 : memref<!tpu.dma_semaphore, #tpu.memory_space<semaphore_mem>>) src(%arg16 : memref<128xf32, #tpu.memory_space<vmem>>) dst(%dma_wait3A_514 : memref<10240xf32, #tpu.memory_space<vmem_shared>>)
    %dma_wait3A_515 = arith.constant 0 : i32
    %dma_wait3A_516 = arith.constant 0 : i32
    %dma_wait3A_517 = tpu.memref_slice %arg2[%dma_wait3A_515, %dma_wait3A_516] : memref<10000x128xf32, #tpu.memory_space<hbm>> -> memref<10000x128xf32, #tpu.memory_space<hbm>>
    tpu.wait_indirect_dma semaphore(%arg35 : memref<!tpu.dma_semaphore, #tpu.memory_space<semaphore_mem>>) src(%dma_wait3A_517 : memref<10000x128xf32, #tpu.memory_space<hbm>>) dst(%arg15 : memref<16x128xf32, #tpu.memory_space<vmem>>)
    %dma_start3A_518 = arith.constant 0 : i32
    %dma_start3A_519 = arith.constant 0 : i32
    %dma_start3A_520 = tpu.memref_slice %arg7[%dma_start3A_518, %dma_start3A_519] : memref<10240x128xf32, #tpu.memory_space<vmem_shared>> -> memref<10240x128xf32, #tpu.memory_space<vmem_shared>>
    tpu.enqueue_indirect_dma source(%arg15 : memref<16x128xf32, #tpu.memory_space<vmem>>) target(%dma_start3A_520 : memref<10240x128xf32, #tpu.memory_space<vmem_shared>>) offsets(%arg14 : memref<16xi32, #tpu.memory_space<vmem>>) semaphore(%arg36 : memref<!tpu.dma_semaphore, #tpu.memory_space<semaphore_mem>>) {add = true}
    %dma_start3A_521 = arith.constant 0 : i32
    %dma_start3A_522 = tpu.memref_slice %arg16[%dma_start3A_521] : memref<128xf32, #tpu.memory_space<vmem>> -> memref<16xf32, #tpu.memory_space<vmem>>
    %dma_start3A_523 = arith.constant 0 : i32
    %dma_start3A_524 = tpu.memref_slice %arg8[%dma_start3A_523] : memref<10240xf32, #tpu.memory_space<vmem_shared>> -> memref<10240xf32, #tpu.memory_space<vmem_shared>>
    tpu.enqueue_indirect_dma source(%dma_start3A_522 : memref<16xf32, #tpu.memory_space<vmem>>) target(%dma_start3A_524 : memref<10240xf32, #tpu.memory_space<vmem_shared>>) offsets(%arg14 : memref<16xi32, #tpu.memory_space<vmem>>) semaphore(%arg37 : memref<!tpu.dma_semaphore, #tpu.memory_space<semaphore_mem>>) {add = true}
    %dma_wait3A_525 = arith.constant 1 : i32
    %dma_wait3A_526 = arith.constant 0 : i32
    %dma_wait3A_527 = tpu.memref_slice %arg10[%dma_wait3A_525, %dma_wait3A_526] : memref<4x128xi32, #tpu.memory_space<vmem>> -> memref<1x128xi32, #tpu.memory_space<vmem>>
    %dma_wait3A_528 = tpu.memref_squeeze %dma_wait3A_527 : memref<1x128xi32, #tpu.memory_space<vmem>> -> memref<128xi32, #tpu.memory_space<vmem>>
    %dma_wait3A_529 = arith.constant 0 : i32
    %dma_wait3A_530 = arith.constant 0 : i32
    %dma_wait3A_531 = tpu.memref_slice %arg7[%dma_wait3A_529, %dma_wait3A_530] : memref<10240x128xf32, #tpu.memory_space<vmem_shared>> -> memref<10240x128xf32, #tpu.memory_space<vmem_shared>>
    tpu.wait_indirect_dma semaphore(%arg30 : memref<!tpu.dma_semaphore, #tpu.memory_space<semaphore_mem>>) src(%arg12 : memref<128x128xf32, #tpu.memory_space<vmem>>) dst(%dma_wait3A_531 : memref<10240x128xf32, #tpu.memory_space<vmem_shared>>)
    %dma_wait3A_532 = arith.constant 1 : i32
    %dma_wait3A_533 = arith.constant 0 : i32
    %dma_wait3A_534 = tpu.memref_slice %arg10[%dma_wait3A_532, %dma_wait3A_533] : memref<4x128xi32, #tpu.memory_space<vmem>> -> memref<1x128xi32, #tpu.memory_space<vmem>>
    %dma_wait3A_535 = tpu.memref_squeeze %dma_wait3A_534 : memref<1x128xi32, #tpu.memory_space<vmem>> -> memref<128xi32, #tpu.memory_space<vmem>>
    %dma_wait3A_536 = arith.constant 0 : i32
    %dma_wait3A_537 = tpu.memref_slice %arg8[%dma_wait3A_536] : memref<10240xf32, #tpu.memory_space<vmem_shared>> -> memref<10240xf32, #tpu.memory_space<vmem_shared>>
    tpu.wait_indirect_dma semaphore(%arg32 : memref<!tpu.dma_semaphore, #tpu.memory_space<semaphore_mem>>) src(%arg16 : memref<128xf32, #tpu.memory_space<vmem>>) dst(%dma_wait3A_537 : memref<10240xf32, #tpu.memory_space<vmem_shared>>)
    %dma_wait3A_538 = arith.constant 0 : i32
    %dma_wait3A_539 = arith.constant 0 : i32
    %dma_wait3A_540 = tpu.memref_slice %arg7[%dma_wait3A_538, %dma_wait3A_539] : memref<10240x128xf32, #tpu.memory_space<vmem_shared>> -> memref<10240x128xf32, #tpu.memory_space<vmem_shared>>
    tpu.wait_indirect_dma semaphore(%arg36 : memref<!tpu.dma_semaphore, #tpu.memory_space<semaphore_mem>>) src(%arg15 : memref<16x128xf32, #tpu.memory_space<vmem>>) dst(%dma_wait3A_540 : memref<10240x128xf32, #tpu.memory_space<vmem_shared>>)
    %dma_wait3A_541 = arith.constant 0 : i32
    %dma_wait3A_542 = tpu.memref_slice %arg16[%dma_wait3A_541] : memref<128xf32, #tpu.memory_space<vmem>> -> memref<16xf32, #tpu.memory_space<vmem>>
    %dma_wait3A_543 = arith.constant 0 : i32
    %dma_wait3A_544 = tpu.memref_slice %arg8[%dma_wait3A_543] : memref<10240xf32, #tpu.memory_space<vmem_shared>> -> memref<10240xf32, #tpu.memory_space<vmem_shared>>
    tpu.wait_indirect_dma semaphore(%arg37 : memref<!tpu.dma_semaphore, #tpu.memory_space<semaphore_mem>>) src(%dma_wait3A_542 : memref<16xf32, #tpu.memory_space<vmem>>) dst(%dma_wait3A_544 : memref<10240xf32, #tpu.memory_space<vmem_shared>>)
    %barrier3A_545 = arith.constant 0 : index
    tpu.barrier barrier_id(%barrier3A_545)
    "tpu.region"() ({
      %run_scoped3A = tpu.sem_alloc : memref<!tpu.dma_semaphore, #tpu.memory_space<semaphore_mem>>
      %dma_start3A_910 = arith.constant 0 : i32
      %dma_start3A_911 = tpu.memref_slice %arg6[%arg0, %multiple_of3A, %dma_start3A_910] : memref<2x10240x128xf32, #tpu.memory_space<hbm>> -> memref<1x640x128xf32, #tpu.memory_space<hbm>>
      %dma_start3A_912 = tpu.memref_squeeze %dma_start3A_911 : memref<1x640x128xf32, #tpu.memory_space<hbm>> -> memref<640x128xf32, #tpu.memory_space<hbm>>
      %dma_start3A_913 = arith.constant 0 : i32
      %dma_start3A_914 = tpu.memref_slice %arg7[%multiple_of3A, %dma_start3A_913] : memref<10240x128xf32, #tpu.memory_space<vmem_shared>> -> memref<640x128xf32, #tpu.memory_space<vmem_shared>>
      tpu.enqueue_dma source(%dma_start3A_914 : memref<640x128xf32, #tpu.memory_space<vmem_shared>>) target(%dma_start3A_912 : memref<640x128xf32, #tpu.memory_space<hbm>>) target_semaphore(%run_scoped3A : memref<!tpu.dma_semaphore, #tpu.memory_space<semaphore_mem>>)
      %dma_wait3A_915 = arith.constant 0 : i32
      %dma_wait3A_916 = tpu.memref_slice %arg6[%arg0, %multiple_of3A, %dma_wait3A_915] : memref<2x10240x128xf32, #tpu.memory_space<hbm>> -> memref<1x640x128xf32, #tpu.memory_space<hbm>>
      %dma_wait3A_917 = tpu.memref_squeeze %dma_wait3A_916 : memref<1x640x128xf32, #tpu.memory_space<hbm>> -> memref<640x128xf32, #tpu.memory_space<hbm>>
      %dma_wait3A_918 = arith.constant 0 : i32
      %dma_wait3A_919 = tpu.memref_slice %arg7[%multiple_of3A, %dma_wait3A_918] : memref<10240x128xf32, #tpu.memory_space<vmem_shared>> -> memref<640x128xf32, #tpu.memory_space<vmem_shared>>
      tpu.wait_dma2 semaphore(%run_scoped3A : memref<!tpu.dma_semaphore, #tpu.memory_space<semaphore_mem>>) src(%dma_wait3A_919 : memref<640x128xf32, #tpu.memory_space<vmem_shared>>) dst(%dma_wait3A_917 : memref<640x128xf32, #tpu.memory_space<hbm>>)
      tpu.yield
    }) : () -> ()
    %barrier3A_546 = arith.constant 0 : index
    tpu.barrier barrier_id(%barrier3A_546)
    "tpu.region"() ({
      %run_scoped3A = tpu.sem_alloc : memref<!tpu.dma_semaphore, #tpu.memory_space<semaphore_mem>>
      %dma_start3A_910 = tpu.memref_slice %arg8[%multiple_of3A] : memref<10240xf32, #tpu.memory_space<vmem_shared>> -> memref<640xf32, #tpu.memory_space<vmem_shared>>
      %dma_start3A_911 = tpu.memref_slice %arg8[%multiple_of3A] : memref<10240xf32, #tpu.memory_space<vmem_shared>> -> memref<640xf32, #tpu.memory_space<vmem_shared>>
      tpu.enqueue_dma source(%dma_start3A_911 : memref<640xf32, #tpu.memory_space<vmem_shared>>) target(%arg17 : memref<640xf32, #tpu.memory_space<vmem>>) target_semaphore(%run_scoped3A : memref<!tpu.dma_semaphore, #tpu.memory_space<semaphore_mem>>)
      %dma_wait3A_912 = tpu.memref_slice %arg8[%multiple_of3A] : memref<10240xf32, #tpu.memory_space<vmem_shared>> -> memref<640xf32, #tpu.memory_space<vmem_shared>>
      %dma_wait3A_913 = tpu.memref_slice %arg8[%multiple_of3A] : memref<10240xf32, #tpu.memory_space<vmem_shared>> -> memref<640xf32, #tpu.memory_space<vmem_shared>>
      tpu.wait_dma2 semaphore(%run_scoped3A : memref<!tpu.dma_semaphore, #tpu.memory_space<semaphore_mem>>) src(%dma_wait3A_913 : memref<640xf32, #tpu.memory_space<vmem_shared>>) dst(%arg17 : memref<640xf32, #tpu.memory_space<vmem>>)
      tpu.yield
    }) : () -> ()
    %get3A = arith.constant 0 : index
    %get3A_547 = tpu.vector_load %arg17[%get3A] {strides = array<i32>} : memref<640xf32, #tpu.memory_space<vmem>>, vector<16xf32>,
    %get3A_548 = vector.shape_cast %get3A_547 : vector<16xf32> to vector<16xf32>
    %swap3A = arith.constant 0 : i32
    %swap3A_549 = arith.index_cast %swap3A : i32 to index
    %swap3A_550 = arith.constant 0 : index
    %swap3A_551 = tpu.vector_load %arg18[%swap3A_549, %swap3A_550] {strides = array<i32>} : memref<8x128xf32, #tpu.memory_space<vmem>>, vector<1x16xf32>,
    %swap3A_552 = vector.shape_cast %swap3A_551 : vector<1x16xf32> to vector<16xf32>
    %swap3A_553 = vector.shape_cast %get3A_548 : vector<16xf32> to vector<1x16xf32>
    tpu.vector_store %arg18[%swap3A_549, %swap3A_550], %swap3A_553 {strides = array<i32>} : memref<8x128xf32, #tpu.memory_space<vmem>>, vector<1x16xf32>,
    %get3A_554 = arith.constant 16 : index
    %get3A_555 = tpu.vector_load %arg17[%get3A_554] {strides = array<i32>} : memref<640xf32, #tpu.memory_space<vmem>>, vector<16xf32>,
    %get3A_556 = vector.shape_cast %get3A_555 : vector<16xf32> to vector<16xf32>
    %swap3A_557 = arith.constant 0 : i32
    %swap3A_558 = arith.index_cast %swap3A_557 : i32 to index
    %swap3A_559 = arith.constant 16 : index
    %swap3A_560 = tpu.vector_load %arg18[%swap3A_558, %swap3A_559] {strides = array<i32>} : memref<8x128xf32, #tpu.memory_space<vmem>>, vector<1x16xf32>,
    %swap3A_561 = vector.shape_cast %swap3A_560 : vector<1x16xf32> to vector<16xf32>
    %swap3A_562 = vector.shape_cast %get3A_556 : vector<16xf32> to vector<1x16xf32>
    tpu.vector_store %arg18[%swap3A_558, %swap3A_559], %swap3A_562 {strides = array<i32>} : memref<8x128xf32, #tpu.memory_space<vmem>>, vector<1x16xf32>,
    %get3A_563 = arith.constant 32 : index
    %get3A_564 = tpu.vector_load %arg17[%get3A_563] {strides = array<i32>} : memref<640xf32, #tpu.memory_space<vmem>>, vector<16xf32>,
    %get3A_565 = vector.shape_cast %get3A_564 : vector<16xf32> to vector<16xf32>
    %swap3A_566 = arith.constant 0 : i32
    %swap3A_567 = arith.index_cast %swap3A_566 : i32 to index
    %swap3A_568 = arith.constant 32 : index
    %swap3A_569 = tpu.vector_load %arg18[%swap3A_567, %swap3A_568] {strides = array<i32>} : memref<8x128xf32, #tpu.memory_space<vmem>>, vector<1x16xf32>,
    %swap3A_570 = vector.shape_cast %swap3A_569 : vector<1x16xf32> to vector<16xf32>
    %swap3A_571 = vector.shape_cast %get3A_565 : vector<16xf32> to vector<1x16xf32>
    tpu.vector_store %arg18[%swap3A_567, %swap3A_568], %swap3A_571 {strides = array<i32>} : memref<8x128xf32, #tpu.memory_space<vmem>>, vector<1x16xf32>,
    %get3A_572 = arith.constant 48 : index
    %get3A_573 = tpu.vector_load %arg17[%get3A_572] {strides = array<i32>} : memref<640xf32, #tpu.memory_space<vmem>>, vector<16xf32>,
    %get3A_574 = vector.shape_cast %get3A_573 : vector<16xf32> to vector<16xf32>
    %swap3A_575 = arith.constant 0 : i32
    %swap3A_576 = arith.index_cast %swap3A_575 : i32 to index
    %swap3A_577 = arith.constant 48 : index
    %swap3A_578 = tpu.vector_load %arg18[%swap3A_576, %swap3A_577] {strides = array<i32>} : memref<8x128xf32, #tpu.memory_space<vmem>>, vector<1x16xf32>,
    %swap3A_579 = vector.shape_cast %swap3A_578 : vector<1x16xf32> to vector<16xf32>
    %swap3A_580 = vector.shape_cast %get3A_574 : vector<16xf32> to vector<1x16xf32>
    tpu.vector_store %arg18[%swap3A_576, %swap3A_577], %swap3A_580 {strides = array<i32>} : memref<8x128xf32, #tpu.memory_space<vmem>>, vector<1x16xf32>,
    %get3A_581 = arith.constant 64 : index
    %get3A_582 = tpu.vector_load %arg17[%get3A_581] {strides = array<i32>} : memref<640xf32, #tpu.memory_space<vmem>>, vector<16xf32>,
    %get3A_583 = vector.shape_cast %get3A_582 : vector<16xf32> to vector<16xf32>
    %swap3A_584 = arith.constant 0 : i32
    %swap3A_585 = arith.index_cast %swap3A_584 : i32 to index
    %swap3A_586 = arith.constant 64 : index
    %swap3A_587 = tpu.vector_load %arg18[%swap3A_585, %swap3A_586] {strides = array<i32>} : memref<8x128xf32, #tpu.memory_space<vmem>>, vector<1x16xf32>,
    %swap3A_588 = vector.shape_cast %swap3A_587 : vector<1x16xf32> to vector<16xf32>
    %swap3A_589 = vector.shape_cast %get3A_583 : vector<16xf32> to vector<1x16xf32>
    tpu.vector_store %arg18[%swap3A_585, %swap3A_586], %swap3A_589 {strides = array<i32>} : memref<8x128xf32, #tpu.memory_space<vmem>>, vector<1x16xf32>,
    %get3A_590 = arith.constant 80 : index
    %get3A_591 = tpu.vector_load %arg17[%get3A_590] {strides = array<i32>} : memref<640xf32, #tpu.memory_space<vmem>>, vector<16xf32>,
    %get3A_592 = vector.shape_cast %get3A_591 : vector<16xf32> to vector<16xf32>
    %swap3A_593 = arith.constant 0 : i32
    %swap3A_594 = arith.index_cast %swap3A_593 : i32 to index
    %swap3A_595 = arith.constant 80 : index
    %swap3A_596 = tpu.vector_load %arg18[%swap3A_594, %swap3A_595] {strides = array<i32>} : memref<8x128xf32, #tpu.memory_space<vmem>>, vector<1x16xf32>,
    %swap3A_597 = vector.shape_cast %swap3A_596 : vector<1x16xf32> to vector<16xf32>
    %swap3A_598 = vector.shape_cast %get3A_592 : vector<16xf32> to vector<1x16xf32>
    tpu.vector_store %arg18[%swap3A_594, %swap3A_595], %swap3A_598 {strides = array<i32>} : memref<8x128xf32, #tpu.memory_space<vmem>>, vector<1x16xf32>,
    %get3A_599 = arith.constant 96 : index
    %get3A_600 = tpu.vector_load %arg17[%get3A_599] {strides = array<i32>} : memref<640xf32, #tpu.memory_space<vmem>>, vector<16xf32>,
    %get3A_601 = vector.shape_cast %get3A_600 : vector<16xf32> to vector<16xf32>
    %swap3A_602 = arith.constant 0 : i32
    %swap3A_603 = arith.index_cast %swap3A_602 : i32 to index
    %swap3A_604 = arith.constant 96 : index
    %swap3A_605 = tpu.vector_load %arg18[%swap3A_603, %swap3A_604] {strides = array<i32>} : memref<8x128xf32, #tpu.memory_space<vmem>>, vector<1x16xf32>,
    %swap3A_606 = vector.shape_cast %swap3A_605 : vector<1x16xf32> to vector<16xf32>
    %swap3A_607 = vector.shape_cast %get3A_601 : vector<16xf32> to vector<1x16xf32>
    tpu.vector_store %arg18[%swap3A_603, %swap3A_604], %swap3A_607 {strides = array<i32>} : memref<8x128xf32, #tpu.memory_space<vmem>>, vector<1x16xf32>,
    %get3A_608 = arith.constant 112 : index
    %get3A_609 = tpu.vector_load %arg17[%get3A_608] {strides = array<i32>} : memref<640xf32, #tpu.memory_space<vmem>>, vector<16xf32>,
    %get3A_610 = vector.shape_cast %get3A_609 : vector<16xf32> to vector<16xf32>
    %swap3A_611 = arith.constant 0 : i32
    %swap3A_612 = arith.index_cast %swap3A_611 : i32 to index
    %swap3A_613 = arith.constant 112 : index
    %swap3A_614 = tpu.vector_load %arg18[%swap3A_612, %swap3A_613] {strides = array<i32>} : memref<8x128xf32, #tpu.memory_space<vmem>>, vector<1x16xf32>,
    %swap3A_615 = vector.shape_cast %swap3A_614 : vector<1x16xf32> to vector<16xf32>
    %swap3A_616 = vector.shape_cast %get3A_610 : vector<16xf32> to vector<1x16xf32>
    tpu.vector_store %arg18[%swap3A_612, %swap3A_613], %swap3A_616 {strides = array<i32>} : memref<8x128xf32, #tpu.memory_space<vmem>>, vector<1x16xf32>,
    %get3A_617 = arith.constant 128 : index
    %get3A_618 = tpu.vector_load %arg17[%get3A_617] {strides = array<i32>} : memref<640xf32, #tpu.memory_space<vmem>>, vector<16xf32>,
    %get3A_619 = vector.shape_cast %get3A_618 : vector<16xf32> to vector<16xf32>
    %swap3A_620 = arith.constant 1 : i32
    %swap3A_621 = arith.index_cast %swap3A_620 : i32 to index
    %swap3A_622 = arith.constant 0 : index
    %swap3A_623 = tpu.vector_load %arg18[%swap3A_621, %swap3A_622] {strides = array<i32>} : memref<8x128xf32, #tpu.memory_space<vmem>>, vector<1x16xf32>,
    %swap3A_624 = vector.shape_cast %swap3A_623 : vector<1x16xf32> to vector<16xf32>
    %swap3A_625 = vector.shape_cast %get3A_619 : vector<16xf32> to vector<1x16xf32>
    tpu.vector_store %arg18[%swap3A_621, %swap3A_622], %swap3A_625 {strides = array<i32>} : memref<8x128xf32, #tpu.memory_space<vmem>>, vector<1x16xf32>,
    %get3A_626 = arith.constant 144 : index
    %get3A_627 = tpu.vector_load %arg17[%get3A_626] {strides = array<i32>} : memref<640xf32, #tpu.memory_space<vmem>>, vector<16xf32>,
    %get3A_628 = vector.shape_cast %get3A_627 : vector<16xf32> to vector<16xf32>
    %swap3A_629 = arith.constant 1 : i32
    %swap3A_630 = arith.index_cast %swap3A_629 : i32 to index
    %swap3A_631 = arith.constant 16 : index
    %swap3A_632 = tpu.vector_load %arg18[%swap3A_630, %swap3A_631] {strides = array<i32>} : memref<8x128xf32, #tpu.memory_space<vmem>>, vector<1x16xf32>,
    %swap3A_633 = vector.shape_cast %swap3A_632 : vector<1x16xf32> to vector<16xf32>
    %swap3A_634 = vector.shape_cast %get3A_628 : vector<16xf32> to vector<1x16xf32>
    tpu.vector_store %arg18[%swap3A_630, %swap3A_631], %swap3A_634 {strides = array<i32>} : memref<8x128xf32, #tpu.memory_space<vmem>>, vector<1x16xf32>,
    %get3A_635 = arith.constant 160 : index
    %get3A_636 = tpu.vector_load %arg17[%get3A_635] {strides = array<i32>} : memref<640xf32, #tpu.memory_space<vmem>>, vector<16xf32>,
    %get3A_637 = vector.shape_cast %get3A_636 : vector<16xf32> to vector<16xf32>
    %swap3A_638 = arith.constant 1 : i32
    %swap3A_639 = arith.index_cast %swap3A_638 : i32 to index
    %swap3A_640 = arith.constant 32 : index
    %swap3A_641 = tpu.vector_load %arg18[%swap3A_639, %swap3A_640] {strides = array<i32>} : memref<8x128xf32, #tpu.memory_space<vmem>>, vector<1x16xf32>,
    %swap3A_642 = vector.shape_cast %swap3A_641 : vector<1x16xf32> to vector<16xf32>
    %swap3A_643 = vector.shape_cast %get3A_637 : vector<16xf32> to vector<1x16xf32>
    tpu.vector_store %arg18[%swap3A_639, %swap3A_640], %swap3A_643 {strides = array<i32>} : memref<8x128xf32, #tpu.memory_space<vmem>>, vector<1x16xf32>,
    %get3A_644 = arith.constant 176 : index
    %get3A_645 = tpu.vector_load %arg17[%get3A_644] {strides = array<i32>} : memref<640xf32, #tpu.memory_space<vmem>>, vector<16xf32>,
    %get3A_646 = vector.shape_cast %get3A_645 : vector<16xf32> to vector<16xf32>
    %swap3A_647 = arith.constant 1 : i32
    %swap3A_648 = arith.index_cast %swap3A_647 : i32 to index
    %swap3A_649 = arith.constant 48 : index
    %swap3A_650 = tpu.vector_load %arg18[%swap3A_648, %swap3A_649] {strides = array<i32>} : memref<8x128xf32, #tpu.memory_space<vmem>>, vector<1x16xf32>,
    %swap3A_651 = vector.shape_cast %swap3A_650 : vector<1x16xf32> to vector<16xf32>
    %swap3A_652 = vector.shape_cast %get3A_646 : vector<16xf32> to vector<1x16xf32>
    tpu.vector_store %arg18[%swap3A_648, %swap3A_649], %swap3A_652 {strides = array<i32>} : memref<8x128xf32, #tpu.memory_space<vmem>>, vector<1x16xf32>,
    %get3A_653 = arith.constant 192 : index
    %get3A_654 = tpu.vector_load %arg17[%get3A_653] {strides = array<i32>} : memref<640xf32, #tpu.memory_space<vmem>>, vector<16xf32>,
    %get3A_655 = vector.shape_cast %get3A_654 : vector<16xf32> to vector<16xf32>
    %swap3A_656 = arith.constant 1 : i32
    %swap3A_657 = arith.index_cast %swap3A_656 : i32 to index
    %swap3A_658 = arith.constant 64 : index
    %swap3A_659 = tpu.vector_load %arg18[%swap3A_657, %swap3A_658] {strides = array<i32>} : memref<8x128xf32, #tpu.memory_space<vmem>>, vector<1x16xf32>,
    %swap3A_660 = vector.shape_cast %swap3A_659 : vector<1x16xf32> to vector<16xf32>
    %swap3A_661 = vector.shape_cast %get3A_655 : vector<16xf32> to vector<1x16xf32>
    tpu.vector_store %arg18[%swap3A_657, %swap3A_658], %swap3A_661 {strides = array<i32>} : memref<8x128xf32, #tpu.memory_space<vmem>>, vector<1x16xf32>,
    %get3A_662 = arith.constant 208 : index
    %get3A_663 = tpu.vector_load %arg17[%get3A_662] {strides = array<i32>} : memref<640xf32, #tpu.memory_space<vmem>>, vector<16xf32>,
    %get3A_664 = vector.shape_cast %get3A_663 : vector<16xf32> to vector<16xf32>
    %swap3A_665 = arith.constant 1 : i32
    %swap3A_666 = arith.index_cast %swap3A_665 : i32 to index
    %swap3A_667 = arith.constant 80 : index
    %swap3A_668 = tpu.vector_load %arg18[%swap3A_666, %swap3A_667] {strides = array<i32>} : memref<8x128xf32, #tpu.memory_space<vmem>>, vector<1x16xf32>,
    %swap3A_669 = vector.shape_cast %swap3A_668 : vector<1x16xf32> to vector<16xf32>
    %swap3A_670 = vector.shape_cast %get3A_664 : vector<16xf32> to vector<1x16xf32>
    tpu.vector_store %arg18[%swap3A_666, %swap3A_667], %swap3A_670 {strides = array<i32>} : memref<8x128xf32, #tpu.memory_space<vmem>>, vector<1x16xf32>,
    %get3A_671 = arith.constant 224 : index
    %get3A_672 = tpu.vector_load %arg17[%get3A_671] {strides = array<i32>} : memref<640xf32, #tpu.memory_space<vmem>>, vector<16xf32>,
    %get3A_673 = vector.shape_cast %get3A_672 : vector<16xf32> to vector<16xf32>
    %swap3A_674 = arith.constant 1 : i32
    %swap3A_675 = arith.index_cast %swap3A_674 : i32 to index
    %swap3A_676 = arith.constant 96 : index
    %swap3A_677 = tpu.vector_load %arg18[%swap3A_675, %swap3A_676] {strides = array<i32>} : memref<8x128xf32, #tpu.memory_space<vmem>>, vector<1x16xf32>,
    %swap3A_678 = vector.shape_cast %swap3A_677 : vector<1x16xf32> to vector<16xf32>
    %swap3A_679 = vector.shape_cast %get3A_673 : vector<16xf32> to vector<1x16xf32>
    tpu.vector_store %arg18[%swap3A_675, %swap3A_676], %swap3A_679 {strides = array<i32>} : memref<8x128xf32, #tpu.memory_space<vmem>>, vector<1x16xf32>,
    %get3A_680 = arith.constant 240 : index
    %get3A_681 = tpu.vector_load %arg17[%get3A_680] {strides = array<i32>} : memref<640xf32, #tpu.memory_space<vmem>>, vector<16xf32>,
    %get3A_682 = vector.shape_cast %get3A_681 : vector<16xf32> to vector<16xf32>
    %swap3A_683 = arith.constant 1 : i32
    %swap3A_684 = arith.index_cast %swap3A_683 : i32 to index
    %swap3A_685 = arith.constant 112 : index
    %swap3A_686 = tpu.vector_load %arg18[%swap3A_684, %swap3A_685] {strides = array<i32>} : memref<8x128xf32, #tpu.memory_space<vmem>>, vector<1x16xf32>,
    %swap3A_687 = vector.shape_cast %swap3A_686 : vector<1x16xf32> to vector<16xf32>
    %swap3A_688 = vector.shape_cast %get3A_682 : vector<16xf32> to vector<1x16xf32>
    tpu.vector_store %arg18[%swap3A_684, %swap3A_685], %swap3A_688 {strides = array<i32>} : memref<8x128xf32, #tpu.memory_space<vmem>>, vector<1x16xf32>,
    %get3A_689 = arith.constant 256 : index
    %get3A_690 = tpu.vector_load %arg17[%get3A_689] {strides = array<i32>} : memref<640xf32, #tpu.memory_space<vmem>>, vector<16xf32>,
    %get3A_691 = vector.shape_cast %get3A_690 : vector<16xf32> to vector<16xf32>
    %swap3A_692 = arith.constant 2 : i32
    %swap3A_693 = arith.index_cast %swap3A_692 : i32 to index
    %swap3A_694 = arith.constant 0 : index
    %swap3A_695 = tpu.vector_load %arg18[%swap3A_693, %swap3A_694] {strides = array<i32>} : memref<8x128xf32, #tpu.memory_space<vmem>>, vector<1x16xf32>,
    %swap3A_696 = vector.shape_cast %swap3A_695 : vector<1x16xf32> to vector<16xf32>
    %swap3A_697 = vector.shape_cast %get3A_691 : vector<16xf32> to vector<1x16xf32>
    tpu.vector_store %arg18[%swap3A_693, %swap3A_694], %swap3A_697 {strides = array<i32>} : memref<8x128xf32, #tpu.memory_space<vmem>>, vector<1x16xf32>,
    %get3A_698 = arith.constant 272 : index
    %get3A_699 = tpu.vector_load %arg17[%get3A_698] {strides = array<i32>} : memref<640xf32, #tpu.memory_space<vmem>>, vector<16xf32>,
    %get3A_700 = vector.shape_cast %get3A_699 : vector<16xf32> to vector<16xf32>
    %swap3A_701 = arith.constant 2 : i32
    %swap3A_702 = arith.index_cast %swap3A_701 : i32 to index
    %swap3A_703 = arith.constant 16 : index
    %swap3A_704 = tpu.vector_load %arg18[%swap3A_702, %swap3A_703] {strides = array<i32>} : memref<8x128xf32, #tpu.memory_space<vmem>>, vector<1x16xf32>,
    %swap3A_705 = vector.shape_cast %swap3A_704 : vector<1x16xf32> to vector<16xf32>
    %swap3A_706 = vector.shape_cast %get3A_700 : vector<16xf32> to vector<1x16xf32>
    tpu.vector_store %arg18[%swap3A_702, %swap3A_703], %swap3A_706 {strides = array<i32>} : memref<8x128xf32, #tpu.memory_space<vmem>>, vector<1x16xf32>,
    %get3A_707 = arith.constant 288 : index
    %get3A_708 = tpu.vector_load %arg17[%get3A_707] {strides = array<i32>} : memref<640xf32, #tpu.memory_space<vmem>>, vector<16xf32>,
    %get3A_709 = vector.shape_cast %get3A_708 : vector<16xf32> to vector<16xf32>
    %swap3A_710 = arith.constant 2 : i32
    %swap3A_711 = arith.index_cast %swap3A_710 : i32 to index
    %swap3A_712 = arith.constant 32 : index
    %swap3A_713 = tpu.vector_load %arg18[%swap3A_711, %swap3A_712] {strides = array<i32>} : memref<8x128xf32, #tpu.memory_space<vmem>>, vector<1x16xf32>,
    %swap3A_714 = vector.shape_cast %swap3A_713 : vector<1x16xf32> to vector<16xf32>
    %swap3A_715 = vector.shape_cast %get3A_709 : vector<16xf32> to vector<1x16xf32>
    tpu.vector_store %arg18[%swap3A_711, %swap3A_712], %swap3A_715 {strides = array<i32>} : memref<8x128xf32, #tpu.memory_space<vmem>>, vector<1x16xf32>,
    %get3A_716 = arith.constant 304 : index
    %get3A_717 = tpu.vector_load %arg17[%get3A_716] {strides = array<i32>} : memref<640xf32, #tpu.memory_space<vmem>>, vector<16xf32>,
    %get3A_718 = vector.shape_cast %get3A_717 : vector<16xf32> to vector<16xf32>
    %swap3A_719 = arith.constant 2 : i32
    %swap3A_720 = arith.index_cast %swap3A_719 : i32 to index
    %swap3A_721 = arith.constant 48 : index
    %swap3A_722 = tpu.vector_load %arg18[%swap3A_720, %swap3A_721] {strides = array<i32>} : memref<8x128xf32, #tpu.memory_space<vmem>>, vector<1x16xf32>,
    %swap3A_723 = vector.shape_cast %swap3A_722 : vector<1x16xf32> to vector<16xf32>
    %swap3A_724 = vector.shape_cast %get3A_718 : vector<16xf32> to vector<1x16xf32>
    tpu.vector_store %arg18[%swap3A_720, %swap3A_721], %swap3A_724 {strides = array<i32>} : memref<8x128xf32, #tpu.memory_space<vmem>>, vector<1x16xf32>,
    %get3A_725 = arith.constant 320 : index
    %get3A_726 = tpu.vector_load %arg17[%get3A_725] {strides = array<i32>} : memref<640xf32, #tpu.memory_space<vmem>>, vector<16xf32>,
    %get3A_727 = vector.shape_cast %get3A_726 : vector<16xf32> to vector<16xf32>
    %swap3A_728 = arith.constant 2 : i32
    %swap3A_729 = arith.index_cast %swap3A_728 : i32 to index
    %swap3A_730 = arith.constant 64 : index
    %swap3A_731 = tpu.vector_load %arg18[%swap3A_729, %swap3A_730] {strides = array<i32>} : memref<8x128xf32, #tpu.memory_space<vmem>>, vector<1x16xf32>,
    %swap3A_732 = vector.shape_cast %swap3A_731 : vector<1x16xf32> to vector<16xf32>
    %swap3A_733 = vector.shape_cast %get3A_727 : vector<16xf32> to vector<1x16xf32>
    tpu.vector_store %arg18[%swap3A_729, %swap3A_730], %swap3A_733 {strides = array<i32>} : memref<8x128xf32, #tpu.memory_space<vmem>>, vector<1x16xf32>,
    %get3A_734 = arith.constant 336 : index
    %get3A_735 = tpu.vector_load %arg17[%get3A_734] {strides = array<i32>} : memref<640xf32, #tpu.memory_space<vmem>>, vector<16xf32>,
    %get3A_736 = vector.shape_cast %get3A_735 : vector<16xf32> to vector<16xf32>
    %swap3A_737 = arith.constant 2 : i32
    %swap3A_738 = arith.index_cast %swap3A_737 : i32 to index
    %swap3A_739 = arith.constant 80 : index
    %swap3A_740 = tpu.vector_load %arg18[%swap3A_738, %swap3A_739] {strides = array<i32>} : memref<8x128xf32, #tpu.memory_space<vmem>>, vector<1x16xf32>,
    %swap3A_741 = vector.shape_cast %swap3A_740 : vector<1x16xf32> to vector<16xf32>
    %swap3A_742 = vector.shape_cast %get3A_736 : vector<16xf32> to vector<1x16xf32>
    tpu.vector_store %arg18[%swap3A_738, %swap3A_739], %swap3A_742 {strides = array<i32>} : memref<8x128xf32, #tpu.memory_space<vmem>>, vector<1x16xf32>,
    %get3A_743 = arith.constant 352 : index
    %get3A_744 = tpu.vector_load %arg17[%get3A_743] {strides = array<i32>} : memref<640xf32, #tpu.memory_space<vmem>>, vector<16xf32>,
    %get3A_745 = vector.shape_cast %get3A_744 : vector<16xf32> to vector<16xf32>
    %swap3A_746 = arith.constant 2 : i32
    %swap3A_747 = arith.index_cast %swap3A_746 : i32 to index
    %swap3A_748 = arith.constant 96 : index
    %swap3A_749 = tpu.vector_load %arg18[%swap3A_747, %swap3A_748] {strides = array<i32>} : memref<8x128xf32, #tpu.memory_space<vmem>>, vector<1x16xf32>,
    %swap3A_750 = vector.shape_cast %swap3A_749 : vector<1x16xf32> to vector<16xf32>
    %swap3A_751 = vector.shape_cast %get3A_745 : vector<16xf32> to vector<1x16xf32>
    tpu.vector_store %arg18[%swap3A_747, %swap3A_748], %swap3A_751 {strides = array<i32>} : memref<8x128xf32, #tpu.memory_space<vmem>>, vector<1x16xf32>,
    %get3A_752 = arith.constant 368 : index
    %get3A_753 = tpu.vector_load %arg17[%get3A_752] {strides = array<i32>} : memref<640xf32, #tpu.memory_space<vmem>>, vector<16xf32>,
    %get3A_754 = vector.shape_cast %get3A_753 : vector<16xf32> to vector<16xf32>
    %swap3A_755 = arith.constant 2 : i32
    %swap3A_756 = arith.index_cast %swap3A_755 : i32 to index
    %swap3A_757 = arith.constant 112 : index
    %swap3A_758 = tpu.vector_load %arg18[%swap3A_756, %swap3A_757] {strides = array<i32>} : memref<8x128xf32, #tpu.memory_space<vmem>>, vector<1x16xf32>,
    %swap3A_759 = vector.shape_cast %swap3A_758 : vector<1x16xf32> to vector<16xf32>
    %swap3A_760 = vector.shape_cast %get3A_754 : vector<16xf32> to vector<1x16xf32>
    tpu.vector_store %arg18[%swap3A_756, %swap3A_757], %swap3A_760 {strides = array<i32>} : memref<8x128xf32, #tpu.memory_space<vmem>>, vector<1x16xf32>,
    %get3A_761 = arith.constant 384 : index
    %get3A_762 = tpu.vector_load %arg17[%get3A_761] {strides = array<i32>} : memref<640xf32, #tpu.memory_space<vmem>>, vector<16xf32>,
    %get3A_763 = vector.shape_cast %get3A_762 : vector<16xf32> to vector<16xf32>
    %swap3A_764 = arith.constant 3 : i32
    %swap3A_765 = arith.index_cast %swap3A_764 : i32 to index
    %swap3A_766 = arith.constant 0 : index
    %swap3A_767 = tpu.vector_load %arg18[%swap3A_765, %swap3A_766] {strides = array<i32>} : memref<8x128xf32, #tpu.memory_space<vmem>>, vector<1x16xf32>,
    %swap3A_768 = vector.shape_cast %swap3A_767 : vector<1x16xf32> to vector<16xf32>
    %swap3A_769 = vector.shape_cast %get3A_763 : vector<16xf32> to vector<1x16xf32>
    tpu.vector_store %arg18[%swap3A_765, %swap3A_766], %swap3A_769 {strides = array<i32>} : memref<8x128xf32, #tpu.memory_space<vmem>>, vector<1x16xf32>,
    %get3A_770 = arith.constant 400 : index
    %get3A_771 = tpu.vector_load %arg17[%get3A_770] {strides = array<i32>} : memref<640xf32, #tpu.memory_space<vmem>>, vector<16xf32>,
    %get3A_772 = vector.shape_cast %get3A_771 : vector<16xf32> to vector<16xf32>
    %swap3A_773 = arith.constant 3 : i32
    %swap3A_774 = arith.index_cast %swap3A_773 : i32 to index
    %swap3A_775 = arith.constant 16 : index
    %swap3A_776 = tpu.vector_load %arg18[%swap3A_774, %swap3A_775] {strides = array<i32>} : memref<8x128xf32, #tpu.memory_space<vmem>>, vector<1x16xf32>,
    %swap3A_777 = vector.shape_cast %swap3A_776 : vector<1x16xf32> to vector<16xf32>
    %swap3A_778 = vector.shape_cast %get3A_772 : vector<16xf32> to vector<1x16xf32>
    tpu.vector_store %arg18[%swap3A_774, %swap3A_775], %swap3A_778 {strides = array<i32>} : memref<8x128xf32, #tpu.memory_space<vmem>>, vector<1x16xf32>,
    %get3A_779 = arith.constant 416 : index
    %get3A_780 = tpu.vector_load %arg17[%get3A_779] {strides = array<i32>} : memref<640xf32, #tpu.memory_space<vmem>>, vector<16xf32>,
    %get3A_781 = vector.shape_cast %get3A_780 : vector<16xf32> to vector<16xf32>
    %swap3A_782 = arith.constant 3 : i32
    %swap3A_783 = arith.index_cast %swap3A_782 : i32 to index
    %swap3A_784 = arith.constant 32 : index
    %swap3A_785 = tpu.vector_load %arg18[%swap3A_783, %swap3A_784] {strides = array<i32>} : memref<8x128xf32, #tpu.memory_space<vmem>>, vector<1x16xf32>,
    %swap3A_786 = vector.shape_cast %swap3A_785 : vector<1x16xf32> to vector<16xf32>
    %swap3A_787 = vector.shape_cast %get3A_781 : vector<16xf32> to vector<1x16xf32>
    tpu.vector_store %arg18[%swap3A_783, %swap3A_784], %swap3A_787 {strides = array<i32>} : memref<8x128xf32, #tpu.memory_space<vmem>>, vector<1x16xf32>,
    %get3A_788 = arith.constant 432 : index
    %get3A_789 = tpu.vector_load %arg17[%get3A_788] {strides = array<i32>} : memref<640xf32, #tpu.memory_space<vmem>>, vector<16xf32>,
    %get3A_790 = vector.shape_cast %get3A_789 : vector<16xf32> to vector<16xf32>
    %swap3A_791 = arith.constant 3 : i32
    %swap3A_792 = arith.index_cast %swap3A_791 : i32 to index
    %swap3A_793 = arith.constant 48 : index
    %swap3A_794 = tpu.vector_load %arg18[%swap3A_792, %swap3A_793] {strides = array<i32>} : memref<8x128xf32, #tpu.memory_space<vmem>>, vector<1x16xf32>,
    %swap3A_795 = vector.shape_cast %swap3A_794 : vector<1x16xf32> to vector<16xf32>
    %swap3A_796 = vector.shape_cast %get3A_790 : vector<16xf32> to vector<1x16xf32>
    tpu.vector_store %arg18[%swap3A_792, %swap3A_793], %swap3A_796 {strides = array<i32>} : memref<8x128xf32, #tpu.memory_space<vmem>>, vector<1x16xf32>,
    %get3A_797 = arith.constant 448 : index
    %get3A_798 = tpu.vector_load %arg17[%get3A_797] {strides = array<i32>} : memref<640xf32, #tpu.memory_space<vmem>>, vector<16xf32>,
    %get3A_799 = vector.shape_cast %get3A_798 : vector<16xf32> to vector<16xf32>
    %swap3A_800 = arith.constant 3 : i32
    %swap3A_801 = arith.index_cast %swap3A_800 : i32 to index
    %swap3A_802 = arith.constant 64 : index
    %swap3A_803 = tpu.vector_load %arg18[%swap3A_801, %swap3A_802] {strides = array<i32>} : memref<8x128xf32, #tpu.memory_space<vmem>>, vector<1x16xf32>,
    %swap3A_804 = vector.shape_cast %swap3A_803 : vector<1x16xf32> to vector<16xf32>
    %swap3A_805 = vector.shape_cast %get3A_799 : vector<16xf32> to vector<1x16xf32>
    tpu.vector_store %arg18[%swap3A_801, %swap3A_802], %swap3A_805 {strides = array<i32>} : memref<8x128xf32, #tpu.memory_space<vmem>>, vector<1x16xf32>,
    %get3A_806 = arith.constant 464 : index
    %get3A_807 = tpu.vector_load %arg17[%get3A_806] {strides = array<i32>} : memref<640xf32, #tpu.memory_space<vmem>>, vector<16xf32>,
    %get3A_808 = vector.shape_cast %get3A_807 : vector<16xf32> to vector<16xf32>
    %swap3A_809 = arith.constant 3 : i32
    %swap3A_810 = arith.index_cast %swap3A_809 : i32 to index
    %swap3A_811 = arith.constant 80 : index
    %swap3A_812 = tpu.vector_load %arg18[%swap3A_810, %swap3A_811] {strides = array<i32>} : memref<8x128xf32, #tpu.memory_space<vmem>>, vector<1x16xf32>,
    %swap3A_813 = vector.shape_cast %swap3A_812 : vector<1x16xf32> to vector<16xf32>
    %swap3A_814 = vector.shape_cast %get3A_808 : vector<16xf32> to vector<1x16xf32>
    tpu.vector_store %arg18[%swap3A_810, %swap3A_811], %swap3A_814 {strides = array<i32>} : memref<8x128xf32, #tpu.memory_space<vmem>>, vector<1x16xf32>,
    %get3A_815 = arith.constant 480 : index
    %get3A_816 = tpu.vector_load %arg17[%get3A_815] {strides = array<i32>} : memref<640xf32, #tpu.memory_space<vmem>>, vector<16xf32>,
    %get3A_817 = vector.shape_cast %get3A_816 : vector<16xf32> to vector<16xf32>
    %swap3A_818 = arith.constant 3 : i32
    %swap3A_819 = arith.index_cast %swap3A_818 : i32 to index
    %swap3A_820 = arith.constant 96 : index
    %swap3A_821 = tpu.vector_load %arg18[%swap3A_819, %swap3A_820] {strides = array<i32>} : memref<8x128xf32, #tpu.memory_space<vmem>>, vector<1x16xf32>,
    %swap3A_822 = vector.shape_cast %swap3A_821 : vector<1x16xf32> to vector<16xf32>
    %swap3A_823 = vector.shape_cast %get3A_817 : vector<16xf32> to vector<1x16xf32>
    tpu.vector_store %arg18[%swap3A_819, %swap3A_820], %swap3A_823 {strides = array<i32>} : memref<8x128xf32, #tpu.memory_space<vmem>>, vector<1x16xf32>,
    %get3A_824 = arith.constant 496 : index
    %get3A_825 = tpu.vector_load %arg17[%get3A_824] {strides = array<i32>} : memref<640xf32, #tpu.memory_space<vmem>>, vector<16xf32>,
    %get3A_826 = vector.shape_cast %get3A_825 : vector<16xf32> to vector<16xf32>
    %swap3A_827 = arith.constant 3 : i32
    %swap3A_828 = arith.index_cast %swap3A_827 : i32 to index
    %swap3A_829 = arith.constant 112 : index
    %swap3A_830 = tpu.vector_load %arg18[%swap3A_828, %swap3A_829] {strides = array<i32>} : memref<8x128xf32, #tpu.memory_space<vmem>>, vector<1x16xf32>,
    %swap3A_831 = vector.shape_cast %swap3A_830 : vector<1x16xf32> to vector<16xf32>
    %swap3A_832 = vector.shape_cast %get3A_826 : vector<16xf32> to vector<1x16xf32>
    tpu.vector_store %arg18[%swap3A_828, %swap3A_829], %swap3A_832 {strides = array<i32>} : memref<8x128xf32, #tpu.memory_space<vmem>>, vector<1x16xf32>,
    %get3A_833 = arith.constant 512 : index
    %get3A_834 = tpu.vector_load %arg17[%get3A_833] {strides = array<i32>} : memref<640xf32, #tpu.memory_space<vmem>>, vector<16xf32>,
    %get3A_835 = vector.shape_cast %get3A_834 : vector<16xf32> to vector<16xf32>
    %swap3A_836 = arith.constant 4 : i32
    %swap3A_837 = arith.index_cast %swap3A_836 : i32 to index
    %swap3A_838 = arith.constant 0 : index
    %swap3A_839 = tpu.vector_load %arg18[%swap3A_837, %swap3A_838] {strides = array<i32>} : memref<8x128xf32, #tpu.memory_space<vmem>>, vector<1x16xf32>,
    %swap3A_840 = vector.shape_cast %swap3A_839 : vector<1x16xf32> to vector<16xf32>
    %swap3A_841 = vector.shape_cast %get3A_835 : vector<16xf32> to vector<1x16xf32>
    tpu.vector_store %arg18[%swap3A_837, %swap3A_838], %swap3A_841 {strides = array<i32>} : memref<8x128xf32, #tpu.memory_space<vmem>>, vector<1x16xf32>,
    %get3A_842 = arith.constant 528 : index
    %get3A_843 = tpu.vector_load %arg17[%get3A_842] {strides = array<i32>} : memref<640xf32, #tpu.memory_space<vmem>>, vector<16xf32>,
    %get3A_844 = vector.shape_cast %get3A_843 : vector<16xf32> to vector<16xf32>
    %swap3A_845 = arith.constant 4 : i32
    %swap3A_846 = arith.index_cast %swap3A_845 : i32 to index
    %swap3A_847 = arith.constant 16 : index
    %swap3A_848 = tpu.vector_load %arg18[%swap3A_846, %swap3A_847] {strides = array<i32>} : memref<8x128xf32, #tpu.memory_space<vmem>>, vector<1x16xf32>,
    %swap3A_849 = vector.shape_cast %swap3A_848 : vector<1x16xf32> to vector<16xf32>
    %swap3A_850 = vector.shape_cast %get3A_844 : vector<16xf32> to vector<1x16xf32>
    tpu.vector_store %arg18[%swap3A_846, %swap3A_847], %swap3A_850 {strides = array<i32>} : memref<8x128xf32, #tpu.memory_space<vmem>>, vector<1x16xf32>,
    %get3A_851 = arith.constant 544 : index
    %get3A_852 = tpu.vector_load %arg17[%get3A_851] {strides = array<i32>} : memref<640xf32, #tpu.memory_space<vmem>>, vector<16xf32>,
    %get3A_853 = vector.shape_cast %get3A_852 : vector<16xf32> to vector<16xf32>
    %swap3A_854 = arith.constant 4 : i32
    %swap3A_855 = arith.index_cast %swap3A_854 : i32 to index
    %swap3A_856 = arith.constant 32 : index
    %swap3A_857 = tpu.vector_load %arg18[%swap3A_855, %swap3A_856] {strides = array<i32>} : memref<8x128xf32, #tpu.memory_space<vmem>>, vector<1x16xf32>,
    %swap3A_858 = vector.shape_cast %swap3A_857 : vector<1x16xf32> to vector<16xf32>
    %swap3A_859 = vector.shape_cast %get3A_853 : vector<16xf32> to vector<1x16xf32>
    tpu.vector_store %arg18[%swap3A_855, %swap3A_856], %swap3A_859 {strides = array<i32>} : memref<8x128xf32, #tpu.memory_space<vmem>>, vector<1x16xf32>,
    %get3A_860 = arith.constant 560 : index
    %get3A_861 = tpu.vector_load %arg17[%get3A_860] {strides = array<i32>} : memref<640xf32, #tpu.memory_space<vmem>>, vector<16xf32>,
    %get3A_862 = vector.shape_cast %get3A_861 : vector<16xf32> to vector<16xf32>
    %swap3A_863 = arith.constant 4 : i32
    %swap3A_864 = arith.index_cast %swap3A_863 : i32 to index
    %swap3A_865 = arith.constant 48 : index
    %swap3A_866 = tpu.vector_load %arg18[%swap3A_864, %swap3A_865] {strides = array<i32>} : memref<8x128xf32, #tpu.memory_space<vmem>>, vector<1x16xf32>,
    %swap3A_867 = vector.shape_cast %swap3A_866 : vector<1x16xf32> to vector<16xf32>
    %swap3A_868 = vector.shape_cast %get3A_862 : vector<16xf32> to vector<1x16xf32>
    tpu.vector_store %arg18[%swap3A_864, %swap3A_865], %swap3A_868 {strides = array<i32>} : memref<8x128xf32, #tpu.memory_space<vmem>>, vector<1x16xf32>,
    %get3A_869 = arith.constant 576 : index
    %get3A_870 = tpu.vector_load %arg17[%get3A_869] {strides = array<i32>} : memref<640xf32, #tpu.memory_space<vmem>>, vector<16xf32>,
    %get3A_871 = vector.shape_cast %get3A_870 : vector<16xf32> to vector<16xf32>
    %swap3A_872 = arith.constant 4 : i32
    %swap3A_873 = arith.index_cast %swap3A_872 : i32 to index
    %swap3A_874 = arith.constant 64 : index
    %swap3A_875 = tpu.vector_load %arg18[%swap3A_873, %swap3A_874] {strides = array<i32>} : memref<8x128xf32, #tpu.memory_space<vmem>>, vector<1x16xf32>,
    %swap3A_876 = vector.shape_cast %swap3A_875 : vector<1x16xf32> to vector<16xf32>
    %swap3A_877 = vector.shape_cast %get3A_871 : vector<16xf32> to vector<1x16xf32>
    tpu.vector_store %arg18[%swap3A_873, %swap3A_874], %swap3A_877 {strides = array<i32>} : memref<8x128xf32, #tpu.memory_space<vmem>>, vector<1x16xf32>,
    %get3A_878 = arith.constant 592 : index
    %get3A_879 = tpu.vector_load %arg17[%get3A_878] {strides = array<i32>} : memref<640xf32, #tpu.memory_space<vmem>>, vector<16xf32>,
    %get3A_880 = vector.shape_cast %get3A_879 : vector<16xf32> to vector<16xf32>
    %swap3A_881 = arith.constant 4 : i32
    %swap3A_882 = arith.index_cast %swap3A_881 : i32 to index
    %swap3A_883 = arith.constant 80 : index
    %swap3A_884 = tpu.vector_load %arg18[%swap3A_882, %swap3A_883] {strides = array<i32>} : memref<8x128xf32, #tpu.memory_space<vmem>>, vector<1x16xf32>,
    %swap3A_885 = vector.shape_cast %swap3A_884 : vector<1x16xf32> to vector<16xf32>
    %swap3A_886 = vector.shape_cast %get3A_880 : vector<16xf32> to vector<1x16xf32>
    tpu.vector_store %arg18[%swap3A_882, %swap3A_883], %swap3A_886 {strides = array<i32>} : memref<8x128xf32, #tpu.memory_space<vmem>>, vector<1x16xf32>,
    %get3A_887 = arith.constant 608 : index
    %get3A_888 = tpu.vector_load %arg17[%get3A_887] {strides = array<i32>} : memref<640xf32, #tpu.memory_space<vmem>>, vector<16xf32>,
    %get3A_889 = vector.shape_cast %get3A_888 : vector<16xf32> to vector<16xf32>
    %swap3A_890 = arith.constant 4 : i32
    %swap3A_891 = arith.index_cast %swap3A_890 : i32 to index
    %swap3A_892 = arith.constant 96 : index
    %swap3A_893 = tpu.vector_load %arg18[%swap3A_891, %swap3A_892] {strides = array<i32>} : memref<8x128xf32, #tpu.memory_space<vmem>>, vector<1x16xf32>,
    %swap3A_894 = vector.shape_cast %swap3A_893 : vector<1x16xf32> to vector<16xf32>
    %swap3A_895 = vector.shape_cast %get3A_889 : vector<16xf32> to vector<1x16xf32>
    tpu.vector_store %arg18[%swap3A_891, %swap3A_892], %swap3A_895 {strides = array<i32>} : memref<8x128xf32, #tpu.memory_space<vmem>>, vector<1x16xf32>,
    %get3A_896 = arith.constant 624 : index
    %get3A_897 = tpu.vector_load %arg17[%get3A_896] {strides = array<i32>} : memref<640xf32, #tpu.memory_space<vmem>>, vector<16xf32>,
    %get3A_898 = vector.shape_cast %get3A_897 : vector<16xf32> to vector<16xf32>
    %swap3A_899 = arith.constant 4 : i32
    %swap3A_900 = arith.index_cast %swap3A_899 : i32 to index
    %swap3A_901 = arith.constant 112 : index
    %swap3A_902 = tpu.vector_load %arg18[%swap3A_900, %swap3A_901] {strides = array<i32>} : memref<8x128xf32, #tpu.memory_space<vmem>>, vector<1x16xf32>,
    %swap3A_903 = vector.shape_cast %swap3A_902 : vector<1x16xf32> to vector<16xf32>
    %swap3A_904 = vector.shape_cast %get3A_898 : vector<16xf32> to vector<1x16xf32>
    tpu.vector_store %arg18[%swap3A_900, %swap3A_901], %swap3A_904 {strides = array<i32>} : memref<8x128xf32, #tpu.memory_space<vmem>>, vector<1x16xf32>,
    %mul3A_905 = arith.constant 8 : i32
    %mul3A_906 = arith.muli %arg1, %mul3A_905 : i32
    %add3A_907 = arith.constant 10000 : i32
    %add3A_908 = arith.addi %add3A_907, %mul3A_906 : i32
    %multiple_of3A_909 = tpu.assume_multiple %add3A_908, 8 : i32
    "tpu.region"() ({
      %run_scoped3A = tpu.sem_alloc : memref<!tpu.dma_semaphore, #tpu.memory_space<semaphore_mem>>
      %dma_start3A_910 = arith.constant 0 : i32
      %dma_start3A_911 = tpu.memref_slice %arg6[%arg0, %multiple_of3A_909, %dma_start3A_910] : memref<2x10240x128xf32, #tpu.memory_space<hbm>> -> memref<1x8x128xf32, #tpu.memory_space<hbm>>
      %dma_start3A_912 = tpu.memref_squeeze %dma_start3A_911 : memref<1x8x128xf32, #tpu.memory_space<hbm>> -> memref<8x128xf32, #tpu.memory_space<hbm>>
      %dma_start3A_913 = arith.constant 0 : i32
      %dma_start3A_914 = tpu.memref_slice %arg6[%arg0, %multiple_of3A_909, %dma_start3A_913] : memref<2x10240x128xf32, #tpu.memory_space<hbm>> -> memref<1x8x128xf32, #tpu.memory_space<hbm>>
      %dma_start3A_915 = tpu.memref_squeeze %dma_start3A_914 : memref<1x8x128xf32, #tpu.memory_space<hbm>> -> memref<8x128xf32, #tpu.memory_space<hbm>>
      tpu.enqueue_dma source(%arg18 : memref<8x128xf32, #tpu.memory_space<vmem>>) target(%dma_start3A_915 : memref<8x128xf32, #tpu.memory_space<hbm>>) target_semaphore(%run_scoped3A : memref<!tpu.dma_semaphore, #tpu.memory_space<semaphore_mem>>)
      %dma_wait3A_916 = arith.constant 0 : i32
      %dma_wait3A_917 = tpu.memref_slice %arg6[%arg0, %multiple_of3A_909, %dma_wait3A_916] : memref<2x10240x128xf32, #tpu.memory_space<hbm>> -> memref<1x8x128xf32, #tpu.memory_space<hbm>>
      %dma_wait3A_918 = tpu.memref_squeeze %dma_wait3A_917 : memref<1x8x128xf32, #tpu.memory_space<hbm>> -> memref<8x128xf32, #tpu.memory_space<hbm>>
      %dma_wait3A_919 = arith.constant 0 : i32
      %dma_wait3A_920 = tpu.memref_slice %arg6[%arg0, %multiple_of3A_909, %dma_wait3A_919] : memref<2x10240x128xf32, #tpu.memory_space<hbm>> -> memref<1x8x128xf32, #tpu.memory_space<hbm>>
      %dma_wait3A_921 = tpu.memref_squeeze %dma_wait3A_920 : memref<1x8x128xf32, #tpu.memory_space<hbm>> -> memref<8x128xf32, #tpu.memory_space<hbm>>
      tpu.wait_dma2 semaphore(%run_scoped3A : memref<!tpu.dma_semaphore, #tpu.memory_space<semaphore_mem>>) src(%arg18 : memref<8x128xf32, #tpu.memory_space<vmem>>) dst(%dma_wait3A_921 : memref<8x128xf32, #tpu.memory_space<hbm>>)
      tpu.yield
    }) : () -> ()
    return
  }
}

#map = affine_map<(d0, d1) -> (0, 0)>
#map1 = affine_map<(d0, d1) -> (0)>
#map2 = affine_map<(d0, d1) -> (0, 0, 0)>
module attributes {stable_mosaic.version = 14 : i64} {
  func.func @sage_agg(%arg0: i32, %arg1: i32, %arg2: memref<10000x128xf32, #tpu.memory_space<hbm>>, %arg3: memref<320000xi32, #tpu.memory_space<hbm>>, %arg4: memref<320000xi32, #tpu.memory_space<hbm>>, %arg5: memref<10240x128xf32, #tpu.memory_space<hbm>>, %arg6: memref<2x10240x128xf32, #tpu.memory_space<hbm>>, %arg7: memref<10240x128xf32, #tpu.memory_space<vmem_shared>>, %arg8: memref<4x128xi32, #tpu.memory_space<vmem>>, %arg9: memref<4x128xi32, #tpu.memory_space<vmem>>, %arg10: memref<128x128xf32, #tpu.memory_space<vmem>>, %arg11: memref<128x128xf32, #tpu.memory_space<vmem>>, %arg12: memref<16xi32, #tpu.memory_space<vmem>>, %arg13: memref<16xi32, #tpu.memory_space<vmem>>, %arg14: memref<16x128xf32, #tpu.memory_space<vmem>>, %arg15: memref<!tpu.dma_semaphore, #tpu.memory_space<semaphore_mem>>, %arg16: memref<!tpu.dma_semaphore, #tpu.memory_space<semaphore_mem>>, %arg17: memref<!tpu.dma_semaphore, #tpu.memory_space<semaphore_mem>>, %arg18: memref<!tpu.dma_semaphore, #tpu.memory_space<semaphore_mem>>, %arg19: memref<!tpu.dma_semaphore, #tpu.memory_space<semaphore_mem>>, %arg20: memref<!tpu.dma_semaphore, #tpu.memory_space<semaphore_mem>>, %arg21: memref<!tpu.dma_semaphore, #tpu.memory_space<semaphore_mem>>, %arg22: memref<!tpu.dma_semaphore, #tpu.memory_space<semaphore_mem>>, %arg23: memref<!tpu.dma_semaphore, #tpu.memory_space<semaphore_mem>>, %arg24: memref<!tpu.dma_semaphore, #tpu.memory_space<semaphore_mem>>, %arg25: memref<!tpu.dma_semaphore, #tpu.memory_space<semaphore_mem>>, %arg26: memref<!tpu.dma_semaphore, #tpu.memory_space<semaphore_mem>>, %arg27: memref<!tpu.dma_semaphore, #tpu.memory_space<semaphore_mem>>, %arg28: memref<!tpu.dma_semaphore, #tpu.memory_space<semaphore_mem>>, %arg29: memref<!tpu.dma_semaphore, #tpu.memory_space<semaphore_mem>>, %arg30: memref<!tpu.dma_semaphore, #tpu.memory_space<semaphore_mem>>) attributes {dimension_semantics = [#tpu.dimension_semantics<core_parallel>, #tpu.dimension_semantics<subcore_parallel>], iteration_bounds = array<i64: 2, 16>, scalar_prefetch = 0 : i64, scratch_operands = 24 : i64, tpu.core_type = #tpu.core_type<sc_vector_subcore>, window_params = [{transform_indices = #map}, {transform_indices = #map1}, {transform_indices = #map1}, {transform_indices = #map}, {transform_indices = #map2}]} {
    %mul3A = arith.constant 16 : i32
    %mul3A_0 = arith.muli %arg0, %mul3A : i32
    %add3A = arith.addi %mul3A_0, %arg1 : i32
    %mul3A_1 = arith.constant 640 : i32
    %mul3A_2 = arith.muli %arg1, %mul3A_1 : i32
    %multiple_of3A = tpu.assume_multiple %mul3A_2, 8 : i32
    "tpu.region"() ({
      %run_scoped3A = tpu.sem_alloc : memref<!tpu.dma_semaphore, #tpu.memory_space<semaphore_mem>>
      %dma_start3A_451 = arith.constant 0 : i32
      %dma_start3A_452 = tpu.memref_slice %arg7[%multiple_of3A, %dma_start3A_451] : memref<10240x128xf32, #tpu.memory_space<vmem_shared>> -> memref<640x128xf32, #tpu.memory_space<vmem_shared>>
      %dma_start3A_453 = arith.constant 0 : i32
      %dma_start3A_454 = tpu.memref_slice %arg5[%multiple_of3A, %dma_start3A_453] : memref<10240x128xf32, #tpu.memory_space<hbm>> -> memref<640x128xf32, #tpu.memory_space<hbm>>
      tpu.enqueue_dma source(%dma_start3A_454 : memref<640x128xf32, #tpu.memory_space<hbm>>) target(%dma_start3A_452 : memref<640x128xf32, #tpu.memory_space<vmem_shared>>) target_semaphore(%run_scoped3A : memref<!tpu.dma_semaphore, #tpu.memory_space<semaphore_mem>>)
      %dma_wait3A_455 = arith.constant 0 : i32
      %dma_wait3A_456 = tpu.memref_slice %arg7[%multiple_of3A, %dma_wait3A_455] : memref<10240x128xf32, #tpu.memory_space<vmem_shared>> -> memref<640x128xf32, #tpu.memory_space<vmem_shared>>
      %dma_wait3A_457 = arith.constant 0 : i32
      %dma_wait3A_458 = tpu.memref_slice %arg5[%multiple_of3A, %dma_wait3A_457] : memref<10240x128xf32, #tpu.memory_space<hbm>> -> memref<640x128xf32, #tpu.memory_space<hbm>>
      tpu.wait_dma2 semaphore(%run_scoped3A : memref<!tpu.dma_semaphore, #tpu.memory_space<semaphore_mem>>) src(%dma_wait3A_458 : memref<640x128xf32, #tpu.memory_space<hbm>>) dst(%dma_wait3A_456 : memref<640x128xf32, #tpu.memory_space<vmem_shared>>)
      tpu.yield
    }) : () -> ()
    %barrier3A = arith.constant 0 : index
    tpu.barrier barrier_id(%barrier3A)
    %mul3A_3 = arith.constant 10000 : i32
    %mul3A_4 = arith.muli %add3A, %mul3A_3 : i32
    %add3A_5 = arith.constant 9984 : i32
    %add3A_6 = arith.addi %mul3A_4, %add3A_5 : i32
    %multiple_of3A_7 = tpu.assume_multiple %add3A_6, 8 : i32
    %dma_start3A = tpu.memref_slice %arg3[%multiple_of3A_7] : memref<320000xi32, #tpu.memory_space<hbm>> -> memref<16xi32, #tpu.memory_space<hbm>>
    %dma_start3A_8 = tpu.memref_slice %arg3[%multiple_of3A_7] : memref<320000xi32, #tpu.memory_space<hbm>> -> memref<16xi32, #tpu.memory_space<hbm>>
    tpu.enqueue_dma source(%dma_start3A_8 : memref<16xi32, #tpu.memory_space<hbm>>) target(%arg12 : memref<16xi32, #tpu.memory_space<vmem>>) target_semaphore(%arg27 : memref<!tpu.dma_semaphore, #tpu.memory_space<semaphore_mem>>)
    %dma_start3A_9 = tpu.memref_slice %arg4[%multiple_of3A_7] : memref<320000xi32, #tpu.memory_space<hbm>> -> memref<16xi32, #tpu.memory_space<hbm>>
    %dma_start3A_10 = tpu.memref_slice %arg4[%multiple_of3A_7] : memref<320000xi32, #tpu.memory_space<hbm>> -> memref<16xi32, #tpu.memory_space<hbm>>
    tpu.enqueue_dma source(%dma_start3A_10 : memref<16xi32, #tpu.memory_space<hbm>>) target(%arg13 : memref<16xi32, #tpu.memory_space<vmem>>) target_semaphore(%arg28 : memref<!tpu.dma_semaphore, #tpu.memory_space<semaphore_mem>>)
    %add3A_11 = arith.constant 0 : i32
    %add3A_12 = arith.addi %mul3A_4, %add3A_11 : i32
    %multiple_of3A_13 = tpu.assume_multiple %add3A_12, 8 : i32
    %dma_start3A_14 = arith.constant 0 : i32
    %dma_start3A_15 = arith.constant 0 : i32
    %dma_start3A_16 = tpu.memref_slice %arg8[%dma_start3A_14, %dma_start3A_15] : memref<4x128xi32, #tpu.memory_space<vmem>> -> memref<1x128xi32, #tpu.memory_space<vmem>>
    %dma_start3A_17 = tpu.memref_squeeze %dma_start3A_16 : memref<1x128xi32, #tpu.memory_space<vmem>> -> memref<128xi32, #tpu.memory_space<vmem>>
    %dma_start3A_18 = tpu.memref_slice %arg3[%multiple_of3A_13] : memref<320000xi32, #tpu.memory_space<hbm>> -> memref<128xi32, #tpu.memory_space<hbm>>
    %dma_start3A_19 = arith.constant 0 : i32
    %dma_start3A_20 = tpu.memref_slice %arg8[%dma_start3A_14, %dma_start3A_19] : memref<4x128xi32, #tpu.memory_space<vmem>> -> memref<1x128xi32, #tpu.memory_space<vmem>>
    %dma_start3A_21 = tpu.memref_squeeze %dma_start3A_20 : memref<1x128xi32, #tpu.memory_space<vmem>> -> memref<128xi32, #tpu.memory_space<vmem>>
    %dma_start3A_22 = tpu.memref_slice %arg3[%multiple_of3A_13] : memref<320000xi32, #tpu.memory_space<hbm>> -> memref<128xi32, #tpu.memory_space<hbm>>
    tpu.enqueue_dma source(%dma_start3A_22 : memref<128xi32, #tpu.memory_space<hbm>>) target(%dma_start3A_21 : memref<128xi32, #tpu.memory_space<vmem>>) target_semaphore(%arg15 : memref<!tpu.dma_semaphore, #tpu.memory_space<semaphore_mem>>)
    %dma_start3A_23 = arith.constant 0 : i32
    %dma_start3A_24 = arith.constant 0 : i32
    %dma_start3A_25 = tpu.memref_slice %arg9[%dma_start3A_23, %dma_start3A_24] : memref<4x128xi32, #tpu.memory_space<vmem>> -> memref<1x128xi32, #tpu.memory_space<vmem>>
    %dma_start3A_26 = tpu.memref_squeeze %dma_start3A_25 : memref<1x128xi32, #tpu.memory_space<vmem>> -> memref<128xi32, #tpu.memory_space<vmem>>
    %dma_start3A_27 = tpu.memref_slice %arg4[%multiple_of3A_13] : memref<320000xi32, #tpu.memory_space<hbm>> -> memref<128xi32, #tpu.memory_space<hbm>>
    %dma_start3A_28 = arith.constant 0 : i32
    %dma_start3A_29 = tpu.memref_slice %arg9[%dma_start3A_23, %dma_start3A_28] : memref<4x128xi32, #tpu.memory_space<vmem>> -> memref<1x128xi32, #tpu.memory_space<vmem>>
    %dma_start3A_30 = tpu.memref_squeeze %dma_start3A_29 : memref<1x128xi32, #tpu.memory_space<vmem>> -> memref<128xi32, #tpu.memory_space<vmem>>
    %dma_start3A_31 = tpu.memref_slice %arg4[%multiple_of3A_13] : memref<320000xi32, #tpu.memory_space<hbm>> -> memref<128xi32, #tpu.memory_space<hbm>>
    tpu.enqueue_dma source(%dma_start3A_31 : memref<128xi32, #tpu.memory_space<hbm>>) target(%dma_start3A_30 : memref<128xi32, #tpu.memory_space<vmem>>) target_semaphore(%arg19 : memref<!tpu.dma_semaphore, #tpu.memory_space<semaphore_mem>>)
    %add3A_32 = arith.constant 128 : i32
    %add3A_33 = arith.addi %mul3A_4, %add3A_32 : i32
    %multiple_of3A_34 = tpu.assume_multiple %add3A_33, 8 : i32
    %dma_start3A_35 = arith.constant 1 : i32
    %dma_start3A_36 = arith.constant 0 : i32
    %dma_start3A_37 = tpu.memref_slice %arg8[%dma_start3A_35, %dma_start3A_36] : memref<4x128xi32, #tpu.memory_space<vmem>> -> memref<1x128xi32, #tpu.memory_space<vmem>>
    %dma_start3A_38 = tpu.memref_squeeze %dma_start3A_37 : memref<1x128xi32, #tpu.memory_space<vmem>> -> memref<128xi32, #tpu.memory_space<vmem>>
    %dma_start3A_39 = tpu.memref_slice %arg3[%multiple_of3A_34] : memref<320000xi32, #tpu.memory_space<hbm>> -> memref<128xi32, #tpu.memory_space<hbm>>
    %dma_start3A_40 = arith.constant 0 : i32
    %dma_start3A_41 = tpu.memref_slice %arg8[%dma_start3A_35, %dma_start3A_40] : memref<4x128xi32, #tpu.memory_space<vmem>> -> memref<1x128xi32, #tpu.memory_space<vmem>>
    %dma_start3A_42 = tpu.memref_squeeze %dma_start3A_41 : memref<1x128xi32, #tpu.memory_space<vmem>> -> memref<128xi32, #tpu.memory_space<vmem>>
    %dma_start3A_43 = tpu.memref_slice %arg3[%multiple_of3A_34] : memref<320000xi32, #tpu.memory_space<hbm>> -> memref<128xi32, #tpu.memory_space<hbm>>
    tpu.enqueue_dma source(%dma_start3A_43 : memref<128xi32, #tpu.memory_space<hbm>>) target(%dma_start3A_42 : memref<128xi32, #tpu.memory_space<vmem>>) target_semaphore(%arg16 : memref<!tpu.dma_semaphore, #tpu.memory_space<semaphore_mem>>)
    %dma_start3A_44 = arith.constant 1 : i32
    %dma_start3A_45 = arith.constant 0 : i32
    %dma_start3A_46 = tpu.memref_slice %arg9[%dma_start3A_44, %dma_start3A_45] : memref<4x128xi32, #tpu.memory_space<vmem>> -> memref<1x128xi32, #tpu.memory_space<vmem>>
    %dma_start3A_47 = tpu.memref_squeeze %dma_start3A_46 : memref<1x128xi32, #tpu.memory_space<vmem>> -> memref<128xi32, #tpu.memory_space<vmem>>
    %dma_start3A_48 = tpu.memref_slice %arg4[%multiple_of3A_34] : memref<320000xi32, #tpu.memory_space<hbm>> -> memref<128xi32, #tpu.memory_space<hbm>>
    %dma_start3A_49 = arith.constant 0 : i32
    %dma_start3A_50 = tpu.memref_slice %arg9[%dma_start3A_44, %dma_start3A_49] : memref<4x128xi32, #tpu.memory_space<vmem>> -> memref<1x128xi32, #tpu.memory_space<vmem>>
    %dma_start3A_51 = tpu.memref_squeeze %dma_start3A_50 : memref<1x128xi32, #tpu.memory_space<vmem>> -> memref<128xi32, #tpu.memory_space<vmem>>
    %dma_start3A_52 = tpu.memref_slice %arg4[%multiple_of3A_34] : memref<320000xi32, #tpu.memory_space<hbm>> -> memref<128xi32, #tpu.memory_space<hbm>>
    tpu.enqueue_dma source(%dma_start3A_52 : memref<128xi32, #tpu.memory_space<hbm>>) target(%dma_start3A_51 : memref<128xi32, #tpu.memory_space<vmem>>) target_semaphore(%arg20 : memref<!tpu.dma_semaphore, #tpu.memory_space<semaphore_mem>>)
    %add3A_53 = arith.constant 256 : i32
    %add3A_54 = arith.addi %mul3A_4, %add3A_53 : i32
    %multiple_of3A_55 = tpu.assume_multiple %add3A_54, 8 : i32
    %dma_start3A_56 = arith.constant 2 : i32
    %dma_start3A_57 = arith.constant 0 : i32
    %dma_start3A_58 = tpu.memref_slice %arg8[%dma_start3A_56, %dma_start3A_57] : memref<4x128xi32, #tpu.memory_space<vmem>> -> memref<1x128xi32, #tpu.memory_space<vmem>>
    %dma_start3A_59 = tpu.memref_squeeze %dma_start3A_58 : memref<1x128xi32, #tpu.memory_space<vmem>> -> memref<128xi32, #tpu.memory_space<vmem>>
    %dma_start3A_60 = tpu.memref_slice %arg3[%multiple_of3A_55] : memref<320000xi32, #tpu.memory_space<hbm>> -> memref<128xi32, #tpu.memory_space<hbm>>
    %dma_start3A_61 = arith.constant 0 : i32
    %dma_start3A_62 = tpu.memref_slice %arg8[%dma_start3A_56, %dma_start3A_61] : memref<4x128xi32, #tpu.memory_space<vmem>> -> memref<1x128xi32, #tpu.memory_space<vmem>>
    %dma_start3A_63 = tpu.memref_squeeze %dma_start3A_62 : memref<1x128xi32, #tpu.memory_space<vmem>> -> memref<128xi32, #tpu.memory_space<vmem>>
    %dma_start3A_64 = tpu.memref_slice %arg3[%multiple_of3A_55] : memref<320000xi32, #tpu.memory_space<hbm>> -> memref<128xi32, #tpu.memory_space<hbm>>
    tpu.enqueue_dma source(%dma_start3A_64 : memref<128xi32, #tpu.memory_space<hbm>>) target(%dma_start3A_63 : memref<128xi32, #tpu.memory_space<vmem>>) target_semaphore(%arg17 : memref<!tpu.dma_semaphore, #tpu.memory_space<semaphore_mem>>)
    %dma_start3A_65 = arith.constant 2 : i32
    %dma_start3A_66 = arith.constant 0 : i32
    %dma_start3A_67 = tpu.memref_slice %arg9[%dma_start3A_65, %dma_start3A_66] : memref<4x128xi32, #tpu.memory_space<vmem>> -> memref<1x128xi32, #tpu.memory_space<vmem>>
    %dma_start3A_68 = tpu.memref_squeeze %dma_start3A_67 : memref<1x128xi32, #tpu.memory_space<vmem>> -> memref<128xi32, #tpu.memory_space<vmem>>
    %dma_start3A_69 = tpu.memref_slice %arg4[%multiple_of3A_55] : memref<320000xi32, #tpu.memory_space<hbm>> -> memref<128xi32, #tpu.memory_space<hbm>>
    %dma_start3A_70 = arith.constant 0 : i32
    %dma_start3A_71 = tpu.memref_slice %arg9[%dma_start3A_65, %dma_start3A_70] : memref<4x128xi32, #tpu.memory_space<vmem>> -> memref<1x128xi32, #tpu.memory_space<vmem>>
    %dma_start3A_72 = tpu.memref_squeeze %dma_start3A_71 : memref<1x128xi32, #tpu.memory_space<vmem>> -> memref<128xi32, #tpu.memory_space<vmem>>
    %dma_start3A_73 = tpu.memref_slice %arg4[%multiple_of3A_55] : memref<320000xi32, #tpu.memory_space<hbm>> -> memref<128xi32, #tpu.memory_space<hbm>>
    tpu.enqueue_dma source(%dma_start3A_73 : memref<128xi32, #tpu.memory_space<hbm>>) target(%dma_start3A_72 : memref<128xi32, #tpu.memory_space<vmem>>) target_semaphore(%arg21 : memref<!tpu.dma_semaphore, #tpu.memory_space<semaphore_mem>>)
    %add3A_74 = arith.constant 384 : i32
    %add3A_75 = arith.addi %mul3A_4, %add3A_74 : i32
    %multiple_of3A_76 = tpu.assume_multiple %add3A_75, 8 : i32
    %dma_start3A_77 = arith.constant 3 : i32
    %dma_start3A_78 = arith.constant 0 : i32
    %dma_start3A_79 = tpu.memref_slice %arg8[%dma_start3A_77, %dma_start3A_78] : memref<4x128xi32, #tpu.memory_space<vmem>> -> memref<1x128xi32, #tpu.memory_space<vmem>>
    %dma_start3A_80 = tpu.memref_squeeze %dma_start3A_79 : memref<1x128xi32, #tpu.memory_space<vmem>> -> memref<128xi32, #tpu.memory_space<vmem>>
    %dma_start3A_81 = tpu.memref_slice %arg3[%multiple_of3A_76] : memref<320000xi32, #tpu.memory_space<hbm>> -> memref<128xi32, #tpu.memory_space<hbm>>
    %dma_start3A_82 = arith.constant 0 : i32
    %dma_start3A_83 = tpu.memref_slice %arg8[%dma_start3A_77, %dma_start3A_82] : memref<4x128xi32, #tpu.memory_space<vmem>> -> memref<1x128xi32, #tpu.memory_space<vmem>>
    %dma_start3A_84 = tpu.memref_squeeze %dma_start3A_83 : memref<1x128xi32, #tpu.memory_space<vmem>> -> memref<128xi32, #tpu.memory_space<vmem>>
    %dma_start3A_85 = tpu.memref_slice %arg3[%multiple_of3A_76] : memref<320000xi32, #tpu.memory_space<hbm>> -> memref<128xi32, #tpu.memory_space<hbm>>
    tpu.enqueue_dma source(%dma_start3A_85 : memref<128xi32, #tpu.memory_space<hbm>>) target(%dma_start3A_84 : memref<128xi32, #tpu.memory_space<vmem>>) target_semaphore(%arg18 : memref<!tpu.dma_semaphore, #tpu.memory_space<semaphore_mem>>)
    %dma_start3A_86 = arith.constant 3 : i32
    %dma_start3A_87 = arith.constant 0 : i32
    %dma_start3A_88 = tpu.memref_slice %arg9[%dma_start3A_86, %dma_start3A_87] : memref<4x128xi32, #tpu.memory_space<vmem>> -> memref<1x128xi32, #tpu.memory_space<vmem>>
    %dma_start3A_89 = tpu.memref_squeeze %dma_start3A_88 : memref<1x128xi32, #tpu.memory_space<vmem>> -> memref<128xi32, #tpu.memory_space<vmem>>
    %dma_start3A_90 = tpu.memref_slice %arg4[%multiple_of3A_76] : memref<320000xi32, #tpu.memory_space<hbm>> -> memref<128xi32, #tpu.memory_space<hbm>>
    %dma_start3A_91 = arith.constant 0 : i32
    %dma_start3A_92 = tpu.memref_slice %arg9[%dma_start3A_86, %dma_start3A_91] : memref<4x128xi32, #tpu.memory_space<vmem>> -> memref<1x128xi32, #tpu.memory_space<vmem>>
    %dma_start3A_93 = tpu.memref_squeeze %dma_start3A_92 : memref<1x128xi32, #tpu.memory_space<vmem>> -> memref<128xi32, #tpu.memory_space<vmem>>
    %dma_start3A_94 = tpu.memref_slice %arg4[%multiple_of3A_76] : memref<320000xi32, #tpu.memory_space<hbm>> -> memref<128xi32, #tpu.memory_space<hbm>>
    tpu.enqueue_dma source(%dma_start3A_94 : memref<128xi32, #tpu.memory_space<hbm>>) target(%dma_start3A_93 : memref<128xi32, #tpu.memory_space<vmem>>) target_semaphore(%arg22 : memref<!tpu.dma_semaphore, #tpu.memory_space<semaphore_mem>>)
    %dma_wait3A = tpu.memref_slice %arg3[%multiple_of3A_7] : memref<320000xi32, #tpu.memory_space<hbm>> -> memref<16xi32, #tpu.memory_space<hbm>>
    %dma_wait3A_95 = tpu.memref_slice %arg3[%multiple_of3A_7] : memref<320000xi32, #tpu.memory_space<hbm>> -> memref<16xi32, #tpu.memory_space<hbm>>
    tpu.wait_dma2 semaphore(%arg27 : memref<!tpu.dma_semaphore, #tpu.memory_space<semaphore_mem>>) src(%dma_wait3A_95 : memref<16xi32, #tpu.memory_space<hbm>>) dst(%arg12 : memref<16xi32, #tpu.memory_space<vmem>>)
    %dma_wait3A_96 = tpu.memref_slice %arg4[%multiple_of3A_7] : memref<320000xi32, #tpu.memory_space<hbm>> -> memref<16xi32, #tpu.memory_space<hbm>>
    %dma_wait3A_97 = tpu.memref_slice %arg4[%multiple_of3A_7] : memref<320000xi32, #tpu.memory_space<hbm>> -> memref<16xi32, #tpu.memory_space<hbm>>
    tpu.wait_dma2 semaphore(%arg28 : memref<!tpu.dma_semaphore, #tpu.memory_space<semaphore_mem>>) src(%dma_wait3A_97 : memref<16xi32, #tpu.memory_space<hbm>>) dst(%arg13 : memref<16xi32, #tpu.memory_space<vmem>>)
    %dma_start3A_98 = arith.constant 0 : i32
    %dma_start3A_99 = arith.constant 0 : i32
    %dma_start3A_100 = tpu.memref_slice %arg2[%dma_start3A_98, %dma_start3A_99] : memref<10000x128xf32, #tpu.memory_space<hbm>> -> memref<10000x128xf32, #tpu.memory_space<hbm>>
    tpu.enqueue_indirect_dma source(%dma_start3A_100 : memref<10000x128xf32, #tpu.memory_space<hbm>>) target(%arg14 : memref<16x128xf32, #tpu.memory_space<vmem>>) offsets(%arg12 : memref<16xi32, #tpu.memory_space<vmem>>) semaphore(%arg29 : memref<!tpu.dma_semaphore, #tpu.memory_space<semaphore_mem>>)
    %add3A_101 = arith.constant 0 : i32
    %add3A_102 = arith.addi %mul3A_4, %add3A_101 : i32
    %multiple_of3A_103 = tpu.assume_multiple %add3A_102, 8 : i32
    %dma_wait3A_104 = arith.constant 0 : i32
    %dma_wait3A_105 = arith.constant 0 : i32
    %dma_wait3A_106 = tpu.memref_slice %arg8[%dma_wait3A_104, %dma_wait3A_105] : memref<4x128xi32, #tpu.memory_space<vmem>> -> memref<1x128xi32, #tpu.memory_space<vmem>>
    %dma_wait3A_107 = tpu.memref_squeeze %dma_wait3A_106 : memref<1x128xi32, #tpu.memory_space<vmem>> -> memref<128xi32, #tpu.memory_space<vmem>>
    %dma_wait3A_108 = tpu.memref_slice %arg3[%multiple_of3A_103] : memref<320000xi32, #tpu.memory_space<hbm>> -> memref<128xi32, #tpu.memory_space<hbm>>
    %dma_wait3A_109 = arith.constant 0 : i32
    %dma_wait3A_110 = tpu.memref_slice %arg8[%dma_wait3A_104, %dma_wait3A_109] : memref<4x128xi32, #tpu.memory_space<vmem>> -> memref<1x128xi32, #tpu.memory_space<vmem>>
    %dma_wait3A_111 = tpu.memref_squeeze %dma_wait3A_110 : memref<1x128xi32, #tpu.memory_space<vmem>> -> memref<128xi32, #tpu.memory_space<vmem>>
    %dma_wait3A_112 = tpu.memref_slice %arg3[%multiple_of3A_103] : memref<320000xi32, #tpu.memory_space<hbm>> -> memref<128xi32, #tpu.memory_space<hbm>>
    tpu.wait_dma2 semaphore(%arg15 : memref<!tpu.dma_semaphore, #tpu.memory_space<semaphore_mem>>) src(%dma_wait3A_112 : memref<128xi32, #tpu.memory_space<hbm>>) dst(%dma_wait3A_111 : memref<128xi32, #tpu.memory_space<vmem>>)
    %dma_wait3A_113 = arith.constant 0 : i32
    %dma_wait3A_114 = arith.constant 0 : i32
    %dma_wait3A_115 = tpu.memref_slice %arg9[%dma_wait3A_113, %dma_wait3A_114] : memref<4x128xi32, #tpu.memory_space<vmem>> -> memref<1x128xi32, #tpu.memory_space<vmem>>
    %dma_wait3A_116 = tpu.memref_squeeze %dma_wait3A_115 : memref<1x128xi32, #tpu.memory_space<vmem>> -> memref<128xi32, #tpu.memory_space<vmem>>
    %dma_wait3A_117 = tpu.memref_slice %arg4[%multiple_of3A_103] : memref<320000xi32, #tpu.memory_space<hbm>> -> memref<128xi32, #tpu.memory_space<hbm>>
    %dma_wait3A_118 = arith.constant 0 : i32
    %dma_wait3A_119 = tpu.memref_slice %arg9[%dma_wait3A_113, %dma_wait3A_118] : memref<4x128xi32, #tpu.memory_space<vmem>> -> memref<1x128xi32, #tpu.memory_space<vmem>>
    %dma_wait3A_120 = tpu.memref_squeeze %dma_wait3A_119 : memref<1x128xi32, #tpu.memory_space<vmem>> -> memref<128xi32, #tpu.memory_space<vmem>>
    %dma_wait3A_121 = tpu.memref_slice %arg4[%multiple_of3A_103] : memref<320000xi32, #tpu.memory_space<hbm>> -> memref<128xi32, #tpu.memory_space<hbm>>
    tpu.wait_dma2 semaphore(%arg19 : memref<!tpu.dma_semaphore, #tpu.memory_space<semaphore_mem>>) src(%dma_wait3A_121 : memref<128xi32, #tpu.memory_space<hbm>>) dst(%dma_wait3A_120 : memref<128xi32, #tpu.memory_space<vmem>>)
    %dma_start3A_122 = arith.constant 0 : i32
    %dma_start3A_123 = arith.constant 0 : i32
    %dma_start3A_124 = tpu.memref_slice %arg8[%dma_start3A_122, %dma_start3A_123] : memref<4x128xi32, #tpu.memory_space<vmem>> -> memref<1x128xi32, #tpu.memory_space<vmem>>
    %dma_start3A_125 = tpu.memref_squeeze %dma_start3A_124 : memref<1x128xi32, #tpu.memory_space<vmem>> -> memref<128xi32, #tpu.memory_space<vmem>>
    %dma_start3A_126 = arith.constant 0 : i32
    %dma_start3A_127 = arith.constant 0 : i32
    %dma_start3A_128 = tpu.memref_slice %arg2[%dma_start3A_126, %dma_start3A_127] : memref<10000x128xf32, #tpu.memory_space<hbm>> -> memref<10000x128xf32, #tpu.memory_space<hbm>>
    tpu.enqueue_indirect_dma source(%dma_start3A_128 : memref<10000x128xf32, #tpu.memory_space<hbm>>) target(%arg10 : memref<128x128xf32, #tpu.memory_space<vmem>>) offsets(%dma_start3A_125 : memref<128xi32, #tpu.memory_space<vmem>>) semaphore(%arg23 : memref<!tpu.dma_semaphore, #tpu.memory_space<semaphore_mem>>)
    %add3A_129 = arith.constant 128 : i32
    %add3A_130 = arith.addi %mul3A_4, %add3A_129 : i32
    %multiple_of3A_131 = tpu.assume_multiple %add3A_130, 8 : i32
    %dma_wait3A_132 = arith.constant 1 : i32
    %dma_wait3A_133 = arith.constant 0 : i32
    %dma_wait3A_134 = tpu.memref_slice %arg8[%dma_wait3A_132, %dma_wait3A_133] : memref<4x128xi32, #tpu.memory_space<vmem>> -> memref<1x128xi32, #tpu.memory_space<vmem>>
    %dma_wait3A_135 = tpu.memref_squeeze %dma_wait3A_134 : memref<1x128xi32, #tpu.memory_space<vmem>> -> memref<128xi32, #tpu.memory_space<vmem>>
    %dma_wait3A_136 = tpu.memref_slice %arg3[%multiple_of3A_131] : memref<320000xi32, #tpu.memory_space<hbm>> -> memref<128xi32, #tpu.memory_space<hbm>>
    %dma_wait3A_137 = arith.constant 0 : i32
    %dma_wait3A_138 = tpu.memref_slice %arg8[%dma_wait3A_132, %dma_wait3A_137] : memref<4x128xi32, #tpu.memory_space<vmem>> -> memref<1x128xi32, #tpu.memory_space<vmem>>
    %dma_wait3A_139 = tpu.memref_squeeze %dma_wait3A_138 : memref<1x128xi32, #tpu.memory_space<vmem>> -> memref<128xi32, #tpu.memory_space<vmem>>
    %dma_wait3A_140 = tpu.memref_slice %arg3[%multiple_of3A_131] : memref<320000xi32, #tpu.memory_space<hbm>> -> memref<128xi32, #tpu.memory_space<hbm>>
    tpu.wait_dma2 semaphore(%arg16 : memref<!tpu.dma_semaphore, #tpu.memory_space<semaphore_mem>>) src(%dma_wait3A_140 : memref<128xi32, #tpu.memory_space<hbm>>) dst(%dma_wait3A_139 : memref<128xi32, #tpu.memory_space<vmem>>)
    %dma_wait3A_141 = arith.constant 1 : i32
    %dma_wait3A_142 = arith.constant 0 : i32
    %dma_wait3A_143 = tpu.memref_slice %arg9[%dma_wait3A_141, %dma_wait3A_142] : memref<4x128xi32, #tpu.memory_space<vmem>> -> memref<1x128xi32, #tpu.memory_space<vmem>>
    %dma_wait3A_144 = tpu.memref_squeeze %dma_wait3A_143 : memref<1x128xi32, #tpu.memory_space<vmem>> -> memref<128xi32, #tpu.memory_space<vmem>>
    %dma_wait3A_145 = tpu.memref_slice %arg4[%multiple_of3A_131] : memref<320000xi32, #tpu.memory_space<hbm>> -> memref<128xi32, #tpu.memory_space<hbm>>
    %dma_wait3A_146 = arith.constant 0 : i32
    %dma_wait3A_147 = tpu.memref_slice %arg9[%dma_wait3A_141, %dma_wait3A_146] : memref<4x128xi32, #tpu.memory_space<vmem>> -> memref<1x128xi32, #tpu.memory_space<vmem>>
    %dma_wait3A_148 = tpu.memref_squeeze %dma_wait3A_147 : memref<1x128xi32, #tpu.memory_space<vmem>> -> memref<128xi32, #tpu.memory_space<vmem>>
    %dma_wait3A_149 = tpu.memref_slice %arg4[%multiple_of3A_131] : memref<320000xi32, #tpu.memory_space<hbm>> -> memref<128xi32, #tpu.memory_space<hbm>>
    tpu.wait_dma2 semaphore(%arg20 : memref<!tpu.dma_semaphore, #tpu.memory_space<semaphore_mem>>) src(%dma_wait3A_149 : memref<128xi32, #tpu.memory_space<hbm>>) dst(%dma_wait3A_148 : memref<128xi32, #tpu.memory_space<vmem>>)
    %dma_wait3A_150 = arith.constant 0 : i32
    %dma_wait3A_151 = arith.constant 0 : i32
    %dma_wait3A_152 = tpu.memref_slice %arg8[%dma_wait3A_150, %dma_wait3A_151] : memref<4x128xi32, #tpu.memory_space<vmem>> -> memref<1x128xi32, #tpu.memory_space<vmem>>
    %dma_wait3A_153 = tpu.memref_squeeze %dma_wait3A_152 : memref<1x128xi32, #tpu.memory_space<vmem>> -> memref<128xi32, #tpu.memory_space<vmem>>
    %dma_wait3A_154 = arith.constant 0 : i32
    %dma_wait3A_155 = arith.constant 0 : i32
    %dma_wait3A_156 = tpu.memref_slice %arg2[%dma_wait3A_154, %dma_wait3A_155] : memref<10000x128xf32, #tpu.memory_space<hbm>> -> memref<10000x128xf32, #tpu.memory_space<hbm>>
    tpu.wait_indirect_dma semaphore(%arg23 : memref<!tpu.dma_semaphore, #tpu.memory_space<semaphore_mem>>) src(%dma_wait3A_156 : memref<10000x128xf32, #tpu.memory_space<hbm>>) dst(%arg10 : memref<128x128xf32, #tpu.memory_space<vmem>>)
    %dma_start3A_157 = arith.constant 0 : i32
    %dma_start3A_158 = arith.constant 0 : i32
    %dma_start3A_159 = tpu.memref_slice %arg9[%dma_start3A_157, %dma_start3A_158] : memref<4x128xi32, #tpu.memory_space<vmem>> -> memref<1x128xi32, #tpu.memory_space<vmem>>
    %dma_start3A_160 = tpu.memref_squeeze %dma_start3A_159 : memref<1x128xi32, #tpu.memory_space<vmem>> -> memref<128xi32, #tpu.memory_space<vmem>>
    %dma_start3A_161 = arith.constant 0 : i32
    %dma_start3A_162 = arith.constant 0 : i32
    %dma_start3A_163 = tpu.memref_slice %arg7[%dma_start3A_161, %dma_start3A_162] : memref<10240x128xf32, #tpu.memory_space<vmem_shared>> -> memref<10240x128xf32, #tpu.memory_space<vmem_shared>>
    tpu.enqueue_indirect_dma source(%arg10 : memref<128x128xf32, #tpu.memory_space<vmem>>) target(%dma_start3A_163 : memref<10240x128xf32, #tpu.memory_space<vmem_shared>>) offsets(%dma_start3A_160 : memref<128xi32, #tpu.memory_space<vmem>>) semaphore(%arg25 : memref<!tpu.dma_semaphore, #tpu.memory_space<semaphore_mem>>) {add = true}
    %dma_start3A_164 = arith.constant 1 : i32
    %dma_start3A_165 = arith.constant 0 : i32
    %dma_start3A_166 = tpu.memref_slice %arg8[%dma_start3A_164, %dma_start3A_165] : memref<4x128xi32, #tpu.memory_space<vmem>> -> memref<1x128xi32, #tpu.memory_space<vmem>>
    %dma_start3A_167 = tpu.memref_squeeze %dma_start3A_166 : memref<1x128xi32, #tpu.memory_space<vmem>> -> memref<128xi32, #tpu.memory_space<vmem>>
    %dma_start3A_168 = arith.constant 0 : i32
    %dma_start3A_169 = arith.constant 0 : i32
    %dma_start3A_170 = tpu.memref_slice %arg2[%dma_start3A_168, %dma_start3A_169] : memref<10000x128xf32, #tpu.memory_space<hbm>> -> memref<10000x128xf32, #tpu.memory_space<hbm>>
    tpu.enqueue_indirect_dma source(%dma_start3A_170 : memref<10000x128xf32, #tpu.memory_space<hbm>>) target(%arg11 : memref<128x128xf32, #tpu.memory_space<vmem>>) offsets(%dma_start3A_167 : memref<128xi32, #tpu.memory_space<vmem>>) semaphore(%arg24 : memref<!tpu.dma_semaphore, #tpu.memory_space<semaphore_mem>>)
    %dma_wait3A_171 = arith.constant 1 : i32
    %dma_wait3A_172 = arith.constant 0 : i32
    %dma_wait3A_173 = tpu.memref_slice %arg8[%dma_wait3A_171, %dma_wait3A_172] : memref<4x128xi32, #tpu.memory_space<vmem>> -> memref<1x128xi32, #tpu.memory_space<vmem>>
    %dma_wait3A_174 = tpu.memref_squeeze %dma_wait3A_173 : memref<1x128xi32, #tpu.memory_space<vmem>> -> memref<128xi32, #tpu.memory_space<vmem>>
    %dma_wait3A_175 = arith.constant 0 : i32
    %dma_wait3A_176 = arith.constant 0 : i32
    %dma_wait3A_177 = tpu.memref_slice %arg2[%dma_wait3A_175, %dma_wait3A_176] : memref<10000x128xf32, #tpu.memory_space<hbm>> -> memref<10000x128xf32, #tpu.memory_space<hbm>>
    tpu.wait_indirect_dma semaphore(%arg24 : memref<!tpu.dma_semaphore, #tpu.memory_space<semaphore_mem>>) src(%dma_wait3A_177 : memref<10000x128xf32, #tpu.memory_space<hbm>>) dst(%arg11 : memref<128x128xf32, #tpu.memory_space<vmem>>)
    %dma_start3A_178 = arith.constant 1 : i32
    %dma_start3A_179 = arith.constant 0 : i32
    %dma_start3A_180 = tpu.memref_slice %arg9[%dma_start3A_178, %dma_start3A_179] : memref<4x128xi32, #tpu.memory_space<vmem>> -> memref<1x128xi32, #tpu.memory_space<vmem>>
    %dma_start3A_181 = tpu.memref_squeeze %dma_start3A_180 : memref<1x128xi32, #tpu.memory_space<vmem>> -> memref<128xi32, #tpu.memory_space<vmem>>
    %dma_start3A_182 = arith.constant 0 : i32
    %dma_start3A_183 = arith.constant 0 : i32
    %dma_start3A_184 = tpu.memref_slice %arg7[%dma_start3A_182, %dma_start3A_183] : memref<10240x128xf32, #tpu.memory_space<vmem_shared>> -> memref<10240x128xf32, #tpu.memory_space<vmem_shared>>
    tpu.enqueue_indirect_dma source(%arg11 : memref<128x128xf32, #tpu.memory_space<vmem>>) target(%dma_start3A_184 : memref<10240x128xf32, #tpu.memory_space<vmem_shared>>) offsets(%dma_start3A_181 : memref<128xi32, #tpu.memory_space<vmem>>) semaphore(%arg26 : memref<!tpu.dma_semaphore, #tpu.memory_space<semaphore_mem>>) {add = true}
    %dma_wait3A_185 = arith.constant 0 : i32
    %dma_wait3A_186 = arith.constant 0 : i32
    %dma_wait3A_187 = tpu.memref_slice %arg9[%dma_wait3A_185, %dma_wait3A_186] : memref<4x128xi32, #tpu.memory_space<vmem>> -> memref<1x128xi32, #tpu.memory_space<vmem>>
    %dma_wait3A_188 = tpu.memref_squeeze %dma_wait3A_187 : memref<1x128xi32, #tpu.memory_space<vmem>> -> memref<128xi32, #tpu.memory_space<vmem>>
    %dma_wait3A_189 = arith.constant 0 : i32
    %dma_wait3A_190 = arith.constant 0 : i32
    %dma_wait3A_191 = tpu.memref_slice %arg7[%dma_wait3A_189, %dma_wait3A_190] : memref<10240x128xf32, #tpu.memory_space<vmem_shared>> -> memref<10240x128xf32, #tpu.memory_space<vmem_shared>>
    tpu.wait_indirect_dma semaphore(%arg25 : memref<!tpu.dma_semaphore, #tpu.memory_space<semaphore_mem>>) src(%arg10 : memref<128x128xf32, #tpu.memory_space<vmem>>) dst(%dma_wait3A_191 : memref<10240x128xf32, #tpu.memory_space<vmem_shared>>)
    %add3A_192 = arith.constant 512 : i32
    %add3A_193 = arith.addi %mul3A_4, %add3A_192 : i32
    %multiple_of3A_194 = tpu.assume_multiple %add3A_193, 8 : i32
    %dma_start3A_195 = arith.constant 0 : i32
    %dma_start3A_196 = arith.constant 0 : i32
    %dma_start3A_197 = tpu.memref_slice %arg8[%dma_start3A_195, %dma_start3A_196] : memref<4x128xi32, #tpu.memory_space<vmem>> -> memref<1x128xi32, #tpu.memory_space<vmem>>
    %dma_start3A_198 = tpu.memref_squeeze %dma_start3A_197 : memref<1x128xi32, #tpu.memory_space<vmem>> -> memref<128xi32, #tpu.memory_space<vmem>>
    %dma_start3A_199 = tpu.memref_slice %arg3[%multiple_of3A_194] : memref<320000xi32, #tpu.memory_space<hbm>> -> memref<128xi32, #tpu.memory_space<hbm>>
    %dma_start3A_200 = arith.constant 0 : i32
    %dma_start3A_201 = tpu.memref_slice %arg8[%dma_start3A_195, %dma_start3A_200] : memref<4x128xi32, #tpu.memory_space<vmem>> -> memref<1x128xi32, #tpu.memory_space<vmem>>
    %dma_start3A_202 = tpu.memref_squeeze %dma_start3A_201 : memref<1x128xi32, #tpu.memory_space<vmem>> -> memref<128xi32, #tpu.memory_space<vmem>>
    %dma_start3A_203 = tpu.memref_slice %arg3[%multiple_of3A_194] : memref<320000xi32, #tpu.memory_space<hbm>> -> memref<128xi32, #tpu.memory_space<hbm>>
    tpu.enqueue_dma source(%dma_start3A_203 : memref<128xi32, #tpu.memory_space<hbm>>) target(%dma_start3A_202 : memref<128xi32, #tpu.memory_space<vmem>>) target_semaphore(%arg15 : memref<!tpu.dma_semaphore, #tpu.memory_space<semaphore_mem>>)
    %dma_start3A_204 = arith.constant 0 : i32
    %dma_start3A_205 = arith.constant 0 : i32
    %dma_start3A_206 = tpu.memref_slice %arg9[%dma_start3A_204, %dma_start3A_205] : memref<4x128xi32, #tpu.memory_space<vmem>> -> memref<1x128xi32, #tpu.memory_space<vmem>>
    %dma_start3A_207 = tpu.memref_squeeze %dma_start3A_206 : memref<1x128xi32, #tpu.memory_space<vmem>> -> memref<128xi32, #tpu.memory_space<vmem>>
    %dma_start3A_208 = tpu.memref_slice %arg4[%multiple_of3A_194] : memref<320000xi32, #tpu.memory_space<hbm>> -> memref<128xi32, #tpu.memory_space<hbm>>
    %dma_start3A_209 = arith.constant 0 : i32
    %dma_start3A_210 = tpu.memref_slice %arg9[%dma_start3A_204, %dma_start3A_209] : memref<4x128xi32, #tpu.memory_space<vmem>> -> memref<1x128xi32, #tpu.memory_space<vmem>>
    %dma_start3A_211 = tpu.memref_squeeze %dma_start3A_210 : memref<1x128xi32, #tpu.memory_space<vmem>> -> memref<128xi32, #tpu.memory_space<vmem>>
    %dma_start3A_212 = tpu.memref_slice %arg4[%multiple_of3A_194] : memref<320000xi32, #tpu.memory_space<hbm>> -> memref<128xi32, #tpu.memory_space<hbm>>
    tpu.enqueue_dma source(%dma_start3A_212 : memref<128xi32, #tpu.memory_space<hbm>>) target(%dma_start3A_211 : memref<128xi32, #tpu.memory_space<vmem>>) target_semaphore(%arg19 : memref<!tpu.dma_semaphore, #tpu.memory_space<semaphore_mem>>)
    %add3A_213 = arith.constant 256 : i32
    %add3A_214 = arith.addi %mul3A_4, %add3A_213 : i32
    %multiple_of3A_215 = tpu.assume_multiple %add3A_214, 8 : i32
    %dma_wait3A_216 = arith.constant 2 : i32
    %dma_wait3A_217 = arith.constant 0 : i32
    %dma_wait3A_218 = tpu.memref_slice %arg8[%dma_wait3A_216, %dma_wait3A_217] : memref<4x128xi32, #tpu.memory_space<vmem>> -> memref<1x128xi32, #tpu.memory_space<vmem>>
    %dma_wait3A_219 = tpu.memref_squeeze %dma_wait3A_218 : memref<1x128xi32, #tpu.memory_space<vmem>> -> memref<128xi32, #tpu.memory_space<vmem>>
    %dma_wait3A_220 = tpu.memref_slice %arg3[%multiple_of3A_215] : memref<320000xi32, #tpu.memory_space<hbm>> -> memref<128xi32, #tpu.memory_space<hbm>>
    %dma_wait3A_221 = arith.constant 0 : i32
    %dma_wait3A_222 = tpu.memref_slice %arg8[%dma_wait3A_216, %dma_wait3A_221] : memref<4x128xi32, #tpu.memory_space<vmem>> -> memref<1x128xi32, #tpu.memory_space<vmem>>
    %dma_wait3A_223 = tpu.memref_squeeze %dma_wait3A_222 : memref<1x128xi32, #tpu.memory_space<vmem>> -> memref<128xi32, #tpu.memory_space<vmem>>
    %dma_wait3A_224 = tpu.memref_slice %arg3[%multiple_of3A_215] : memref<320000xi32, #tpu.memory_space<hbm>> -> memref<128xi32, #tpu.memory_space<hbm>>
    tpu.wait_dma2 semaphore(%arg17 : memref<!tpu.dma_semaphore, #tpu.memory_space<semaphore_mem>>) src(%dma_wait3A_224 : memref<128xi32, #tpu.memory_space<hbm>>) dst(%dma_wait3A_223 : memref<128xi32, #tpu.memory_space<vmem>>)
    %dma_wait3A_225 = arith.constant 2 : i32
    %dma_wait3A_226 = arith.constant 0 : i32
    %dma_wait3A_227 = tpu.memref_slice %arg9[%dma_wait3A_225, %dma_wait3A_226] : memref<4x128xi32, #tpu.memory_space<vmem>> -> memref<1x128xi32, #tpu.memory_space<vmem>>
    %dma_wait3A_228 = tpu.memref_squeeze %dma_wait3A_227 : memref<1x128xi32, #tpu.memory_space<vmem>> -> memref<128xi32, #tpu.memory_space<vmem>>
    %dma_wait3A_229 = tpu.memref_slice %arg4[%multiple_of3A_215] : memref<320000xi32, #tpu.memory_space<hbm>> -> memref<128xi32, #tpu.memory_space<hbm>>
    %dma_wait3A_230 = arith.constant 0 : i32
    %dma_wait3A_231 = tpu.memref_slice %arg9[%dma_wait3A_225, %dma_wait3A_230] : memref<4x128xi32, #tpu.memory_space<vmem>> -> memref<1x128xi32, #tpu.memory_space<vmem>>
    %dma_wait3A_232 = tpu.memref_squeeze %dma_wait3A_231 : memref<1x128xi32, #tpu.memory_space<vmem>> -> memref<128xi32, #tpu.memory_space<vmem>>
    %dma_wait3A_233 = tpu.memref_slice %arg4[%multiple_of3A_215] : memref<320000xi32, #tpu.memory_space<hbm>> -> memref<128xi32, #tpu.memory_space<hbm>>
    tpu.wait_dma2 semaphore(%arg21 : memref<!tpu.dma_semaphore, #tpu.memory_space<semaphore_mem>>) src(%dma_wait3A_233 : memref<128xi32, #tpu.memory_space<hbm>>) dst(%dma_wait3A_232 : memref<128xi32, #tpu.memory_space<vmem>>)
    %dma_start3A_234 = arith.constant 2 : i32
    %dma_start3A_235 = arith.constant 0 : i32
    %dma_start3A_236 = tpu.memref_slice %arg8[%dma_start3A_234, %dma_start3A_235] : memref<4x128xi32, #tpu.memory_space<vmem>> -> memref<1x128xi32, #tpu.memory_space<vmem>>
    %dma_start3A_237 = tpu.memref_squeeze %dma_start3A_236 : memref<1x128xi32, #tpu.memory_space<vmem>> -> memref<128xi32, #tpu.memory_space<vmem>>
    %dma_start3A_238 = arith.constant 0 : i32
    %dma_start3A_239 = arith.constant 0 : i32
    %dma_start3A_240 = tpu.memref_slice %arg2[%dma_start3A_238, %dma_start3A_239] : memref<10000x128xf32, #tpu.memory_space<hbm>> -> memref<10000x128xf32, #tpu.memory_space<hbm>>
    tpu.enqueue_indirect_dma source(%dma_start3A_240 : memref<10000x128xf32, #tpu.memory_space<hbm>>) target(%arg10 : memref<128x128xf32, #tpu.memory_space<vmem>>) offsets(%dma_start3A_237 : memref<128xi32, #tpu.memory_space<vmem>>) semaphore(%arg23 : memref<!tpu.dma_semaphore, #tpu.memory_space<semaphore_mem>>)
    %dma_wait3A_241 = arith.constant 2 : i32
    %dma_wait3A_242 = arith.constant 0 : i32
    %dma_wait3A_243 = tpu.memref_slice %arg8[%dma_wait3A_241, %dma_wait3A_242] : memref<4x128xi32, #tpu.memory_space<vmem>> -> memref<1x128xi32, #tpu.memory_space<vmem>>
    %dma_wait3A_244 = tpu.memref_squeeze %dma_wait3A_243 : memref<1x128xi32, #tpu.memory_space<vmem>> -> memref<128xi32, #tpu.memory_space<vmem>>
    %dma_wait3A_245 = arith.constant 0 : i32
    %dma_wait3A_246 = arith.constant 0 : i32
    %dma_wait3A_247 = tpu.memref_slice %arg2[%dma_wait3A_245, %dma_wait3A_246] : memref<10000x128xf32, #tpu.memory_space<hbm>> -> memref<10000x128xf32, #tpu.memory_space<hbm>>
    tpu.wait_indirect_dma semaphore(%arg23 : memref<!tpu.dma_semaphore, #tpu.memory_space<semaphore_mem>>) src(%dma_wait3A_247 : memref<10000x128xf32, #tpu.memory_space<hbm>>) dst(%arg10 : memref<128x128xf32, #tpu.memory_space<vmem>>)
    %dma_start3A_248 = arith.constant 2 : i32
    %dma_start3A_249 = arith.constant 0 : i32
    %dma_start3A_250 = tpu.memref_slice %arg9[%dma_start3A_248, %dma_start3A_249] : memref<4x128xi32, #tpu.memory_space<vmem>> -> memref<1x128xi32, #tpu.memory_space<vmem>>
    %dma_start3A_251 = tpu.memref_squeeze %dma_start3A_250 : memref<1x128xi32, #tpu.memory_space<vmem>> -> memref<128xi32, #tpu.memory_space<vmem>>
    %dma_start3A_252 = arith.constant 0 : i32
    %dma_start3A_253 = arith.constant 0 : i32
    %dma_start3A_254 = tpu.memref_slice %arg7[%dma_start3A_252, %dma_start3A_253] : memref<10240x128xf32, #tpu.memory_space<vmem_shared>> -> memref<10240x128xf32, #tpu.memory_space<vmem_shared>>
    tpu.enqueue_indirect_dma source(%arg10 : memref<128x128xf32, #tpu.memory_space<vmem>>) target(%dma_start3A_254 : memref<10240x128xf32, #tpu.memory_space<vmem_shared>>) offsets(%dma_start3A_251 : memref<128xi32, #tpu.memory_space<vmem>>) semaphore(%arg25 : memref<!tpu.dma_semaphore, #tpu.memory_space<semaphore_mem>>) {add = true}
    %dma_wait3A_255 = arith.constant 1 : i32
    %dma_wait3A_256 = arith.constant 0 : i32
    %dma_wait3A_257 = tpu.memref_slice %arg9[%dma_wait3A_255, %dma_wait3A_256] : memref<4x128xi32, #tpu.memory_space<vmem>> -> memref<1x128xi32, #tpu.memory_space<vmem>>
    %dma_wait3A_258 = tpu.memref_squeeze %dma_wait3A_257 : memref<1x128xi32, #tpu.memory_space<vmem>> -> memref<128xi32, #tpu.memory_space<vmem>>
    %dma_wait3A_259 = arith.constant 0 : i32
    %dma_wait3A_260 = arith.constant 0 : i32
    %dma_wait3A_261 = tpu.memref_slice %arg7[%dma_wait3A_259, %dma_wait3A_260] : memref<10240x128xf32, #tpu.memory_space<vmem_shared>> -> memref<10240x128xf32, #tpu.memory_space<vmem_shared>>
    tpu.wait_indirect_dma semaphore(%arg26 : memref<!tpu.dma_semaphore, #tpu.memory_space<semaphore_mem>>) src(%arg11 : memref<128x128xf32, #tpu.memory_space<vmem>>) dst(%dma_wait3A_261 : memref<10240x128xf32, #tpu.memory_space<vmem_shared>>)
    %add3A_262 = arith.constant 640 : i32
    %add3A_263 = arith.addi %mul3A_4, %add3A_262 : i32
    %multiple_of3A_264 = tpu.assume_multiple %add3A_263, 8 : i32
    %dma_start3A_265 = arith.constant 1 : i32
    %dma_start3A_266 = arith.constant 0 : i32
    %dma_start3A_267 = tpu.memref_slice %arg8[%dma_start3A_265, %dma_start3A_266] : memref<4x128xi32, #tpu.memory_space<vmem>> -> memref<1x128xi32, #tpu.memory_space<vmem>>
    %dma_start3A_268 = tpu.memref_squeeze %dma_start3A_267 : memref<1x128xi32, #tpu.memory_space<vmem>> -> memref<128xi32, #tpu.memory_space<vmem>>
    %dma_start3A_269 = tpu.memref_slice %arg3[%multiple_of3A_264] : memref<320000xi32, #tpu.memory_space<hbm>> -> memref<128xi32, #tpu.memory_space<hbm>>
    %dma_start3A_270 = arith.constant 0 : i32
    %dma_start3A_271 = tpu.memref_slice %arg8[%dma_start3A_265, %dma_start3A_270] : memref<4x128xi32, #tpu.memory_space<vmem>> -> memref<1x128xi32, #tpu.memory_space<vmem>>
    %dma_start3A_272 = tpu.memref_squeeze %dma_start3A_271 : memref<1x128xi32, #tpu.memory_space<vmem>> -> memref<128xi32, #tpu.memory_space<vmem>>
    %dma_start3A_273 = tpu.memref_slice %arg3[%multiple_of3A_264] : memref<320000xi32, #tpu.memory_space<hbm>> -> memref<128xi32, #tpu.memory_space<hbm>>
    tpu.enqueue_dma source(%dma_start3A_273 : memref<128xi32, #tpu.memory_space<hbm>>) target(%dma_start3A_272 : memref<128xi32, #tpu.memory_space<vmem>>) target_semaphore(%arg16 : memref<!tpu.dma_semaphore, #tpu.memory_space<semaphore_mem>>)
    %dma_start3A_274 = arith.constant 1 : i32
    %dma_start3A_275 = arith.constant 0 : i32
    %dma_start3A_276 = tpu.memref_slice %arg9[%dma_start3A_274, %dma_start3A_275] : memref<4x128xi32, #tpu.memory_space<vmem>> -> memref<1x128xi32, #tpu.memory_space<vmem>>
    %dma_start3A_277 = tpu.memref_squeeze %dma_start3A_276 : memref<1x128xi32, #tpu.memory_space<vmem>> -> memref<128xi32, #tpu.memory_space<vmem>>
    %dma_start3A_278 = tpu.memref_slice %arg4[%multiple_of3A_264] : memref<320000xi32, #tpu.memory_space<hbm>> -> memref<128xi32, #tpu.memory_space<hbm>>
    %dma_start3A_279 = arith.constant 0 : i32
    %dma_start3A_280 = tpu.memref_slice %arg9[%dma_start3A_274, %dma_start3A_279] : memref<4x128xi32, #tpu.memory_space<vmem>> -> memref<1x128xi32, #tpu.memory_space<vmem>>
    %dma_start3A_281 = tpu.memref_squeeze %dma_start3A_280 : memref<1x128xi32, #tpu.memory_space<vmem>> -> memref<128xi32, #tpu.memory_space<vmem>>
    %dma_start3A_282 = tpu.memref_slice %arg4[%multiple_of3A_264] : memref<320000xi32, #tpu.memory_space<hbm>> -> memref<128xi32, #tpu.memory_space<hbm>>
    tpu.enqueue_dma source(%dma_start3A_282 : memref<128xi32, #tpu.memory_space<hbm>>) target(%dma_start3A_281 : memref<128xi32, #tpu.memory_space<vmem>>) target_semaphore(%arg20 : memref<!tpu.dma_semaphore, #tpu.memory_space<semaphore_mem>>)
    %add3A_283 = arith.constant 384 : i32
    %add3A_284 = arith.addi %mul3A_4, %add3A_283 : i32
    %multiple_of3A_285 = tpu.assume_multiple %add3A_284, 8 : i32
    %dma_wait3A_286 = arith.constant 3 : i32
    %dma_wait3A_287 = arith.constant 0 : i32
    %dma_wait3A_288 = tpu.memref_slice %arg8[%dma_wait3A_286, %dma_wait3A_287] : memref<4x128xi32, #tpu.memory_space<vmem>> -> memref<1x128xi32, #tpu.memory_space<vmem>>
    %dma_wait3A_289 = tpu.memref_squeeze %dma_wait3A_288 : memref<1x128xi32, #tpu.memory_space<vmem>> -> memref<128xi32, #tpu.memory_space<vmem>>
    %dma_wait3A_290 = tpu.memref_slice %arg3[%multiple_of3A_285] : memref<320000xi32, #tpu.memory_space<hbm>> -> memref<128xi32, #tpu.memory_space<hbm>>
    %dma_wait3A_291 = arith.constant 0 : i32
    %dma_wait3A_292 = tpu.memref_slice %arg8[%dma_wait3A_286, %dma_wait3A_291] : memref<4x128xi32, #tpu.memory_space<vmem>> -> memref<1x128xi32, #tpu.memory_space<vmem>>
    %dma_wait3A_293 = tpu.memref_squeeze %dma_wait3A_292 : memref<1x128xi32, #tpu.memory_space<vmem>> -> memref<128xi32, #tpu.memory_space<vmem>>
    %dma_wait3A_294 = tpu.memref_slice %arg3[%multiple_of3A_285] : memref<320000xi32, #tpu.memory_space<hbm>> -> memref<128xi32, #tpu.memory_space<hbm>>
    tpu.wait_dma2 semaphore(%arg18 : memref<!tpu.dma_semaphore, #tpu.memory_space<semaphore_mem>>) src(%dma_wait3A_294 : memref<128xi32, #tpu.memory_space<hbm>>) dst(%dma_wait3A_293 : memref<128xi32, #tpu.memory_space<vmem>>)
    %dma_wait3A_295 = arith.constant 3 : i32
    %dma_wait3A_296 = arith.constant 0 : i32
    %dma_wait3A_297 = tpu.memref_slice %arg9[%dma_wait3A_295, %dma_wait3A_296] : memref<4x128xi32, #tpu.memory_space<vmem>> -> memref<1x128xi32, #tpu.memory_space<vmem>>
    %dma_wait3A_298 = tpu.memref_squeeze %dma_wait3A_297 : memref<1x128xi32, #tpu.memory_space<vmem>> -> memref<128xi32, #tpu.memory_space<vmem>>
    %dma_wait3A_299 = tpu.memref_slice %arg4[%multiple_of3A_285] : memref<320000xi32, #tpu.memory_space<hbm>> -> memref<128xi32, #tpu.memory_space<hbm>>
    %dma_wait3A_300 = arith.constant 0 : i32
    %dma_wait3A_301 = tpu.memref_slice %arg9[%dma_wait3A_295, %dma_wait3A_300] : memref<4x128xi32, #tpu.memory_space<vmem>> -> memref<1x128xi32, #tpu.memory_space<vmem>>
    %dma_wait3A_302 = tpu.memref_squeeze %dma_wait3A_301 : memref<1x128xi32, #tpu.memory_space<vmem>> -> memref<128xi32, #tpu.memory_space<vmem>>
    %dma_wait3A_303 = tpu.memref_slice %arg4[%multiple_of3A_285] : memref<320000xi32, #tpu.memory_space<hbm>> -> memref<128xi32, #tpu.memory_space<hbm>>
    tpu.wait_dma2 semaphore(%arg22 : memref<!tpu.dma_semaphore, #tpu.memory_space<semaphore_mem>>) src(%dma_wait3A_303 : memref<128xi32, #tpu.memory_space<hbm>>) dst(%dma_wait3A_302 : memref<128xi32, #tpu.memory_space<vmem>>)
    %dma_start3A_304 = arith.constant 3 : i32
    %dma_start3A_305 = arith.constant 0 : i32
    %dma_start3A_306 = tpu.memref_slice %arg8[%dma_start3A_304, %dma_start3A_305] : memref<4x128xi32, #tpu.memory_space<vmem>> -> memref<1x128xi32, #tpu.memory_space<vmem>>
    %dma_start3A_307 = tpu.memref_squeeze %dma_start3A_306 : memref<1x128xi32, #tpu.memory_space<vmem>> -> memref<128xi32, #tpu.memory_space<vmem>>
    %dma_start3A_308 = arith.constant 0 : i32
    %dma_start3A_309 = arith.constant 0 : i32
    %dma_start3A_310 = tpu.memref_slice %arg2[%dma_start3A_308, %dma_start3A_309] : memref<10000x128xf32, #tpu.memory_space<hbm>> -> memref<10000x128xf32, #tpu.memory_space<hbm>>
    tpu.enqueue_indirect_dma source(%dma_start3A_310 : memref<10000x128xf32, #tpu.memory_space<hbm>>) target(%arg11 : memref<128x128xf32, #tpu.memory_space<vmem>>) offsets(%dma_start3A_307 : memref<128xi32, #tpu.memory_space<vmem>>) semaphore(%arg24 : memref<!tpu.dma_semaphore, #tpu.memory_space<semaphore_mem>>)
    %scan3A = arith.constant 0 : i32
    %scan3A_311 = arith.constant 18 : i32
    %scan3A_312 = arith.addi %scan3A, %scan3A_311 : i32
    %scan3A_313 = arith.constant 1 : i32
    scf.for %scan3A_451 = %scan3A to %scan3A_312 step %scan3A_313  : i32 {
      %mul3A_452 = arith.constant 4 : i32
      %mul3A_453 = arith.muli %scan3A_451, %mul3A_452 : i32
      %add3A_454 = arith.constant 3 : i32
      %add3A_455 = arith.addi %add3A_454, %mul3A_453 : i32
      %add3A_456 = arith.constant 0 : i32
      %add3A_457 = arith.addi %add3A_455, %add3A_456 : i32
      %dma_wait3A_458 = arith.constant 3 : i32
      %dma_wait3A_459 = arith.constant 0 : i32
      %dma_wait3A_460 = tpu.memref_slice %arg8[%dma_wait3A_458, %dma_wait3A_459] : memref<4x128xi32, #tpu.memory_space<vmem>> -> memref<1x128xi32, #tpu.memory_space<vmem>>
      %dma_wait3A_461 = tpu.memref_squeeze %dma_wait3A_460 : memref<1x128xi32, #tpu.memory_space<vmem>> -> memref<128xi32, #tpu.memory_space<vmem>>
      %dma_wait3A_462 = arith.constant 0 : i32
      %dma_wait3A_463 = arith.constant 0 : i32
      %dma_wait3A_464 = tpu.memref_slice %arg2[%dma_wait3A_462, %dma_wait3A_463] : memref<10000x128xf32, #tpu.memory_space<hbm>> -> memref<10000x128xf32, #tpu.memory_space<hbm>>
      tpu.wait_indirect_dma semaphore(%arg24 : memref<!tpu.dma_semaphore, #tpu.memory_space<semaphore_mem>>) src(%dma_wait3A_464 : memref<10000x128xf32, #tpu.memory_space<hbm>>) dst(%arg11 : memref<128x128xf32, #tpu.memory_space<vmem>>)
      %dma_start3A_465 = arith.constant 3 : i32
      %dma_start3A_466 = arith.constant 0 : i32
      %dma_start3A_467 = tpu.memref_slice %arg9[%dma_start3A_465, %dma_start3A_466] : memref<4x128xi32, #tpu.memory_space<vmem>> -> memref<1x128xi32, #tpu.memory_space<vmem>>
      %dma_start3A_468 = tpu.memref_squeeze %dma_start3A_467 : memref<1x128xi32, #tpu.memory_space<vmem>> -> memref<128xi32, #tpu.memory_space<vmem>>
      %dma_start3A_469 = arith.constant 0 : i32
      %dma_start3A_470 = arith.constant 0 : i32
      %dma_start3A_471 = tpu.memref_slice %arg7[%dma_start3A_469, %dma_start3A_470] : memref<10240x128xf32, #tpu.memory_space<vmem_shared>> -> memref<10240x128xf32, #tpu.memory_space<vmem_shared>>
      tpu.enqueue_indirect_dma source(%arg11 : memref<128x128xf32, #tpu.memory_space<vmem>>) target(%dma_start3A_471 : memref<10240x128xf32, #tpu.memory_space<vmem_shared>>) offsets(%dma_start3A_468 : memref<128xi32, #tpu.memory_space<vmem>>) semaphore(%arg26 : memref<!tpu.dma_semaphore, #tpu.memory_space<semaphore_mem>>) {add = true}
      %dma_wait3A_472 = arith.constant 2 : i32
      %dma_wait3A_473 = arith.constant 0 : i32
      %dma_wait3A_474 = tpu.memref_slice %arg9[%dma_wait3A_472, %dma_wait3A_473] : memref<4x128xi32, #tpu.memory_space<vmem>> -> memref<1x128xi32, #tpu.memory_space<vmem>>
      %dma_wait3A_475 = tpu.memref_squeeze %dma_wait3A_474 : memref<1x128xi32, #tpu.memory_space<vmem>> -> memref<128xi32, #tpu.memory_space<vmem>>
      %dma_wait3A_476 = arith.constant 0 : i32
      %dma_wait3A_477 = arith.constant 0 : i32
      %dma_wait3A_478 = tpu.memref_slice %arg7[%dma_wait3A_476, %dma_wait3A_477] : memref<10240x128xf32, #tpu.memory_space<vmem_shared>> -> memref<10240x128xf32, #tpu.memory_space<vmem_shared>>
      tpu.wait_indirect_dma semaphore(%arg25 : memref<!tpu.dma_semaphore, #tpu.memory_space<semaphore_mem>>) src(%arg10 : memref<128x128xf32, #tpu.memory_space<vmem>>) dst(%dma_wait3A_478 : memref<10240x128xf32, #tpu.memory_space<vmem_shared>>)
      %add3A_479 = arith.constant 4 : i32
      %add3A_480 = arith.addi %add3A_457, %add3A_479 : i32
      %sub3A = arith.constant 1 : i32
      %sub3A_481 = arith.subi %add3A_480, %sub3A : i32
      %mul3A_482 = arith.constant 128 : i32
      %mul3A_483 = arith.muli %sub3A_481, %mul3A_482 : i32
      %add3A_484 = arith.addi %mul3A_4, %mul3A_483 : i32
      %multiple_of3A_485 = tpu.assume_multiple %add3A_484, 8 : i32
      %dma_start3A_486 = arith.constant 2 : i32
      %dma_start3A_487 = arith.constant 0 : i32
      %dma_start3A_488 = tpu.memref_slice %arg8[%dma_start3A_486, %dma_start3A_487] : memref<4x128xi32, #tpu.memory_space<vmem>> -> memref<1x128xi32, #tpu.memory_space<vmem>>
      %dma_start3A_489 = tpu.memref_squeeze %dma_start3A_488 : memref<1x128xi32, #tpu.memory_space<vmem>> -> memref<128xi32, #tpu.memory_space<vmem>>
      %dma_start3A_490 = tpu.memref_slice %arg3[%multiple_of3A_485] : memref<320000xi32, #tpu.memory_space<hbm>> -> memref<128xi32, #tpu.memory_space<hbm>>
      %dma_start3A_491 = arith.constant 0 : i32
      %dma_start3A_492 = tpu.memref_slice %arg8[%dma_start3A_486, %dma_start3A_491] : memref<4x128xi32, #tpu.memory_space<vmem>> -> memref<1x128xi32, #tpu.memory_space<vmem>>
      %dma_start3A_493 = tpu.memref_squeeze %dma_start3A_492 : memref<1x128xi32, #tpu.memory_space<vmem>> -> memref<128xi32, #tpu.memory_space<vmem>>
      %dma_start3A_494 = tpu.memref_slice %arg3[%multiple_of3A_485] : memref<320000xi32, #tpu.memory_space<hbm>> -> memref<128xi32, #tpu.memory_space<hbm>>
      tpu.enqueue_dma source(%dma_start3A_494 : memref<128xi32, #tpu.memory_space<hbm>>) target(%dma_start3A_493 : memref<128xi32, #tpu.memory_space<vmem>>) target_semaphore(%arg17 : memref<!tpu.dma_semaphore, #tpu.memory_space<semaphore_mem>>)
      %dma_start3A_495 = arith.constant 2 : i32
      %dma_start3A_496 = arith.constant 0 : i32
      %dma_start3A_497 = tpu.memref_slice %arg9[%dma_start3A_495, %dma_start3A_496] : memref<4x128xi32, #tpu.memory_space<vmem>> -> memref<1x128xi32, #tpu.memory_space<vmem>>
      %dma_start3A_498 = tpu.memref_squeeze %dma_start3A_497 : memref<1x128xi32, #tpu.memory_space<vmem>> -> memref<128xi32, #tpu.memory_space<vmem>>
      %dma_start3A_499 = tpu.memref_slice %arg4[%multiple_of3A_485] : memref<320000xi32, #tpu.memory_space<hbm>> -> memref<128xi32, #tpu.memory_space<hbm>>
      %dma_start3A_500 = arith.constant 0 : i32
      %dma_start3A_501 = tpu.memref_slice %arg9[%dma_start3A_495, %dma_start3A_500] : memref<4x128xi32, #tpu.memory_space<vmem>> -> memref<1x128xi32, #tpu.memory_space<vmem>>
      %dma_start3A_502 = tpu.memref_squeeze %dma_start3A_501 : memref<1x128xi32, #tpu.memory_space<vmem>> -> memref<128xi32, #tpu.memory_space<vmem>>
      %dma_start3A_503 = tpu.memref_slice %arg4[%multiple_of3A_485] : memref<320000xi32, #tpu.memory_space<hbm>> -> memref<128xi32, #tpu.memory_space<hbm>>
      tpu.enqueue_dma source(%dma_start3A_503 : memref<128xi32, #tpu.memory_space<hbm>>) target(%dma_start3A_502 : memref<128xi32, #tpu.memory_space<vmem>>) target_semaphore(%arg21 : memref<!tpu.dma_semaphore, #tpu.memory_space<semaphore_mem>>)
      %add3A_504 = arith.constant 1 : i32
      %add3A_505 = arith.addi %add3A_457, %add3A_504 : i32
      %mul3A_506 = arith.constant 128 : i32
      %mul3A_507 = arith.muli %add3A_505, %mul3A_506 : i32
      %add3A_508 = arith.addi %mul3A_4, %mul3A_507 : i32
      %multiple_of3A_509 = tpu.assume_multiple %add3A_508, 8 : i32
      %dma_wait3A_510 = arith.constant 0 : i32
      %dma_wait3A_511 = arith.constant 0 : i32
      %dma_wait3A_512 = tpu.memref_slice %arg8[%dma_wait3A_510, %dma_wait3A_511] : memref<4x128xi32, #tpu.memory_space<vmem>> -> memref<1x128xi32, #tpu.memory_space<vmem>>
      %dma_wait3A_513 = tpu.memref_squeeze %dma_wait3A_512 : memref<1x128xi32, #tpu.memory_space<vmem>> -> memref<128xi32, #tpu.memory_space<vmem>>
      %dma_wait3A_514 = tpu.memref_slice %arg3[%multiple_of3A_509] : memref<320000xi32, #tpu.memory_space<hbm>> -> memref<128xi32, #tpu.memory_space<hbm>>
      %dma_wait3A_515 = arith.constant 0 : i32
      %dma_wait3A_516 = tpu.memref_slice %arg8[%dma_wait3A_510, %dma_wait3A_515] : memref<4x128xi32, #tpu.memory_space<vmem>> -> memref<1x128xi32, #tpu.memory_space<vmem>>
      %dma_wait3A_517 = tpu.memref_squeeze %dma_wait3A_516 : memref<1x128xi32, #tpu.memory_space<vmem>> -> memref<128xi32, #tpu.memory_space<vmem>>
      %dma_wait3A_518 = tpu.memref_slice %arg3[%multiple_of3A_509] : memref<320000xi32, #tpu.memory_space<hbm>> -> memref<128xi32, #tpu.memory_space<hbm>>
      tpu.wait_dma2 semaphore(%arg15 : memref<!tpu.dma_semaphore, #tpu.memory_space<semaphore_mem>>) src(%dma_wait3A_518 : memref<128xi32, #tpu.memory_space<hbm>>) dst(%dma_wait3A_517 : memref<128xi32, #tpu.memory_space<vmem>>)
      %dma_wait3A_519 = arith.constant 0 : i32
      %dma_wait3A_520 = arith.constant 0 : i32
      %dma_wait3A_521 = tpu.memref_slice %arg9[%dma_wait3A_519, %dma_wait3A_520] : memref<4x128xi32, #tpu.memory_space<vmem>> -> memref<1x128xi32, #tpu.memory_space<vmem>>
      %dma_wait3A_522 = tpu.memref_squeeze %dma_wait3A_521 : memref<1x128xi32, #tpu.memory_space<vmem>> -> memref<128xi32, #tpu.memory_space<vmem>>
      %dma_wait3A_523 = tpu.memref_slice %arg4[%multiple_of3A_509] : memref<320000xi32, #tpu.memory_space<hbm>> -> memref<128xi32, #tpu.memory_space<hbm>>
      %dma_wait3A_524 = arith.constant 0 : i32
      %dma_wait3A_525 = tpu.memref_slice %arg9[%dma_wait3A_519, %dma_wait3A_524] : memref<4x128xi32, #tpu.memory_space<vmem>> -> memref<1x128xi32, #tpu.memory_space<vmem>>
      %dma_wait3A_526 = tpu.memref_squeeze %dma_wait3A_525 : memref<1x128xi32, #tpu.memory_space<vmem>> -> memref<128xi32, #tpu.memory_space<vmem>>
      %dma_wait3A_527 = tpu.memref_slice %arg4[%multiple_of3A_509] : memref<320000xi32, #tpu.memory_space<hbm>> -> memref<128xi32, #tpu.memory_space<hbm>>
      tpu.wait_dma2 semaphore(%arg19 : memref<!tpu.dma_semaphore, #tpu.memory_space<semaphore_mem>>) src(%dma_wait3A_527 : memref<128xi32, #tpu.memory_space<hbm>>) dst(%dma_wait3A_526 : memref<128xi32, #tpu.memory_space<vmem>>)
      %dma_start3A_528 = arith.constant 0 : i32
      %dma_start3A_529 = arith.constant 0 : i32
      %dma_start3A_530 = tpu.memref_slice %arg8[%dma_start3A_528, %dma_start3A_529] : memref<4x128xi32, #tpu.memory_space<vmem>> -> memref<1x128xi32, #tpu.memory_space<vmem>>
      %dma_start3A_531 = tpu.memref_squeeze %dma_start3A_530 : memref<1x128xi32, #tpu.memory_space<vmem>> -> memref<128xi32, #tpu.memory_space<vmem>>
      %dma_start3A_532 = arith.constant 0 : i32
      %dma_start3A_533 = arith.constant 0 : i32
      %dma_start3A_534 = tpu.memref_slice %arg2[%dma_start3A_532, %dma_start3A_533] : memref<10000x128xf32, #tpu.memory_space<hbm>> -> memref<10000x128xf32, #tpu.memory_space<hbm>>
      tpu.enqueue_indirect_dma source(%dma_start3A_534 : memref<10000x128xf32, #tpu.memory_space<hbm>>) target(%arg10 : memref<128x128xf32, #tpu.memory_space<vmem>>) offsets(%dma_start3A_531 : memref<128xi32, #tpu.memory_space<vmem>>) semaphore(%arg23 : memref<!tpu.dma_semaphore, #tpu.memory_space<semaphore_mem>>)
      %add3A_535 = arith.constant 1 : i32
      %add3A_536 = arith.addi %add3A_455, %add3A_535 : i32
      %dma_wait3A_537 = arith.constant 0 : i32
      %dma_wait3A_538 = arith.constant 0 : i32
      %dma_wait3A_539 = tpu.memref_slice %arg8[%dma_wait3A_537, %dma_wait3A_538] : memref<4x128xi32, #tpu.memory_space<vmem>> -> memref<1x128xi32, #tpu.memory_space<vmem>>
      %dma_wait3A_540 = tpu.memref_squeeze %dma_wait3A_539 : memref<1x128xi32, #tpu.memory_space<vmem>> -> memref<128xi32, #tpu.memory_space<vmem>>
      %dma_wait3A_541 = arith.constant 0 : i32
      %dma_wait3A_542 = arith.constant 0 : i32
      %dma_wait3A_543 = tpu.memref_slice %arg2[%dma_wait3A_541, %dma_wait3A_542] : memref<10000x128xf32, #tpu.memory_space<hbm>> -> memref<10000x128xf32, #tpu.memory_space<hbm>>
      tpu.wait_indirect_dma semaphore(%arg23 : memref<!tpu.dma_semaphore, #tpu.memory_space<semaphore_mem>>) src(%dma_wait3A_543 : memref<10000x128xf32, #tpu.memory_space<hbm>>) dst(%arg10 : memref<128x128xf32, #tpu.memory_space<vmem>>)
      %dma_start3A_544 = arith.constant 0 : i32
      %dma_start3A_545 = arith.constant 0 : i32
      %dma_start3A_546 = tpu.memref_slice %arg9[%dma_start3A_544, %dma_start3A_545] : memref<4x128xi32, #tpu.memory_space<vmem>> -> memref<1x128xi32, #tpu.memory_space<vmem>>
      %dma_start3A_547 = tpu.memref_squeeze %dma_start3A_546 : memref<1x128xi32, #tpu.memory_space<vmem>> -> memref<128xi32, #tpu.memory_space<vmem>>
      %dma_start3A_548 = arith.constant 0 : i32
      %dma_start3A_549 = arith.constant 0 : i32
      %dma_start3A_550 = tpu.memref_slice %arg7[%dma_start3A_548, %dma_start3A_549] : memref<10240x128xf32, #tpu.memory_space<vmem_shared>> -> memref<10240x128xf32, #tpu.memory_space<vmem_shared>>
      tpu.enqueue_indirect_dma source(%arg10 : memref<128x128xf32, #tpu.memory_space<vmem>>) target(%dma_start3A_550 : memref<10240x128xf32, #tpu.memory_space<vmem_shared>>) offsets(%dma_start3A_547 : memref<128xi32, #tpu.memory_space<vmem>>) semaphore(%arg25 : memref<!tpu.dma_semaphore, #tpu.memory_space<semaphore_mem>>) {add = true}
      %dma_wait3A_551 = arith.constant 3 : i32
      %dma_wait3A_552 = arith.constant 0 : i32
      %dma_wait3A_553 = tpu.memref_slice %arg9[%dma_wait3A_551, %dma_wait3A_552] : memref<4x128xi32, #tpu.memory_space<vmem>> -> memref<1x128xi32, #tpu.memory_space<vmem>>
      %dma_wait3A_554 = tpu.memref_squeeze %dma_wait3A_553 : memref<1x128xi32, #tpu.memory_space<vmem>> -> memref<128xi32, #tpu.memory_space<vmem>>
      %dma_wait3A_555 = arith.constant 0 : i32
      %dma_wait3A_556 = arith.constant 0 : i32
      %dma_wait3A_557 = tpu.memref_slice %arg7[%dma_wait3A_555, %dma_wait3A_556] : memref<10240x128xf32, #tpu.memory_space<vmem_shared>> -> memref<10240x128xf32, #tpu.memory_space<vmem_shared>>
      tpu.wait_indirect_dma semaphore(%arg26 : memref<!tpu.dma_semaphore, #tpu.memory_space<semaphore_mem>>) src(%arg11 : memref<128x128xf32, #tpu.memory_space<vmem>>) dst(%dma_wait3A_557 : memref<10240x128xf32, #tpu.memory_space<vmem_shared>>)
      %add3A_558 = arith.constant 4 : i32
      %add3A_559 = arith.addi %add3A_536, %add3A_558 : i32
      %sub3A_560 = arith.constant 1 : i32
      %sub3A_561 = arith.subi %add3A_559, %sub3A_560 : i32
      %mul3A_562 = arith.constant 128 : i32
      %mul3A_563 = arith.muli %sub3A_561, %mul3A_562 : i32
      %add3A_564 = arith.addi %mul3A_4, %mul3A_563 : i32
      %multiple_of3A_565 = tpu.assume_multiple %add3A_564, 8 : i32
      %dma_start3A_566 = arith.constant 3 : i32
      %dma_start3A_567 = arith.constant 0 : i32
      %dma_start3A_568 = tpu.memref_slice %arg8[%dma_start3A_566, %dma_start3A_567] : memref<4x128xi32, #tpu.memory_space<vmem>> -> memref<1x128xi32, #tpu.memory_space<vmem>>
      %dma_start3A_569 = tpu.memref_squeeze %dma_start3A_568 : memref<1x128xi32, #tpu.memory_space<vmem>> -> memref<128xi32, #tpu.memory_space<vmem>>
      %dma_start3A_570 = tpu.memref_slice %arg3[%multiple_of3A_565] : memref<320000xi32, #tpu.memory_space<hbm>> -> memref<128xi32, #tpu.memory_space<hbm>>
      %dma_start3A_571 = arith.constant 0 : i32
      %dma_start3A_572 = tpu.memref_slice %arg8[%dma_start3A_566, %dma_start3A_571] : memref<4x128xi32, #tpu.memory_space<vmem>> -> memref<1x128xi32, #tpu.memory_space<vmem>>
      %dma_start3A_573 = tpu.memref_squeeze %dma_start3A_572 : memref<1x128xi32, #tpu.memory_space<vmem>> -> memref<128xi32, #tpu.memory_space<vmem>>
      %dma_start3A_574 = tpu.memref_slice %arg3[%multiple_of3A_565] : memref<320000xi32, #tpu.memory_space<hbm>> -> memref<128xi32, #tpu.memory_space<hbm>>
      tpu.enqueue_dma source(%dma_start3A_574 : memref<128xi32, #tpu.memory_space<hbm>>) target(%dma_start3A_573 : memref<128xi32, #tpu.memory_space<vmem>>) target_semaphore(%arg18 : memref<!tpu.dma_semaphore, #tpu.memory_space<semaphore_mem>>)
      %dma_start3A_575 = arith.constant 3 : i32
      %dma_start3A_576 = arith.constant 0 : i32
      %dma_start3A_577 = tpu.memref_slice %arg9[%dma_start3A_575, %dma_start3A_576] : memref<4x128xi32, #tpu.memory_space<vmem>> -> memref<1x128xi32, #tpu.memory_space<vmem>>
      %dma_start3A_578 = tpu.memref_squeeze %dma_start3A_577 : memref<1x128xi32, #tpu.memory_space<vmem>> -> memref<128xi32, #tpu.memory_space<vmem>>
      %dma_start3A_579 = tpu.memref_slice %arg4[%multiple_of3A_565] : memref<320000xi32, #tpu.memory_space<hbm>> -> memref<128xi32, #tpu.memory_space<hbm>>
      %dma_start3A_580 = arith.constant 0 : i32
      %dma_start3A_581 = tpu.memref_slice %arg9[%dma_start3A_575, %dma_start3A_580] : memref<4x128xi32, #tpu.memory_space<vmem>> -> memref<1x128xi32, #tpu.memory_space<vmem>>
      %dma_start3A_582 = tpu.memref_squeeze %dma_start3A_581 : memref<1x128xi32, #tpu.memory_space<vmem>> -> memref<128xi32, #tpu.memory_space<vmem>>
      %dma_start3A_583 = tpu.memref_slice %arg4[%multiple_of3A_565] : memref<320000xi32, #tpu.memory_space<hbm>> -> memref<128xi32, #tpu.memory_space<hbm>>
      tpu.enqueue_dma source(%dma_start3A_583 : memref<128xi32, #tpu.memory_space<hbm>>) target(%dma_start3A_582 : memref<128xi32, #tpu.memory_space<vmem>>) target_semaphore(%arg22 : memref<!tpu.dma_semaphore, #tpu.memory_space<semaphore_mem>>)
      %add3A_584 = arith.constant 1 : i32
      %add3A_585 = arith.addi %add3A_536, %add3A_584 : i32
      %mul3A_586 = arith.constant 128 : i32
      %mul3A_587 = arith.muli %add3A_585, %mul3A_586 : i32
      %add3A_588 = arith.addi %mul3A_4, %mul3A_587 : i32
      %multiple_of3A_589 = tpu.assume_multiple %add3A_588, 8 : i32
      %dma_wait3A_590 = arith.constant 1 : i32
      %dma_wait3A_591 = arith.constant 0 : i32
      %dma_wait3A_592 = tpu.memref_slice %arg8[%dma_wait3A_590, %dma_wait3A_591] : memref<4x128xi32, #tpu.memory_space<vmem>> -> memref<1x128xi32, #tpu.memory_space<vmem>>
      %dma_wait3A_593 = tpu.memref_squeeze %dma_wait3A_592 : memref<1x128xi32, #tpu.memory_space<vmem>> -> memref<128xi32, #tpu.memory_space<vmem>>
      %dma_wait3A_594 = tpu.memref_slice %arg3[%multiple_of3A_589] : memref<320000xi32, #tpu.memory_space<hbm>> -> memref<128xi32, #tpu.memory_space<hbm>>
      %dma_wait3A_595 = arith.constant 0 : i32
      %dma_wait3A_596 = tpu.memref_slice %arg8[%dma_wait3A_590, %dma_wait3A_595] : memref<4x128xi32, #tpu.memory_space<vmem>> -> memref<1x128xi32, #tpu.memory_space<vmem>>
      %dma_wait3A_597 = tpu.memref_squeeze %dma_wait3A_596 : memref<1x128xi32, #tpu.memory_space<vmem>> -> memref<128xi32, #tpu.memory_space<vmem>>
      %dma_wait3A_598 = tpu.memref_slice %arg3[%multiple_of3A_589] : memref<320000xi32, #tpu.memory_space<hbm>> -> memref<128xi32, #tpu.memory_space<hbm>>
      tpu.wait_dma2 semaphore(%arg16 : memref<!tpu.dma_semaphore, #tpu.memory_space<semaphore_mem>>) src(%dma_wait3A_598 : memref<128xi32, #tpu.memory_space<hbm>>) dst(%dma_wait3A_597 : memref<128xi32, #tpu.memory_space<vmem>>)
      %dma_wait3A_599 = arith.constant 1 : i32
      %dma_wait3A_600 = arith.constant 0 : i32
      %dma_wait3A_601 = tpu.memref_slice %arg9[%dma_wait3A_599, %dma_wait3A_600] : memref<4x128xi32, #tpu.memory_space<vmem>> -> memref<1x128xi32, #tpu.memory_space<vmem>>
      %dma_wait3A_602 = tpu.memref_squeeze %dma_wait3A_601 : memref<1x128xi32, #tpu.memory_space<vmem>> -> memref<128xi32, #tpu.memory_space<vmem>>
      %dma_wait3A_603 = tpu.memref_slice %arg4[%multiple_of3A_589] : memref<320000xi32, #tpu.memory_space<hbm>> -> memref<128xi32, #tpu.memory_space<hbm>>
      %dma_wait3A_604 = arith.constant 0 : i32
      %dma_wait3A_605 = tpu.memref_slice %arg9[%dma_wait3A_599, %dma_wait3A_604] : memref<4x128xi32, #tpu.memory_space<vmem>> -> memref<1x128xi32, #tpu.memory_space<vmem>>
      %dma_wait3A_606 = tpu.memref_squeeze %dma_wait3A_605 : memref<1x128xi32, #tpu.memory_space<vmem>> -> memref<128xi32, #tpu.memory_space<vmem>>
      %dma_wait3A_607 = tpu.memref_slice %arg4[%multiple_of3A_589] : memref<320000xi32, #tpu.memory_space<hbm>> -> memref<128xi32, #tpu.memory_space<hbm>>
      tpu.wait_dma2 semaphore(%arg20 : memref<!tpu.dma_semaphore, #tpu.memory_space<semaphore_mem>>) src(%dma_wait3A_607 : memref<128xi32, #tpu.memory_space<hbm>>) dst(%dma_wait3A_606 : memref<128xi32, #tpu.memory_space<vmem>>)
      %dma_start3A_608 = arith.constant 1 : i32
      %dma_start3A_609 = arith.constant 0 : i32
      %dma_start3A_610 = tpu.memref_slice %arg8[%dma_start3A_608, %dma_start3A_609] : memref<4x128xi32, #tpu.memory_space<vmem>> -> memref<1x128xi32, #tpu.memory_space<vmem>>
      %dma_start3A_611 = tpu.memref_squeeze %dma_start3A_610 : memref<1x128xi32, #tpu.memory_space<vmem>> -> memref<128xi32, #tpu.memory_space<vmem>>
      %dma_start3A_612 = arith.constant 0 : i32
      %dma_start3A_613 = arith.constant 0 : i32
      %dma_start3A_614 = tpu.memref_slice %arg2[%dma_start3A_612, %dma_start3A_613] : memref<10000x128xf32, #tpu.memory_space<hbm>> -> memref<10000x128xf32, #tpu.memory_space<hbm>>
      tpu.enqueue_indirect_dma source(%dma_start3A_614 : memref<10000x128xf32, #tpu.memory_space<hbm>>) target(%arg11 : memref<128x128xf32, #tpu.memory_space<vmem>>) offsets(%dma_start3A_611 : memref<128xi32, #tpu.memory_space<vmem>>) semaphore(%arg24 : memref<!tpu.dma_semaphore, #tpu.memory_space<semaphore_mem>>)
      %add3A_615 = arith.constant 2 : i32
      %add3A_616 = arith.addi %add3A_455, %add3A_615 : i32
      %dma_wait3A_617 = arith.constant 1 : i32
      %dma_wait3A_618 = arith.constant 0 : i32
      %dma_wait3A_619 = tpu.memref_slice %arg8[%dma_wait3A_617, %dma_wait3A_618] : memref<4x128xi32, #tpu.memory_space<vmem>> -> memref<1x128xi32, #tpu.memory_space<vmem>>
      %dma_wait3A_620 = tpu.memref_squeeze %dma_wait3A_619 : memref<1x128xi32, #tpu.memory_space<vmem>> -> memref<128xi32, #tpu.memory_space<vmem>>
      %dma_wait3A_621 = arith.constant 0 : i32
      %dma_wait3A_622 = arith.constant 0 : i32
      %dma_wait3A_623 = tpu.memref_slice %arg2[%dma_wait3A_621, %dma_wait3A_622] : memref<10000x128xf32, #tpu.memory_space<hbm>> -> memref<10000x128xf32, #tpu.memory_space<hbm>>
      tpu.wait_indirect_dma semaphore(%arg24 : memref<!tpu.dma_semaphore, #tpu.memory_space<semaphore_mem>>) src(%dma_wait3A_623 : memref<10000x128xf32, #tpu.memory_space<hbm>>) dst(%arg11 : memref<128x128xf32, #tpu.memory_space<vmem>>)
      %dma_start3A_624 = arith.constant 1 : i32
      %dma_start3A_625 = arith.constant 0 : i32
      %dma_start3A_626 = tpu.memref_slice %arg9[%dma_start3A_624, %dma_start3A_625] : memref<4x128xi32, #tpu.memory_space<vmem>> -> memref<1x128xi32, #tpu.memory_space<vmem>>
      %dma_start3A_627 = tpu.memref_squeeze %dma_start3A_626 : memref<1x128xi32, #tpu.memory_space<vmem>> -> memref<128xi32, #tpu.memory_space<vmem>>
      %dma_start3A_628 = arith.constant 0 : i32
      %dma_start3A_629 = arith.constant 0 : i32
      %dma_start3A_630 = tpu.memref_slice %arg7[%dma_start3A_628, %dma_start3A_629] : memref<10240x128xf32, #tpu.memory_space<vmem_shared>> -> memref<10240x128xf32, #tpu.memory_space<vmem_shared>>
      tpu.enqueue_indirect_dma source(%arg11 : memref<128x128xf32, #tpu.memory_space<vmem>>) target(%dma_start3A_630 : memref<10240x128xf32, #tpu.memory_space<vmem_shared>>) offsets(%dma_start3A_627 : memref<128xi32, #tpu.memory_space<vmem>>) semaphore(%arg26 : memref<!tpu.dma_semaphore, #tpu.memory_space<semaphore_mem>>) {add = true}
      %dma_wait3A_631 = arith.constant 0 : i32
      %dma_wait3A_632 = arith.constant 0 : i32
      %dma_wait3A_633 = tpu.memref_slice %arg9[%dma_wait3A_631, %dma_wait3A_632] : memref<4x128xi32, #tpu.memory_space<vmem>> -> memref<1x128xi32, #tpu.memory_space<vmem>>
      %dma_wait3A_634 = tpu.memref_squeeze %dma_wait3A_633 : memref<1x128xi32, #tpu.memory_space<vmem>> -> memref<128xi32, #tpu.memory_space<vmem>>
      %dma_wait3A_635 = arith.constant 0 : i32
      %dma_wait3A_636 = arith.constant 0 : i32
      %dma_wait3A_637 = tpu.memref_slice %arg7[%dma_wait3A_635, %dma_wait3A_636] : memref<10240x128xf32, #tpu.memory_space<vmem_shared>> -> memref<10240x128xf32, #tpu.memory_space<vmem_shared>>
      tpu.wait_indirect_dma semaphore(%arg25 : memref<!tpu.dma_semaphore, #tpu.memory_space<semaphore_mem>>) src(%arg10 : memref<128x128xf32, #tpu.memory_space<vmem>>) dst(%dma_wait3A_637 : memref<10240x128xf32, #tpu.memory_space<vmem_shared>>)
      %add3A_638 = arith.constant 4 : i32
      %add3A_639 = arith.addi %add3A_616, %add3A_638 : i32
      %sub3A_640 = arith.constant 1 : i32
      %sub3A_641 = arith.subi %add3A_639, %sub3A_640 : i32
      %mul3A_642 = arith.constant 128 : i32
      %mul3A_643 = arith.muli %sub3A_641, %mul3A_642 : i32
      %add3A_644 = arith.addi %mul3A_4, %mul3A_643 : i32
      %multiple_of3A_645 = tpu.assume_multiple %add3A_644, 8 : i32
      %dma_start3A_646 = arith.constant 0 : i32
      %dma_start3A_647 = arith.constant 0 : i32
      %dma_start3A_648 = tpu.memref_slice %arg8[%dma_start3A_646, %dma_start3A_647] : memref<4x128xi32, #tpu.memory_space<vmem>> -> memref<1x128xi32, #tpu.memory_space<vmem>>
      %dma_start3A_649 = tpu.memref_squeeze %dma_start3A_648 : memref<1x128xi32, #tpu.memory_space<vmem>> -> memref<128xi32, #tpu.memory_space<vmem>>
      %dma_start3A_650 = tpu.memref_slice %arg3[%multiple_of3A_645] : memref<320000xi32, #tpu.memory_space<hbm>> -> memref<128xi32, #tpu.memory_space<hbm>>
      %dma_start3A_651 = arith.constant 0 : i32
      %dma_start3A_652 = tpu.memref_slice %arg8[%dma_start3A_646, %dma_start3A_651] : memref<4x128xi32, #tpu.memory_space<vmem>> -> memref<1x128xi32, #tpu.memory_space<vmem>>
      %dma_start3A_653 = tpu.memref_squeeze %dma_start3A_652 : memref<1x128xi32, #tpu.memory_space<vmem>> -> memref<128xi32, #tpu.memory_space<vmem>>
      %dma_start3A_654 = tpu.memref_slice %arg3[%multiple_of3A_645] : memref<320000xi32, #tpu.memory_space<hbm>> -> memref<128xi32, #tpu.memory_space<hbm>>
      tpu.enqueue_dma source(%dma_start3A_654 : memref<128xi32, #tpu.memory_space<hbm>>) target(%dma_start3A_653 : memref<128xi32, #tpu.memory_space<vmem>>) target_semaphore(%arg15 : memref<!tpu.dma_semaphore, #tpu.memory_space<semaphore_mem>>)
      %dma_start3A_655 = arith.constant 0 : i32
      %dma_start3A_656 = arith.constant 0 : i32
      %dma_start3A_657 = tpu.memref_slice %arg9[%dma_start3A_655, %dma_start3A_656] : memref<4x128xi32, #tpu.memory_space<vmem>> -> memref<1x128xi32, #tpu.memory_space<vmem>>
      %dma_start3A_658 = tpu.memref_squeeze %dma_start3A_657 : memref<1x128xi32, #tpu.memory_space<vmem>> -> memref<128xi32, #tpu.memory_space<vmem>>
      %dma_start3A_659 = tpu.memref_slice %arg4[%multiple_of3A_645] : memref<320000xi32, #tpu.memory_space<hbm>> -> memref<128xi32, #tpu.memory_space<hbm>>
      %dma_start3A_660 = arith.constant 0 : i32
      %dma_start3A_661 = tpu.memref_slice %arg9[%dma_start3A_655, %dma_start3A_660] : memref<4x128xi32, #tpu.memory_space<vmem>> -> memref<1x128xi32, #tpu.memory_space<vmem>>
      %dma_start3A_662 = tpu.memref_squeeze %dma_start3A_661 : memref<1x128xi32, #tpu.memory_space<vmem>> -> memref<128xi32, #tpu.memory_space<vmem>>
      %dma_start3A_663 = tpu.memref_slice %arg4[%multiple_of3A_645] : memref<320000xi32, #tpu.memory_space<hbm>> -> memref<128xi32, #tpu.memory_space<hbm>>
      tpu.enqueue_dma source(%dma_start3A_663 : memref<128xi32, #tpu.memory_space<hbm>>) target(%dma_start3A_662 : memref<128xi32, #tpu.memory_space<vmem>>) target_semaphore(%arg19 : memref<!tpu.dma_semaphore, #tpu.memory_space<semaphore_mem>>)
      %add3A_664 = arith.constant 1 : i32
      %add3A_665 = arith.addi %add3A_616, %add3A_664 : i32
      %mul3A_666 = arith.constant 128 : i32
      %mul3A_667 = arith.muli %add3A_665, %mul3A_666 : i32
      %add3A_668 = arith.addi %mul3A_4, %mul3A_667 : i32
      %multiple_of3A_669 = tpu.assume_multiple %add3A_668, 8 : i32
      %dma_wait3A_670 = arith.constant 2 : i32
      %dma_wait3A_671 = arith.constant 0 : i32
      %dma_wait3A_672 = tpu.memref_slice %arg8[%dma_wait3A_670, %dma_wait3A_671] : memref<4x128xi32, #tpu.memory_space<vmem>> -> memref<1x128xi32, #tpu.memory_space<vmem>>
      %dma_wait3A_673 = tpu.memref_squeeze %dma_wait3A_672 : memref<1x128xi32, #tpu.memory_space<vmem>> -> memref<128xi32, #tpu.memory_space<vmem>>
      %dma_wait3A_674 = tpu.memref_slice %arg3[%multiple_of3A_669] : memref<320000xi32, #tpu.memory_space<hbm>> -> memref<128xi32, #tpu.memory_space<hbm>>
      %dma_wait3A_675 = arith.constant 0 : i32
      %dma_wait3A_676 = tpu.memref_slice %arg8[%dma_wait3A_670, %dma_wait3A_675] : memref<4x128xi32, #tpu.memory_space<vmem>> -> memref<1x128xi32, #tpu.memory_space<vmem>>
      %dma_wait3A_677 = tpu.memref_squeeze %dma_wait3A_676 : memref<1x128xi32, #tpu.memory_space<vmem>> -> memref<128xi32, #tpu.memory_space<vmem>>
      %dma_wait3A_678 = tpu.memref_slice %arg3[%multiple_of3A_669] : memref<320000xi32, #tpu.memory_space<hbm>> -> memref<128xi32, #tpu.memory_space<hbm>>
      tpu.wait_dma2 semaphore(%arg17 : memref<!tpu.dma_semaphore, #tpu.memory_space<semaphore_mem>>) src(%dma_wait3A_678 : memref<128xi32, #tpu.memory_space<hbm>>) dst(%dma_wait3A_677 : memref<128xi32, #tpu.memory_space<vmem>>)
      %dma_wait3A_679 = arith.constant 2 : i32
      %dma_wait3A_680 = arith.constant 0 : i32
      %dma_wait3A_681 = tpu.memref_slice %arg9[%dma_wait3A_679, %dma_wait3A_680] : memref<4x128xi32, #tpu.memory_space<vmem>> -> memref<1x128xi32, #tpu.memory_space<vmem>>
      %dma_wait3A_682 = tpu.memref_squeeze %dma_wait3A_681 : memref<1x128xi32, #tpu.memory_space<vmem>> -> memref<128xi32, #tpu.memory_space<vmem>>
      %dma_wait3A_683 = tpu.memref_slice %arg4[%multiple_of3A_669] : memref<320000xi32, #tpu.memory_space<hbm>> -> memref<128xi32, #tpu.memory_space<hbm>>
      %dma_wait3A_684 = arith.constant 0 : i32
      %dma_wait3A_685 = tpu.memref_slice %arg9[%dma_wait3A_679, %dma_wait3A_684] : memref<4x128xi32, #tpu.memory_space<vmem>> -> memref<1x128xi32, #tpu.memory_space<vmem>>
      %dma_wait3A_686 = tpu.memref_squeeze %dma_wait3A_685 : memref<1x128xi32, #tpu.memory_space<vmem>> -> memref<128xi32, #tpu.memory_space<vmem>>
      %dma_wait3A_687 = tpu.memref_slice %arg4[%multiple_of3A_669] : memref<320000xi32, #tpu.memory_space<hbm>> -> memref<128xi32, #tpu.memory_space<hbm>>
      tpu.wait_dma2 semaphore(%arg21 : memref<!tpu.dma_semaphore, #tpu.memory_space<semaphore_mem>>) src(%dma_wait3A_687 : memref<128xi32, #tpu.memory_space<hbm>>) dst(%dma_wait3A_686 : memref<128xi32, #tpu.memory_space<vmem>>)
      %dma_start3A_688 = arith.constant 2 : i32
      %dma_start3A_689 = arith.constant 0 : i32
      %dma_start3A_690 = tpu.memref_slice %arg8[%dma_start3A_688, %dma_start3A_689] : memref<4x128xi32, #tpu.memory_space<vmem>> -> memref<1x128xi32, #tpu.memory_space<vmem>>
      %dma_start3A_691 = tpu.memref_squeeze %dma_start3A_690 : memref<1x128xi32, #tpu.memory_space<vmem>> -> memref<128xi32, #tpu.memory_space<vmem>>
      %dma_start3A_692 = arith.constant 0 : i32
      %dma_start3A_693 = arith.constant 0 : i32
      %dma_start3A_694 = tpu.memref_slice %arg2[%dma_start3A_692, %dma_start3A_693] : memref<10000x128xf32, #tpu.memory_space<hbm>> -> memref<10000x128xf32, #tpu.memory_space<hbm>>
      tpu.enqueue_indirect_dma source(%dma_start3A_694 : memref<10000x128xf32, #tpu.memory_space<hbm>>) target(%arg10 : memref<128x128xf32, #tpu.memory_space<vmem>>) offsets(%dma_start3A_691 : memref<128xi32, #tpu.memory_space<vmem>>) semaphore(%arg23 : memref<!tpu.dma_semaphore, #tpu.memory_space<semaphore_mem>>)
      %add3A_695 = arith.constant 3 : i32
      %add3A_696 = arith.addi %add3A_455, %add3A_695 : i32
      %dma_wait3A_697 = arith.constant 2 : i32
      %dma_wait3A_698 = arith.constant 0 : i32
      %dma_wait3A_699 = tpu.memref_slice %arg8[%dma_wait3A_697, %dma_wait3A_698] : memref<4x128xi32, #tpu.memory_space<vmem>> -> memref<1x128xi32, #tpu.memory_space<vmem>>
      %dma_wait3A_700 = tpu.memref_squeeze %dma_wait3A_699 : memref<1x128xi32, #tpu.memory_space<vmem>> -> memref<128xi32, #tpu.memory_space<vmem>>
      %dma_wait3A_701 = arith.constant 0 : i32
      %dma_wait3A_702 = arith.constant 0 : i32
      %dma_wait3A_703 = tpu.memref_slice %arg2[%dma_wait3A_701, %dma_wait3A_702] : memref<10000x128xf32, #tpu.memory_space<hbm>> -> memref<10000x128xf32, #tpu.memory_space<hbm>>
      tpu.wait_indirect_dma semaphore(%arg23 : memref<!tpu.dma_semaphore, #tpu.memory_space<semaphore_mem>>) src(%dma_wait3A_703 : memref<10000x128xf32, #tpu.memory_space<hbm>>) dst(%arg10 : memref<128x128xf32, #tpu.memory_space<vmem>>)
      %dma_start3A_704 = arith.constant 2 : i32
      %dma_start3A_705 = arith.constant 0 : i32
      %dma_start3A_706 = tpu.memref_slice %arg9[%dma_start3A_704, %dma_start3A_705] : memref<4x128xi32, #tpu.memory_space<vmem>> -> memref<1x128xi32, #tpu.memory_space<vmem>>
      %dma_start3A_707 = tpu.memref_squeeze %dma_start3A_706 : memref<1x128xi32, #tpu.memory_space<vmem>> -> memref<128xi32, #tpu.memory_space<vmem>>
      %dma_start3A_708 = arith.constant 0 : i32
      %dma_start3A_709 = arith.constant 0 : i32
      %dma_start3A_710 = tpu.memref_slice %arg7[%dma_start3A_708, %dma_start3A_709] : memref<10240x128xf32, #tpu.memory_space<vmem_shared>> -> memref<10240x128xf32, #tpu.memory_space<vmem_shared>>
      tpu.enqueue_indirect_dma source(%arg10 : memref<128x128xf32, #tpu.memory_space<vmem>>) target(%dma_start3A_710 : memref<10240x128xf32, #tpu.memory_space<vmem_shared>>) offsets(%dma_start3A_707 : memref<128xi32, #tpu.memory_space<vmem>>) semaphore(%arg25 : memref<!tpu.dma_semaphore, #tpu.memory_space<semaphore_mem>>) {add = true}
      %dma_wait3A_711 = arith.constant 1 : i32
      %dma_wait3A_712 = arith.constant 0 : i32
      %dma_wait3A_713 = tpu.memref_slice %arg9[%dma_wait3A_711, %dma_wait3A_712] : memref<4x128xi32, #tpu.memory_space<vmem>> -> memref<1x128xi32, #tpu.memory_space<vmem>>
      %dma_wait3A_714 = tpu.memref_squeeze %dma_wait3A_713 : memref<1x128xi32, #tpu.memory_space<vmem>> -> memref<128xi32, #tpu.memory_space<vmem>>
      %dma_wait3A_715 = arith.constant 0 : i32
      %dma_wait3A_716 = arith.constant 0 : i32
      %dma_wait3A_717 = tpu.memref_slice %arg7[%dma_wait3A_715, %dma_wait3A_716] : memref<10240x128xf32, #tpu.memory_space<vmem_shared>> -> memref<10240x128xf32, #tpu.memory_space<vmem_shared>>
      tpu.wait_indirect_dma semaphore(%arg26 : memref<!tpu.dma_semaphore, #tpu.memory_space<semaphore_mem>>) src(%arg11 : memref<128x128xf32, #tpu.memory_space<vmem>>) dst(%dma_wait3A_717 : memref<10240x128xf32, #tpu.memory_space<vmem_shared>>)
      %add3A_718 = arith.constant 4 : i32
      %add3A_719 = arith.addi %add3A_696, %add3A_718 : i32
      %sub3A_720 = arith.constant 1 : i32
      %sub3A_721 = arith.subi %add3A_719, %sub3A_720 : i32
      %mul3A_722 = arith.constant 128 : i32
      %mul3A_723 = arith.muli %sub3A_721, %mul3A_722 : i32
      %add3A_724 = arith.addi %mul3A_4, %mul3A_723 : i32
      %multiple_of3A_725 = tpu.assume_multiple %add3A_724, 8 : i32
      %dma_start3A_726 = arith.constant 1 : i32
      %dma_start3A_727 = arith.constant 0 : i32
      %dma_start3A_728 = tpu.memref_slice %arg8[%dma_start3A_726, %dma_start3A_727] : memref<4x128xi32, #tpu.memory_space<vmem>> -> memref<1x128xi32, #tpu.memory_space<vmem>>
      %dma_start3A_729 = tpu.memref_squeeze %dma_start3A_728 : memref<1x128xi32, #tpu.memory_space<vmem>> -> memref<128xi32, #tpu.memory_space<vmem>>
      %dma_start3A_730 = tpu.memref_slice %arg3[%multiple_of3A_725] : memref<320000xi32, #tpu.memory_space<hbm>> -> memref<128xi32, #tpu.memory_space<hbm>>
      %dma_start3A_731 = arith.constant 0 : i32
      %dma_start3A_732 = tpu.memref_slice %arg8[%dma_start3A_726, %dma_start3A_731] : memref<4x128xi32, #tpu.memory_space<vmem>> -> memref<1x128xi32, #tpu.memory_space<vmem>>
      %dma_start3A_733 = tpu.memref_squeeze %dma_start3A_732 : memref<1x128xi32, #tpu.memory_space<vmem>> -> memref<128xi32, #tpu.memory_space<vmem>>
      %dma_start3A_734 = tpu.memref_slice %arg3[%multiple_of3A_725] : memref<320000xi32, #tpu.memory_space<hbm>> -> memref<128xi32, #tpu.memory_space<hbm>>
      tpu.enqueue_dma source(%dma_start3A_734 : memref<128xi32, #tpu.memory_space<hbm>>) target(%dma_start3A_733 : memref<128xi32, #tpu.memory_space<vmem>>) target_semaphore(%arg16 : memref<!tpu.dma_semaphore, #tpu.memory_space<semaphore_mem>>)
      %dma_start3A_735 = arith.constant 1 : i32
      %dma_start3A_736 = arith.constant 0 : i32
      %dma_start3A_737 = tpu.memref_slice %arg9[%dma_start3A_735, %dma_start3A_736] : memref<4x128xi32, #tpu.memory_space<vmem>> -> memref<1x128xi32, #tpu.memory_space<vmem>>
      %dma_start3A_738 = tpu.memref_squeeze %dma_start3A_737 : memref<1x128xi32, #tpu.memory_space<vmem>> -> memref<128xi32, #tpu.memory_space<vmem>>
      %dma_start3A_739 = tpu.memref_slice %arg4[%multiple_of3A_725] : memref<320000xi32, #tpu.memory_space<hbm>> -> memref<128xi32, #tpu.memory_space<hbm>>
      %dma_start3A_740 = arith.constant 0 : i32
      %dma_start3A_741 = tpu.memref_slice %arg9[%dma_start3A_735, %dma_start3A_740] : memref<4x128xi32, #tpu.memory_space<vmem>> -> memref<1x128xi32, #tpu.memory_space<vmem>>
      %dma_start3A_742 = tpu.memref_squeeze %dma_start3A_741 : memref<1x128xi32, #tpu.memory_space<vmem>> -> memref<128xi32, #tpu.memory_space<vmem>>
      %dma_start3A_743 = tpu.memref_slice %arg4[%multiple_of3A_725] : memref<320000xi32, #tpu.memory_space<hbm>> -> memref<128xi32, #tpu.memory_space<hbm>>
      tpu.enqueue_dma source(%dma_start3A_743 : memref<128xi32, #tpu.memory_space<hbm>>) target(%dma_start3A_742 : memref<128xi32, #tpu.memory_space<vmem>>) target_semaphore(%arg20 : memref<!tpu.dma_semaphore, #tpu.memory_space<semaphore_mem>>)
      %add3A_744 = arith.constant 1 : i32
      %add3A_745 = arith.addi %add3A_696, %add3A_744 : i32
      %mul3A_746 = arith.constant 128 : i32
      %mul3A_747 = arith.muli %add3A_745, %mul3A_746 : i32
      %add3A_748 = arith.addi %mul3A_4, %mul3A_747 : i32
      %multiple_of3A_749 = tpu.assume_multiple %add3A_748, 8 : i32
      %dma_wait3A_750 = arith.constant 3 : i32
      %dma_wait3A_751 = arith.constant 0 : i32
      %dma_wait3A_752 = tpu.memref_slice %arg8[%dma_wait3A_750, %dma_wait3A_751] : memref<4x128xi32, #tpu.memory_space<vmem>> -> memref<1x128xi32, #tpu.memory_space<vmem>>
      %dma_wait3A_753 = tpu.memref_squeeze %dma_wait3A_752 : memref<1x128xi32, #tpu.memory_space<vmem>> -> memref<128xi32, #tpu.memory_space<vmem>>
      %dma_wait3A_754 = tpu.memref_slice %arg3[%multiple_of3A_749] : memref<320000xi32, #tpu.memory_space<hbm>> -> memref<128xi32, #tpu.memory_space<hbm>>
      %dma_wait3A_755 = arith.constant 0 : i32
      %dma_wait3A_756 = tpu.memref_slice %arg8[%dma_wait3A_750, %dma_wait3A_755] : memref<4x128xi32, #tpu.memory_space<vmem>> -> memref<1x128xi32, #tpu.memory_space<vmem>>
      %dma_wait3A_757 = tpu.memref_squeeze %dma_wait3A_756 : memref<1x128xi32, #tpu.memory_space<vmem>> -> memref<128xi32, #tpu.memory_space<vmem>>
      %dma_wait3A_758 = tpu.memref_slice %arg3[%multiple_of3A_749] : memref<320000xi32, #tpu.memory_space<hbm>> -> memref<128xi32, #tpu.memory_space<hbm>>
      tpu.wait_dma2 semaphore(%arg18 : memref<!tpu.dma_semaphore, #tpu.memory_space<semaphore_mem>>) src(%dma_wait3A_758 : memref<128xi32, #tpu.memory_space<hbm>>) dst(%dma_wait3A_757 : memref<128xi32, #tpu.memory_space<vmem>>)
      %dma_wait3A_759 = arith.constant 3 : i32
      %dma_wait3A_760 = arith.constant 0 : i32
      %dma_wait3A_761 = tpu.memref_slice %arg9[%dma_wait3A_759, %dma_wait3A_760] : memref<4x128xi32, #tpu.memory_space<vmem>> -> memref<1x128xi32, #tpu.memory_space<vmem>>
      %dma_wait3A_762 = tpu.memref_squeeze %dma_wait3A_761 : memref<1x128xi32, #tpu.memory_space<vmem>> -> memref<128xi32, #tpu.memory_space<vmem>>
      %dma_wait3A_763 = tpu.memref_slice %arg4[%multiple_of3A_749] : memref<320000xi32, #tpu.memory_space<hbm>> -> memref<128xi32, #tpu.memory_space<hbm>>
      %dma_wait3A_764 = arith.constant 0 : i32
      %dma_wait3A_765 = tpu.memref_slice %arg9[%dma_wait3A_759, %dma_wait3A_764] : memref<4x128xi32, #tpu.memory_space<vmem>> -> memref<1x128xi32, #tpu.memory_space<vmem>>
      %dma_wait3A_766 = tpu.memref_squeeze %dma_wait3A_765 : memref<1x128xi32, #tpu.memory_space<vmem>> -> memref<128xi32, #tpu.memory_space<vmem>>
      %dma_wait3A_767 = tpu.memref_slice %arg4[%multiple_of3A_749] : memref<320000xi32, #tpu.memory_space<hbm>> -> memref<128xi32, #tpu.memory_space<hbm>>
      tpu.wait_dma2 semaphore(%arg22 : memref<!tpu.dma_semaphore, #tpu.memory_space<semaphore_mem>>) src(%dma_wait3A_767 : memref<128xi32, #tpu.memory_space<hbm>>) dst(%dma_wait3A_766 : memref<128xi32, #tpu.memory_space<vmem>>)
      %dma_start3A_768 = arith.constant 3 : i32
      %dma_start3A_769 = arith.constant 0 : i32
      %dma_start3A_770 = tpu.memref_slice %arg8[%dma_start3A_768, %dma_start3A_769] : memref<4x128xi32, #tpu.memory_space<vmem>> -> memref<1x128xi32, #tpu.memory_space<vmem>>
      %dma_start3A_771 = tpu.memref_squeeze %dma_start3A_770 : memref<1x128xi32, #tpu.memory_space<vmem>> -> memref<128xi32, #tpu.memory_space<vmem>>
      %dma_start3A_772 = arith.constant 0 : i32
      %dma_start3A_773 = arith.constant 0 : i32
      %dma_start3A_774 = tpu.memref_slice %arg2[%dma_start3A_772, %dma_start3A_773] : memref<10000x128xf32, #tpu.memory_space<hbm>> -> memref<10000x128xf32, #tpu.memory_space<hbm>>
      tpu.enqueue_indirect_dma source(%dma_start3A_774 : memref<10000x128xf32, #tpu.memory_space<hbm>>) target(%arg11 : memref<128x128xf32, #tpu.memory_space<vmem>>) offsets(%dma_start3A_771 : memref<128xi32, #tpu.memory_space<vmem>>) semaphore(%arg24 : memref<!tpu.dma_semaphore, #tpu.memory_space<semaphore_mem>>)
    }
    %scan3A_314 = arith.constant 18 : i32
    %dma_wait3A_315 = arith.constant 3 : i32
    %dma_wait3A_316 = arith.constant 0 : i32
    %dma_wait3A_317 = tpu.memref_slice %arg8[%dma_wait3A_315, %dma_wait3A_316] : memref<4x128xi32, #tpu.memory_space<vmem>> -> memref<1x128xi32, #tpu.memory_space<vmem>>
    %dma_wait3A_318 = tpu.memref_squeeze %dma_wait3A_317 : memref<1x128xi32, #tpu.memory_space<vmem>> -> memref<128xi32, #tpu.memory_space<vmem>>
    %dma_wait3A_319 = arith.constant 0 : i32
    %dma_wait3A_320 = arith.constant 0 : i32
    %dma_wait3A_321 = tpu.memref_slice %arg2[%dma_wait3A_319, %dma_wait3A_320] : memref<10000x128xf32, #tpu.memory_space<hbm>> -> memref<10000x128xf32, #tpu.memory_space<hbm>>
    tpu.wait_indirect_dma semaphore(%arg24 : memref<!tpu.dma_semaphore, #tpu.memory_space<semaphore_mem>>) src(%dma_wait3A_321 : memref<10000x128xf32, #tpu.memory_space<hbm>>) dst(%arg11 : memref<128x128xf32, #tpu.memory_space<vmem>>)
    %dma_start3A_322 = arith.constant 3 : i32
    %dma_start3A_323 = arith.constant 0 : i32
    %dma_start3A_324 = tpu.memref_slice %arg9[%dma_start3A_322, %dma_start3A_323] : memref<4x128xi32, #tpu.memory_space<vmem>> -> memref<1x128xi32, #tpu.memory_space<vmem>>
    %dma_start3A_325 = tpu.memref_squeeze %dma_start3A_324 : memref<1x128xi32, #tpu.memory_space<vmem>> -> memref<128xi32, #tpu.memory_space<vmem>>
    %dma_start3A_326 = arith.constant 0 : i32
    %dma_start3A_327 = arith.constant 0 : i32
    %dma_start3A_328 = tpu.memref_slice %arg7[%dma_start3A_326, %dma_start3A_327] : memref<10240x128xf32, #tpu.memory_space<vmem_shared>> -> memref<10240x128xf32, #tpu.memory_space<vmem_shared>>
    tpu.enqueue_indirect_dma source(%arg11 : memref<128x128xf32, #tpu.memory_space<vmem>>) target(%dma_start3A_328 : memref<10240x128xf32, #tpu.memory_space<vmem_shared>>) offsets(%dma_start3A_325 : memref<128xi32, #tpu.memory_space<vmem>>) semaphore(%arg26 : memref<!tpu.dma_semaphore, #tpu.memory_space<semaphore_mem>>) {add = true}
    %dma_wait3A_329 = arith.constant 2 : i32
    %dma_wait3A_330 = arith.constant 0 : i32
    %dma_wait3A_331 = tpu.memref_slice %arg9[%dma_wait3A_329, %dma_wait3A_330] : memref<4x128xi32, #tpu.memory_space<vmem>> -> memref<1x128xi32, #tpu.memory_space<vmem>>
    %dma_wait3A_332 = tpu.memref_squeeze %dma_wait3A_331 : memref<1x128xi32, #tpu.memory_space<vmem>> -> memref<128xi32, #tpu.memory_space<vmem>>
    %dma_wait3A_333 = arith.constant 0 : i32
    %dma_wait3A_334 = arith.constant 0 : i32
    %dma_wait3A_335 = tpu.memref_slice %arg7[%dma_wait3A_333, %dma_wait3A_334] : memref<10240x128xf32, #tpu.memory_space<vmem_shared>> -> memref<10240x128xf32, #tpu.memory_space<vmem_shared>>
    tpu.wait_indirect_dma semaphore(%arg25 : memref<!tpu.dma_semaphore, #tpu.memory_space<semaphore_mem>>) src(%arg10 : memref<128x128xf32, #tpu.memory_space<vmem>>) dst(%dma_wait3A_335 : memref<10240x128xf32, #tpu.memory_space<vmem_shared>>)
    %add3A_336 = arith.constant 9728 : i32
    %add3A_337 = arith.addi %mul3A_4, %add3A_336 : i32
    %multiple_of3A_338 = tpu.assume_multiple %add3A_337, 8 : i32
    %dma_wait3A_339 = arith.constant 0 : i32
    %dma_wait3A_340 = arith.constant 0 : i32
    %dma_wait3A_341 = tpu.memref_slice %arg8[%dma_wait3A_339, %dma_wait3A_340] : memref<4x128xi32, #tpu.memory_space<vmem>> -> memref<1x128xi32, #tpu.memory_space<vmem>>
    %dma_wait3A_342 = tpu.memref_squeeze %dma_wait3A_341 : memref<1x128xi32, #tpu.memory_space<vmem>> -> memref<128xi32, #tpu.memory_space<vmem>>
    %dma_wait3A_343 = tpu.memref_slice %arg3[%multiple_of3A_338] : memref<320000xi32, #tpu.memory_space<hbm>> -> memref<128xi32, #tpu.memory_space<hbm>>
    %dma_wait3A_344 = arith.constant 0 : i32
    %dma_wait3A_345 = tpu.memref_slice %arg8[%dma_wait3A_339, %dma_wait3A_344] : memref<4x128xi32, #tpu.memory_space<vmem>> -> memref<1x128xi32, #tpu.memory_space<vmem>>
    %dma_wait3A_346 = tpu.memref_squeeze %dma_wait3A_345 : memref<1x128xi32, #tpu.memory_space<vmem>> -> memref<128xi32, #tpu.memory_space<vmem>>
    %dma_wait3A_347 = tpu.memref_slice %arg3[%multiple_of3A_338] : memref<320000xi32, #tpu.memory_space<hbm>> -> memref<128xi32, #tpu.memory_space<hbm>>
    tpu.wait_dma2 semaphore(%arg15 : memref<!tpu.dma_semaphore, #tpu.memory_space<semaphore_mem>>) src(%dma_wait3A_347 : memref<128xi32, #tpu.memory_space<hbm>>) dst(%dma_wait3A_346 : memref<128xi32, #tpu.memory_space<vmem>>)
    %dma_wait3A_348 = arith.constant 0 : i32
    %dma_wait3A_349 = arith.constant 0 : i32
    %dma_wait3A_350 = tpu.memref_slice %arg9[%dma_wait3A_348, %dma_wait3A_349] : memref<4x128xi32, #tpu.memory_space<vmem>> -> memref<1x128xi32, #tpu.memory_space<vmem>>
    %dma_wait3A_351 = tpu.memref_squeeze %dma_wait3A_350 : memref<1x128xi32, #tpu.memory_space<vmem>> -> memref<128xi32, #tpu.memory_space<vmem>>
    %dma_wait3A_352 = tpu.memref_slice %arg4[%multiple_of3A_338] : memref<320000xi32, #tpu.memory_space<hbm>> -> memref<128xi32, #tpu.memory_space<hbm>>
    %dma_wait3A_353 = arith.constant 0 : i32
    %dma_wait3A_354 = tpu.memref_slice %arg9[%dma_wait3A_348, %dma_wait3A_353] : memref<4x128xi32, #tpu.memory_space<vmem>> -> memref<1x128xi32, #tpu.memory_space<vmem>>
    %dma_wait3A_355 = tpu.memref_squeeze %dma_wait3A_354 : memref<1x128xi32, #tpu.memory_space<vmem>> -> memref<128xi32, #tpu.memory_space<vmem>>
    %dma_wait3A_356 = tpu.memref_slice %arg4[%multiple_of3A_338] : memref<320000xi32, #tpu.memory_space<hbm>> -> memref<128xi32, #tpu.memory_space<hbm>>
    tpu.wait_dma2 semaphore(%arg19 : memref<!tpu.dma_semaphore, #tpu.memory_space<semaphore_mem>>) src(%dma_wait3A_356 : memref<128xi32, #tpu.memory_space<hbm>>) dst(%dma_wait3A_355 : memref<128xi32, #tpu.memory_space<vmem>>)
    %dma_start3A_357 = arith.constant 0 : i32
    %dma_start3A_358 = arith.constant 0 : i32
    %dma_start3A_359 = tpu.memref_slice %arg8[%dma_start3A_357, %dma_start3A_358] : memref<4x128xi32, #tpu.memory_space<vmem>> -> memref<1x128xi32, #tpu.memory_space<vmem>>
    %dma_start3A_360 = tpu.memref_squeeze %dma_start3A_359 : memref<1x128xi32, #tpu.memory_space<vmem>> -> memref<128xi32, #tpu.memory_space<vmem>>
    %dma_start3A_361 = arith.constant 0 : i32
    %dma_start3A_362 = arith.constant 0 : i32
    %dma_start3A_363 = tpu.memref_slice %arg2[%dma_start3A_361, %dma_start3A_362] : memref<10000x128xf32, #tpu.memory_space<hbm>> -> memref<10000x128xf32, #tpu.memory_space<hbm>>
    tpu.enqueue_indirect_dma source(%dma_start3A_363 : memref<10000x128xf32, #tpu.memory_space<hbm>>) target(%arg10 : memref<128x128xf32, #tpu.memory_space<vmem>>) offsets(%dma_start3A_360 : memref<128xi32, #tpu.memory_space<vmem>>) semaphore(%arg23 : memref<!tpu.dma_semaphore, #tpu.memory_space<semaphore_mem>>)
    %dma_wait3A_364 = arith.constant 0 : i32
    %dma_wait3A_365 = arith.constant 0 : i32
    %dma_wait3A_366 = tpu.memref_slice %arg8[%dma_wait3A_364, %dma_wait3A_365] : memref<4x128xi32, #tpu.memory_space<vmem>> -> memref<1x128xi32, #tpu.memory_space<vmem>>
    %dma_wait3A_367 = tpu.memref_squeeze %dma_wait3A_366 : memref<1x128xi32, #tpu.memory_space<vmem>> -> memref<128xi32, #tpu.memory_space<vmem>>
    %dma_wait3A_368 = arith.constant 0 : i32
    %dma_wait3A_369 = arith.constant 0 : i32
    %dma_wait3A_370 = tpu.memref_slice %arg2[%dma_wait3A_368, %dma_wait3A_369] : memref<10000x128xf32, #tpu.memory_space<hbm>> -> memref<10000x128xf32, #tpu.memory_space<hbm>>
    tpu.wait_indirect_dma semaphore(%arg23 : memref<!tpu.dma_semaphore, #tpu.memory_space<semaphore_mem>>) src(%dma_wait3A_370 : memref<10000x128xf32, #tpu.memory_space<hbm>>) dst(%arg10 : memref<128x128xf32, #tpu.memory_space<vmem>>)
    %dma_start3A_371 = arith.constant 0 : i32
    %dma_start3A_372 = arith.constant 0 : i32
    %dma_start3A_373 = tpu.memref_slice %arg9[%dma_start3A_371, %dma_start3A_372] : memref<4x128xi32, #tpu.memory_space<vmem>> -> memref<1x128xi32, #tpu.memory_space<vmem>>
    %dma_start3A_374 = tpu.memref_squeeze %dma_start3A_373 : memref<1x128xi32, #tpu.memory_space<vmem>> -> memref<128xi32, #tpu.memory_space<vmem>>
    %dma_start3A_375 = arith.constant 0 : i32
    %dma_start3A_376 = arith.constant 0 : i32
    %dma_start3A_377 = tpu.memref_slice %arg7[%dma_start3A_375, %dma_start3A_376] : memref<10240x128xf32, #tpu.memory_space<vmem_shared>> -> memref<10240x128xf32, #tpu.memory_space<vmem_shared>>
    tpu.enqueue_indirect_dma source(%arg10 : memref<128x128xf32, #tpu.memory_space<vmem>>) target(%dma_start3A_377 : memref<10240x128xf32, #tpu.memory_space<vmem_shared>>) offsets(%dma_start3A_374 : memref<128xi32, #tpu.memory_space<vmem>>) semaphore(%arg25 : memref<!tpu.dma_semaphore, #tpu.memory_space<semaphore_mem>>) {add = true}
    %dma_wait3A_378 = arith.constant 3 : i32
    %dma_wait3A_379 = arith.constant 0 : i32
    %dma_wait3A_380 = tpu.memref_slice %arg9[%dma_wait3A_378, %dma_wait3A_379] : memref<4x128xi32, #tpu.memory_space<vmem>> -> memref<1x128xi32, #tpu.memory_space<vmem>>
    %dma_wait3A_381 = tpu.memref_squeeze %dma_wait3A_380 : memref<1x128xi32, #tpu.memory_space<vmem>> -> memref<128xi32, #tpu.memory_space<vmem>>
    %dma_wait3A_382 = arith.constant 0 : i32
    %dma_wait3A_383 = arith.constant 0 : i32
    %dma_wait3A_384 = tpu.memref_slice %arg7[%dma_wait3A_382, %dma_wait3A_383] : memref<10240x128xf32, #tpu.memory_space<vmem_shared>> -> memref<10240x128xf32, #tpu.memory_space<vmem_shared>>
    tpu.wait_indirect_dma semaphore(%arg26 : memref<!tpu.dma_semaphore, #tpu.memory_space<semaphore_mem>>) src(%arg11 : memref<128x128xf32, #tpu.memory_space<vmem>>) dst(%dma_wait3A_384 : memref<10240x128xf32, #tpu.memory_space<vmem_shared>>)
    %add3A_385 = arith.constant 9856 : i32
    %add3A_386 = arith.addi %mul3A_4, %add3A_385 : i32
    %multiple_of3A_387 = tpu.assume_multiple %add3A_386, 8 : i32
    %dma_wait3A_388 = arith.constant 1 : i32
    %dma_wait3A_389 = arith.constant 0 : i32
    %dma_wait3A_390 = tpu.memref_slice %arg8[%dma_wait3A_388, %dma_wait3A_389] : memref<4x128xi32, #tpu.memory_space<vmem>> -> memref<1x128xi32, #tpu.memory_space<vmem>>
    %dma_wait3A_391 = tpu.memref_squeeze %dma_wait3A_390 : memref<1x128xi32, #tpu.memory_space<vmem>> -> memref<128xi32, #tpu.memory_space<vmem>>
    %dma_wait3A_392 = tpu.memref_slice %arg3[%multiple_of3A_387] : memref<320000xi32, #tpu.memory_space<hbm>> -> memref<128xi32, #tpu.memory_space<hbm>>
    %dma_wait3A_393 = arith.constant 0 : i32
    %dma_wait3A_394 = tpu.memref_slice %arg8[%dma_wait3A_388, %dma_wait3A_393] : memref<4x128xi32, #tpu.memory_space<vmem>> -> memref<1x128xi32, #tpu.memory_space<vmem>>
    %dma_wait3A_395 = tpu.memref_squeeze %dma_wait3A_394 : memref<1x128xi32, #tpu.memory_space<vmem>> -> memref<128xi32, #tpu.memory_space<vmem>>
    %dma_wait3A_396 = tpu.memref_slice %arg3[%multiple_of3A_387] : memref<320000xi32, #tpu.memory_space<hbm>> -> memref<128xi32, #tpu.memory_space<hbm>>
    tpu.wait_dma2 semaphore(%arg16 : memref<!tpu.dma_semaphore, #tpu.memory_space<semaphore_mem>>) src(%dma_wait3A_396 : memref<128xi32, #tpu.memory_space<hbm>>) dst(%dma_wait3A_395 : memref<128xi32, #tpu.memory_space<vmem>>)
    %dma_wait3A_397 = arith.constant 1 : i32
    %dma_wait3A_398 = arith.constant 0 : i32
    %dma_wait3A_399 = tpu.memref_slice %arg9[%dma_wait3A_397, %dma_wait3A_398] : memref<4x128xi32, #tpu.memory_space<vmem>> -> memref<1x128xi32, #tpu.memory_space<vmem>>
    %dma_wait3A_400 = tpu.memref_squeeze %dma_wait3A_399 : memref<1x128xi32, #tpu.memory_space<vmem>> -> memref<128xi32, #tpu.memory_space<vmem>>
    %dma_wait3A_401 = tpu.memref_slice %arg4[%multiple_of3A_387] : memref<320000xi32, #tpu.memory_space<hbm>> -> memref<128xi32, #tpu.memory_space<hbm>>
    %dma_wait3A_402 = arith.constant 0 : i32
    %dma_wait3A_403 = tpu.memref_slice %arg9[%dma_wait3A_397, %dma_wait3A_402] : memref<4x128xi32, #tpu.memory_space<vmem>> -> memref<1x128xi32, #tpu.memory_space<vmem>>
    %dma_wait3A_404 = tpu.memref_squeeze %dma_wait3A_403 : memref<1x128xi32, #tpu.memory_space<vmem>> -> memref<128xi32, #tpu.memory_space<vmem>>
    %dma_wait3A_405 = tpu.memref_slice %arg4[%multiple_of3A_387] : memref<320000xi32, #tpu.memory_space<hbm>> -> memref<128xi32, #tpu.memory_space<hbm>>
    tpu.wait_dma2 semaphore(%arg20 : memref<!tpu.dma_semaphore, #tpu.memory_space<semaphore_mem>>) src(%dma_wait3A_405 : memref<128xi32, #tpu.memory_space<hbm>>) dst(%dma_wait3A_404 : memref<128xi32, #tpu.memory_space<vmem>>)
    %dma_start3A_406 = arith.constant 1 : i32
    %dma_start3A_407 = arith.constant 0 : i32
    %dma_start3A_408 = tpu.memref_slice %arg8[%dma_start3A_406, %dma_start3A_407] : memref<4x128xi32, #tpu.memory_space<vmem>> -> memref<1x128xi32, #tpu.memory_space<vmem>>
    %dma_start3A_409 = tpu.memref_squeeze %dma_start3A_408 : memref<1x128xi32, #tpu.memory_space<vmem>> -> memref<128xi32, #tpu.memory_space<vmem>>
    %dma_start3A_410 = arith.constant 0 : i32
    %dma_start3A_411 = arith.constant 0 : i32
    %dma_start3A_412 = tpu.memref_slice %arg2[%dma_start3A_410, %dma_start3A_411] : memref<10000x128xf32, #tpu.memory_space<hbm>> -> memref<10000x128xf32, #tpu.memory_space<hbm>>
    tpu.enqueue_indirect_dma source(%dma_start3A_412 : memref<10000x128xf32, #tpu.memory_space<hbm>>) target(%arg11 : memref<128x128xf32, #tpu.memory_space<vmem>>) offsets(%dma_start3A_409 : memref<128xi32, #tpu.memory_space<vmem>>) semaphore(%arg24 : memref<!tpu.dma_semaphore, #tpu.memory_space<semaphore_mem>>)
    %dma_wait3A_413 = arith.constant 1 : i32
    %dma_wait3A_414 = arith.constant 0 : i32
    %dma_wait3A_415 = tpu.memref_slice %arg8[%dma_wait3A_413, %dma_wait3A_414] : memref<4x128xi32, #tpu.memory_space<vmem>> -> memref<1x128xi32, #tpu.memory_space<vmem>>
    %dma_wait3A_416 = tpu.memref_squeeze %dma_wait3A_415 : memref<1x128xi32, #tpu.memory_space<vmem>> -> memref<128xi32, #tpu.memory_space<vmem>>
    %dma_wait3A_417 = arith.constant 0 : i32
    %dma_wait3A_418 = arith.constant 0 : i32
    %dma_wait3A_419 = tpu.memref_slice %arg2[%dma_wait3A_417, %dma_wait3A_418] : memref<10000x128xf32, #tpu.memory_space<hbm>> -> memref<10000x128xf32, #tpu.memory_space<hbm>>
    tpu.wait_indirect_dma semaphore(%arg24 : memref<!tpu.dma_semaphore, #tpu.memory_space<semaphore_mem>>) src(%dma_wait3A_419 : memref<10000x128xf32, #tpu.memory_space<hbm>>) dst(%arg11 : memref<128x128xf32, #tpu.memory_space<vmem>>)
    %dma_start3A_420 = arith.constant 1 : i32
    %dma_start3A_421 = arith.constant 0 : i32
    %dma_start3A_422 = tpu.memref_slice %arg9[%dma_start3A_420, %dma_start3A_421] : memref<4x128xi32, #tpu.memory_space<vmem>> -> memref<1x128xi32, #tpu.memory_space<vmem>>
    %dma_start3A_423 = tpu.memref_squeeze %dma_start3A_422 : memref<1x128xi32, #tpu.memory_space<vmem>> -> memref<128xi32, #tpu.memory_space<vmem>>
    %dma_start3A_424 = arith.constant 0 : i32
    %dma_start3A_425 = arith.constant 0 : i32
    %dma_start3A_426 = tpu.memref_slice %arg7[%dma_start3A_424, %dma_start3A_425] : memref<10240x128xf32, #tpu.memory_space<vmem_shared>> -> memref<10240x128xf32, #tpu.memory_space<vmem_shared>>
    tpu.enqueue_indirect_dma source(%arg11 : memref<128x128xf32, #tpu.memory_space<vmem>>) target(%dma_start3A_426 : memref<10240x128xf32, #tpu.memory_space<vmem_shared>>) offsets(%dma_start3A_423 : memref<128xi32, #tpu.memory_space<vmem>>) semaphore(%arg26 : memref<!tpu.dma_semaphore, #tpu.memory_space<semaphore_mem>>) {add = true}
    %dma_wait3A_427 = arith.constant 0 : i32
    %dma_wait3A_428 = arith.constant 0 : i32
    %dma_wait3A_429 = tpu.memref_slice %arg9[%dma_wait3A_427, %dma_wait3A_428] : memref<4x128xi32, #tpu.memory_space<vmem>> -> memref<1x128xi32, #tpu.memory_space<vmem>>
    %dma_wait3A_430 = tpu.memref_squeeze %dma_wait3A_429 : memref<1x128xi32, #tpu.memory_space<vmem>> -> memref<128xi32, #tpu.memory_space<vmem>>
    %dma_wait3A_431 = arith.constant 0 : i32
    %dma_wait3A_432 = arith.constant 0 : i32
    %dma_wait3A_433 = tpu.memref_slice %arg7[%dma_wait3A_431, %dma_wait3A_432] : memref<10240x128xf32, #tpu.memory_space<vmem_shared>> -> memref<10240x128xf32, #tpu.memory_space<vmem_shared>>
    tpu.wait_indirect_dma semaphore(%arg25 : memref<!tpu.dma_semaphore, #tpu.memory_space<semaphore_mem>>) src(%arg10 : memref<128x128xf32, #tpu.memory_space<vmem>>) dst(%dma_wait3A_433 : memref<10240x128xf32, #tpu.memory_space<vmem_shared>>)
    %dma_wait3A_434 = arith.constant 0 : i32
    %dma_wait3A_435 = arith.constant 0 : i32
    %dma_wait3A_436 = tpu.memref_slice %arg2[%dma_wait3A_434, %dma_wait3A_435] : memref<10000x128xf32, #tpu.memory_space<hbm>> -> memref<10000x128xf32, #tpu.memory_space<hbm>>
    tpu.wait_indirect_dma semaphore(%arg29 : memref<!tpu.dma_semaphore, #tpu.memory_space<semaphore_mem>>) src(%dma_wait3A_436 : memref<10000x128xf32, #tpu.memory_space<hbm>>) dst(%arg14 : memref<16x128xf32, #tpu.memory_space<vmem>>)
    %dma_start3A_437 = arith.constant 0 : i32
    %dma_start3A_438 = arith.constant 0 : i32
    %dma_start3A_439 = tpu.memref_slice %arg7[%dma_start3A_437, %dma_start3A_438] : memref<10240x128xf32, #tpu.memory_space<vmem_shared>> -> memref<10240x128xf32, #tpu.memory_space<vmem_shared>>
    tpu.enqueue_indirect_dma source(%arg14 : memref<16x128xf32, #tpu.memory_space<vmem>>) target(%dma_start3A_439 : memref<10240x128xf32, #tpu.memory_space<vmem_shared>>) offsets(%arg13 : memref<16xi32, #tpu.memory_space<vmem>>) semaphore(%arg30 : memref<!tpu.dma_semaphore, #tpu.memory_space<semaphore_mem>>) {add = true}
    %dma_wait3A_440 = arith.constant 1 : i32
    %dma_wait3A_441 = arith.constant 0 : i32
    %dma_wait3A_442 = tpu.memref_slice %arg9[%dma_wait3A_440, %dma_wait3A_441] : memref<4x128xi32, #tpu.memory_space<vmem>> -> memref<1x128xi32, #tpu.memory_space<vmem>>
    %dma_wait3A_443 = tpu.memref_squeeze %dma_wait3A_442 : memref<1x128xi32, #tpu.memory_space<vmem>> -> memref<128xi32, #tpu.memory_space<vmem>>
    %dma_wait3A_444 = arith.constant 0 : i32
    %dma_wait3A_445 = arith.constant 0 : i32
    %dma_wait3A_446 = tpu.memref_slice %arg7[%dma_wait3A_444, %dma_wait3A_445] : memref<10240x128xf32, #tpu.memory_space<vmem_shared>> -> memref<10240x128xf32, #tpu.memory_space<vmem_shared>>
    tpu.wait_indirect_dma semaphore(%arg26 : memref<!tpu.dma_semaphore, #tpu.memory_space<semaphore_mem>>) src(%arg11 : memref<128x128xf32, #tpu.memory_space<vmem>>) dst(%dma_wait3A_446 : memref<10240x128xf32, #tpu.memory_space<vmem_shared>>)
    %dma_wait3A_447 = arith.constant 0 : i32
    %dma_wait3A_448 = arith.constant 0 : i32
    %dma_wait3A_449 = tpu.memref_slice %arg7[%dma_wait3A_447, %dma_wait3A_448] : memref<10240x128xf32, #tpu.memory_space<vmem_shared>> -> memref<10240x128xf32, #tpu.memory_space<vmem_shared>>
    tpu.wait_indirect_dma semaphore(%arg30 : memref<!tpu.dma_semaphore, #tpu.memory_space<semaphore_mem>>) src(%arg14 : memref<16x128xf32, #tpu.memory_space<vmem>>) dst(%dma_wait3A_449 : memref<10240x128xf32, #tpu.memory_space<vmem_shared>>)
    %barrier3A_450 = arith.constant 0 : index
    tpu.barrier barrier_id(%barrier3A_450)
    "tpu.region"() ({
      %run_scoped3A = tpu.sem_alloc : memref<!tpu.dma_semaphore, #tpu.memory_space<semaphore_mem>>
      %dma_start3A_451 = arith.constant 0 : i32
      %dma_start3A_452 = tpu.memref_slice %arg6[%arg0, %multiple_of3A, %dma_start3A_451] : memref<2x10240x128xf32, #tpu.memory_space<hbm>> -> memref<1x640x128xf32, #tpu.memory_space<hbm>>
      %dma_start3A_453 = tpu.memref_squeeze %dma_start3A_452 : memref<1x640x128xf32, #tpu.memory_space<hbm>> -> memref<640x128xf32, #tpu.memory_space<hbm>>
      %dma_start3A_454 = arith.constant 0 : i32
      %dma_start3A_455 = tpu.memref_slice %arg7[%multiple_of3A, %dma_start3A_454] : memref<10240x128xf32, #tpu.memory_space<vmem_shared>> -> memref<640x128xf32, #tpu.memory_space<vmem_shared>>
      tpu.enqueue_dma source(%dma_start3A_455 : memref<640x128xf32, #tpu.memory_space<vmem_shared>>) target(%dma_start3A_453 : memref<640x128xf32, #tpu.memory_space<hbm>>) target_semaphore(%run_scoped3A : memref<!tpu.dma_semaphore, #tpu.memory_space<semaphore_mem>>)
      %dma_wait3A_456 = arith.constant 0 : i32
      %dma_wait3A_457 = tpu.memref_slice %arg6[%arg0, %multiple_of3A, %dma_wait3A_456] : memref<2x10240x128xf32, #tpu.memory_space<hbm>> -> memref<1x640x128xf32, #tpu.memory_space<hbm>>
      %dma_wait3A_458 = tpu.memref_squeeze %dma_wait3A_457 : memref<1x640x128xf32, #tpu.memory_space<hbm>> -> memref<640x128xf32, #tpu.memory_space<hbm>>
      %dma_wait3A_459 = arith.constant 0 : i32
      %dma_wait3A_460 = tpu.memref_slice %arg7[%multiple_of3A, %dma_wait3A_459] : memref<10240x128xf32, #tpu.memory_space<vmem_shared>> -> memref<640x128xf32, #tpu.memory_space<vmem_shared>>
      tpu.wait_dma2 semaphore(%run_scoped3A : memref<!tpu.dma_semaphore, #tpu.memory_space<semaphore_mem>>) src(%dma_wait3A_460 : memref<640x128xf32, #tpu.memory_space<vmem_shared>>) dst(%dma_wait3A_458 : memref<640x128xf32, #tpu.memory_space<hbm>>)
      tpu.yield
    }) : () -> ()
    return
  }
}

module attributes {stable_mosaic.version = 14 : i64} {
  func.func @_combine_body(%arg0: i32, %arg1: memref<2x400x128xf32, #tpu.memory_space<vmem>>, %arg2: memref<400x128xf32, #tpu.memory_space<vmem>>, %arg3: memref<400x128xf32, #tpu.memory_space<vmem>>, %arg4: memref<128x128xf32, #tpu.memory_space<vmem>>, %arg5: memref<128x128xf32, #tpu.memory_space<vmem>>, %arg6: memref<1x128xf32, #tpu.memory_space<vmem>>, %arg7: memref<400x128xf32, #tpu.memory_space<vmem>>) attributes {dimension_semantics = [#tpu.dimension_semantics<arbitrary>], iteration_bounds = array<i64: 25>, scalar_prefetch = 0 : i64, scratch_operands = 0 : i64, tpu.core_type = #tpu.core_type<tc>, window_params = [{transform_indices = @transform_0, window_bounds = array<i64: 2, 400, 128>}, {transform_indices = @transform_1, window_bounds = array<i64: 400, 128>}, {transform_indices = @transform_2, window_bounds = array<i64: 400, 128>}, {pipeline_mode = #tpu.pipeline_mode<synchronous>, transform_indices = @transform_3, window_bounds = array<i64: 128, 128>}, {pipeline_mode = #tpu.pipeline_mode<synchronous>, transform_indices = @transform_4, window_bounds = array<i64: 128, 128>}, {pipeline_mode = #tpu.pipeline_mode<synchronous>, transform_indices = @transform_5, window_bounds = array<i64: 1, 128>}, {transform_indices = @transform_6, window_bounds = array<i64: 400, 128>}]} {
    %get3A = arith.constant 0 : index
    %get3A_0 = arith.constant 0 : index
    %get3A_1 = vector.load %arg2[%get3A, %get3A_0] : memref<400x128xf32, #tpu.memory_space<vmem>>, vector<400x128xf32>
    %max3A = arith.constant 1.000000e+00 : f32
    %max3A_2 = vector.broadcast %max3A : f32 to vector<400x128xf32>
    %max3A_3 = arith.maximumf %get3A_1, %max3A_2 : vector<400x128xf32>
    %get3A_4 = arith.constant 0 : index
    %get3A_5 = arith.constant 0 : index
    %get3A_6 = arith.constant 0 : index
    %get3A_7 = vector.load %arg1[%get3A_4, %get3A_5, %get3A_6] : memref<2x400x128xf32, #tpu.memory_space<vmem>>, vector<1x400x128xf32>
    %get3A_8 = vector.shape_cast %get3A_7 : vector<1x400x128xf32> to vector<400x128xf32>
    %get3A_9 = arith.constant 1 : index
    %get3A_10 = arith.constant 0 : index
    %get3A_11 = arith.constant 0 : index
    %get3A_12 = vector.load %arg1[%get3A_9, %get3A_10, %get3A_11] : memref<2x400x128xf32, #tpu.memory_space<vmem>>, vector<1x400x128xf32>
    %get3A_13 = vector.shape_cast %get3A_12 : vector<1x400x128xf32> to vector<400x128xf32>
    %add3A = arith.addf %get3A_8, %get3A_13 : vector<400x128xf32>
    %div3A = arith.divf %add3A, %max3A_3 : vector<400x128xf32>
    %get3A_14 = arith.constant 0 : index
    %get3A_15 = arith.constant 0 : index
    %get3A_16 = vector.load %arg4[%get3A_14, %get3A_15] : memref<128x128xf32, #tpu.memory_space<vmem>>, vector<128x128xf32>
    %dot_general3A = arith.constant dense<0.000000e+00> : vector<400x128xf32>
    %dot_general3A_17 = tpu.matmul %div3A, %get3A_16, %dot_general3A {dimension_numbers = #tpu.dot_dimension_numbers<[1], [0], [0], [1], [0, 0, 1, 1], [], []>, transpose_lhs_hint = false} : vector<400x128xf32>, vector<128x128xf32>, vector<400x128xf32> -> vector<400x128xf32>
    %get3A_18 = arith.constant 0 : index
    %get3A_19 = arith.constant 0 : index
    %get3A_20 = vector.load %arg3[%get3A_18, %get3A_19] : memref<400x128xf32, #tpu.memory_space<vmem>>, vector<400x128xf32>
    %get3A_21 = arith.constant 0 : index
    %get3A_22 = arith.constant 0 : index
    %get3A_23 = vector.load %arg5[%get3A_21, %get3A_22] : memref<128x128xf32, #tpu.memory_space<vmem>>, vector<128x128xf32>
    %dot_general3A_24 = arith.constant dense<0.000000e+00> : vector<400x128xf32>
    %dot_general3A_25 = tpu.matmul %get3A_20, %get3A_23, %dot_general3A_24 {dimension_numbers = #tpu.dot_dimension_numbers<[1], [0], [0], [1], [0, 0, 1, 1], [], []>, transpose_lhs_hint = false} : vector<400x128xf32>, vector<128x128xf32>, vector<400x128xf32> -> vector<400x128xf32>
    %add3A_26 = arith.addf %dot_general3A_17, %dot_general3A_25 : vector<400x128xf32>
    %get3A_27 = arith.constant 0 : index
    %get3A_28 = arith.constant 0 : index
    %get3A_29 = vector.load %arg6[%get3A_27, %get3A_28] : memref<1x128xf32, #tpu.memory_space<vmem>>, vector<1x128xf32>
    %add3A_30 = vector.broadcast %get3A_29 : vector<1x128xf32> to vector<400x128xf32>
    %add3A_31 = arith.addf %add3A_26, %add3A_30 : vector<400x128xf32>
    %max3A_32 = arith.constant 0.000000e+00 : f32
    %max3A_33 = vector.broadcast %max3A_32 : f32 to vector<400x128xf32>
    %max3A_34 = arith.maximumf %add3A_31, %max3A_33 : vector<400x128xf32>
    %swap3A = arith.constant 0 : index
    %swap3A_35 = arith.constant 0 : index
    %swap3A_36 = vector.load %arg7[%swap3A, %swap3A_35] : memref<400x128xf32, #tpu.memory_space<vmem>>, vector<400x128xf32>
    tpu.vector_store %arg7[%swap3A, %swap3A_35], %max3A_34 {strides = array<i32>} : memref<400x128xf32, #tpu.memory_space<vmem>>, vector<400x128xf32>,
    return
  }
  func.func @transform_0(%arg0: i32) -> (i32, i32, i32) {
    %c0_i32 = arith.constant 0 : i32
    %c0_i32_0 = arith.constant 0 : i32
    %c0_i32_1 = arith.constant 0 : i32
    return %c0_i32, %arg0, %c0_i32_0 : i32, i32, i32
  }
  func.func @transform_1(%arg0: i32) -> (i32, i32) {
    %c0_i32 = arith.constant 0 : i32
    %c0_i32_0 = arith.constant 0 : i32
    return %arg0, %c0_i32 : i32, i32
  }
  func.func @transform_2(%arg0: i32) -> (i32, i32) {
    %c0_i32 = arith.constant 0 : i32
    %c0_i32_0 = arith.constant 0 : i32
    return %arg0, %c0_i32 : i32, i32
  }
  func.func @transform_3(%arg0: i32) -> (i32, i32) {
    %c0_i32 = arith.constant 0 : i32
    %c0_i32_0 = arith.constant 0 : i32
    %c0_i32_1 = arith.constant 0 : i32
    return %c0_i32, %c0_i32_0 : i32, i32
  }
  func.func @transform_4(%arg0: i32) -> (i32, i32) {
    %c0_i32 = arith.constant 0 : i32
    %c0_i32_0 = arith.constant 0 : i32
    %c0_i32_1 = arith.constant 0 : i32
    return %c0_i32, %c0_i32_0 : i32, i32
  }
  func.func @transform_5(%arg0: i32) -> (i32, i32) {
    %c0_i32 = arith.constant 0 : i32
    %c0_i32_0 = arith.constant 0 : i32
    %c0_i32_1 = arith.constant 0 : i32
    return %c0_i32, %c0_i32_0 : i32, i32
  }
  func.func @transform_6(%arg0: i32) -> (i32, i32) {
    %c0_i32 = arith.constant 0 : i32
    %c0_i32_0 = arith.constant 0 : i32
    return %arg0, %c0_i32 : i32, i32
  }
}

module attributes {stable_mosaic.version = 14 : i64} {
  func.func @_combine_body(%arg0: i32, %arg1: memref<2x400x128xf32, #tpu.memory_space<vmem>>, %arg2: memref<400x128xf32, #tpu.memory_space<vmem>>, %arg3: memref<400x128xf32, #tpu.memory_space<vmem>>, %arg4: memref<128x128xf32, #tpu.memory_space<vmem>>, %arg5: memref<128x128xf32, #tpu.memory_space<vmem>>, %arg6: memref<1x128xf32, #tpu.memory_space<vmem>>, %arg7: memref<400x128xf32, #tpu.memory_space<vmem>>) attributes {dimension_semantics = [#tpu.dimension_semantics<arbitrary>], iteration_bounds = array<i64: 25>, scalar_prefetch = 0 : i64, scratch_operands = 0 : i64, tpu.core_type = #tpu.core_type<tc>, window_params = [{transform_indices = @transform_0, window_bounds = array<i64: 2, 400, 128>}, {transform_indices = @transform_1, window_bounds = array<i64: 400, 128>}, {transform_indices = @transform_2, window_bounds = array<i64: 400, 128>}, {pipeline_mode = #tpu.pipeline_mode<synchronous>, transform_indices = @transform_3, window_bounds = array<i64: 128, 128>}, {pipeline_mode = #tpu.pipeline_mode<synchronous>, transform_indices = @transform_4, window_bounds = array<i64: 128, 128>}, {pipeline_mode = #tpu.pipeline_mode<synchronous>, transform_indices = @transform_5, window_bounds = array<i64: 1, 128>}, {transform_indices = @transform_6, window_bounds = array<i64: 400, 128>}]} {
    %get3A = arith.constant 0 : index
    %get3A_0 = arith.constant 0 : index
    %get3A_1 = vector.load %arg2[%get3A, %get3A_0] : memref<400x128xf32, #tpu.memory_space<vmem>>, vector<400x128xf32>
    %max3A = arith.constant 1.000000e+00 : f32
    %max3A_2 = vector.broadcast %max3A : f32 to vector<400x128xf32>
    %max3A_3 = arith.maximumf %get3A_1, %max3A_2 : vector<400x128xf32>
    %get3A_4 = arith.constant 0 : index
    %get3A_5 = arith.constant 0 : index
    %get3A_6 = arith.constant 0 : index
    %get3A_7 = vector.load %arg1[%get3A_4, %get3A_5, %get3A_6] : memref<2x400x128xf32, #tpu.memory_space<vmem>>, vector<1x400x128xf32>
    %get3A_8 = vector.shape_cast %get3A_7 : vector<1x400x128xf32> to vector<400x128xf32>
    %get3A_9 = arith.constant 1 : index
    %get3A_10 = arith.constant 0 : index
    %get3A_11 = arith.constant 0 : index
    %get3A_12 = vector.load %arg1[%get3A_9, %get3A_10, %get3A_11] : memref<2x400x128xf32, #tpu.memory_space<vmem>>, vector<1x400x128xf32>
    %get3A_13 = vector.shape_cast %get3A_12 : vector<1x400x128xf32> to vector<400x128xf32>
    %add3A = arith.addf %get3A_8, %get3A_13 : vector<400x128xf32>
    %div3A = arith.divf %add3A, %max3A_3 : vector<400x128xf32>
    %get3A_14 = arith.constant 0 : index
    %get3A_15 = arith.constant 0 : index
    %get3A_16 = vector.load %arg4[%get3A_14, %get3A_15] : memref<128x128xf32, #tpu.memory_space<vmem>>, vector<128x128xf32>
    %dot_general3A = arith.constant dense<0.000000e+00> : vector<400x128xf32>
    %dot_general3A_17 = tpu.matmul %div3A, %get3A_16, %dot_general3A {dimension_numbers = #tpu.dot_dimension_numbers<[1], [0], [0], [1], [0, 0, 1, 1], [], []>, transpose_lhs_hint = false} : vector<400x128xf32>, vector<128x128xf32>, vector<400x128xf32> -> vector<400x128xf32>
    %get3A_18 = arith.constant 0 : index
    %get3A_19 = arith.constant 0 : index
    %get3A_20 = vector.load %arg3[%get3A_18, %get3A_19] : memref<400x128xf32, #tpu.memory_space<vmem>>, vector<400x128xf32>
    %get3A_21 = arith.constant 0 : index
    %get3A_22 = arith.constant 0 : index
    %get3A_23 = vector.load %arg5[%get3A_21, %get3A_22] : memref<128x128xf32, #tpu.memory_space<vmem>>, vector<128x128xf32>
    %dot_general3A_24 = arith.constant dense<0.000000e+00> : vector<400x128xf32>
    %dot_general3A_25 = tpu.matmul %get3A_20, %get3A_23, %dot_general3A_24 {dimension_numbers = #tpu.dot_dimension_numbers<[1], [0], [0], [1], [0, 0, 1, 1], [], []>, transpose_lhs_hint = false} : vector<400x128xf32>, vector<128x128xf32>, vector<400x128xf32> -> vector<400x128xf32>
    %add3A_26 = arith.addf %dot_general3A_17, %dot_general3A_25 : vector<400x128xf32>
    %get3A_27 = arith.constant 0 : index
    %get3A_28 = arith.constant 0 : index
    %get3A_29 = vector.load %arg6[%get3A_27, %get3A_28] : memref<1x128xf32, #tpu.memory_space<vmem>>, vector<1x128xf32>
    %add3A_30 = vector.broadcast %get3A_29 : vector<1x128xf32> to vector<400x128xf32>
    %add3A_31 = arith.addf %add3A_26, %add3A_30 : vector<400x128xf32>
    %max3A_32 = arith.constant 0.000000e+00 : f32
    %max3A_33 = vector.broadcast %max3A_32 : f32 to vector<400x128xf32>
    %max3A_34 = arith.maximumf %add3A_31, %max3A_33 : vector<400x128xf32>
    %swap3A = arith.constant 0 : index
    %swap3A_35 = arith.constant 0 : index
    %swap3A_36 = vector.load %arg7[%swap3A, %swap3A_35] : memref<400x128xf32, #tpu.memory_space<vmem>>, vector<400x128xf32>
    tpu.vector_store %arg7[%swap3A, %swap3A_35], %max3A_34 {strides = array<i32>} : memref<400x128xf32, #tpu.memory_space<vmem>>, vector<400x128xf32>,
    return
  }
  func.func @transform_0(%arg0: i32) -> (i32, i32, i32) {
    %c0_i32 = arith.constant 0 : i32
    %c0_i32_0 = arith.constant 0 : i32
    %c0_i32_1 = arith.constant 0 : i32
    return %c0_i32, %arg0, %c0_i32_0 : i32, i32, i32
  }
  func.func @transform_1(%arg0: i32) -> (i32, i32) {
    %c0_i32 = arith.constant 0 : i32
    %c0_i32_0 = arith.constant 0 : i32
    return %arg0, %c0_i32 : i32, i32
  }
  func.func @transform_2(%arg0: i32) -> (i32, i32) {
    %c0_i32 = arith.constant 0 : i32
    %c0_i32_0 = arith.constant 0 : i32
    return %arg0, %c0_i32 : i32, i32
  }
  func.func @transform_3(%arg0: i32) -> (i32, i32) {
    %c0_i32 = arith.constant 0 : i32
    %c0_i32_0 = arith.constant 0 : i32
    %c0_i32_1 = arith.constant 0 : i32
    return %c0_i32, %c0_i32_0 : i32, i32
  }
  func.func @transform_4(%arg0: i32) -> (i32, i32) {
    %c0_i32 = arith.constant 0 : i32
    %c0_i32_0 = arith.constant 0 : i32
    %c0_i32_1 = arith.constant 0 : i32
    return %c0_i32, %c0_i32_0 : i32, i32
  }
  func.func @transform_5(%arg0: i32) -> (i32, i32) {
    %c0_i32 = arith.constant 0 : i32
    %c0_i32_0 = arith.constant 0 : i32
    %c0_i32_1 = arith.constant 0 : i32
    return %c0_i32, %c0_i32_0 : i32, i32
  }
  func.func @transform_6(%arg0: i32) -> (i32, i32) {
    %c0_i32 = arith.constant 0 : i32
    %c0_i32_0 = arith.constant 0 : i32
    return %arg0, %c0_i32 : i32, i32
  }
}

</mosaic_0001>

<sc_bundles>
// kernel: sage_agg.3.cloned.1.call-start
scs
__scs_entry_jumppad:
0x0: {  	(pc) =	sbr.rel $0x88, $3  }
0x1: {  	(tag) =	ssettag $0x0;
	lr =	simm.s32 $0x1  }
0x2: {  	[smem:$0x3F99] =	sst lr;
	_ =	strace $0xD0000000  }
0x3: {  	_ = 	snop  }
0x4: {  	_ = 	snop  }
0x5: {  	_ = 	snop  }
0x6: {  	_ = 	snop  }
0x7: {  	_ = 	snop  }
__scs_overlays_trampoline_lowered:
0x8: {  	[smem:$0x3FA8] =	sst s0  }
0x9: {  	[smem:$0x3FA9] =	sst s1  }
0xa: {  	[smem:$0x3FAA] =	sst s2  }
0xb: {  	[smem:$0x3FAB] =	sst s3  }
0xc: {  	[smem:$0x3FAC] =	sst s4  }
0xd: {  	[smem:$0x3FAD] =	sst s5  }
0xe: {  	[smem:$0x3FAE] =	sst s6  }
0xf: {  	[smem:$0x3FAF] =	sst s7  }
0x10: {  	[smem:$0x3FB0] =	sst s8  }
0x11: {  	[smem:$0x3FB1] =	sst s9;
	s0 =	simm.s32 @!p0 $0x0  }
0x12: {  	s1 =	sld [smem:$0x3F97];
	s0 =	simm.s32 @p0 $0x1  }
0x13: {  	[smem:$0x3FB2] =	sst s0;
	s0 =	simm.s32 @!p1 $0x0  }
0x14: {  	s2 =	sld [smem:$0x3F96];
	s0 =	simm.s32 @p1 $0x1  }
0x15: {  	[smem:$0x3FB3] =	sst s0;
	s0 =	simm.s32 @!p2 $0x0  }
0x16: {  	s3 =	sld [smem:$0x3FDB];
	s0 =	simm.s32 @p2 $0x1  }
0x17: {  	s4 =	simm.s32 $0x1BF5;
	[smem:$0x3FB5] =	sst s0  }
0x18: {  	s0 =	sld [smem:$0x3F98];
	_ =	swait.ge [sflag:s4], $0x0  }
0x19: {  	s7 =	sld [smem:$0x3F99]  }
0x1a: {  	s8 =	sadd.s32 $0xFFFFE003, lr  }
0x1b: {  	s9 =	sadd.s32 $0xFFFFFEF7, lr;
	s5 =	simm.s32 $0xFFFFFFFF;
	p2 =	slt.u32 s8, $0xFFFFF086  }
0x1c: {  	p1 =	slt.u32 s9, $0xF7A;
	s5 =	simm.s32 @!p2 $0x0  }
0x1d: {  	s5 =	simm.s32 @p1 $0x1;
	p0 =	seq.s32 s7, s2  }
0x1e: {  	s7 =	smul.u32 @!p0 $0xF7A, s2;
	p2 =	seq.s32 @!p0 s5, $0x0  }
0x1f: {  	s9 =	smul.u32 $0xF7A, s1;
	s8 =	simm.s32 @!p0 $0x1BF5;
	p2 =	por !p2, p0  }
0x20: {  	[sflag:s8] =	ssyncset.s32 @!p0 $0xFFFFF086;
	s6 =	sadd.s32 @!p0 s3, s7;
	s7 =	simm.s32 @!p0 $0x108  }
0x21: {  	s3 =	sadd.s32 s3, s9;
	s6 =	sadd.s32 @!p0 $0x88, s6;
	s7 =	simm.s32 @p2 $0x1082  }
0x22: {  	[simem:s7], [sflag:s8] =	dma.local @!p0 [hbm:s6], $0xF7A  }
0x23: {  	s9 =	sor.u32 $0xD0000000, s2;
	s6 =	simm.s32 $0x108;
	_ =	swait.ge @!p0 [sflag:s8], $0x0  }
0x24: {  	s3 =	sadd.s32 $0x88, s3;
	s6 =	simm.s32 @!p1 $0x1082;
	[sflag:s4] =	ssyncset.s32 $0xFFFFF086  }
0x25: {  	[simem:s6], [sflag:s4] =	dma.local [hbm:s3], $0xF7A  }
0x26: {  	[smem:$0x3F99] =	sst s1;
	(tag) =	ssettag s2;
	_ =	strace s9  }
0x27: {  	s1 =	sld [smem:$0x3FA9]  }
0x28: {  	s2 =	sld [smem:$0x3FAA]  }
0x29: {  	s4 =	sld [smem:$0x3FAC]  }
0x2a: {  	p0 =	seq.s32 s5, $0x0;
	s5 =	sld [smem:$0x3FAD]  }
0x2b: {  	s6 =	sld [smem:$0x3FAE]  }
0x2c: {  	s7 =	sld [smem:$0x3FAF]  }
0x2d: {  	s3 =	simm.s32 $0x108;
	s8 =	sld [smem:$0x3FB0]  }
0x2e: {  	s3 =	simm.s32 @!p0 $0x1082;
	s9 =	sld [smem:$0x3FB1]  }
0x2f: {  	lr =	sadd.s32 s0, s3;
	s0 =	sld [smem:$0x3FA8]  }
0x30: {  	s3 =	sld [smem:$0x3FAB]  }
0x31: {  	[smem:$0x3FB4] =	sst s10  }
0x32: {  	s10 =	sld [smem:$0x3FB2];
	_ =	sdelay $0x3  }
0x33: {  	p0 =	seq.s32 s10, $0x1;
	s10 =	sld [smem:$0x3FB4];
	_ =	sdelay $0x3  }
0x34: {  	[smem:$0x3FB4] =	sst s10  }
0x35: {  	s10 =	sld [smem:$0x3FB3];
	_ =	sdelay $0x3  }
0x36: {  	p1 =	seq.s32 s10, $0x1;
	s10 =	sld [smem:$0x3FB4];
	_ =	sdelay $0x3  }
0x37: {  	[smem:$0x3FB4] =	sst s10  }
0x38: {  	s10 =	sld [smem:$0x3FB5]  }
0x39: {  	_ = 	snop;
	(pc) =	sbr.ind lr, $3  }
0x3a: {  	_ = 	snop  }
0x3b: {  	_ = 	snop  }
0x3c: {  	p2 =	seq.s32 s10, $0x1;
	s10 =	sld [smem:$0x3FB4]  }
0x3d: {  	_ =	shalt  }
0x3e: {  	_ =	shalt  }
0x3f: {  	_ =	shalt  }
0x40: {  	_ =	shalt  }
0x41: {  	_ =	shalt  }
0x42: {  	_ =	shalt  }
0x43: {  	_ =	shalt  }
0x44: {  	_ =	shalt  }
0x45: {  	_ =	shalt  }
0x46: {  	_ =	shalt  }
0x47: {  	_ =	shalt  }
0x48: {  	_ =	shalt  }
0x49: {  	_ =	shalt  }
0x4a: {  	_ =	shalt  }
0x4b: {  	_ =	shalt  }
0x4c: {  	_ =	shalt  }
0x4d: {  	_ =	shalt  }
0x4e: {  	_ =	shalt  }
0x4f: {  	_ =	shalt  }
0x50: {  	_ =	shalt  }
0x51: {  	_ =	shalt  }
0x52: {  	_ =	shalt  }
0x53: {  	_ =	shalt  }
0x54: {  	_ =	shalt  }
0x55: {  	_ =	shalt  }
0x56: {  	_ =	shalt  }
0x57: {  	_ =	shalt  }
0x58: {  	_ =	shalt  }
0x59: {  	_ =	shalt  }
0x5a: {  	_ =	shalt  }
0x5b: {  	_ =	shalt  }
0x5c: {  	_ =	shalt  }
0x5d: {  	_ =	shalt  }
0x5e: {  	_ =	shalt  }
0x5f: {  	_ =	shalt  }
0x60: {  	_ =	shalt  }
0x61: {  	_ =	shalt  }
0x62: {  	_ =	shalt  }
0x63: {  	_ =	shalt  }
0x64: {  	_ =	shalt  }
0x65: {  	_ =	shalt  }
0x66: {  	_ =	shalt  }
0x67: {  	_ =	shalt  }
0x68: {  	_ =	shalt  }
0x69: {  	_ =	shalt  }
0x6a: {  	_ =	shalt  }
0x6b: {  	_ =	shalt  }
0x6c: {  	_ =	shalt  }
0x6d: {  	_ =	shalt  }
0x6e: {  	_ =	shalt  }
0x6f: {  	_ =	shalt  }
0x70: {  	_ =	shalt  }
0x71: {  	_ =	shalt  }
0x72: {  	_ =	shalt  }
0x73: {  	_ =	shalt  }
0x74: {  	_ =	shalt  }
0x75: {  	_ =	shalt  }
0x76: {  	_ =	shalt  }
0x77: {  	_ =	shalt  }
0x78: {  	_ =	shalt  }
0x79: {  	_ =	shalt  }
0x7a: {  	_ =	shalt  }
0x7b: {  	_ =	shalt  }
0x7c: {  	_ =	shalt  }
0x7d: {  	_ =	shalt  }
0x7e: {  	_ =	shalt  }
0x7f: {  	_ =	shalt  }
0x80: {  	_ =	shalt  }
0x81: {  	_ =	shalt  }
0x82: {  	_ =	shalt  }
0x83: {  	_ =	shalt  }
0x84: {  	_ =	shalt  }
0x85: {  	_ =	shalt  }
0x86: {  	_ =	shalt  }
0x87: {  	_ =	shalt  }
.Lfunc_end0:
.L_simem_size_0:
called_computation.1_lowered:
.L_overlay_start_0:
0x88: {  	s2 =	sld [smem:$0x3FD9]  }
0x89: {  	s3 =	sld [smem:$0x3FFE];
	_ =	sdelay $0x1  }
0x8a: {  	s1 =	srdreg.scid  }
0x8b: {  	s0 =	sand.u32 $0x1, s1  }
0x8c: {  	s17 =	sshll.u32 s0, $0xA;
	s2 =	sadd.s32 s3, s2  }
0x8d: {  	s2 =	sadd.s32 s2, s17  }
0x8e: {  	[smem:$0x3FC0] =	sst s2  }
0x8f: {  	_ = 	snop  }
0x90: {  	s2 =	sld [smem:$0x3FD0];
	(tm) =	ssettm $0x1  }
0x91: {  	s18 =	sld [smem:$0x3FFB];
	_ =	sdelay $0x3  }
0x92: {  	_ =	strace s18  }
0x93: {  	s3 =	sld [smem:$0x3FFC];
	_ =	sdelay $0x3  }
0x94: {  	_ =	strace s3  }
0x95: {  	s3 =	sld [smem:$0x3FFD];
	_ =	sdelay $0x3  }
0x96: {  	_ =	strace s3  }
0x97: {  	_ =	strace $0x8FFFFFFF  }
0x98: {  	s19 =	sld [smem:$0x3FDB];
	_ =	sdelay $0x1  }
0x99: {  	s4 =	simm.s32 $_scs_section_size  }
0x9a: {  	s5 =	simm.s32 $_size__tile_overlayer_lowered;
	s6 =	simm.s32 $_tile_overlayer_lowered  }
0x9b: {  	s22 =	simm.s32 $0x1BFF;
	s21 =	sshll.u32 s6, $0x1;
	s3 =	sadd.s32 s4, s19  }
0x9c: {  	s7 =	simm.s32 $0x0;
	s20 =	sshll.u32 s5, $0x1;
	s5 =	sadd.s32 s21, s3  }
0x9d: {  	[timem:s7], [sflag:s22] =	dma.local [hbm:s5], s20  }
0x9e: {  	_ =	swait.ge [sflag:s22], s20  }
0x9f: {  	s4 =	ssub.s32 $0x0, s20;
	[sflag:s22] =	ssyncset.done $0x0  }
0xa0: {  	[sflag:s22] =	ssyncadd.s32 s4;
	_ =	sdelay $0x1  }
0xa1: {  	s23 =	simm.s32 $0x1B8B  }
0xa2: {  	_ =	swait.ge [sflag:s23], $0x1  }
0xa3: {  	[sflag:s23] =	ssyncset.done $0x0  }
0xa4: {  	s25 =	simm.s32 $0x1B8E;
	s24 =	sld [smem:$0x3FFE];
	[sflag:s23] =	ssyncadd.s32 $0xFFFFFFFF  }
0xa5: {  	s26 =	simm.s32 $execute0_lowered;
	[smem:$0x3FD2] =	sst s25  }
0xa6: {  	s5 =	sshll.u32 s26, $0x1;
	_ =	strace $0x80000049;
	[dreg:$0x1] =	wrdreg $0xFFFFFFFF  }
0xa7: {  	s28 =	simm.s32 $_size_execute0_lowered;
	s3 =	sadd.s32 s3, s5;
	[dreg:$0x0] =	wrdreg $0x0  }
0xa8: {  	s5 =	sshll.u32 s28, $0x1;
	[dreg:$0x2] =	wrdreg s3  }
0xa9: {  	[dreg:$0x3] =	wrdreg s5  }
0xaa: {  	[dreg:$0x4] =	wrdreg $0xC0  }
0xab: {  	_ =	task [dreg:s7], $0x5FFFF  }
0xac: {  	[dreg:$0x1] =	wrdreg $0xFFFFFFFF  }
0xad: {  	[dreg:$0x0] =	wrdreg $0x60  }
0xae: {  	[dreg:$0x2] =	wrdreg s2  }
0xaf: {  	[dreg:$0x3] =	wrdreg s24  }
0xb0: {  	[dreg:$0x4] =	wrdreg $0x0  }
0xb1: {  	[dreg:$0x5] =	wrdreg $0x9  }
0xb2: {  	_ =	task.clear_ibuf [dreg:s7], $0x6FFFF;
	_ =	strace $0x90000049  }
0xb3: {  	s29 =	simm.s32 $0x9;
	_ =	strace $0x8000004B  }
0xb4: {  	_ =	swait.ge [sflag:s29], $0x1  }
0xb5: {  	[sflag:s29] =	ssyncadd.s32 $0xFFFFFFFF  }
0xb6: {  	_ =	strace $0x9000004B  }
0xb7: {  	_ =	sfence  }
0xb8: {  	s30 =	sld [smem:$0x0];
	_ =	sdelay $0x2  }
0xb9: {  	s31 =	sshll.u32 s1, $0xD;
	s1 =	sshrl.u32 s1, $0x2  }
0xba: {  	s3 =	sand.u32 $0x4000, s31;
	s1 =	sadd.s32 s1, s30  }
0xbb: {  	s0 =	sor.u32 s3, s0;
	s1 =	sshll.u32 s1, $0x11  }
0xbc: {  	s0 =	sor.u32 s1, s0  }
0xbd: {  	s0 =	sadd.s32 $0x8F2B, s0  }
0xbe: {  	[sflag:s0] =	ssyncadd.remote.s32 $0x1  }
0xbf: {  	_ =	sfence.sel $0xFFFF  }
0xc0: {  	[dreg:$0x0] =	wrdreg $0xFFFFFFFF;
	(pc) =	sbr.abs _section_cstart, $3  }
0xc1: {  	[dreg:$0x1] =	wrdreg $0xFFFFFFFF  }
0xc2: {  	_ =	task.clear_ibuf [dreg:s7], $0x2FFFF;
	_ =	strace $0x9FFFFFFF  }
0xc3: {  	(tm) =	ssettm $0x7FFFFFFF  }
tec
execute0_lowered:
.L_overlay_start_1:
0x0: {  	(tag) =	ssettag $0x1  }
0x1: {  	s2 =	rddreg [dreg:$0x0]  }
0x2: {  	s1 =	rddreg [dreg:$0x1]  }
0x3: {  	s3 =	rddreg [dreg:$0x2]  }
0x4: {  	s12 =	stileid.u32;
	s0 =	srdreg.scid;
	s4 =	simm.s32 $0x0  }
0x5: {  	s28 =	simm.s32 $0x14000;
	s29 =	simm.s32 $0x14200;
	s30 =	simm.s32 $0x14080  }
0x6: {  	s31 =	simm.s32 $0x14280;
	s5 =	smul.u32 $0x14000, s12;
	s6 =	sand.u32 $0x1, s0  }
0x7: {  	[smem:$0x7FF] =	sst s4;
	s0 =	sadd.s32 $0xB800, s1;
	s23 =	smul.u32 $0x50000, s12  }
0x8: {  	s9 =	sadd.s32 $0x1A00, s1;
	s26 =	sshll.u32 s12, $0x6;
	s13 =	smul.u32 $0x2710, s12  }
0x9: {  	s7 =	smul.u32 $0x140000, s6;
	_ =	strace $0x8000004A;
	s10 =	sshll.u32 s6, $0x4  }
0xa: {  	s24 =	ssub.s32 $0x2, s6;
	s6 =	smul.u32 $0x27100, s6;
	s8 =	sshrl.u32 s5, $0x3  }
0xb: {  	s10 =	sor.u32 s12, s10;
	s11 =	sshrl.u32 s24, $0x1;
	s12 =	simm.s32 $0x1  }
0xc: {  	s8 =	sadd.s32 s8, s1;
	s5 =	sadd.s32 s5, s7;
	s7 =	sshrl.u32 s23, $0x2  }
0xd: {  	s10 =	smul.u32 $0x2710, s10;
	s6 =	sadd.s32 s13, s6;
	s5 =	sshrl.u32 s5, $0x3  }
0xe: {  	s7 =	sadd.s32 s7, s3;
	s25 =	sadd.s32 $0x15600, s8;
	s20 =	sadd.s32 $0x480, s6  }
0xf: {  	s1 =	sadd.s32 s5, s1;
	s5 =	ssub.s32 s24, s11;
	[dreg:$0xc] =	wrdreg s7  }
0x10: {  	[dreg:$0xd] =	wrdreg s25;
	s8 =	sshrl.u32 s10, $0x3;
	s7 =	sor.u32 $0x1C11, s26  }
0x11: {  	s22 =	sshrl.u32 s20, $0x3;
	[dreg:$0xe] =	wrdreg s7;
	s15 =	sadd.s32 s0, s8  }
0x12: {  	s24 =	sadd.s32 $0x400, s6;
	s16 =	sadd.s32 s9, s8;
	[dreg:$0x11] =	wrdreg s15  }
0x13: {  	s10 =	sadd.s32 $0x4E0, s8;
	s23 =	sadd.s32 s22, s9;
	[dreg:$0x12] =	wrdreg s16  }
0x14: {  	s17 =	sadd.s32 $0x10, s8;
	s1 =	sadd.s32 $0x3D600, s1;
	[dreg:$0x4] =	wrdreg s23  }
0x15: {  	s25 =	sshrl.u32 s24, $0x3;
	s24 =	simm.s32 $0x0;
	[dreg:$0x1d] =	wrdreg s1  }
0x16: {  	s19 =	sadd.s32 $0x20, s8;
	s14 =	sadd.s32 s0, s10;
	[dreg:$0x1f] =	wrdreg s24  }
0x17: {  	s26 =	sadd.s32 $0x30, s8;
	s7 =	sadd.s32 s9, s10;
	[dreg:$0xf] =	wrdreg s14  }
0x18: {  	s20 =	sadd.s32 $0x50, s8;
	s18 =	sadd.s32 s0, s17;
	[dreg:$0x10] =	wrdreg s7  }
0x19: {  	s21 =	sadd.s32 s0, s19;
	s10 =	sadd.s32 s9, s19;
	[dreg:$0x13] =	wrdreg s18  }
0x1a: {  	s13 =	sadd.s32 s25, s9;
	s15 =	sadd.s32 $0x380, s6;
	[dreg:$0x15] =	wrdreg s21  }
0x1b: {  	s11 =	sadd.s32 s9, s26;
	s6 =	sadd.s32 $0x300, s6;
	[dreg:$0x16] =	wrdreg s10  }
0x1c: {  	s23 =	smax.u32 s5, $0x1;
	s1 =	simm.s32 $0x14300;
	[dreg:$0x6] =	wrdreg s13  }
0x1d: {  	s5 =	simm.s32 $0x14180;
	s7 =	sadd.s32 s9, s17;
	[dreg:$0x18] =	wrdreg s11  }
0x1e: {  	s14 =	sadd.s32 s0, s26;
	s10 =	sadd.s32 s25, s0;
	[dreg:$0x1e] =	wrdreg s23  }
0x1f: {  	s6 =	sshrl.u32 s6, $0x3;
	s17 =	sadd.s32 $0x40, s8;
	[dreg:$0x14] =	wrdreg s7  }
0x20: {  	s8 =	simm.s32 $0x11;
	s13 =	simm.s32 $0x5;
	[dreg:$0x17] =	wrdreg s14  }
0x21: {  	s25 =	simm.s32 $0xB;
	s7 =	sadd.s32 s22, s0;
	[dreg:$0x7] =	wrdreg s10  }
0x22: {  	s26 =	simm.s32 $0x7;
	s18 =	sadd.s32 s6, s9;
	[dreg:$0x5] =	wrdreg s7  }
0x23: {  	s23 =	simm.s32 $0x4;
	s19 =	sadd.s32 s0, s17;
	[dreg:$0xa] =	wrdreg s18  }
0x24: {  	s11 =	simm.s32 $0x8;
	s21 =	sadd.s32 s9, s17;
	[dreg:$0x19] =	wrdreg s19  }
0x25: {  	s22 =	sadd.s32 s9, s20;
	s14 =	simm.s32 $0x80;
	[dreg:$0x1a] =	wrdreg s21  }
0x26: {  	s17 =	simm.s32 $0x6;
	s7 =	sshrl.u32 s15, $0x3;
	[dreg:$0x1b] =	wrdreg s22  }
0x27: {  	s15 =	simm.s32 $0x14400;
	s18 =	simm.s32 $0x9;
	s19 =	simm.s32 $0x18400  }
0x28: {  	s21 =	simm.s32 $0x3;
	s22 =	simm.s32 $0xC;
	s16 =	sadd.s32 s7, s9  }
0x29: {  	s7 =	sadd.s32 s7, s0;
	s9 =	simm.s32 $0x10;
	[dreg:$0x8] =	wrdreg s16  }
0x2a: {  	[dreg:$0x9] =	wrdreg s7;
	s7 =	sadd.s32 s0, s20;
	s0 =	sadd.s32 s6, s0  }
0x2b: {  	s6 =	simm.s32 $0x14380;
	s16 =	simm.s32 $0x2;
	[dreg:$0x1c] =	wrdreg s7  }
0x2c: {  	s20 =	simm.s32 $0xA;
	[dreg:$0xb] =	wrdreg s0;
	s0 =	simm.s32 $0x14100  }
.LBB2_1:
0x2d: {  	s7 =	rddreg [dreg:$0xc]  }
0x2e: {  	s10 =	rddreg [dreg:$0xe]  }
0x2f: {  	s24 =	sshrl.u32 s7, $0x3;
	s7 =	rddreg [dreg:$0xd]  }
0x30: {  	[smem:$0x7FD] =	sst s24  }
0x31: {  	[spmem:s24], [sflag:s10] =	dma.local [hbm:s7], $0x2800  }
0x32: {  	_ =	swait.ge [sflag:s8], $0x2800  }
0x33: {  	[sflag:s8] =	ssyncset.done $0x0  }
0x34: {  	[sflag:s8] =	ssyncadd.s32 $0xFFFFD800  }
0x35: {  	[bflag:$0x0] =	sbarrier.arrive $0xFFFF  }
0x36: {  	s8 =	simm.s32 $0x1C400;
	s24 =	rddreg [dreg:$0xf]  }
0x37: {  	[tilespmem:s8], [sflag:$0xD] =	stream.linear.gather [hbm4b:s24+s4], $0x10, $0x38;
	[tilespmem:$0x1CD00] =	vst v63  }
0x38: {  	s10 =	rddreg [dreg:$0x10];
	s24 =	simm.s32 $0x1C480  }
0x39: {  	[tilespmem:s24], [sflag:$0xE] =	stream.linear.gather [hbm4b:s10+s4], $0x10, $0x38;
	[tilespmem:$0x1CD00] =	vst v63  }
0x3a: {  	s24 =	rddreg [dreg:$0x11]  }
0x3b: {  	[tilespmem:s28], [sflag:$0x1] =	stream.linear.gather [hbm4b:s24+s4], $0x80, $0x38;
	[tilespmem:$0x1CD00] =	vst v63  }
0x3c: {  	s10 =	rddreg [dreg:$0x12]  }
0x3d: {  	[tilespmem:s29], [sflag:$0x5] =	stream.linear.gather [hbm4b:s10+s4], $0x80, $0x38;
	[tilespmem:$0x1CD00] =	vst v63  }
0x3e: {  	s24 =	rddreg [dreg:$0x13]  }
0x3f: {  	[tilespmem:s30], [sflag:$0x2] =	stream.linear.gather [hbm4b:s24+s4], $0x80, $0x38;
	[tilespmem:$0x1CD00] =	vst v63  }
0x40: {  	s10 =	rddreg [dreg:$0x14]  }
0x41: {  	[tilespmem:s31], [sflag:$0x6] =	stream.linear.gather [hbm4b:s10+s4], $0x80, $0x38;
	[tilespmem:$0x1CD00] =	vst v63  }
0x42: {  	s24 =	rddreg [dreg:$0x15]  }
0x43: {  	[tilespmem:s0], [sflag:$0x3] =	stream.linear.gather [hbm4b:s24+s4], $0x80, $0x38;
	[tilespmem:$0x1CD00] =	vst v63  }
0x44: {  	s10 =	rddreg [dreg:$0x16]  }
0x45: {  	[tilespmem:s1], [sflag:$0x7] =	stream.linear.gather [hbm4b:s10+s4], $0x80, $0x38;
	[tilespmem:$0x1CD00] =	vst v63  }
0x46: {  	s24 =	rddreg [dreg:$0x17]  }
0x47: {  	[tilespmem:s5], [sflag:$0x4] =	stream.linear.gather [hbm4b:s24+s4], $0x80, $0x38;
	[tilespmem:$0x1CD00] =	vst v63  }
0x48: {  	s10 =	rddreg [dreg:$0x18];
	s24 =	simm.s32 $0xD  }
0x49: {  	[tilespmem:s6], [sflag:$0x8] =	stream.linear.gather [hbm4b:s10+s4], $0x80, $0x38;
	[tilespmem:$0x1CD00] =	vst v63  }
0x4a: {  	_ =	swait.ge [sflag:s24], $0x10  }
0x4b: {  	[sflag:s24] =	ssyncset.done $0x0  }
0x4c: {  	s10 =	simm.s32 $0xE;
	[sflag:s24] =	ssyncadd.s32 $0xFFFFFFF0  }
0x4d: {  	_ =	swait.ge [sflag:s10], $0x10  }
0x4e: {  	[sflag:s10] =	ssyncset.done $0x0  }
0x4f: {  	s24 =	simm.s32 $0x1C500;
	[sflag:s10] =	ssyncadd.s32 $0xFFFFFFF0  }
0x50: {  	[tilespmem:s24], [sflag:$0xF] =	stream.indirect.gather [hbm4b:s2+s9], $0x80, s8, s9, $0xb8;
	[tilespmem:$0x1CD00] =	vst v63  }
0x51: {  	_ =	swait.ge [sflag:s12], $0x80  }
0x52: {  	[sflag:s12] =	ssyncset.done $0x0  }
0x53: {  	[sflag:s12] =	ssyncadd.s32 $0xFFFFFF80  }
0x54: {  	_ =	swait.ge [sflag:s13], $0x80  }
0x55: {  	[sflag:s13] =	ssyncset.done $0x0  }
0x56: {  	[sflag:s13] =	ssyncadd.s32 $0xFFFFFF80  }
0x57: {  	[tilespmem:s15], [sflag:$0x9] =	stream.indirect.gather [hbm4b:s2+s14], $0x80, s28, s14, $0xb8;
	[tilespmem:$0x1CD00] =	vst v63  }
0x58: {  	_ =	swait.ge [sflag:s16], $0x80  }
0x59: {  	[sflag:s16] =	ssyncset.done $0x0  }
0x5a: {  	[sflag:s16] =	ssyncadd.s32 $0xFFFFFF80  }
0x5b: {  	_ =	swait.ge [sflag:s17], $0x80  }
0x5c: {  	[sflag:s17] =	ssyncset.done $0x0  }
0x5d: {  	[sflag:s17] =	ssyncadd.s32 $0xFFFFFF80  }
0x5e: {  	_ =	swait.ge [sflag:s18], $0x4000  }
0x5f: {  	[sflag:s18] =	ssyncset.done $0x0  }
0x60: {  	[sflag:s18] =	ssyncadd.s32 $0xFFFFC000  }
0x61: {  	[spmem:s3] =	stream.indirect.scatter.add.f32 [tilespmem:s15], [sflag:$0xB], $0x80, s29, s14, $0xb8;
	[tilespmem:$0x1CD00] =	vst v63  }
0x62: {  	_ = 	snop  }
0x63: {  	[tilespmem:s19], [sflag:$0xA] =	stream.indirect.gather [hbm4b:s2+s14], $0x80, s30, s14, $0xb8;
	[tilespmem:$0x1CD00] =	vst v63  }
0x64: {  	_ =	swait.ge [sflag:s20], $0x4000  }
0x65: {  	[sflag:s20] =	ssyncset.done $0x0  }
0x66: {  	[sflag:s20] =	ssyncadd.s32 $0xFFFFC000  }
0x67: {  	[spmem:s3] =	stream.indirect.scatter.add.f32 [tilespmem:s19], [sflag:$0xC], $0x80, s31, s14, $0xb8;
	[tilespmem:$0x1CD00] =	vst v63  }
0x68: {  	_ =	swait.ge [sflag:s25], $0x4000  }
0x69: {  	[sflag:s25] =	ssyncset.done $0x0  }
0x6a: {  	s8 =	rddreg [dreg:$0x19];
	[sflag:s25] =	ssyncadd.s32 $0xFFFFC000  }
0x6b: {  	[tilespmem:s28], [sflag:$0x1] =	stream.linear.gather [hbm4b:s8+s4], $0x80, $0x38;
	[tilespmem:$0x1CD00] =	vst v63  }
0x6c: {  	s9 =	rddreg [dreg:$0x1a]  }
0x6d: {  	[tilespmem:s29], [sflag:$0x5] =	stream.linear.gather [hbm4b:s9+s4], $0x80, $0x38;
	[tilespmem:$0x1CD00] =	vst v63  }
0x6e: {  	_ =	swait.ge [sflag:s21], $0x80  }
0x6f: {  	[sflag:s21] =	ssyncset.done $0x0  }
0x70: {  	[sflag:s21] =	ssyncadd.s32 $0xFFFFFF80  }
0x71: {  	_ =	swait.ge [sflag:s26], $0x80  }
0x72: {  	[sflag:s26] =	ssyncset.done $0x0  }
0x73: {  	[sflag:s26] =	ssyncadd.s32 $0xFFFFFF80  }
0x74: {  	[tilespmem:s15], [sflag:$0x9] =	stream.indirect.gather [hbm4b:s2+s14], $0x80, s0, s14, $0xb8;
	[tilespmem:$0x1CD00] =	vst v63  }
0x75: {  	_ =	swait.ge [sflag:s18], $0x4000  }
0x76: {  	[sflag:s18] =	ssyncset.done $0x0  }
0x77: {  	[sflag:s18] =	ssyncadd.s32 $0xFFFFC000  }
0x78: {  	[spmem:s3] =	stream.indirect.scatter.add.f32 [tilespmem:s15], [sflag:$0xB], $0x80, s1, s14, $0xb8;
	[tilespmem:$0x1CD00] =	vst v63  }
0x79: {  	_ =	swait.ge [sflag:s22], $0x4000  }
0x7a: {  	[sflag:s22] =	ssyncset.done $0x0  }
0x7b: {  	s10 =	rddreg [dreg:$0x1c];
	[sflag:s22] =	ssyncadd.s32 $0xFFFFC000  }
0x7c: {  	[tilespmem:s30], [sflag:$0x2] =	stream.linear.gather [hbm4b:s10+s4], $0x80, $0x38;
	[tilespmem:$0x1CD00] =	vst v63  }
0x7d: {  	s24 =	rddreg [dreg:$0x1b]  }
0x7e: {  	[tilespmem:s31], [sflag:$0x6] =	stream.linear.gather [hbm4b:s24+s4], $0x80, $0x38;
	[tilespmem:$0x1CD00] =	vst v63  }
0x7f: {  	_ =	swait.ge [sflag:s23], $0x80  }
0x80: {  	[sflag:s23] =	ssyncset.done $0x0  }
0x81: {  	[sflag:s23] =	ssyncadd.s32 $0xFFFFFF80  }
0x82: {  	_ =	swait.ge [sflag:s11], $0x80  }
0x83: {  	[sflag:s11] =	ssyncset.done $0x0  }
0x84: {  	[sflag:s11] =	ssyncadd.s32 $0xFFFFFF80  }
0x85: {  	[tilespmem:s19], [sflag:$0xA] =	stream.indirect.gather [hbm4b:s2+s14], $0x80, s5, s14, $0xb8;
	[tilespmem:$0x1CD00] =	vst v63  }
0x86: {  	_ =	swait.ge [sflag:s20], $0x4000  }
0x87: {  	[sflag:s20] =	ssyncset.done $0x0  }
0x88: {  	[sflag:s20] =	ssyncadd.s32 $0xFFFFC000  }
0x89: {  	[spmem:s3] =	stream.indirect.scatter.add.f32 [tilespmem:s19], [sflag:$0xC], $0x80, s6, s14, $0xb8;
	[tilespmem:$0x1CD00] =	vst v63  }
0x8a: {  	_ =	swait.ge [sflag:s25], $0x4000  }
0x8b: {  	s8 =	rddreg [dreg:$0xb];
	[sflag:s25] =	ssyncset.done $0x0  }
0x8c: {  	s9 =	rddreg [dreg:$0xa];
	[sflag:s25] =	ssyncadd.s32 $0xFFFFC000;
	s7 =	sadd.s32 $0x0, s8  }
0x8d: {  	[tilespmem:s0], [sflag:$0x3] =	stream.linear.gather [hbm4b:s7+s4], $0x80, $0x38;
	[tilespmem:$0x1CD00] =	vst v63  }
0x8e: {  	s24 =	sadd.s32 $0x0, s9  }
0x8f: {  	[tilespmem:s1], [sflag:$0x7] =	stream.linear.gather [hbm4b:s24+s4], $0x80, $0x38;
	[tilespmem:$0x1CD00] =	vst v63  }
0x90: {  	_ =	swait.ge [sflag:s12], $0x80  }
0x91: {  	[sflag:s12] =	ssyncset.done $0x0  }
0x92: {  	[sflag:s12] =	ssyncadd.s32 $0xFFFFFF80  }
0x93: {  	_ =	swait.ge [sflag:s13], $0x80  }
0x94: {  	[sflag:s13] =	ssyncset.done $0x0  }
0x95: {  	[sflag:s13] =	ssyncadd.s32 $0xFFFFFF80  }
0x96: {  	[tilespmem:s15], [sflag:$0x9] =	stream.indirect.gather [hbm4b:s2+s14], $0x80, s28, s14, $0xb8;
	[tilespmem:$0x1CD00] =	vst v63  }
0x97: {  	_ =	swait.ge [sflag:s18], $0x4000  }
0x98: {  	[sflag:s18] =	ssyncset.done $0x0  }
0x99: {  	[sflag:s18] =	ssyncadd.s32 $0xFFFFC000  }
0x9a: {  	[spmem:s3] =	stream.indirect.scatter.add.f32 [tilespmem:s15], [sflag:$0xB], $0x80, s29, s14, $0xb8;
	[tilespmem:$0x1CD00] =	vst v63  }
0x9b: {  	_ =	swait.ge [sflag:s22], $0x4000  }
0x9c: {  	s8 =	rddreg [dreg:$0x9];
	[sflag:s22] =	ssyncset.done $0x0  }
0x9d: {  	s9 =	rddreg [dreg:$0x8];
	[sflag:s22] =	ssyncadd.s32 $0xFFFFC000;
	s7 =	sadd.s32 $0x0, s8  }
0x9e: {  	[tilespmem:s5], [sflag:$0x4] =	stream.linear.gather [hbm4b:s7+s4], $0x80, $0x38;
	[tilespmem:$0x1CD00] =	vst v63  }
0x9f: {  	s24 =	sadd.s32 $0x0, s9  }
0xa0: {  	[tilespmem:s6], [sflag:$0x8] =	stream.linear.gather [hbm4b:s24+s4], $0x80, $0x38;
	[tilespmem:$0x1CD00] =	vst v63  }
0xa1: {  	_ =	swait.ge [sflag:s16], $0x80  }
0xa2: {  	[sflag:s16] =	ssyncset.done $0x0  }
0xa3: {  	[sflag:s16] =	ssyncadd.s32 $0xFFFFFF80  }
0xa4: {  	_ =	swait.ge [sflag:s17], $0x80  }
0xa5: {  	[sflag:s17] =	ssyncset.done $0x0  }
0xa6: {  	[sflag:s17] =	ssyncadd.s32 $0xFFFFFF80  }
0xa7: {  	[tilespmem:s19], [sflag:$0xA] =	stream.indirect.gather [hbm4b:s2+s14], $0x80, s30, s14, $0xb8;
	[tilespmem:$0x1CD00] =	vst v63  }
0xa8: {  	_ =	swait.ge [sflag:s20], $0x4000  }
0xa9: {  	[sflag:s20] =	ssyncset.done $0x0  }
0xaa: {  	[sflag:s20] =	ssyncadd.s32 $0xFFFFC000  }
0xab: {  	[spmem:s3] =	stream.indirect.scatter.add.f32 [tilespmem:s19], [sflag:$0xC], $0x80, s31, s14, $0xb8;
	[tilespmem:$0x1CD00] =	vst v63  }
0xac: {  	_ =	swait.ge [sflag:s25], $0x4000  }
0xad: {  	s8 =	rddreg [dreg:$0x7];
	[sflag:s25] =	ssyncset.done $0x0  }
0xae: {  	s9 =	rddreg [dreg:$0x6];
	[sflag:s25] =	ssyncadd.s32 $0xFFFFC000;
	s7 =	sadd.s32 $0x0, s8  }
0xaf: {  	[tilespmem:s28], [sflag:$0x1] =	stream.linear.gather [hbm4b:s7+s4], $0x80, $0x38;
	[tilespmem:$0x1CD00] =	vst v63  }
0xb0: {  	s24 =	sadd.s32 $0x0, s9  }
0xb1: {  	[tilespmem:s29], [sflag:$0x5] =	stream.linear.gather [hbm4b:s24+s4], $0x80, $0x38;
	[tilespmem:$0x1CD00] =	vst v63  }
0xb2: {  	_ =	swait.ge [sflag:s21], $0x80  }
0xb3: {  	[sflag:s21] =	ssyncset.done $0x0  }
0xb4: {  	[sflag:s21] =	ssyncadd.s32 $0xFFFFFF80  }
0xb5: {  	_ =	swait.ge [sflag:s26], $0x80  }
0xb6: {  	[sflag:s26] =	ssyncset.done $0x0  }
0xb7: {  	[sflag:s26] =	ssyncadd.s32 $0xFFFFFF80  }
0xb8: {  	[tilespmem:s15], [sflag:$0x9] =	stream.indirect.gather [hbm4b:s2+s14], $0x80, s0, s14, $0xb8;
	[tilespmem:$0x1CD00] =	vst v63  }
0xb9: {  	_ =	swait.ge [sflag:s18], $0x4000  }
0xba: {  	[sflag:s18] =	ssyncset.done $0x0  }
0xbb: {  	[sflag:s18] =	ssyncadd.s32 $0xFFFFC000  }
0xbc: {  	[spmem:s3] =	stream.indirect.scatter.add.f32 [tilespmem:s15], [sflag:$0xB], $0x80, s1, s14, $0xb8;
	[tilespmem:$0x1CD00] =	vst v63  }
0xbd: {  	_ =	swait.ge [sflag:s22], $0x4000  }
0xbe: {  	s8 =	rddreg [dreg:$0x5];
	[sflag:s22] =	ssyncset.done $0x0  }
0xbf: {  	s9 =	rddreg [dreg:$0x4];
	[sflag:s22] =	ssyncadd.s32 $0xFFFFC000;
	s7 =	sadd.s32 $0x0, s8  }
0xc0: {  	[tilespmem:s30], [sflag:$0x2] =	stream.linear.gather [hbm4b:s7+s4], $0x80, $0x38;
	[tilespmem:$0x1CD00] =	vst v63  }
0xc1: {  	s24 =	sadd.s32 $0x0, s9  }
0xc2: {  	[tilespmem:s31], [sflag:$0x6] =	stream.linear.gather [hbm4b:s24+s4], $0x80, $0x38;
	[tilespmem:$0x1CD00] =	vst v63  }
0xc3: {  	_ =	swait.ge [sflag:s23], $0x80  }
0xc4: {  	[sflag:s23] =	ssyncset.done $0x0  }
0xc5: {  	[sflag:s23] =	ssyncadd.s32 $0xFFFFFF80  }
0xc6: {  	_ =	swait.ge [sflag:s11], $0x80  }
0xc7: {  	[sflag:s11] =	ssyncset.done $0x0  }
0xc8: {  	s7 =	simm.s32 $0x40;
	[sflag:s11] =	ssyncadd.s32 $0xFFFFFF80  }
.LBB2_2:
0xc9: {  	[tilespmem:s19], [sflag:$0xA] =	stream.indirect.gather [hbm4b:s2+s14], $0x80, s5, s14, $0xb8;
	[tilespmem:$0x1CD00] =	vst v63  }
0xca: {  	_ =	swait.ge [sflag:s20], $0x4000  }
0xcb: {  	[sflag:s20] =	ssyncset.done $0x0  }
0xcc: {  	[sflag:s20] =	ssyncadd.s32 $0xFFFFC000  }
0xcd: {  	[spmem:s3] =	stream.indirect.scatter.add.f32 [tilespmem:s19], [sflag:$0xC], $0x80, s6, s14, $0xb8;
	[tilespmem:$0x1CD00] =	vst v63  }
0xce: {  	_ =	swait.ge [sflag:s25], $0x4000  }
0xcf: {  	s10 =	smov.u32 s7;
	s24 =	rddreg [dreg:$0xb];
	[sflag:s25] =	ssyncset.done $0x0  }
0xd0: {  	s8 =	rddreg [dreg:$0xa];
	[sflag:s25] =	ssyncadd.s32 $0xFFFFC000;
	s24 =	sadd.s32 s10, s24  }
0xd1: {  	[tilespmem:s0], [sflag:$0x3] =	stream.linear.gather [hbm4b:s24+s4], $0x80, $0x38;
	[tilespmem:$0x1CD00] =	vst v63  }
0xd2: {  	s8 =	sadd.s32 s10, s8  }
0xd3: {  	[tilespmem:s1], [sflag:$0x7] =	stream.linear.gather [hbm4b:s8+s4], $0x80, $0x38;
	[tilespmem:$0x1CD00] =	vst v63  }
0xd4: {  	_ =	swait.ge [sflag:s12], $0x80  }
0xd5: {  	[sflag:s12] =	ssyncset.done $0x0  }
0xd6: {  	[sflag:s12] =	ssyncadd.s32 $0xFFFFFF80  }
0xd7: {  	_ =	swait.ge [sflag:s13], $0x80  }
0xd8: {  	[sflag:s13] =	ssyncset.done $0x0  }
0xd9: {  	[sflag:s13] =	ssyncadd.s32 $0xFFFFFF80  }
0xda: {  	[tilespmem:s15], [sflag:$0x9] =	stream.indirect.gather [hbm4b:s2+s14], $0x80, s28, s14, $0xb8;
	[tilespmem:$0x1CD00] =	vst v63  }
0xdb: {  	_ =	swait.ge [sflag:s18], $0x4000  }
0xdc: {  	[sflag:s18] =	ssyncset.done $0x0  }
0xdd: {  	[sflag:s18] =	ssyncadd.s32 $0xFFFFC000  }
0xde: {  	[spmem:s3] =	stream.indirect.scatter.add.f32 [tilespmem:s15], [sflag:$0xB], $0x80, s29, s14, $0xb8;
	[tilespmem:$0x1CD00] =	vst v63  }
0xdf: {  	_ =	swait.ge [sflag:s22], $0x4000  }
0xe0: {  	s24 =	rddreg [dreg:$0x9];
	[sflag:s22] =	ssyncset.done $0x0  }
0xe1: {  	s9 =	rddreg [dreg:$0x8];
	[sflag:s22] =	ssyncadd.s32 $0xFFFFC000;
	s8 =	sadd.s32 s10, s24  }
0xe2: {  	[tilespmem:s5], [sflag:$0x4] =	stream.linear.gather [hbm4b:s8+s4], $0x80, $0x38;
	[tilespmem:$0x1CD00] =	vst v63  }
0xe3: {  	s9 =	sadd.s32 s10, s9  }
0xe4: {  	[tilespmem:s6], [sflag:$0x8] =	stream.linear.gather [hbm4b:s9+s4], $0x80, $0x38;
	[tilespmem:$0x1CD00] =	vst v63  }
0xe5: {  	_ =	swait.ge [sflag:s16], $0x80  }
0xe6: {  	[sflag:s16] =	ssyncset.done $0x0  }
0xe7: {  	[sflag:s16] =	ssyncadd.s32 $0xFFFFFF80  }
0xe8: {  	_ =	swait.ge [sflag:s17], $0x80  }
0xe9: {  	[sflag:s17] =	ssyncset.done $0x0  }
0xea: {  	[sflag:s17] =	ssyncadd.s32 $0xFFFFFF80  }
0xeb: {  	[tilespmem:s19], [sflag:$0xA] =	stream.indirect.gather [hbm4b:s2+s14], $0x80, s30, s14, $0xb8;
	[tilespmem:$0x1CD00] =	vst v63  }
0xec: {  	_ =	swait.ge [sflag:s20], $0x4000  }
0xed: {  	[sflag:s20] =	ssyncset.done $0x0  }
0xee: {  	[sflag:s20] =	ssyncadd.s32 $0xFFFFC000  }
0xef: {  	[spmem:s3] =	stream.indirect.scatter.add.f32 [tilespmem:s19], [sflag:$0xC], $0x80, s31, s14, $0xb8;
	[tilespmem:$0x1CD00] =	vst v63  }
0xf0: {  	_ =	swait.ge [sflag:s25], $0x4000  }
0xf1: {  	s24 =	rddreg [dreg:$0x7];
	[sflag:s25] =	ssyncset.done $0x0  }
0xf2: {  	s9 =	rddreg [dreg:$0x6];
	[sflag:s25] =	ssyncadd.s32 $0xFFFFC000;
	s8 =	sadd.s32 s10, s24  }
0xf3: {  	[tilespmem:s28], [sflag:$0x1] =	stream.linear.gather [hbm4b:s8+s4], $0x80, $0x38;
	[tilespmem:$0x1CD00] =	vst v63  }
0xf4: {  	s9 =	sadd.s32 s10, s9  }
0xf5: {  	[tilespmem:s29], [sflag:$0x5] =	stream.linear.gather [hbm4b:s9+s4], $0x80, $0x38;
	[tilespmem:$0x1CD00] =	vst v63  }
0xf6: {  	_ =	swait.ge [sflag:s21], $0x80  }
0xf7: {  	[sflag:s21] =	ssyncset.done $0x0  }
0xf8: {  	[sflag:s21] =	ssyncadd.s32 $0xFFFFFF80  }
0xf9: {  	_ =	swait.ge [sflag:s26], $0x80  }
0xfa: {  	[sflag:s26] =	ssyncset.done $0x0  }
0xfb: {  	[sflag:s26] =	ssyncadd.s32 $0xFFFFFF80  }
0xfc: {  	[tilespmem:s15], [sflag:$0x9] =	stream.indirect.gather [hbm4b:s2+s14], $0x80, s0, s14, $0xb8;
	[tilespmem:$0x1CD00] =	vst v63  }
0xfd: {  	_ =	swait.ge [sflag:s18], $0x4000  }
0xfe: {  	[sflag:s18] =	ssyncset.done $0x0  }
0xff: {  	[sflag:s18] =	ssyncadd.s32 $0xFFFFC000  }
0x100: {  	[spmem:s3] =	stream.indirect.scatter.add.f32 [tilespmem:s15], [sflag:$0xB], $0x80, s1, s14, $0xb8;
	[tilespmem:$0x1CD00] =	vst v63  }
0x101: {  	_ =	swait.ge [sflag:s22], $0x4000  }
0x102: {  	s24 =	rddreg [dreg:$0x5];
	[sflag:s22] =	ssyncset.done $0x0  }
0x103: {  	s9 =	rddreg [dreg:$0x4];
	[sflag:s22] =	ssyncadd.s32 $0xFFFFC000;
	s8 =	sadd.s32 s10, s24  }
0x104: {  	[tilespmem:s30], [sflag:$0x2] =	stream.linear.gather [hbm4b:s8+s4], $0x80, $0x38;
	[tilespmem:$0x1CD00] =	vst v63  }
0x105: {  	s24 =	sadd.s32 s10, s9  }
0x106: {  	[tilespmem:s31], [sflag:$0x6] =	stream.linear.gather [hbm4b:s24+s4], $0x80, $0x38;
	[tilespmem:$0x1CD00] =	vst v63  }
0x107: {  	p0 =	sne.s32 s7, $0x440;
	_ =	swait.ge [sflag:s23], $0x80  }
.Ltmp0:
0x108: {  	[sflag:s23] =	ssyncset.done $0x0;
	(pc) =	sbr.rel @p0 .LBB2_2-.Ltmp0, $4  }
0x109: {  	[sflag:s23] =	ssyncadd.s32 $0xFFFFFF80  }
0x10a: {  	_ =	swait.ge [sflag:s11], $0x80  }
0x10b: {  	[sflag:s11] =	ssyncset.done $0x0  }
0x10c: {  	s7 =	sadd.s32 $0x40, s7;
	[sflag:s11] =	ssyncadd.s32 $0xFFFFFF80  }
0x10d: {  	[tilespmem:s19], [sflag:$0xA] =	stream.indirect.gather [hbm4b:s2+s14], $0x80, s5, s14, $0xb8;
	[tilespmem:$0x1CD00] =	vst v63  }
0x10e: {  	_ =	swait.ge [sflag:s20], $0x4000  }
0x10f: {  	[sflag:s20] =	ssyncset.done $0x0  }
0x110: {  	[sflag:s20] =	ssyncadd.s32 $0xFFFFC000  }
0x111: {  	[spmem:s3] =	stream.indirect.scatter.add.f32 [tilespmem:s19], [sflag:$0xC], $0x80, s6, s14, $0xb8;
	[tilespmem:$0x1CD00] =	vst v63  }
0x112: {  	_ =	swait.ge [sflag:s25], $0x4000  }
0x113: {  	[sflag:s25] =	ssyncset.done $0x0  }
0x114: {  	[sflag:s25] =	ssyncadd.s32 $0xFFFFC000  }
0x115: {  	_ =	swait.ge [sflag:s12], $0x80  }
0x116: {  	[sflag:s12] =	ssyncset.done $0x0  }
0x117: {  	[sflag:s12] =	ssyncadd.s32 $0xFFFFFF80  }
0x118: {  	_ =	swait.ge [sflag:s13], $0x80  }
0x119: {  	[sflag:s13] =	ssyncset.done $0x0  }
0x11a: {  	[sflag:s13] =	ssyncadd.s32 $0xFFFFFF80  }
0x11b: {  	[tilespmem:s15], [sflag:$0x9] =	stream.indirect.gather [hbm4b:s2+s14], $0x80, s28, s14, $0xb8;
	[tilespmem:$0x1CD00] =	vst v63  }
0x11c: {  	_ =	swait.ge [sflag:s18], $0x4000  }
0x11d: {  	[sflag:s18] =	ssyncset.done $0x0  }
0x11e: {  	[sflag:s18] =	ssyncadd.s32 $0xFFFFC000  }
0x11f: {  	[spmem:s3] =	stream.indirect.scatter.add.f32 [tilespmem:s15], [sflag:$0xB], $0x80, s29, s14, $0xb8;
	[tilespmem:$0x1CD00] =	vst v63  }
0x120: {  	_ =	swait.ge [sflag:s22], $0x4000  }
0x121: {  	[sflag:s22] =	ssyncset.done $0x0  }
0x122: {  	[sflag:s22] =	ssyncadd.s32 $0xFFFFC000  }
0x123: {  	_ =	swait.ge [sflag:s16], $0x80  }
0x124: {  	[sflag:s16] =	ssyncset.done $0x0  }
0x125: {  	[sflag:s16] =	ssyncadd.s32 $0xFFFFFF80  }
0x126: {  	_ =	swait.ge [sflag:s17], $0x80  }
0x127: {  	[sflag:s17] =	ssyncset.done $0x0  }
0x128: {  	[sflag:s17] =	ssyncadd.s32 $0xFFFFFF80  }
0x129: {  	[tilespmem:s19], [sflag:$0xA] =	stream.indirect.gather [hbm4b:s2+s14], $0x80, s30, s14, $0xb8;
	[tilespmem:$0x1CD00] =	vst v63  }
0x12a: {  	_ =	swait.ge [sflag:s20], $0x4000  }
0x12b: {  	[sflag:s20] =	ssyncset.done $0x0  }
0x12c: {  	[sflag:s20] =	ssyncadd.s32 $0xFFFFC000  }
0x12d: {  	[spmem:s3] =	stream.indirect.scatter.add.f32 [tilespmem:s19], [sflag:$0xC], $0x80, s31, s14, $0xb8;
	[tilespmem:$0x1CD00] =	vst v63  }
0x12e: {  	_ =	swait.ge [sflag:s25], $0x4000  }
0x12f: {  	[sflag:s25] =	ssyncset.done $0x0  }
0x130: {  	s7 =	simm.s32 $0xF;
	[sflag:s25] =	ssyncadd.s32 $0xFFFFC000  }
0x131: {  	_ =	swait.ge [sflag:s7], $0x800  }
0x132: {  	s8 =	simm.s32 $0x1C480;
	[sflag:s7] =	ssyncset.done $0x0  }
0x133: {  	s9 =	simm.s32 $0x10;
	s24 =	simm.s32 $0x1C500;
	[sflag:s7] =	ssyncadd.s32 $0xFFFFF800  }
0x134: {  	[spmem:s3] =	stream.indirect.scatter.add.f32 [tilespmem:s24], [sflag:$0x10], $0x80, s8, s9, $0xb8;
	[tilespmem:$0x1CD00] =	vst v63  }
0x135: {  	_ =	swait.ge [sflag:s22], $0x4000  }
0x136: {  	[sflag:s22] =	ssyncset.done $0x0  }
0x137: {  	[sflag:s22] =	ssyncadd.s32 $0xFFFFC000  }
0x138: {  	_ =	swait.ge [sflag:s9], $0x800  }
0x139: {  	[sflag:s9] =	ssyncset.done $0x0  }
0x13a: {  	[sflag:s9] =	ssyncadd.s32 $0xFFFFF800  }
0x13b: {  	[bflag:$0x0] =	sbarrier.arrive $0xFFFF  }
0x13c: {  	s24 =	sld [smem:$0x7FD]  }
0x13d: {  	s10 =	rddreg [dreg:$0xe]  }
0x13e: {  	s8 =	rddreg [dreg:$0x1d]  }
0x13f: {  	[hbm:s8], [sflag:s10] =	dma.local [spmem:s24], $0x2800  }
0x140: {  	s8 =	simm.s32 $0x11  }
0x141: {  	_ =	swait.ge [sflag:s8], $0x2800  }
0x142: {  	s24 =	rddreg [dreg:$0x1f]  }
0x143: {  	s10 =	rddreg [dreg:$0x1e];
	s24 =	sadd.s32 $0x1, s24  }
0x144: {  	p0 =	sne.s32 s24, s10  }
.Ltmp1:
0x145: {  	_ = 	snop;
	(pc) =	sbr.rel @p0 .LBB2_1-.Ltmp1, $3  }
0x146: {  	_ =	sdelay $0x1  }
0x147: {  	[sflag:s8] =	ssyncset.done $0x0  }
0x148: {  	[sflag:s8] =	ssyncadd.s32 $0xFFFFD800;
	[dreg:$0x1f] =	wrdreg s24  }
0x149: {  	_ =	sfence.sel $0x180000  }
0x14a: {  	[bflag:$0x0] =	sbarrier.arrive $0xFFFF  }
0x14b: {  	_ =	strace $0x9000004A  }
0x14c: {  	s0 =	stileid.u32;
	[bflag:$0x2] =	sbarrier.arrive $0xFFFF  }
0x14d: {  	p0 =	sne.s32 s0, $0x0;
	s0 =	rddreg [dreg:$0x3]  }
0x14e: {  	s0 =	sadd.s32 @!p0 $0x100000, s0  }
0x14f: {  	[sflag:s0] =	ssyncadd.tile.s32 @!p0 $0x1;
	_ =	shalt  }
.Lfunc_end2:
_tile_overlayer_lowered:
.L_overlay_start_2:
0x150: {  	(tag) =	ssettag $0x2  }
0x151: {  	s0 =	rddreg [dreg:$0x0];
	s2 =	stileid.u32  }
0x152: {  	s1 =	rddreg [dreg:$0x1];
	p0 =	sne.s32 s2, $0x0  }
0x153: {  	s3 =	rddreg [dreg:$0x2];
	[bflag:$0x3] =	sbarrier.arrive $0xFFFF;
	s2 =	simm.s32 @!p0 $0x1C11  }
0x154: {  	[timem:s3], [sflag:s2] =	dma.local @!p0 [hbm:s0], s1  }
0x155: {  	s0 =	simm.s32 @!p0 $0x11  }
0x156: {  	_ =	swait.ge @!p0 [sflag:s0], s1  }
0x157: {  	s1 =	ssub.s32 @!p0 $0x0, s1;
	[sflag:s0] =	ssyncset.done @!p0 $0x0  }
0x158: {  	[sflag:s0] =	ssyncadd.s32 @!p0 s1  }
0x159: {  	[bflag:$0x3] =	sbarrier.arrive $0xFFFF  }
0x15a: {  	_ =	shalt  }

// kernel: sage_agg_cnt.3.cloned.1.call-start
scs
__scs_entry_jumppad:
0x0: {  	(pc) =	sbr.rel $0x88, $3  }
0x1: {  	(tag) =	ssettag $0x0;
	lr =	simm.s32 $0x1  }
0x2: {  	[smem:$0x3F99] =	sst lr;
	_ =	strace $0xD0000000  }
0x3: {  	_ = 	snop  }
0x4: {  	_ = 	snop  }
0x5: {  	_ = 	snop  }
0x6: {  	_ = 	snop  }
0x7: {  	_ = 	snop  }
__scs_overlays_trampoline_lowered:
0x8: {  	[smem:$0x3FA8] =	sst s0  }
0x9: {  	[smem:$0x3FA9] =	sst s1  }
0xa: {  	[smem:$0x3FAA] =	sst s2  }
0xb: {  	[smem:$0x3FAB] =	sst s3  }
0xc: {  	[smem:$0x3FAC] =	sst s4  }
0xd: {  	[smem:$0x3FAD] =	sst s5  }
0xe: {  	[smem:$0x3FAE] =	sst s6  }
0xf: {  	[smem:$0x3FAF] =	sst s7  }
0x10: {  	[smem:$0x3FB0] =	sst s8  }
0x11: {  	[smem:$0x3FB1] =	sst s9;
	s0 =	simm.s32 @!p0 $0x0  }
0x12: {  	s1 =	sld [smem:$0x3F97];
	s0 =	simm.s32 @p0 $0x1  }
0x13: {  	[smem:$0x3FB2] =	sst s0;
	s0 =	simm.s32 @!p1 $0x0  }
0x14: {  	s2 =	sld [smem:$0x3F96];
	s0 =	simm.s32 @p1 $0x1  }
0x15: {  	[smem:$0x3FB3] =	sst s0;
	s0 =	simm.s32 @!p2 $0x0  }
0x16: {  	s3 =	sld [smem:$0x3FDB];
	s0 =	simm.s32 @p2 $0x1  }
0x17: {  	s4 =	simm.s32 $0x1BF5;
	[smem:$0x3FB5] =	sst s0  }
0x18: {  	s0 =	sld [smem:$0x3F98];
	_ =	swait.ge [sflag:s4], $0x0  }
0x19: {  	s7 =	sld [smem:$0x3F99]  }
0x1a: {  	s8 =	sadd.s32 $0xFFFFE003, lr  }
0x1b: {  	s9 =	sadd.s32 $0xFFFFFEF7, lr;
	s5 =	simm.s32 $0xFFFFFFFF;
	p2 =	slt.u32 s8, $0xFFFFF086  }
0x1c: {  	p1 =	slt.u32 s9, $0xF7A;
	s5 =	simm.s32 @!p2 $0x0  }
0x1d: {  	s5 =	simm.s32 @p1 $0x1;
	p0 =	seq.s32 s7, s2  }
0x1e: {  	s7 =	smul.u32 @!p0 $0xF7A, s2;
	p2 =	seq.s32 @!p0 s5, $0x0  }
0x1f: {  	s9 =	smul.u32 $0xF7A, s1;
	s8 =	simm.s32 @!p0 $0x1BF5;
	p2 =	por !p2, p0  }
0x20: {  	[sflag:s8] =	ssyncset.s32 @!p0 $0xFFFFF086;
	s6 =	sadd.s32 @!p0 s3, s7;
	s7 =	simm.s32 @!p0 $0x108  }
0x21: {  	s3 =	sadd.s32 s3, s9;
	s6 =	sadd.s32 @!p0 $0x88, s6;
	s7 =	simm.s32 @p2 $0x1082  }
0x22: {  	[simem:s7], [sflag:s8] =	dma.local @!p0 [hbm:s6], $0xF7A  }
0x23: {  	s9 =	sor.u32 $0xD0000000, s2;
	s6 =	simm.s32 $0x108;
	_ =	swait.ge @!p0 [sflag:s8], $0x0  }
0x24: {  	s3 =	sadd.s32 $0x88, s3;
	s6 =	simm.s32 @!p1 $0x1082;
	[sflag:s4] =	ssyncset.s32 $0xFFFFF086  }
0x25: {  	[simem:s6], [sflag:s4] =	dma.local [hbm:s3], $0xF7A  }
0x26: {  	[smem:$0x3F99] =	sst s1;
	(tag) =	ssettag s2;
	_ =	strace s9  }
0x27: {  	s1 =	sld [smem:$0x3FA9]  }
0x28: {  	s2 =	sld [smem:$0x3FAA]  }
0x29: {  	s4 =	sld [smem:$0x3FAC]  }
0x2a: {  	p0 =	seq.s32 s5, $0x0;
	s5 =	sld [smem:$0x3FAD]  }
0x2b: {  	s6 =	sld [smem:$0x3FAE]  }
0x2c: {  	s7 =	sld [smem:$0x3FAF]  }
0x2d: {  	s3 =	simm.s32 $0x108;
	s8 =	sld [smem:$0x3FB0]  }
0x2e: {  	s3 =	simm.s32 @!p0 $0x1082;
	s9 =	sld [smem:$0x3FB1]  }
0x2f: {  	lr =	sadd.s32 s0, s3;
	s0 =	sld [smem:$0x3FA8]  }
0x30: {  	s3 =	sld [smem:$0x3FAB]  }
0x31: {  	[smem:$0x3FB4] =	sst s10  }
0x32: {  	s10 =	sld [smem:$0x3FB2];
	_ =	sdelay $0x3  }
0x33: {  	p0 =	seq.s32 s10, $0x1;
	s10 =	sld [smem:$0x3FB4];
	_ =	sdelay $0x3  }
0x34: {  	[smem:$0x3FB4] =	sst s10  }
0x35: {  	s10 =	sld [smem:$0x3FB3];
	_ =	sdelay $0x3  }
0x36: {  	p1 =	seq.s32 s10, $0x1;
	s10 =	sld [smem:$0x3FB4];
	_ =	sdelay $0x3  }
0x37: {  	[smem:$0x3FB4] =	sst s10  }
0x38: {  	s10 =	sld [smem:$0x3FB5]  }
0x39: {  	_ = 	snop;
	(pc) =	sbr.ind lr, $3  }
0x3a: {  	_ = 	snop  }
0x3b: {  	_ = 	snop  }
0x3c: {  	p2 =	seq.s32 s10, $0x1;
	s10 =	sld [smem:$0x3FB4]  }
0x3d: {  	_ =	shalt  }
0x3e: {  	_ =	shalt  }
0x3f: {  	_ =	shalt  }
0x40: {  	_ =	shalt  }
0x41: {  	_ =	shalt  }
0x42: {  	_ =	shalt  }
0x43: {  	_ =	shalt  }
0x44: {  	_ =	shalt  }
0x45: {  	_ =	shalt  }
0x46: {  	_ =	shalt  }
0x47: {  	_ =	shalt  }
0x48: {  	_ =	shalt  }
0x49: {  	_ =	shalt  }
0x4a: {  	_ =	shalt  }
0x4b: {  	_ =	shalt  }
0x4c: {  	_ =	shalt  }
0x4d: {  	_ =	shalt  }
0x4e: {  	_ =	shalt  }
0x4f: {  	_ =	shalt  }
0x50: {  	_ =	shalt  }
0x51: {  	_ =	shalt  }
0x52: {  	_ =	shalt  }
0x53: {  	_ =	shalt  }
0x54: {  	_ =	shalt  }
0x55: {  	_ =	shalt  }
0x56: {  	_ =	shalt  }
0x57: {  	_ =	shalt  }
0x58: {  	_ =	shalt  }
0x59: {  	_ =	shalt  }
0x5a: {  	_ =	shalt  }
0x5b: {  	_ =	shalt  }
0x5c: {  	_ =	shalt  }
0x5d: {  	_ =	shalt  }
0x5e: {  	_ =	shalt  }
0x5f: {  	_ =	shalt  }
0x60: {  	_ =	shalt  }
0x61: {  	_ =	shalt  }
0x62: {  	_ =	shalt  }
0x63: {  	_ =	shalt  }
0x64: {  	_ =	shalt  }
0x65: {  	_ =	shalt  }
0x66: {  	_ =	shalt  }
0x67: {  	_ =	shalt  }
0x68: {  	_ =	shalt  }
0x69: {  	_ =	shalt  }
0x6a: {  	_ =	shalt  }
0x6b: {  	_ =	shalt  }
0x6c: {  	_ =	shalt  }
0x6d: {  	_ =	shalt  }
0x6e: {  	_ =	shalt  }
0x6f: {  	_ =	shalt  }
0x70: {  	_ =	shalt  }
0x71: {  	_ =	shalt  }
0x72: {  	_ =	shalt  }
0x73: {  	_ =	shalt  }
0x74: {  	_ =	shalt  }
0x75: {  	_ =	shalt  }
0x76: {  	_ =	shalt  }
0x77: {  	_ =	shalt  }
0x78: {  	_ =	shalt  }
0x79: {  	_ =	shalt  }
0x7a: {  	_ =	shalt  }
0x7b: {  	_ =	shalt  }
0x7c: {  	_ =	shalt  }
0x7d: {  	_ =	shalt  }
0x7e: {  	_ =	shalt  }
0x7f: {  	_ =	shalt  }
0x80: {  	_ =	shalt  }
0x81: {  	_ =	shalt  }
0x82: {  	_ =	shalt  }
0x83: {  	_ =	shalt  }
0x84: {  	_ =	shalt  }
0x85: {  	_ =	shalt  }
0x86: {  	_ =	shalt  }
0x87: {  	_ =	shalt  }
.Lfunc_end0:
.L_simem_size_0:
called_computation_lowered:
.L_overlay_start_0:
0x88: {  	s2 =	sld [smem:$0x3FD9]  }
0x89: {  	s3 =	sld [smem:$0x3FFE];
	_ =	sdelay $0x1  }
0x8a: {  	s1 =	srdreg.scid  }
0x8b: {  	s0 =	sand.u32 $0x1, s1  }
0x8c: {  	s17 =	sshll.u32 s0, $0xA;
	s2 =	sadd.s32 s3, s2  }
0x8d: {  	s2 =	sadd.s32 s2, s17  }
0x8e: {  	[smem:$0x3FC0] =	sst s2  }
0x8f: {  	_ = 	snop  }
0x90: {  	s2 =	sld [smem:$0x3FC9];
	(tm) =	ssettm $0x1  }
0x91: {  	s18 =	sld [smem:$0x3FFB];
	_ =	sdelay $0x3  }
0x92: {  	_ =	strace s18  }
0x93: {  	s3 =	sld [smem:$0x3FFC];
	_ =	sdelay $0x3  }
0x94: {  	_ =	strace s3  }
0x95: {  	s3 =	sld [smem:$0x3FFD];
	_ =	sdelay $0x3  }
0x96: {  	_ =	strace s3  }
0x97: {  	_ =	strace $0x8FFFFFFF  }
0x98: {  	s19 =	sld [smem:$0x3FDB];
	_ =	sdelay $0x1  }
0x99: {  	s4 =	simm.s32 $_scs_section_size  }
0x9a: {  	s5 =	simm.s32 $_size__tile_overlayer_lowered;
	s6 =	simm.s32 $_tile_overlayer_lowered  }
0x9b: {  	s22 =	simm.s32 $0x1BFF;
	s21 =	sshll.u32 s6, $0x1;
	s3 =	sadd.s32 s4, s19  }
0x9c: {  	s7 =	simm.s32 $0x0;
	s20 =	sshll.u32 s5, $0x1;
	s5 =	sadd.s32 s21, s3  }
0x9d: {  	[timem:s7], [sflag:s22] =	dma.local [hbm:s5], s20  }
0x9e: {  	_ =	swait.ge [sflag:s22], s20  }
0x9f: {  	s4 =	ssub.s32 $0x0, s20;
	[sflag:s22] =	ssyncset.done $0x0  }
0xa0: {  	[sflag:s22] =	ssyncadd.s32 s4;
	_ =	sdelay $0x1  }
0xa1: {  	s23 =	simm.s32 $0x1B8B  }
0xa2: {  	_ =	swait.ge [sflag:s23], $0x1  }
0xa3: {  	[sflag:s23] =	ssyncset.done $0x0  }
0xa4: {  	s25 =	simm.s32 $0x1B8E;
	s24 =	sld [smem:$0x3FFE];
	[sflag:s23] =	ssyncadd.s32 $0xFFFFFFFF  }
0xa5: {  	s26 =	simm.s32 $execute0_lowered;
	[smem:$0x3FD2] =	sst s25  }
0xa6: {  	s5 =	sshll.u32 s26, $0x1;
	_ =	strace $0x80000046;
	[dreg:$0x1] =	wrdreg $0xFFFFFFFF  }
0xa7: {  	s28 =	simm.s32 $_size_execute0_lowered;
	s3 =	sadd.s32 s3, s5;
	[dreg:$0x0] =	wrdreg $0x0  }
0xa8: {  	s5 =	sshll.u32 s28, $0x1;
	[dreg:$0x2] =	wrdreg s3  }
0xa9: {  	[dreg:$0x3] =	wrdreg s5  }
0xaa: {  	[dreg:$0x4] =	wrdreg $0xC0  }
0xab: {  	_ =	task [dreg:s7], $0x5FFFF  }
0xac: {  	[dreg:$0x1] =	wrdreg $0xFFFFFFFF  }
0xad: {  	[dreg:$0x0] =	wrdreg $0x60  }
0xae: {  	[dreg:$0x2] =	wrdreg s2  }
0xaf: {  	[dreg:$0x3] =	wrdreg s24  }
0xb0: {  	[dreg:$0x4] =	wrdreg $0x0  }
0xb1: {  	[dreg:$0x5] =	wrdreg $0x140000  }
0xb2: {  	[dreg:$0x6] =	wrdreg $0x9  }
0xb3: {  	_ =	task.clear_ibuf [dreg:s7], $0x7FFFF;
	_ =	strace $0x90000046  }
0xb4: {  	s29 =	simm.s32 $0x9;
	_ =	strace $0x80000048  }
0xb5: {  	_ =	swait.ge [sflag:s29], $0x1  }
0xb6: {  	[sflag:s29] =	ssyncadd.s32 $0xFFFFFFFF  }
0xb7: {  	_ =	strace $0x90000048  }
0xb8: {  	_ =	sfence  }
0xb9: {  	s30 =	sld [smem:$0x0];
	_ =	sdelay $0x2  }
0xba: {  	s31 =	sshll.u32 s1, $0xD;
	s1 =	sshrl.u32 s1, $0x2  }
0xbb: {  	s3 =	sand.u32 $0x4000, s31;
	s1 =	sadd.s32 s1, s30  }
0xbc: {  	s0 =	sor.u32 s3, s0;
	s1 =	sshll.u32 s1, $0x11  }
0xbd: {  	s0 =	sor.u32 s1, s0  }
0xbe: {  	s0 =	sadd.s32 $0x8F2B, s0  }
0xbf: {  	[sflag:s0] =	ssyncadd.remote.s32 $0x1  }
0xc0: {  	_ =	sfence.sel $0xFFFF  }
0xc1: {  	[dreg:$0x0] =	wrdreg $0xFFFFFFFF;
	(pc) =	sbr.abs _section_cstart, $3  }
0xc2: {  	[dreg:$0x1] =	wrdreg $0xFFFFFFFF  }
0xc3: {  	_ =	task.clear_ibuf [dreg:s7], $0x2FFFF;
	_ =	strace $0x9FFFFFFF  }
0xc4: {  	(tm) =	ssettm $0x7FFFFFFF  }
0xc5: {  	_ =	shalt  }
tec
execute0_lowered:
.L_overlay_start_1:
0x0: {  	(tag) =	ssettag $0x1  }
0x1: {  	s1 =	rddreg [dreg:$0x0]  }
0x2: {  	s0 =	rddreg [dreg:$0x1]  }
0x3: {  	s2 =	rddreg [dreg:$0x2]  }
0x4: {  	s3 =	srdreg.scid;
	s4 =	rddreg [dreg:$0x3]  }
0x5: {  	s16 =	stileid.u32;
	s5 =	simm.s32 $0x0;
	s28 =	simm.s32 $0x14  }
0x6: {  	s29 =	simm.s32 $0x9;
	s30 =	simm.s32 $0x1CF80;
	s31 =	simm.s32 $0x7  }
0x7: {  	s6 =	sand.u32 $0x1, s3;
	s7 =	smul.u32 $0x14000, s16;
	[smem:$0x7FF] =	sst s5  }
0x8: {  	s8 =	sadd.s32 $0xB800, s0;
	s9 =	sadd.s32 $0x1A00, s0;
	s19 =	smul.u32 $0x2710, s16  }
0x9: {  	s3 =	sshll.u32 s6, $0x4;
	_ =	strace $0x80000047;
	s14 =	smul.u32 $0x27100, s6  }
0xa: {  	s11 =	ssub.s32 $0x2, s6;
	s6 =	smul.u32 $0x140000, s6;
	s3 =	sor.u32 s16, s3  }
0xb: {  	s10 =	sshrl.u32 s7, $0x3;
	s17 =	sshrl.u32 s11, $0x1;
	s3 =	smul.u32 $0x2710, s3  }
0xc: {  	s7 =	sadd.s32 s7, s6;
	s10 =	sadd.s32 s10, s0;
	s0 =	sadd.s32 $0x3D600, s0  }
0xd: {  	s7 =	sshrl.u32 s7, $0x3;
	s12 =	sshrl.u32 s3, $0x3;
	s3 =	ssub.s32 s11, s17  }
0xe: {  	s11 =	sadd.s32 s19, s14;
	s7 =	sadd.s32 s0, s7;
	s13 =	sadd.s32 $0x4E0, s12  }
0xf: {  	s20 =	sadd.s32 s8, s12;
	s21 =	sadd.s32 $0x10, s12;
	s15 =	sadd.s32 s9, s12  }
0x10: {  	s23 =	sadd.s32 $0x20, s12;
	s14 =	sadd.s32 $0x480, s11;
	[dreg:$0x1b] =	wrdreg s7  }
0x11: {  	s26 =	sadd.s32 $0x400, s11;
	s19 =	sadd.s32 $0x380, s11;
	[dreg:$0xf] =	wrdreg s20  }
0x12: {  	s11 =	sadd.s32 $0x300, s11;
	s18 =	sadd.s32 s8, s13;
	[dreg:$0x10] =	wrdreg s15  }
0x13: {  	s7 =	simm.s32 $0x1C700;
	s13 =	sadd.s32 s9, s13;
	[dreg:$0xd] =	wrdreg s18  }
0x14: {  	s22 =	sadd.s32 s8, s21;
	s24 =	sadd.s32 s8, s23;
	[dreg:$0xe] =	wrdreg s13  }
0x15: {  	s25 =	sshrl.u32 s14, $0x3;
	s17 =	sshrl.u32 s26, $0x3;
	[dreg:$0x11] =	wrdreg s22  }
0x16: {  	s11 =	sshrl.u32 s11, $0x3;
	s13 =	sadd.s32 s9, s21;
	[dreg:$0x13] =	wrdreg s24  }
0x17: {  	s14 =	sadd.s32 s25, s9;
	s18 =	sadd.s32 s17, s9;
	[dreg:$0x12] =	wrdreg s13  }
0x18: {  	s20 =	sadd.s32 s17, s8;
	s21 =	sshrl.u32 s19, $0x3;
	[dreg:$0x5] =	wrdreg s14  }
0x19: {  	s22 =	sadd.s32 $0x30, s12;
	s24 =	sshll.u32 s16, $0xA;
	[dreg:$0x7] =	wrdreg s18  }
0x1a: {  	s17 =	sadd.s32 $0x40, s12;
	s13 =	sadd.s32 s9, s23;
	[dreg:$0x8] =	wrdreg s20  }
0x1b: {  	s12 =	sadd.s32 $0x50, s12;
	s23 =	sadd.s32 s21, s9;
	[dreg:$0x14] =	wrdreg s13  }
0x1c: {  	s14 =	sadd.s32 s21, s8;
	s6 =	sor.u32 s6, s24;
	[dreg:$0x9] =	wrdreg s23  }
0x1d: {  	s26 =	sadd.s32 s8, s22;
	s18 =	sadd.s32 s9, s22;
	[dreg:$0xa] =	wrdreg s14  }
0x1e: {  	s19 =	sadd.s32 s8, s17;
	s20 =	smul.u32 $0x50000, s16;
	[dreg:$0x15] =	wrdreg s26  }
0x1f: {  	s21 =	smul.u32 $0xA00, s16;
	s13 =	sadd.s32 s25, s8;
	[dreg:$0x16] =	wrdreg s18  }
0x20: {  	s25 =	sadd.s32 s11, s9;
	[dreg:$0x17] =	wrdreg s19;
	s6 =	sshrl.u32 s6, $0x3  }
0x21: {  	s23 =	sadd.s32 $0x15600, s10;
	s26 =	smax.u32 s3, $0x1;
	s18 =	simm.s32 $0x14680  }
0x22: {  	s19 =	simm.s32 $0x2;
	s14 =	simm.s32 $0x3;
	[dreg:$0x6] =	wrdreg s13  }
0x23: {  	s3 =	simm.s32 $0x0;
	[dreg:$0xb] =	wrdreg s25;
	s13 =	sadd.s32 s9, s17  }
0x24: {  	s9 =	sadd.s32 s9, s12;
	s12 =	sadd.s32 s8, s12;
	[dreg:$0x1d] =	wrdreg s23  }
0x25: {  	s8 =	sadd.s32 s11, s8;
	s0 =	sadd.s32 s0, s6;
	[smem:$0x7FD] =	sst s26  }
0x26: {  	s24 =	sshrl.u32 s21, $0x2;
	s25 =	sshll.u32 s16, $0x6;
	[dreg:$0x18] =	wrdreg s13  }
0x27: {  	s11 =	simm.s32 $0x14580;
	s17 =	simm.s32 $0x80;
	[dreg:$0x19] =	wrdreg s9  }
0x28: {  	s21 =	simm.s32 $0x18680;
	s26 =	simm.s32 $0xD;
	[dreg:$0x1a] =	wrdreg s12  }
0x29: {  	s23 =	simm.s32 $0xE;
	s9 =	sshrl.u32 s20, $0x2;
	[dreg:$0xc] =	wrdreg s8  }
0x2a: {  	s8 =	sor.u32 $0x1C14, s25;
	s6 =	sadd.s32 s24, s4;
	s0 =	sadd.s32 $0x27100, s0  }
0x2b: {  	s20 =	simm.s32 $0x6;
	s25 =	simm.s32 $0xB;
	[smem:$0x7FC] =	sst s0  }
0x2c: {  	s12 =	simm.s32 $0xC;
	s24 =	simm.s32 $0x4;
	[dreg:$0x1e] =	wrdreg s8  }
0x2d: {  	s13 =	simm.s32 $0x8;
	s22 =	sadd.s32 s9, s2;
	[dreg:$0x1f] =	wrdreg s6  }
0x2e: {  	v0 =	vimm.f32 $0.0e+00;
	v1 =	vimm.f32 $1.000000000e+00;
	s9 =	simm.s32 $0x1D000;
	[dreg:$0x1c] =	wrdreg s22;
	s22 =	simm.s32 $0xA  }
.LBB2_1:
0x2f: {  	[smem:$0x7FA] =	sst s3  }
0x30: {  	s0 =	rddreg [dreg:$0x1c]  }
0x31: {  	s10 =	rddreg [dreg:$0x1d];
	s0 =	sshrl.u32 s0, $0x3  }
0x32: {  	[smem:$0x7FB] =	sst s0  }
0x33: {  	[spmem:s0], [sflag:s8] =	dma.local [hbm:s10], $0x2800  }
0x34: {  	_ =	swait.ge [sflag:s28], $0x2800  }
0x35: {  	[sflag:s28] =	ssyncset.done $0x0  }
0x36: {  	[sflag:s28] =	ssyncadd.s32 $0xFFFFD800  }
0x37: {  	[tilespmem:$0x1D000] =	vst v0  }
0x38: {  	[tilespmem:$0x1D010] =	vst v0  }
0x39: {  	[tilespmem:$0x1D020] =	vst v0  }
0x3a: {  	[tilespmem:$0x1D030] =	vst v0  }
0x3b: {  	[tilespmem:$0x1D040] =	vst v0  }
0x3c: {  	[tilespmem:$0x1D050] =	vst v0  }
0x3d: {  	[tilespmem:$0x1D060] =	vst v0  }
0x3e: {  	[tilespmem:$0x1D070] =	vst v0  }
0x3f: {  	[tilespmem:$0x1D080] =	vst v0  }
0x40: {  	[tilespmem:$0x1D090] =	vst v0  }
0x41: {  	[tilespmem:$0x1D0A0] =	vst v0  }
0x42: {  	[tilespmem:$0x1D0B0] =	vst v0  }
0x43: {  	[tilespmem:$0x1D0C0] =	vst v0  }
0x44: {  	[tilespmem:$0x1D0D0] =	vst v0  }
0x45: {  	[tilespmem:$0x1D0E0] =	vst v0  }
0x46: {  	[tilespmem:$0x1D0F0] =	vst v0  }
0x47: {  	[tilespmem:$0x1D100] =	vst v0  }
0x48: {  	[tilespmem:$0x1D110] =	vst v0  }
0x49: {  	[tilespmem:$0x1D120] =	vst v0  }
0x4a: {  	[tilespmem:$0x1D130] =	vst v0  }
0x4b: {  	[tilespmem:$0x1D140] =	vst v0  }
0x4c: {  	[tilespmem:$0x1D150] =	vst v0  }
0x4d: {  	[tilespmem:$0x1D160] =	vst v0  }
0x4e: {  	[tilespmem:$0x1D170] =	vst v0  }
0x4f: {  	[tilespmem:$0x1D180] =	vst v0  }
0x50: {  	[tilespmem:$0x1D190] =	vst v0  }
0x51: {  	[tilespmem:$0x1D1A0] =	vst v0  }
0x52: {  	[tilespmem:$0x1D1B0] =	vst v0  }
0x53: {  	[tilespmem:$0x1D1C0] =	vst v0  }
0x54: {  	[tilespmem:$0x1D1D0] =	vst v0  }
0x55: {  	[tilespmem:$0x1D1E0] =	vst v0  }
0x56: {  	[tilespmem:$0x1D1F0] =	vst v0  }
0x57: {  	[tilespmem:$0x1D200] =	vst v0  }
0x58: {  	[tilespmem:$0x1D210] =	vst v0  }
0x59: {  	[tilespmem:$0x1D220] =	vst v0  }
0x5a: {  	[tilespmem:$0x1D230] =	vst v0  }
0x5b: {  	[tilespmem:$0x1D240] =	vst v0  }
0x5c: {  	[tilespmem:$0x1D250] =	vst v0  }
0x5d: {  	[tilespmem:$0x1D260] =	vst v0  }
0x5e: {  	[tilespmem:$0x1D270] =	vst v0  }
0x5f: {  	[tilespmem:$0x1CF80] =	vst v1  }
0x60: {  	[tilespmem:$0x1CF90] =	vst v1  }
0x61: {  	[tilespmem:$0x1CFA0] =	vst v1  }
0x62: {  	[tilespmem:$0x1CFB0] =	vst v1  }
0x63: {  	[tilespmem:$0x1CFC0] =	vst v1  }
0x64: {  	[tilespmem:$0x1CFD0] =	vst v1  }
0x65: {  	[tilespmem:$0x1CFE0] =	vst v1  }
0x66: {  	[tilespmem:$0x1CFF0] =	vst v1  }
0x67: {  	[spmem:s6] =	stream.linear.scatter [tilespmem:s9], [sflag:$0x14], $0x280, $0x38;
	[tilespmem:$0x1D680] =	vst v63  }
0x68: {  	_ =	swait.ge [sflag:s28], $0x280  }
0x69: {  	[sflag:s28] =	ssyncset.done $0x0  }
0x6a: {  	[sflag:s28] =	ssyncadd.s32 $0xFFFFFD80  }
0x6b: {  	[bflag:$0x0] =	sbarrier.arrive $0xFFFF  }
0x6c: {  	s6 =	simm.s32 $0x1C680;
	s15 =	rddreg [dreg:$0xd]  }
0x6d: {  	[tilespmem:s6], [sflag:$0xF] =	stream.linear.gather [hbm4b:s15+s5], $0x10, $0x38;
	[tilespmem:$0x1D680] =	vst v63  }
0x6e: {  	s16 =	rddreg [dreg:$0xe]  }
0x6f: {  	[tilespmem:s7], [sflag:$0x10] =	stream.linear.gather [hbm4b:s16+s5], $0x10, $0x38;
	[tilespmem:$0x1D680] =	vst v63  }
0x70: {  	s10 =	simm.s32 $0x14280;
	s3 =	rddreg [dreg:$0xf]  }
0x71: {  	[tilespmem:s10], [sflag:$0x1] =	stream.linear.gather [hbm4b:s3+s5], $0x80, $0x38;
	[tilespmem:$0x1D680] =	vst v63  }
0x72: {  	s8 =	simm.s32 $0x14480;
	s7 =	rddreg [dreg:$0x10]  }
0x73: {  	[tilespmem:s8], [sflag:$0x5] =	stream.linear.gather [hbm4b:s7+s5], $0x80, $0x38;
	[tilespmem:$0x1D680] =	vst v63  }
0x74: {  	s9 =	rddreg [dreg:$0x11];
	s15 =	simm.s32 $0x14300  }
0x75: {  	[tilespmem:s15], [sflag:$0x2] =	stream.linear.gather [hbm4b:s9+s5], $0x80, $0x38;
	[tilespmem:$0x1D680] =	vst v63  }
0x76: {  	s16 =	rddreg [dreg:$0x12];
	s9 =	simm.s32 $0x14500  }
0x77: {  	[tilespmem:s9], [sflag:$0x6] =	stream.linear.gather [hbm4b:s16+s5], $0x80, $0x38;
	[tilespmem:$0x1D680] =	vst v63  }
0x78: {  	s7 =	rddreg [dreg:$0x13];
	s15 =	simm.s32 $0x14380  }
0x79: {  	[tilespmem:s15], [sflag:$0x3] =	stream.linear.gather [hbm4b:s7+s5], $0x80, $0x38;
	[tilespmem:$0x1D680] =	vst v63  }
0x7a: {  	s15 =	rddreg [dreg:$0x14]  }
0x7b: {  	[tilespmem:s11], [sflag:$0x7] =	stream.linear.gather [hbm4b:s15+s5], $0x80, $0x38;
	[tilespmem:$0x1D680] =	vst v63  }
0x7c: {  	s16 =	rddreg [dreg:$0x15];
	s15 =	simm.s32 $0x14400  }
0x7d: {  	[tilespmem:s15], [sflag:$0x4] =	stream.linear.gather [hbm4b:s16+s5], $0x80, $0x38;
	[tilespmem:$0x1D680] =	vst v63  }
0x7e: {  	s7 =	rddreg [dreg:$0x16];
	s16 =	simm.s32 $0x14600  }
0x7f: {  	[tilespmem:s16], [sflag:$0x8] =	stream.linear.gather [hbm4b:s7+s5], $0x80, $0x38;
	[tilespmem:$0x1D680] =	vst v63  }
0x80: {  	s7 =	simm.s32 $0xF  }
0x81: {  	_ =	swait.ge [sflag:s7], $0x10  }
0x82: {  	[sflag:s7] =	ssyncset.done $0x0  }
0x83: {  	s28 =	simm.s32 $0x10;
	[sflag:s7] =	ssyncadd.s32 $0xFFFFFFF0  }
0x84: {  	_ =	swait.ge [sflag:s28], $0x10  }
0x85: {  	[sflag:s28] =	ssyncset.done $0x0  }
0x86: {  	s3 =	simm.s32 $0x1C780;
	[sflag:s28] =	ssyncadd.s32 $0xFFFFFFF0  }
0x87: {  	[tilespmem:s3], [sflag:$0x11] =	stream.indirect.gather [hbm4b:s1+s28], $0x80, s6, s28, $0xb8;
	[tilespmem:$0x1D680] =	vst v63  }
0x88: {  	s6 =	simm.s32 $0x1  }
0x89: {  	_ =	swait.ge [sflag:s6], $0x80  }
0x8a: {  	[sflag:s6] =	ssyncset.done $0x0  }
0x8b: {  	s7 =	simm.s32 $0x5;
	[sflag:s6] =	ssyncadd.s32 $0xFFFFFF80  }
0x8c: {  	_ =	swait.ge [sflag:s7], $0x80  }
0x8d: {  	[sflag:s7] =	ssyncset.done $0x0  }
0x8e: {  	[sflag:s7] =	ssyncadd.s32 $0xFFFFFF80  }
0x8f: {  	[tilespmem:s18], [sflag:$0x9] =	stream.indirect.gather [hbm4b:s1+s17], $0x80, s10, s17, $0xb8;
	[tilespmem:$0x1D680] =	vst v63  }
0x90: {  	_ =	swait.ge [sflag:s19], $0x80  }
0x91: {  	[sflag:s19] =	ssyncset.done $0x0  }
0x92: {  	[sflag:s19] =	ssyncadd.s32 $0xFFFFFF80  }
0x93: {  	_ =	swait.ge [sflag:s20], $0x80  }
0x94: {  	[sflag:s20] =	ssyncset.done $0x0  }
0x95: {  	[sflag:s20] =	ssyncadd.s32 $0xFFFFFF80  }
0x96: {  	_ =	swait.ge [sflag:s29], $0x4000  }
0x97: {  	[sflag:s29] =	ssyncset.done $0x0  }
0x98: {  	[sflag:s29] =	ssyncadd.s32 $0xFFFFC000  }
0x99: {  	[spmem:s2] =	stream.indirect.scatter.add.f32 [tilespmem:s18], [sflag:$0xB], $0x80, s8, s17, $0xb8;
	[tilespmem:$0x1D680] =	vst v63  }
0x9a: {  	_ = 	snop  }
0x9b: {  	[spmem:s4] =	stream.indirect.scatter.add.f32 [tilespmem:s30], [sflag:$0xD], $0x1, s8, s17, $0xb8;
	[tilespmem:$0x1D680] =	vst v63  }
0x9c: {  	s3 =	simm.s32 $0x14300  }
0x9d: {  	[tilespmem:s21], [sflag:$0xA] =	stream.indirect.gather [hbm4b:s1+s17], $0x80, s3, s17, $0xb8;
	[tilespmem:$0x1D680] =	vst v63  }
0x9e: {  	_ =	swait.ge [sflag:s22], $0x4000  }
0x9f: {  	[sflag:s22] =	ssyncset.done $0x0  }
0xa0: {  	[sflag:s22] =	ssyncadd.s32 $0xFFFFC000  }
0xa1: {  	[spmem:s2] =	stream.indirect.scatter.add.f32 [tilespmem:s21], [sflag:$0xC], $0x80, s9, s17, $0xb8;
	[tilespmem:$0x1D680] =	vst v63  }
0xa2: {  	_ = 	snop  }
0xa3: {  	[spmem:s4] =	stream.indirect.scatter.add.f32 [tilespmem:s30], [sflag:$0xE], $0x1, s9, s17, $0xb8;
	[tilespmem:$0x1D680] =	vst v63  }
0xa4: {  	_ =	swait.ge [sflag:s25], $0x4000  }
0xa5: {  	[sflag:s25] =	ssyncset.done $0x0  }
0xa6: {  	[sflag:s25] =	ssyncadd.s32 $0xFFFFC000  }
0xa7: {  	_ =	swait.ge [sflag:s26], $0x80  }
0xa8: {  	[sflag:s26] =	ssyncset.done $0x0  }
0xa9: {  	s0 =	rddreg [dreg:$0x17];
	[sflag:s26] =	ssyncadd.s32 $0xFFFFFF80  }
0xaa: {  	[tilespmem:s10], [sflag:$0x1] =	stream.linear.gather [hbm4b:s0+s5], $0x80, $0x38;
	[tilespmem:$0x1D680] =	vst v63  }
0xab: {  	s0 =	rddreg [dreg:$0x18]  }
0xac: {  	[tilespmem:s8], [sflag:$0x5] =	stream.linear.gather [hbm4b:s0+s5], $0x80, $0x38;
	[tilespmem:$0x1D680] =	vst v63  }
0xad: {  	_ =	swait.ge [sflag:s14], $0x80  }
0xae: {  	[sflag:s14] =	ssyncset.done $0x0  }
0xaf: {  	[sflag:s14] =	ssyncadd.s32 $0xFFFFFF80  }
0xb0: {  	_ =	swait.ge [sflag:s31], $0x80  }
0xb1: {  	[sflag:s31] =	ssyncset.done $0x0  }
0xb2: {  	s0 =	simm.s32 $0x14380;
	[sflag:s31] =	ssyncadd.s32 $0xFFFFFF80  }
0xb3: {  	[tilespmem:s18], [sflag:$0x9] =	stream.indirect.gather [hbm4b:s1+s17], $0x80, s0, s17, $0xb8;
	[tilespmem:$0x1D680] =	vst v63  }
0xb4: {  	_ =	swait.ge [sflag:s29], $0x4000  }
0xb5: {  	[sflag:s29] =	ssyncset.done $0x0  }
0xb6: {  	[sflag:s29] =	ssyncadd.s32 $0xFFFFC000  }
0xb7: {  	[spmem:s2] =	stream.indirect.scatter.add.f32 [tilespmem:s18], [sflag:$0xB], $0x80, s11, s17, $0xb8;
	[tilespmem:$0x1D680] =	vst v63  }
0xb8: {  	_ = 	snop  }
0xb9: {  	[spmem:s4] =	stream.indirect.scatter.add.f32 [tilespmem:s30], [sflag:$0xD], $0x1, s11, s17, $0xb8;
	[tilespmem:$0x1D680] =	vst v63  }
0xba: {  	_ =	swait.ge [sflag:s12], $0x4000  }
0xbb: {  	[sflag:s12] =	ssyncset.done $0x0  }
0xbc: {  	[sflag:s12] =	ssyncadd.s32 $0xFFFFC000  }
0xbd: {  	_ =	swait.ge [sflag:s23], $0x80  }
0xbe: {  	[sflag:s23] =	ssyncset.done $0x0  }
0xbf: {  	s0 =	rddreg [dreg:$0x1a];
	[sflag:s23] =	ssyncadd.s32 $0xFFFFFF80  }
0xc0: {  	[tilespmem:s3], [sflag:$0x2] =	stream.linear.gather [hbm4b:s0+s5], $0x80, $0x38;
	[tilespmem:$0x1D680] =	vst v63  }
0xc1: {  	s3 =	rddreg [dreg:$0x19]  }
0xc2: {  	[tilespmem:s9], [sflag:$0x6] =	stream.linear.gather [hbm4b:s3+s5], $0x80, $0x38;
	[tilespmem:$0x1D680] =	vst v63  }
0xc3: {  	_ =	swait.ge [sflag:s24], $0x80  }
0xc4: {  	[sflag:s24] =	ssyncset.done $0x0  }
0xc5: {  	[sflag:s24] =	ssyncadd.s32 $0xFFFFFF80  }
0xc6: {  	_ =	swait.ge [sflag:s13], $0x80  }
0xc7: {  	[sflag:s13] =	ssyncset.done $0x0  }
0xc8: {  	[sflag:s13] =	ssyncadd.s32 $0xFFFFFF80  }
0xc9: {  	[tilespmem:s21], [sflag:$0xA] =	stream.indirect.gather [hbm4b:s1+s17], $0x80, s15, s17, $0xb8;
	[tilespmem:$0x1D680] =	vst v63  }
0xca: {  	_ =	swait.ge [sflag:s22], $0x4000  }
0xcb: {  	[sflag:s22] =	ssyncset.done $0x0  }
0xcc: {  	[sflag:s22] =	ssyncadd.s32 $0xFFFFC000  }
0xcd: {  	[spmem:s2] =	stream.indirect.scatter.add.f32 [tilespmem:s21], [sflag:$0xC], $0x80, s16, s17, $0xb8;
	[tilespmem:$0x1D680] =	vst v63  }
0xce: {  	_ = 	snop  }
0xcf: {  	[spmem:s4] =	stream.indirect.scatter.add.f32 [tilespmem:s30], [sflag:$0xE], $0x1, s16, s17, $0xb8;
	[tilespmem:$0x1D680] =	vst v63  }
0xd0: {  	_ =	swait.ge [sflag:s25], $0x4000  }
0xd1: {  	[sflag:s25] =	ssyncset.done $0x0  }
0xd2: {  	[sflag:s25] =	ssyncadd.s32 $0xFFFFC000  }
0xd3: {  	_ =	swait.ge [sflag:s26], $0x80  }
0xd4: {  	s3 =	rddreg [dreg:$0xc]  }
0xd5: {  	[sflag:s26] =	ssyncset.done $0x0;
	s28 =	rddreg [dreg:$0xb]  }
0xd6: {  	[sflag:s26] =	ssyncadd.s32 $0xFFFFFF80;
	s0 =	sadd.s32 $0x0, s3;
	s3 =	simm.s32 $0x14380  }
0xd7: {  	[tilespmem:s3], [sflag:$0x3] =	stream.linear.gather [hbm4b:s0+s5], $0x80, $0x38;
	[tilespmem:$0x1D680] =	vst v63  }
0xd8: {  	s3 =	sadd.s32 $0x0, s28  }
0xd9: {  	[tilespmem:s11], [sflag:$0x7] =	stream.linear.gather [hbm4b:s3+s5], $0x80, $0x38;
	[tilespmem:$0x1D680] =	vst v63  }
0xda: {  	_ =	swait.ge [sflag:s6], $0x80  }
0xdb: {  	[sflag:s6] =	ssyncset.done $0x0  }
0xdc: {  	[sflag:s6] =	ssyncadd.s32 $0xFFFFFF80  }
0xdd: {  	_ =	swait.ge [sflag:s7], $0x80  }
0xde: {  	[sflag:s7] =	ssyncset.done $0x0  }
0xdf: {  	[sflag:s7] =	ssyncadd.s32 $0xFFFFFF80  }
0xe0: {  	[tilespmem:s18], [sflag:$0x9] =	stream.indirect.gather [hbm4b:s1+s17], $0x80, s10, s17, $0xb8;
	[tilespmem:$0x1D680] =	vst v63  }
0xe1: {  	_ =	swait.ge [sflag:s29], $0x4000  }
0xe2: {  	[sflag:s29] =	ssyncset.done $0x0  }
0xe3: {  	[sflag:s29] =	ssyncadd.s32 $0xFFFFC000  }
0xe4: {  	[spmem:s2] =	stream.indirect.scatter.add.f32 [tilespmem:s18], [sflag:$0xB], $0x80, s8, s17, $0xb8;
	[tilespmem:$0x1D680] =	vst v63  }
0xe5: {  	_ = 	snop  }
0xe6: {  	[spmem:s4] =	stream.indirect.scatter.add.f32 [tilespmem:s30], [sflag:$0xD], $0x1, s8, s17, $0xb8;
	[tilespmem:$0x1D680] =	vst v63  }
0xe7: {  	_ =	swait.ge [sflag:s12], $0x4000  }
0xe8: {  	[sflag:s12] =	ssyncset.done $0x0  }
0xe9: {  	[sflag:s12] =	ssyncadd.s32 $0xFFFFC000  }
0xea: {  	_ =	swait.ge [sflag:s23], $0x80  }
0xeb: {  	s7 =	rddreg [dreg:$0xa];
	[sflag:s23] =	ssyncset.done $0x0  }
0xec: {  	s28 =	rddreg [dreg:$0x9];
	[sflag:s23] =	ssyncadd.s32 $0xFFFFFF80;
	s0 =	sadd.s32 $0x0, s7  }
0xed: {  	[tilespmem:s15], [sflag:$0x4] =	stream.linear.gather [hbm4b:s0+s5], $0x80, $0x38;
	[tilespmem:$0x1D680] =	vst v63  }
0xee: {  	s15 =	sadd.s32 $0x0, s28  }
0xef: {  	[tilespmem:s16], [sflag:$0x8] =	stream.linear.gather [hbm4b:s15+s5], $0x80, $0x38;
	[tilespmem:$0x1D680] =	vst v63  }
0xf0: {  	_ =	swait.ge [sflag:s19], $0x80  }
0xf1: {  	[sflag:s19] =	ssyncset.done $0x0  }
0xf2: {  	[sflag:s19] =	ssyncadd.s32 $0xFFFFFF80  }
0xf3: {  	_ =	swait.ge [sflag:s20], $0x80  }
0xf4: {  	[sflag:s20] =	ssyncset.done $0x0  }
0xf5: {  	s16 =	simm.s32 $0x14300;
	[sflag:s20] =	ssyncadd.s32 $0xFFFFFF80  }
0xf6: {  	[tilespmem:s21], [sflag:$0xA] =	stream.indirect.gather [hbm4b:s1+s17], $0x80, s16, s17, $0xb8;
	[tilespmem:$0x1D680] =	vst v63  }
0xf7: {  	_ =	swait.ge [sflag:s22], $0x4000  }
0xf8: {  	[sflag:s22] =	ssyncset.done $0x0  }
0xf9: {  	[sflag:s22] =	ssyncadd.s32 $0xFFFFC000  }
0xfa: {  	[spmem:s2] =	stream.indirect.scatter.add.f32 [tilespmem:s21], [sflag:$0xC], $0x80, s9, s17, $0xb8;
	[tilespmem:$0x1D680] =	vst v63  }
0xfb: {  	_ = 	snop  }
0xfc: {  	[spmem:s4] =	stream.indirect.scatter.add.f32 [tilespmem:s30], [sflag:$0xE], $0x1, s9, s17, $0xb8;
	[tilespmem:$0x1D680] =	vst v63  }
0xfd: {  	_ =	swait.ge [sflag:s25], $0x4000  }
0xfe: {  	[sflag:s25] =	ssyncset.done $0x0  }
0xff: {  	[sflag:s25] =	ssyncadd.s32 $0xFFFFC000  }
0x100: {  	_ =	swait.ge [sflag:s26], $0x80  }
0x101: {  	s6 =	rddreg [dreg:$0x8];
	[sflag:s26] =	ssyncset.done $0x0  }
0x102: {  	s28 =	rddreg [dreg:$0x7];
	[sflag:s26] =	ssyncadd.s32 $0xFFFFFF80;
	s0 =	sadd.s32 $0x0, s6  }
0x103: {  	[tilespmem:s10], [sflag:$0x1] =	stream.linear.gather [hbm4b:s0+s5], $0x80, $0x38;
	[tilespmem:$0x1D680] =	vst v63  }
0x104: {  	s7 =	sadd.s32 $0x0, s28  }
0x105: {  	[tilespmem:s8], [sflag:$0x5] =	stream.linear.gather [hbm4b:s7+s5], $0x80, $0x38;
	[tilespmem:$0x1D680] =	vst v63  }
0x106: {  	_ =	swait.ge [sflag:s14], $0x80  }
0x107: {  	[sflag:s14] =	ssyncset.done $0x0  }
0x108: {  	[sflag:s14] =	ssyncadd.s32 $0xFFFFFF80  }
0x109: {  	_ =	swait.ge [sflag:s31], $0x80  }
0x10a: {  	[sflag:s31] =	ssyncset.done $0x0  }
0x10b: {  	s10 =	simm.s32 $0x14380;
	[sflag:s31] =	ssyncadd.s32 $0xFFFFFF80  }
0x10c: {  	[tilespmem:s18], [sflag:$0x9] =	stream.indirect.gather [hbm4b:s1+s17], $0x80, s10, s17, $0xb8;
	[tilespmem:$0x1D680] =	vst v63  }
0x10d: {  	_ =	swait.ge [sflag:s29], $0x4000  }
0x10e: {  	[sflag:s29] =	ssyncset.done $0x0  }
0x10f: {  	[sflag:s29] =	ssyncadd.s32 $0xFFFFC000  }
0x110: {  	[spmem:s2] =	stream.indirect.scatter.add.f32 [tilespmem:s18], [sflag:$0xB], $0x80, s11, s17, $0xb8;
	[tilespmem:$0x1D680] =	vst v63  }
0x111: {  	_ = 	snop  }
0x112: {  	[spmem:s4] =	stream.indirect.scatter.add.f32 [tilespmem:s30], [sflag:$0xD], $0x1, s11, s17, $0xb8;
	[tilespmem:$0x1D680] =	vst v63  }
0x113: {  	_ =	swait.ge [sflag:s12], $0x4000  }
0x114: {  	[sflag:s12] =	ssyncset.done $0x0  }
0x115: {  	[sflag:s12] =	ssyncadd.s32 $0xFFFFC000  }
0x116: {  	_ =	swait.ge [sflag:s23], $0x80  }
0x117: {  	s15 =	rddreg [dreg:$0x6];
	[sflag:s23] =	ssyncset.done $0x0  }
0x118: {  	s28 =	rddreg [dreg:$0x5];
	[sflag:s23] =	ssyncadd.s32 $0xFFFFFF80;
	s0 =	sadd.s32 $0x0, s15  }
0x119: {  	[tilespmem:s16], [sflag:$0x2] =	stream.linear.gather [hbm4b:s0+s5], $0x80, $0x38;
	[tilespmem:$0x1D680] =	vst v63  }
0x11a: {  	s16 =	sadd.s32 $0x0, s28  }
0x11b: {  	[tilespmem:s9], [sflag:$0x6] =	stream.linear.gather [hbm4b:s16+s5], $0x80, $0x38;
	[tilespmem:$0x1D680] =	vst v63  }
0x11c: {  	_ =	swait.ge [sflag:s24], $0x80  }
0x11d: {  	[sflag:s24] =	ssyncset.done $0x0  }
0x11e: {  	[sflag:s24] =	ssyncadd.s32 $0xFFFFFF80  }
0x11f: {  	_ =	swait.ge [sflag:s13], $0x80  }
0x120: {  	[sflag:s13] =	ssyncset.done $0x0  }
0x121: {  	s7 =	simm.s32 $0x14380;
	s28 =	simm.s32 $0x40;
	[sflag:s13] =	ssyncadd.s32 $0xFFFFFF80  }
.LBB2_2:
0x122: {  	s9 =	simm.s32 $0x14400  }
0x123: {  	[tilespmem:s21], [sflag:$0xA] =	stream.indirect.gather [hbm4b:s1+s17], $0x80, s9, s17, $0xb8;
	[tilespmem:$0x1D680] =	vst v63  }
0x124: {  	_ =	swait.ge [sflag:s22], $0x4000  }
0x125: {  	[sflag:s22] =	ssyncset.done $0x0  }
0x126: {  	s10 =	simm.s32 $0x14600;
	[sflag:s22] =	ssyncadd.s32 $0xFFFFC000  }
0x127: {  	[spmem:s2] =	stream.indirect.scatter.add.f32 [tilespmem:s21], [sflag:$0xC], $0x80, s10, s17, $0xb8;
	[tilespmem:$0x1D680] =	vst v63  }
0x128: {  	_ = 	snop  }
0x129: {  	[spmem:s4] =	stream.indirect.scatter.add.f32 [tilespmem:s30], [sflag:$0xE], $0x1, s10, s17, $0xb8;
	[tilespmem:$0x1D680] =	vst v63  }
0x12a: {  	_ =	swait.ge [sflag:s25], $0x4000  }
0x12b: {  	[sflag:s25] =	ssyncset.done $0x0  }
0x12c: {  	[sflag:s25] =	ssyncadd.s32 $0xFFFFC000  }
0x12d: {  	_ =	swait.ge [sflag:s26], $0x80  }
0x12e: {  	s0 =	smov.u32 s28;
	s6 =	rddreg [dreg:$0xc];
	[sflag:s26] =	ssyncset.done $0x0  }
0x12f: {  	s8 =	rddreg [dreg:$0xb];
	[sflag:s26] =	ssyncadd.s32 $0xFFFFFF80;
	s6 =	sadd.s32 s0, s6  }
0x130: {  	[tilespmem:s7], [sflag:$0x3] =	stream.linear.gather [hbm4b:s6+s5], $0x80, $0x38;
	[tilespmem:$0x1D680] =	vst v63  }
0x131: {  	s3 =	simm.s32 $0x1;
	s7 =	sadd.s32 s0, s8  }
0x132: {  	[tilespmem:s11], [sflag:$0x7] =	stream.linear.gather [hbm4b:s7+s5], $0x80, $0x38;
	[tilespmem:$0x1D680] =	vst v63  }
0x133: {  	_ =	swait.ge [sflag:s3], $0x80  }
0x134: {  	[sflag:s3] =	ssyncset.done $0x0  }
0x135: {  	s8 =	simm.s32 $0x5;
	[sflag:s3] =	ssyncadd.s32 $0xFFFFFF80  }
0x136: {  	_ =	swait.ge [sflag:s8], $0x80  }
0x137: {  	[sflag:s8] =	ssyncset.done $0x0  }
0x138: {  	s3 =	simm.s32 $0x14280;
	[sflag:s8] =	ssyncadd.s32 $0xFFFFFF80  }
0x139: {  	[tilespmem:s18], [sflag:$0x9] =	stream.indirect.gather [hbm4b:s1+s17], $0x80, s3, s17, $0xb8;
	[tilespmem:$0x1D680] =	vst v63  }
0x13a: {  	_ =	swait.ge [sflag:s29], $0x4000  }
0x13b: {  	[sflag:s29] =	ssyncset.done $0x0  }
0x13c: {  	s7 =	simm.s32 $0x14480;
	[sflag:s29] =	ssyncadd.s32 $0xFFFFC000  }
0x13d: {  	[spmem:s2] =	stream.indirect.scatter.add.f32 [tilespmem:s18], [sflag:$0xB], $0x80, s7, s17, $0xb8;
	[tilespmem:$0x1D680] =	vst v63  }
0x13e: {  	_ = 	snop  }
0x13f: {  	[spmem:s4] =	stream.indirect.scatter.add.f32 [tilespmem:s30], [sflag:$0xD], $0x1, s7, s17, $0xb8;
	[tilespmem:$0x1D680] =	vst v63  }
0x140: {  	_ =	swait.ge [sflag:s12], $0x4000  }
0x141: {  	[sflag:s12] =	ssyncset.done $0x0  }
0x142: {  	[sflag:s12] =	ssyncadd.s32 $0xFFFFC000  }
0x143: {  	_ =	swait.ge [sflag:s23], $0x80  }
0x144: {  	s11 =	rddreg [dreg:$0xa];
	[sflag:s23] =	ssyncset.done $0x0  }
0x145: {  	s15 =	rddreg [dreg:$0x9];
	[sflag:s23] =	ssyncadd.s32 $0xFFFFFF80;
	s6 =	sadd.s32 s0, s11  }
0x146: {  	[tilespmem:s9], [sflag:$0x4] =	stream.linear.gather [hbm4b:s6+s5], $0x80, $0x38;
	[tilespmem:$0x1D680] =	vst v63  }
0x147: {  	s9 =	sadd.s32 s0, s15  }
0x148: {  	[tilespmem:s10], [sflag:$0x8] =	stream.linear.gather [hbm4b:s9+s5], $0x80, $0x38;
	[tilespmem:$0x1D680] =	vst v63  }
0x149: {  	_ =	swait.ge [sflag:s19], $0x80  }
0x14a: {  	[sflag:s19] =	ssyncset.done $0x0  }
0x14b: {  	[sflag:s19] =	ssyncadd.s32 $0xFFFFFF80  }
0x14c: {  	_ =	swait.ge [sflag:s20], $0x80  }
0x14d: {  	[sflag:s20] =	ssyncset.done $0x0  }
0x14e: {  	s9 =	simm.s32 $0x14300;
	[sflag:s20] =	ssyncadd.s32 $0xFFFFFF80  }
0x14f: {  	[tilespmem:s21], [sflag:$0xA] =	stream.indirect.gather [hbm4b:s1+s17], $0x80, s9, s17, $0xb8;
	[tilespmem:$0x1D680] =	vst v63  }
0x150: {  	_ =	swait.ge [sflag:s22], $0x4000  }
0x151: {  	[sflag:s22] =	ssyncset.done $0x0  }
0x152: {  	s11 =	simm.s32 $0x14500;
	[sflag:s22] =	ssyncadd.s32 $0xFFFFC000  }
0x153: {  	[spmem:s2] =	stream.indirect.scatter.add.f32 [tilespmem:s21], [sflag:$0xC], $0x80, s11, s17, $0xb8;
	[tilespmem:$0x1D680] =	vst v63  }
0x154: {  	_ = 	snop  }
0x155: {  	[spmem:s4] =	stream.indirect.scatter.add.f32 [tilespmem:s30], [sflag:$0xE], $0x1, s11, s17, $0xb8;
	[tilespmem:$0x1D680] =	vst v63  }
0x156: {  	_ =	swait.ge [sflag:s25], $0x4000  }
0x157: {  	[sflag:s25] =	ssyncset.done $0x0  }
0x158: {  	[sflag:s25] =	ssyncadd.s32 $0xFFFFC000  }
0x159: {  	_ =	swait.ge [sflag:s26], $0x80  }
0x15a: {  	s10 =	rddreg [dreg:$0x8];
	[sflag:s26] =	ssyncset.done $0x0  }
0x15b: {  	s8 =	rddreg [dreg:$0x7];
	[sflag:s26] =	ssyncadd.s32 $0xFFFFFF80;
	s6 =	sadd.s32 s0, s10  }
0x15c: {  	[tilespmem:s3], [sflag:$0x1] =	stream.linear.gather [hbm4b:s6+s5], $0x80, $0x38;
	[tilespmem:$0x1D680] =	vst v63  }
0x15d: {  	s3 =	sadd.s32 s0, s8  }
0x15e: {  	[tilespmem:s7], [sflag:$0x5] =	stream.linear.gather [hbm4b:s3+s5], $0x80, $0x38;
	[tilespmem:$0x1D680] =	vst v63  }
0x15f: {  	_ =	swait.ge [sflag:s14], $0x80  }
0x160: {  	[sflag:s14] =	ssyncset.done $0x0  }
0x161: {  	[sflag:s14] =	ssyncadd.s32 $0xFFFFFF80  }
0x162: {  	_ =	swait.ge [sflag:s31], $0x80  }
0x163: {  	[sflag:s31] =	ssyncset.done $0x0  }
0x164: {  	s7 =	simm.s32 $0x14380;
	[sflag:s31] =	ssyncadd.s32 $0xFFFFFF80  }
0x165: {  	[tilespmem:s18], [sflag:$0x9] =	stream.indirect.gather [hbm4b:s1+s17], $0x80, s7, s17, $0xb8;
	[tilespmem:$0x1D680] =	vst v63  }
0x166: {  	_ =	swait.ge [sflag:s29], $0x4000  }
0x167: {  	[sflag:s29] =	ssyncset.done $0x0  }
0x168: {  	s15 =	simm.s32 $0x14580;
	[sflag:s29] =	ssyncadd.s32 $0xFFFFC000  }
0x169: {  	[spmem:s2] =	stream.indirect.scatter.add.f32 [tilespmem:s18], [sflag:$0xB], $0x80, s15, s17, $0xb8;
	[tilespmem:$0x1D680] =	vst v63  }
0x16a: {  	_ = 	snop  }
0x16b: {  	[spmem:s4] =	stream.indirect.scatter.add.f32 [tilespmem:s30], [sflag:$0xD], $0x1, s15, s17, $0xb8;
	[tilespmem:$0x1D680] =	vst v63  }
0x16c: {  	_ =	swait.ge [sflag:s12], $0x4000  }
0x16d: {  	[sflag:s12] =	ssyncset.done $0x0  }
0x16e: {  	[sflag:s12] =	ssyncadd.s32 $0xFFFFC000  }
0x16f: {  	_ =	swait.ge [sflag:s23], $0x80  }
0x170: {  	s8 =	rddreg [dreg:$0x6];
	[sflag:s23] =	ssyncset.done $0x0  }
0x171: {  	s15 =	rddreg [dreg:$0x5];
	[sflag:s23] =	ssyncadd.s32 $0xFFFFFF80;
	s6 =	sadd.s32 s0, s8  }
0x172: {  	[tilespmem:s9], [sflag:$0x2] =	stream.linear.gather [hbm4b:s6+s5], $0x80, $0x38;
	[tilespmem:$0x1D680] =	vst v63  }
0x173: {  	s0 =	sadd.s32 s0, s15  }
0x174: {  	[tilespmem:s11], [sflag:$0x6] =	stream.linear.gather [hbm4b:s0+s5], $0x80, $0x38;
	[tilespmem:$0x1D680] =	vst v63  }
0x175: {  	p0 =	sne.s32 s28, $0x440;
	_ =	swait.ge [sflag:s24], $0x80  }
.Ltmp0:
0x176: {  	[sflag:s24] =	ssyncset.done $0x0;
	(pc) =	sbr.rel @p0 .LBB2_2-.Ltmp0, $4  }
0x177: {  	[sflag:s24] =	ssyncadd.s32 $0xFFFFFF80  }
0x178: {  	s28 =	sadd.s32 $0x40, s28;
	_ =	swait.ge [sflag:s13], $0x80  }
0x179: {  	s16 =	simm.s32 $0x14400;
	s10 =	simm.s32 $0x14280;
	[sflag:s13] =	ssyncset.done $0x0  }
0x17a: {  	s3 =	simm.s32 $0x14300;
	s11 =	simm.s32 $0x14580;
	[sflag:s13] =	ssyncadd.s32 $0xFFFFFF80  }
0x17b: {  	[tilespmem:s21], [sflag:$0xA] =	stream.indirect.gather [hbm4b:s1+s17], $0x80, s16, s17, $0xb8;
	[tilespmem:$0x1D680] =	vst v63  }
0x17c: {  	_ =	swait.ge [sflag:s22], $0x4000  }
0x17d: {  	[sflag:s22] =	ssyncset.done $0x0  }
0x17e: {  	s0 =	simm.s32 $0x14600;
	[sflag:s22] =	ssyncadd.s32 $0xFFFFC000  }
0x17f: {  	[spmem:s2] =	stream.indirect.scatter.add.f32 [tilespmem:s21], [sflag:$0xC], $0x80, s0, s17, $0xb8;
	[tilespmem:$0x1D680] =	vst v63  }
0x180: {  	_ = 	snop  }
0x181: {  	[spmem:s4] =	stream.indirect.scatter.add.f32 [tilespmem:s30], [sflag:$0xE], $0x1, s0, s17, $0xb8;
	[tilespmem:$0x1D680] =	vst v63  }
0x182: {  	_ =	swait.ge [sflag:s25], $0x4000  }
0x183: {  	[sflag:s25] =	ssyncset.done $0x0  }
0x184: {  	[sflag:s25] =	ssyncadd.s32 $0xFFFFC000  }
0x185: {  	_ =	swait.ge [sflag:s26], $0x80  }
0x186: {  	[sflag:s26] =	ssyncset.done $0x0  }
0x187: {  	s8 =	simm.s32 $0x1;
	[sflag:s26] =	ssyncadd.s32 $0xFFFFFF80  }
0x188: {  	_ =	swait.ge [sflag:s8], $0x80  }
0x189: {  	[sflag:s8] =	ssyncset.done $0x0  }
0x18a: {  	s9 =	simm.s32 $0x5;
	[sflag:s8] =	ssyncadd.s32 $0xFFFFFF80  }
0x18b: {  	_ =	swait.ge [sflag:s9], $0x80  }
0x18c: {  	[sflag:s9] =	ssyncset.done $0x0  }
0x18d: {  	[sflag:s9] =	ssyncadd.s32 $0xFFFFFF80  }
0x18e: {  	[tilespmem:s18], [sflag:$0x9] =	stream.indirect.gather [hbm4b:s1+s17], $0x80, s10, s17, $0xb8;
	[tilespmem:$0x1D680] =	vst v63  }
0x18f: {  	_ =	swait.ge [sflag:s29], $0x4000  }
0x190: {  	[sflag:s29] =	ssyncset.done $0x0  }
0x191: {  	s15 =	simm.s32 $0x14480;
	[sflag:s29] =	ssyncadd.s32 $0xFFFFC000  }
0x192: {  	[spmem:s2] =	stream.indirect.scatter.add.f32 [tilespmem:s18], [sflag:$0xB], $0x80, s15, s17, $0xb8;
	[tilespmem:$0x1D680] =	vst v63  }
0x193: {  	_ = 	snop  }
0x194: {  	[spmem:s4] =	stream.indirect.scatter.add.f32 [tilespmem:s30], [sflag:$0xD], $0x1, s15, s17, $0xb8;
	[tilespmem:$0x1D680] =	vst v63  }
0x195: {  	_ =	swait.ge [sflag:s12], $0x4000  }
0x196: {  	[sflag:s12] =	ssyncset.done $0x0  }
0x197: {  	[sflag:s12] =	ssyncadd.s32 $0xFFFFC000  }
0x198: {  	_ =	swait.ge [sflag:s23], $0x80  }
0x199: {  	[sflag:s23] =	ssyncset.done $0x0  }
0x19a: {  	[sflag:s23] =	ssyncadd.s32 $0xFFFFFF80  }
0x19b: {  	_ =	swait.ge [sflag:s19], $0x80  }
0x19c: {  	[sflag:s19] =	ssyncset.done $0x0  }
0x19d: {  	[sflag:s19] =	ssyncadd.s32 $0xFFFFFF80  }
0x19e: {  	_ =	swait.ge [sflag:s20], $0x80  }
0x19f: {  	[sflag:s20] =	ssyncset.done $0x0  }
0x1a0: {  	[sflag:s20] =	ssyncadd.s32 $0xFFFFFF80  }
0x1a1: {  	[tilespmem:s21], [sflag:$0xA] =	stream.indirect.gather [hbm4b:s1+s17], $0x80, s3, s17, $0xb8;
	[tilespmem:$0x1D680] =	vst v63  }
0x1a2: {  	_ =	swait.ge [sflag:s22], $0x4000  }
0x1a3: {  	[sflag:s22] =	ssyncset.done $0x0  }
0x1a4: {  	s16 =	simm.s32 $0x14500;
	[sflag:s22] =	ssyncadd.s32 $0xFFFFC000  }
0x1a5: {  	[spmem:s2] =	stream.indirect.scatter.add.f32 [tilespmem:s21], [sflag:$0xC], $0x80, s16, s17, $0xb8;
	[tilespmem:$0x1D680] =	vst v63  }
0x1a6: {  	_ = 	snop  }
0x1a7: {  	[spmem:s4] =	stream.indirect.scatter.add.f32 [tilespmem:s30], [sflag:$0xE], $0x1, s16, s17, $0xb8;
	[tilespmem:$0x1D680] =	vst v63  }
0x1a8: {  	_ =	swait.ge [sflag:s25], $0x4000  }
0x1a9: {  	[sflag:s25] =	ssyncset.done $0x0  }
0x1aa: {  	[sflag:s25] =	ssyncadd.s32 $0xFFFFC000  }
0x1ab: {  	_ =	swait.ge [sflag:s26], $0x80  }
0x1ac: {  	[sflag:s26] =	ssyncset.done $0x0  }
0x1ad: {  	s3 =	simm.s32 $0x11;
	[sflag:s26] =	ssyncadd.s32 $0xFFFFFF80  }
0x1ae: {  	_ =	swait.ge [sflag:s3], $0x800  }
0x1af: {  	s7 =	simm.s32 $0x1C700;
	[sflag:s3] =	ssyncset.done $0x0  }
0x1b0: {  	s6 =	simm.s32 $0x10;
	s8 =	simm.s32 $0x1C780;
	[sflag:s3] =	ssyncadd.s32 $0xFFFFF800  }
0x1b1: {  	[spmem:s2] =	stream.indirect.scatter.add.f32 [tilespmem:s8], [sflag:$0x12], $0x80, s7, s6, $0xb8;
	[tilespmem:$0x1D680] =	vst v63  }
0x1b2: {  	_ = 	snop  }
0x1b3: {  	[spmem:s4] =	stream.indirect.scatter.add.f32 [tilespmem:s30], [sflag:$0x13], $0x1, s7, s6, $0xb8;
	[tilespmem:$0x1D680] =	vst v63  }
0x1b4: {  	_ =	swait.ge [sflag:s12], $0x4000  }
0x1b5: {  	[sflag:s12] =	ssyncset.done $0x0  }
0x1b6: {  	[sflag:s12] =	ssyncadd.s32 $0xFFFFC000  }
0x1b7: {  	_ =	swait.ge [sflag:s23], $0x80  }
0x1b8: {  	[sflag:s23] =	ssyncset.done $0x0  }
0x1b9: {  	s9 =	simm.s32 $0x12;
	[sflag:s23] =	ssyncadd.s32 $0xFFFFFF80  }
0x1ba: {  	_ =	swait.ge [sflag:s9], $0x800  }
0x1bb: {  	[sflag:s9] =	ssyncset.done $0x0  }
0x1bc: {  	s10 =	simm.s32 $0x13;
	[sflag:s9] =	ssyncadd.s32 $0xFFFFF800  }
0x1bd: {  	_ =	swait.ge [sflag:s10], $0x10  }
0x1be: {  	[sflag:s10] =	ssyncset.done $0x0  }
0x1bf: {  	[sflag:s10] =	ssyncadd.s32 $0xFFFFFFF0  }
0x1c0: {  	[bflag:$0x0] =	sbarrier.arrive $0xFFFF  }
0x1c1: {  	s16 =	sld [smem:$0x7FB]  }
0x1c2: {  	s15 =	rddreg [dreg:$0x1b]  }
0x1c3: {  	s28 =	simm.s32 $0x14;
	s8 =	rddreg [dreg:$0x1e]  }
0x1c4: {  	[hbm:s15], [sflag:s8] =	dma.local [spmem:s16], $0x2800  }
0x1c5: {  	_ =	swait.ge [sflag:s28], $0x2800  }
0x1c6: {  	[sflag:s28] =	ssyncset.done $0x0  }
0x1c7: {  	[sflag:s28] =	ssyncadd.s32 $0xFFFFD800  }
0x1c8: {  	[bflag:$0x0] =	sbarrier.arrive $0xFFFF  }
0x1c9: {  	s9 =	simm.s32 $0x1D000;
	s6 =	rddreg [dreg:$0x1f]  }
0x1ca: {  	[tilespmem:s9], [sflag:$0x14] =	stream.linear.gather [spmem:s6], $0x280, $0x38;
	[tilespmem:$0x1D680] =	vst v63  }
0x1cb: {  	_ =	swait.ge [sflag:s28], $0x280  }
0x1cc: {  	[sflag:s28] =	ssyncset.done $0x0  }
0x1cd: {  	[sflag:s28] =	ssyncadd.s32 $0xFFFFFD80  }
0x1ce: {  	v2 =	vld [tilespmem:$0x1D000]  }
0x1cf: {  	v3 =	vld [tilespmem:$0x1D010]  }
0x1d0: {  	v4 =	vld [tilespmem:$0x1D020]  }
0x1d1: {  	v5 =	vld [tilespmem:$0x1D030]  }
0x1d2: {  	v6 =	vld [tilespmem:$0x1D040]  }
0x1d3: {  	v43 =	vld [tilespmem:$0x1D070];
	[tilespmem:$0x1D280] =	vst v2  }
0x1d4: {  	v44 =	vld [tilespmem:$0x1D080];
	[tilespmem:$0x1D290] =	vst v3  }
0x1d5: {  	v45 =	vld [tilespmem:$0x1D090];
	[tilespmem:$0x1D2A0] =	vst v4  }
0x1d6: {  	v2 =	vld [tilespmem:$0x1D050];
	[tilespmem:$0x1D2B0] =	vst v5  }
0x1d7: {  	v3 =	vld [tilespmem:$0x1D060];
	[tilespmem:$0x1D2C0] =	vst v6  }
0x1d8: {  	v46 =	vld [tilespmem:$0x1D0C0];
	[tilespmem:$0x1D2F0] =	vst v43  }
0x1d9: {  	v47 =	vld [tilespmem:$0x1D0D0];
	[tilespmem:$0x1D300] =	vst v44  }
0x1da: {  	v48 =	vld [tilespmem:$0x1D0E0];
	[tilespmem:$0x1D310] =	vst v45  }
0x1db: {  	[tilespmem:$0x1D2D0] =	vst v2;
	v2 =	vld [tilespmem:$0x1D0A0]  }
0x1dc: {  	[tilespmem:$0x1D2E0] =	vst v3;
	v3 =	vld [tilespmem:$0x1D0B0]  }
0x1dd: {  	v49 =	vld [tilespmem:$0x1D110];
	[tilespmem:$0x1D340] =	vst v46  }
0x1de: {  	v50 =	vld [tilespmem:$0x1D120];
	[tilespmem:$0x1D350] =	vst v47  }
0x1df: {  	v51 =	vld [tilespmem:$0x1D130];
	[tilespmem:$0x1D360] =	vst v48  }
0x1e0: {  	[tilespmem:$0x1D320] =	vst v2;
	v2 =	vld [tilespmem:$0x1D0F0]  }
0x1e1: {  	[tilespmem:$0x1D330] =	vst v3;
	v3 =	vld [tilespmem:$0x1D100]  }
0x1e2: {  	v52 =	vld [tilespmem:$0x1D160];
	[tilespmem:$0x1D390] =	vst v49  }
0x1e3: {  	v53 =	vld [tilespmem:$0x1D170];
	[tilespmem:$0x1D3A0] =	vst v50  }
0x1e4: {  	v54 =	vld [tilespmem:$0x1D180];
	[tilespmem:$0x1D3B0] =	vst v51  }
0x1e5: {  	[tilespmem:$0x1D370] =	vst v2;
	v2 =	vld [tilespmem:$0x1D140]  }
0x1e6: {  	[tilespmem:$0x1D380] =	vst v3;
	v3 =	vld [tilespmem:$0x1D150]  }
0x1e7: {  	v55 =	vld [tilespmem:$0x1D1B0];
	[tilespmem:$0x1D3E0] =	vst v52  }
0x1e8: {  	v56 =	vld [tilespmem:$0x1D1C0];
	[tilespmem:$0x1D3F0] =	vst v53  }
0x1e9: {  	v57 =	vld [tilespmem:$0x1D1D0];
	[tilespmem:$0x1D400] =	vst v54  }
0x1ea: {  	[tilespmem:$0x1D3C0] =	vst v2;
	v2 =	vld [tilespmem:$0x1D190]  }
0x1eb: {  	[tilespmem:$0x1D3D0] =	vst v3;
	v3 =	vld [tilespmem:$0x1D1A0]  }
0x1ec: {  	v58 =	vld [tilespmem:$0x1D200];
	[tilespmem:$0x1D430] =	vst v55  }
0x1ed: {  	v59 =	vld [tilespmem:$0x1D210];
	[tilespmem:$0x1D440] =	vst v56  }
0x1ee: {  	v60 =	vld [tilespmem:$0x1D220];
	[tilespmem:$0x1D450] =	vst v57  }
0x1ef: {  	[tilespmem:$0x1D410] =	vst v2;
	v2 =	vld [tilespmem:$0x1D1E0]  }
0x1f0: {  	[tilespmem:$0x1D420] =	vst v3;
	v3 =	vld [tilespmem:$0x1D1F0]  }
0x1f1: {  	v61 =	vld [tilespmem:$0x1D250];
	[tilespmem:$0x1D480] =	vst v58  }
0x1f2: {  	v62 =	vld [tilespmem:$0x1D260];
	[tilespmem:$0x1D490] =	vst v59  }
0x1f3: {  	v63 =	vld [tilespmem:$0x1D270];
	[tilespmem:$0x1D4A0] =	vst v60  }
0x1f4: {  	[tilespmem:$0x1D460] =	vst v2;
	v2 =	vld [tilespmem:$0x1D230]  }
0x1f5: {  	[tilespmem:$0x1D470] =	vst v3;
	v3 =	vld [tilespmem:$0x1D240]  }
0x1f6: {  	[tilespmem:$0x1D4D0] =	vst v61  }
0x1f7: {  	[tilespmem:$0x1D4E0] =	vst v62  }
0x1f8: {  	s3 =	sld [smem:$0x7FC];
	[tilespmem:$0x1D4F0] =	vst v63  }
0x1f9: {  	[tilespmem:$0x1D4B0] =	vst v2  }
0x1fa: {  	s10 =	simm.s32 $0x1D280;
	[tilespmem:$0x1D4C0] =	vst v3  }
0x1fb: {  	[hbm4b:s3+s5] =	stream.linear.scatter [tilespmem:s10], [sflag:$0x14], $0x400, $0x38;
	[tilespmem:$0x1D680] =	vst v63  }
0x1fc: {  	_ =	swait.ge [sflag:s28], $0x400  }
0x1fd: {  	s15 =	sld [smem:$0x7FA]  }
0x1fe: {  	s16 =	sld [smem:$0x7FD];
	_ =	sdelay $0x1  }
0x1ff: {  	s3 =	sadd.s32 $0x1, s15  }
0x200: {  	p0 =	sne.s32 s3, s16  }
.Ltmp1:
0x201: {  	_ = 	snop;
	(pc) =	sbr.rel @p0 .LBB2_1-.Ltmp1, $3  }
0x202: {  	_ =	sdelay $0x1  }
0x203: {  	[sflag:s28] =	ssyncset.done $0x0  }
0x204: {  	[sflag:s28] =	ssyncadd.s32 $0xFFFFFC00  }
0x205: {  	_ =	sfence.sel $0x180000  }
0x206: {  	[bflag:$0x0] =	sbarrier.arrive $0xFFFF  }
0x207: {  	_ =	strace $0x90000047  }
0x208: {  	s0 =	stileid.u32;
	[bflag:$0x2] =	sbarrier.arrive $0xFFFF  }
0x209: {  	p0 =	sne.s32 s0, $0x0;
	s0 =	rddreg [dreg:$0x4]  }
0x20a: {  	s0 =	sadd.s32 @!p0 $0x100000, s0  }
0x20b: {  	[sflag:s0] =	ssyncadd.tile.s32 @!p0 $0x1;
	_ =	shalt  }
.Lfunc_end2:
_tile_overlayer_lowered:
.L_overlay_start_2:
0x20c: {  	(tag) =	ssettag $0x2  }
0x20d: {  	s0 =	rddreg [dreg:$0x0];
	s2 =	stileid.u32  }
0x20e: {  	s1 =	rddreg [dreg:$0x1];
	p0 =	sne.s32 s2, $0x0  }
0x20f: {  	s3 =	rddreg [dreg:$0x2];
	[bflag:$0x3] =	sbarrier.arrive $0xFFFF;
	s2 =	simm.s32 @!p0 $0x1C14  }
0x210: {  	[timem:s3], [sflag:s2] =	dma.local @!p0 [hbm:s0], s1  }
0x211: {  	s0 =	simm.s32 @!p0 $0x14  }
0x212: {  	_ =	swait.ge @!p0 [sflag:s0], s1  }
0x213: {  	s1 =	ssub.s32 @!p0 $0x0, s1;
	[sflag:s0] =	ssyncset.done @!p0 $0x0  }
0x214: {  	[sflag:s0] =	ssyncadd.s32 @!p0 s1  }
0x215: {  	[bflag:$0x3] =	sbarrier.arrive $0xFFFF  }
0x216: {  	_ =	shalt  }

</sc_bundles>
